<compile_context>
chip_gen: v7x
topology: tpu7x:2x2x1
jax: 0.10.2.dev20260603
libtpu: 0.0.44.dev20260713+nightly
codegen_flags: <defaults>
</compile_context>

<pallas_src>
import functools

import jax
import jax.numpy as jnp
from jax import lax
from jax.experimental import pallas as pl
from jax.experimental.pallas import tpu as pltpu
from jax.experimental.pallas import tpu_sc as plsc

NC = 2
NS = 16
NW = NC * NS
R = 50
D = 64
BL = 128


@functools.cache
def _build_lookup(B, V):
    nb = B // R
    assert nb == NW * BL
    mesh = plsc.VectorSubcoreMesh(core_axis_name="c", subcore_axis_name="s")

    @functools.partial(
        pl.kernel,
        mesh=mesh,
        out_type=jax.ShapeDtypeStruct((R * 8, NW, 8, BL), jnp.float32),
        compiler_params=pltpu.CompilerParams(
            use_tc_tiling_on_sc=False, needs_layout_passes=False
        ),
        scratch_types=[
            pltpu.VMEM((BL * R,), jnp.int32),
            pltpu.VMEM((R, BL), jnp.int32),
            pltpu.VMEM((BL, D), jnp.float32),
            pltpu.VMEM((BL, D), jnp.float32),
            pltpu.VMEM((D, BL), jnp.float32),
            pltpu.VMEM((D, BL), jnp.float32),
            pltpu.SemaphoreType.DMA((2,)),
            pltpu.SemaphoreType.DMA((2,)),
        ],
    )
    def lookup(
        idx_hbm, table_hbm, out_hbm, idx_raw, idx_t, g0, g1, t0, t1, gsem, wsem
    ):
        gbufs, tbufs = (g0, g1), (t0, t1)
        wid = lax.axis_index("s") * NC + lax.axis_index("c")
        pltpu.sync_copy(idx_hbm.at[pl.ds(wid * BL * R, BL * R)], idx_raw)

        lanes = jax.lax.iota(jnp.int32, 16)

        def tr_idx(r, _):
            for b0 in range(0, BL, 16):
                iv = (lanes + b0) * R + r
                idx_t[r, pl.ds(b0, 16)] = plsc.load_gather(idx_raw, [iv])
            return 0

        tr_idx(0, 0)

        def gather(r, buf):
            return pltpu.make_async_copy(
                table_hbm.at[idx_t.at[r]], gbufs[buf], gsem.at[buf]
            )

        def outwrites(r, buf):
            return [
                pltpu.make_async_copy(
                    tbufs[buf].at[pl.ds(dt * 8, 8)],
                    out_hbm.at[r * 8 + dt, wid],
                    wsem.at[buf],
                )
                for dt in range(8)
            ]

        cks = [(lanes + k) & 15 for k in range(16)]

        gather(0, 0).start()
        lax.fori_loop(1, R, tr_idx, 0)

        def body(r, buf):
            gather(r, buf).wait()

            @pl.when(r + 1 < R)
            def _():
                gather(r + 1, 1 - buf).start()

            @pl.when(r >= 2)
            def _():
                for w in outwrites(r - 2, buf):
                    w.wait()

            def tr_blk(i, _):
                ivr = lanes + i * 16
                for d0 in range(0, D, 16):
                    for k4 in range(0, 16, 4):
                        ivcs = [cks[k4 + m] + d0 for m in range(4)]
                        xs = [
                            plsc.load_gather(gbufs[buf], [ivr, ivc])
                            for ivc in ivcs
                        ]
                        for ivc, x in zip(ivcs, xs):
                            plsc.store_scatter(tbufs[buf], [ivc, ivr], x)
                return 0

            lax.fori_loop(0, BL // 16, tr_blk, 0)
            for w in outwrites(r, buf):
                w.start()

        def pair(i, _):
            body(2 * i, 0)
            body(2 * i + 1, 1)
            return 0

        lax.fori_loop(0, R // 2, pair, 0)
        for w in outwrites(R - 2, 0):
            w.wait()
        for w in outwrites(R - 1, 1):
            w.wait()

    return lookup


def kernel(indices, weight):
    B = indices.size
    V, _ = weight.shape
    idx = indices.reshape(-1).astype(jnp.int32)
    out = _build_lookup(B, V)(idx, weight)
    out = out.reshape(R, 8, NW, 8, BL).transpose(2, 4, 0, 1, 3)
    return out.reshape(*indices.shape, D)

# --- scband reference (transcript-rebuilt; emitter-appended) ---
"""Pipeline reference for scband-dynamic-embedding-52226802319869 (READ-ONLY COPY).

The authoritative reference and input builder live on the scoring server;
editing this copy changes nothing except your own understanding.
"""

import jax, jax.numpy as jnp
import numpy as np

NUM_EMBEDDINGS = 100000
EMBEDDING_DIM = 64

def setup_inputs(seed: int = 0) -> dict:
    key = jax.random.key(seed)
    k_idx, k_w = jax.random.split(key)
    indices = jax.random.randint(k_idx, (4096, 50), 0, NUM_EMBEDDINGS, dtype=jnp.int64 if jax.config.jax_enable_x64 else jnp.int32)
    weight = jax.random.normal(k_w, (NUM_EMBEDDINGS, EMBEDDING_DIM), dtype=jnp.float32)
    return {"indices": indices, "weight": weight}

def reference(indices, weight):
    # DynamicEmbedding.forward: since all indices < num_embeddings (guaranteed by
    # fill_max == num_embeddings), no expansion occurs; it's a plain embedding lookup.
    return jnp.take(weight, indices, axis=0)

if __name__ == "__main__":
    import jax
    _d = setup_inputs()
    print(jax.jit(kernel)(*tuple(_d.values())))

</pallas_src>

<mosaic_0001>
#map = affine_map<(d0, d1) -> (0)>
#map1 = affine_map<(d0, d1) -> (0, 0)>
#map2 = affine_map<(d0, d1) -> (0, 0, 0, 0)>
module attributes {stable_mosaic.version = 14 : i64} {
  func.func @lookup(%arg0: i32, %arg1: i32, %arg2: memref<204800xi32, #tpu.memory_space<hbm>>, %arg3: memref<100000x64xf32, #tpu.memory_space<hbm>>, %arg4: memref<400x32x8x128xf32, #tpu.memory_space<hbm>>, %arg5: memref<6400xi32, #tpu.memory_space<vmem>>, %arg6: memref<50x128xi32, #tpu.memory_space<vmem>>, %arg7: memref<128x64xf32, #tpu.memory_space<vmem>>, %arg8: memref<128x64xf32, #tpu.memory_space<vmem>>, %arg9: memref<64x128xf32, #tpu.memory_space<vmem>>, %arg10: memref<64x128xf32, #tpu.memory_space<vmem>>, %arg11: memref<2x!tpu.dma_semaphore, #tpu.memory_space<semaphore_mem>>, %arg12: memref<2x!tpu.dma_semaphore, #tpu.memory_space<semaphore_mem>>) attributes {dimension_semantics = [#tpu.dimension_semantics<core_parallel>, #tpu.dimension_semantics<subcore_parallel>], iteration_bounds = array<i64: 2, 16>, scalar_prefetch = 0 : i64, scratch_operands = 8 : i64, tpu.core_type = #tpu.core_type<sc_vector_subcore>, window_params = [{transform_indices = #map}, {transform_indices = #map1}, {transform_indices = #map2}]} {
    %mul3A = arith.constant 2 : i32
    %mul3A_0 = arith.muli %arg1, %mul3A : i32
    %add3A = arith.addi %mul3A_0, %arg0 : i32
    %mul3A_1 = arith.constant 128 : i32
    %mul3A_2 = arith.muli %add3A, %mul3A_1 : i32
    %mul3A_3 = arith.constant 50 : i32
    %mul3A_4 = arith.muli %mul3A_2, %mul3A_3 : i32
    "tpu.region"() ({
      %run_scoped3A = tpu.sem_alloc : memref<!tpu.dma_semaphore, #tpu.memory_space<semaphore_mem>>
      %dma_start3A_519 = tpu.memref_slice %arg2[%mul3A_4] : memref<204800xi32, #tpu.memory_space<hbm>> -> memref<6400xi32, #tpu.memory_space<hbm>>
      %dma_start3A_520 = tpu.memref_slice %arg2[%mul3A_4] : memref<204800xi32, #tpu.memory_space<hbm>> -> memref<6400xi32, #tpu.memory_space<hbm>>
      tpu.enqueue_dma source(%dma_start3A_520 : memref<6400xi32, #tpu.memory_space<hbm>>) target(%arg5 : memref<6400xi32, #tpu.memory_space<vmem>>) target_semaphore(%run_scoped3A : memref<!tpu.dma_semaphore, #tpu.memory_space<semaphore_mem>>)
      %dma_wait3A_521 = tpu.memref_slice %arg2[%mul3A_4] : memref<204800xi32, #tpu.memory_space<hbm>> -> memref<6400xi32, #tpu.memory_space<hbm>>
      %dma_wait3A_522 = tpu.memref_slice %arg2[%mul3A_4] : memref<204800xi32, #tpu.memory_space<hbm>> -> memref<6400xi32, #tpu.memory_space<hbm>>
      tpu.wait_dma2 semaphore(%run_scoped3A : memref<!tpu.dma_semaphore, #tpu.memory_space<semaphore_mem>>) src(%dma_wait3A_522 : memref<6400xi32, #tpu.memory_space<hbm>>) dst(%arg5 : memref<6400xi32, #tpu.memory_space<vmem>>)
      tpu.yield
    }) : () -> ()
    %iota3A = tpu.iota {dimensions = array<i32: 0>} : vector<16xi32>
    %add3A_5 = arith.constant 0 : i32
    %add3A_6 = vector.broadcast %add3A_5 : i32 to vector<16xi32>
    %add3A_7 = arith.addi %iota3A, %add3A_6 : vector<16xi32>
    %mul3A_8 = arith.constant 50 : i32
    %mul3A_9 = vector.broadcast %mul3A_8 : i32 to vector<16xi32>
    %mul3A_10 = arith.muli %add3A_7, %mul3A_9 : vector<16xi32>
    %add3A_11 = arith.constant 0 : i32
    %add3A_12 = vector.broadcast %add3A_11 : i32 to vector<16xi32>
    %add3A_13 = arith.addi %mul3A_10, %add3A_12 : vector<16xi32>
    %gather3A = tpu.vector_load_idx %arg5[%add3A_13] : memref<6400xi32, #tpu.memory_space<vmem>>[vector<16xi32>], vector<16xi32>,
    %swap3A = arith.constant 0 : i32
    %swap3A_14 = arith.index_cast %swap3A : i32 to index
    %swap3A_15 = arith.constant 0 : index
    %swap3A_16 = tpu.vector_load %arg6[%swap3A_14, %swap3A_15] {strides = array<i32>} : memref<50x128xi32, #tpu.memory_space<vmem>>, vector<16xi32>,
    tpu.vector_store %arg6[%swap3A_14, %swap3A_15], %gather3A {strides = array<i32>} : memref<50x128xi32, #tpu.memory_space<vmem>>, vector<16xi32>,
    %add3A_17 = arith.constant 16 : i32
    %add3A_18 = vector.broadcast %add3A_17 : i32 to vector<16xi32>
    %add3A_19 = arith.addi %iota3A, %add3A_18 : vector<16xi32>
    %mul3A_20 = arith.constant 50 : i32
    %mul3A_21 = vector.broadcast %mul3A_20 : i32 to vector<16xi32>
    %mul3A_22 = arith.muli %add3A_19, %mul3A_21 : vector<16xi32>
    %add3A_23 = arith.constant 0 : i32
    %add3A_24 = vector.broadcast %add3A_23 : i32 to vector<16xi32>
    %add3A_25 = arith.addi %mul3A_22, %add3A_24 : vector<16xi32>
    %gather3A_26 = tpu.vector_load_idx %arg5[%add3A_25] : memref<6400xi32, #tpu.memory_space<vmem>>[vector<16xi32>], vector<16xi32>,
    %swap3A_27 = arith.constant 0 : i32
    %swap3A_28 = arith.index_cast %swap3A_27 : i32 to index
    %swap3A_29 = arith.constant 16 : index
    %swap3A_30 = tpu.vector_load %arg6[%swap3A_28, %swap3A_29] {strides = array<i32>} : memref<50x128xi32, #tpu.memory_space<vmem>>, vector<16xi32>,
    tpu.vector_store %arg6[%swap3A_28, %swap3A_29], %gather3A_26 {strides = array<i32>} : memref<50x128xi32, #tpu.memory_space<vmem>>, vector<16xi32>,
    %add3A_31 = arith.constant 32 : i32
    %add3A_32 = vector.broadcast %add3A_31 : i32 to vector<16xi32>
    %add3A_33 = arith.addi %iota3A, %add3A_32 : vector<16xi32>
    %mul3A_34 = arith.constant 50 : i32
    %mul3A_35 = vector.broadcast %mul3A_34 : i32 to vector<16xi32>
    %mul3A_36 = arith.muli %add3A_33, %mul3A_35 : vector<16xi32>
    %add3A_37 = arith.constant 0 : i32
    %add3A_38 = vector.broadcast %add3A_37 : i32 to vector<16xi32>
    %add3A_39 = arith.addi %mul3A_36, %add3A_38 : vector<16xi32>
    %gather3A_40 = tpu.vector_load_idx %arg5[%add3A_39] : memref<6400xi32, #tpu.memory_space<vmem>>[vector<16xi32>], vector<16xi32>,
    %swap3A_41 = arith.constant 0 : i32
    %swap3A_42 = arith.index_cast %swap3A_41 : i32 to index
    %swap3A_43 = arith.constant 32 : index
    %swap3A_44 = tpu.vector_load %arg6[%swap3A_42, %swap3A_43] {strides = array<i32>} : memref<50x128xi32, #tpu.memory_space<vmem>>, vector<16xi32>,
    tpu.vector_store %arg6[%swap3A_42, %swap3A_43], %gather3A_40 {strides = array<i32>} : memref<50x128xi32, #tpu.memory_space<vmem>>, vector<16xi32>,
    %add3A_45 = arith.constant 48 : i32
    %add3A_46 = vector.broadcast %add3A_45 : i32 to vector<16xi32>
    %add3A_47 = arith.addi %iota3A, %add3A_46 : vector<16xi32>
    %mul3A_48 = arith.constant 50 : i32
    %mul3A_49 = vector.broadcast %mul3A_48 : i32 to vector<16xi32>
    %mul3A_50 = arith.muli %add3A_47, %mul3A_49 : vector<16xi32>
    %add3A_51 = arith.constant 0 : i32
    %add3A_52 = vector.broadcast %add3A_51 : i32 to vector<16xi32>
    %add3A_53 = arith.addi %mul3A_50, %add3A_52 : vector<16xi32>
    %gather3A_54 = tpu.vector_load_idx %arg5[%add3A_53] : memref<6400xi32, #tpu.memory_space<vmem>>[vector<16xi32>], vector<16xi32>,
    %swap3A_55 = arith.constant 0 : i32
    %swap3A_56 = arith.index_cast %swap3A_55 : i32 to index
    %swap3A_57 = arith.constant 48 : index
    %swap3A_58 = tpu.vector_load %arg6[%swap3A_56, %swap3A_57] {strides = array<i32>} : memref<50x128xi32, #tpu.memory_space<vmem>>, vector<16xi32>,
    tpu.vector_store %arg6[%swap3A_56, %swap3A_57], %gather3A_54 {strides = array<i32>} : memref<50x128xi32, #tpu.memory_space<vmem>>, vector<16xi32>,
    %add3A_59 = arith.constant 64 : i32
    %add3A_60 = vector.broadcast %add3A_59 : i32 to vector<16xi32>
    %add3A_61 = arith.addi %iota3A, %add3A_60 : vector<16xi32>
    %mul3A_62 = arith.constant 50 : i32
    %mul3A_63 = vector.broadcast %mul3A_62 : i32 to vector<16xi32>
    %mul3A_64 = arith.muli %add3A_61, %mul3A_63 : vector<16xi32>
    %add3A_65 = arith.constant 0 : i32
    %add3A_66 = vector.broadcast %add3A_65 : i32 to vector<16xi32>
    %add3A_67 = arith.addi %mul3A_64, %add3A_66 : vector<16xi32>
    %gather3A_68 = tpu.vector_load_idx %arg5[%add3A_67] : memref<6400xi32, #tpu.memory_space<vmem>>[vector<16xi32>], vector<16xi32>,
    %swap3A_69 = arith.constant 0 : i32
    %swap3A_70 = arith.index_cast %swap3A_69 : i32 to index
    %swap3A_71 = arith.constant 64 : index
    %swap3A_72 = tpu.vector_load %arg6[%swap3A_70, %swap3A_71] {strides = array<i32>} : memref<50x128xi32, #tpu.memory_space<vmem>>, vector<16xi32>,
    tpu.vector_store %arg6[%swap3A_70, %swap3A_71], %gather3A_68 {strides = array<i32>} : memref<50x128xi32, #tpu.memory_space<vmem>>, vector<16xi32>,
    %add3A_73 = arith.constant 80 : i32
    %add3A_74 = vector.broadcast %add3A_73 : i32 to vector<16xi32>
    %add3A_75 = arith.addi %iota3A, %add3A_74 : vector<16xi32>
    %mul3A_76 = arith.constant 50 : i32
    %mul3A_77 = vector.broadcast %mul3A_76 : i32 to vector<16xi32>
    %mul3A_78 = arith.muli %add3A_75, %mul3A_77 : vector<16xi32>
    %add3A_79 = arith.constant 0 : i32
    %add3A_80 = vector.broadcast %add3A_79 : i32 to vector<16xi32>
    %add3A_81 = arith.addi %mul3A_78, %add3A_80 : vector<16xi32>
    %gather3A_82 = tpu.vector_load_idx %arg5[%add3A_81] : memref<6400xi32, #tpu.memory_space<vmem>>[vector<16xi32>], vector<16xi32>,
    %swap3A_83 = arith.constant 0 : i32
    %swap3A_84 = arith.index_cast %swap3A_83 : i32 to index
    %swap3A_85 = arith.constant 80 : index
    %swap3A_86 = tpu.vector_load %arg6[%swap3A_84, %swap3A_85] {strides = array<i32>} : memref<50x128xi32, #tpu.memory_space<vmem>>, vector<16xi32>,
    tpu.vector_store %arg6[%swap3A_84, %swap3A_85], %gather3A_82 {strides = array<i32>} : memref<50x128xi32, #tpu.memory_space<vmem>>, vector<16xi32>,
    %add3A_87 = arith.constant 96 : i32
    %add3A_88 = vector.broadcast %add3A_87 : i32 to vector<16xi32>
    %add3A_89 = arith.addi %iota3A, %add3A_88 : vector<16xi32>
    %mul3A_90 = arith.constant 50 : i32
    %mul3A_91 = vector.broadcast %mul3A_90 : i32 to vector<16xi32>
    %mul3A_92 = arith.muli %add3A_89, %mul3A_91 : vector<16xi32>
    %add3A_93 = arith.constant 0 : i32
    %add3A_94 = vector.broadcast %add3A_93 : i32 to vector<16xi32>
    %add3A_95 = arith.addi %mul3A_92, %add3A_94 : vector<16xi32>
    %gather3A_96 = tpu.vector_load_idx %arg5[%add3A_95] : memref<6400xi32, #tpu.memory_space<vmem>>[vector<16xi32>], vector<16xi32>,
    %swap3A_97 = arith.constant 0 : i32
    %swap3A_98 = arith.index_cast %swap3A_97 : i32 to index
    %swap3A_99 = arith.constant 96 : index
    %swap3A_100 = tpu.vector_load %arg6[%swap3A_98, %swap3A_99] {strides = array<i32>} : memref<50x128xi32, #tpu.memory_space<vmem>>, vector<16xi32>,
    tpu.vector_store %arg6[%swap3A_98, %swap3A_99], %gather3A_96 {strides = array<i32>} : memref<50x128xi32, #tpu.memory_space<vmem>>, vector<16xi32>,
    %add3A_101 = arith.constant 112 : i32
    %add3A_102 = vector.broadcast %add3A_101 : i32 to vector<16xi32>
    %add3A_103 = arith.addi %iota3A, %add3A_102 : vector<16xi32>
    %mul3A_104 = arith.constant 50 : i32
    %mul3A_105 = vector.broadcast %mul3A_104 : i32 to vector<16xi32>
    %mul3A_106 = arith.muli %add3A_103, %mul3A_105 : vector<16xi32>
    %add3A_107 = arith.constant 0 : i32
    %add3A_108 = vector.broadcast %add3A_107 : i32 to vector<16xi32>
    %add3A_109 = arith.addi %mul3A_106, %add3A_108 : vector<16xi32>
    %gather3A_110 = tpu.vector_load_idx %arg5[%add3A_109] : memref<6400xi32, #tpu.memory_space<vmem>>[vector<16xi32>], vector<16xi32>,
    %swap3A_111 = arith.constant 0 : i32
    %swap3A_112 = arith.index_cast %swap3A_111 : i32 to index
    %swap3A_113 = arith.constant 112 : index
    %swap3A_114 = tpu.vector_load %arg6[%swap3A_112, %swap3A_113] {strides = array<i32>} : memref<50x128xi32, #tpu.memory_space<vmem>>, vector<16xi32>,
    tpu.vector_store %arg6[%swap3A_112, %swap3A_113], %gather3A_110 {strides = array<i32>} : memref<50x128xi32, #tpu.memory_space<vmem>>, vector<16xi32>,
    %add3A_115 = arith.constant 0 : i32
    %add3A_116 = vector.broadcast %add3A_115 : i32 to vector<16xi32>
    %add3A_117 = arith.addi %iota3A, %add3A_116 : vector<16xi32>
    %and3A = arith.constant 15 : i32
    %and3A_118 = vector.broadcast %and3A : i32 to vector<16xi32>
    %and3A_119 = arith.andi %add3A_117, %and3A_118 : vector<16xi32>
    %add3A_120 = arith.constant 1 : i32
    %add3A_121 = vector.broadcast %add3A_120 : i32 to vector<16xi32>
    %add3A_122 = arith.addi %iota3A, %add3A_121 : vector<16xi32>
    %and3A_123 = arith.constant 15 : i32
    %and3A_124 = vector.broadcast %and3A_123 : i32 to vector<16xi32>
    %and3A_125 = arith.andi %add3A_122, %and3A_124 : vector<16xi32>
    %add3A_126 = arith.constant 2 : i32
    %add3A_127 = vector.broadcast %add3A_126 : i32 to vector<16xi32>
    %add3A_128 = arith.addi %iota3A, %add3A_127 : vector<16xi32>
    %and3A_129 = arith.constant 15 : i32
    %and3A_130 = vector.broadcast %and3A_129 : i32 to vector<16xi32>
    %and3A_131 = arith.andi %add3A_128, %and3A_130 : vector<16xi32>
    %add3A_132 = arith.constant 3 : i32
    %add3A_133 = vector.broadcast %add3A_132 : i32 to vector<16xi32>
    %add3A_134 = arith.addi %iota3A, %add3A_133 : vector<16xi32>
    %and3A_135 = arith.constant 15 : i32
    %and3A_136 = vector.broadcast %and3A_135 : i32 to vector<16xi32>
    %and3A_137 = arith.andi %add3A_134, %and3A_136 : vector<16xi32>
    %add3A_138 = arith.constant 4 : i32
    %add3A_139 = vector.broadcast %add3A_138 : i32 to vector<16xi32>
    %add3A_140 = arith.addi %iota3A, %add3A_139 : vector<16xi32>
    %and3A_141 = arith.constant 15 : i32
    %and3A_142 = vector.broadcast %and3A_141 : i32 to vector<16xi32>
    %and3A_143 = arith.andi %add3A_140, %and3A_142 : vector<16xi32>
    %add3A_144 = arith.constant 5 : i32
    %add3A_145 = vector.broadcast %add3A_144 : i32 to vector<16xi32>
    %add3A_146 = arith.addi %iota3A, %add3A_145 : vector<16xi32>
    %and3A_147 = arith.constant 15 : i32
    %and3A_148 = vector.broadcast %and3A_147 : i32 to vector<16xi32>
    %and3A_149 = arith.andi %add3A_146, %and3A_148 : vector<16xi32>
    %add3A_150 = arith.constant 6 : i32
    %add3A_151 = vector.broadcast %add3A_150 : i32 to vector<16xi32>
    %add3A_152 = arith.addi %iota3A, %add3A_151 : vector<16xi32>
    %and3A_153 = arith.constant 15 : i32
    %and3A_154 = vector.broadcast %and3A_153 : i32 to vector<16xi32>
    %and3A_155 = arith.andi %add3A_152, %and3A_154 : vector<16xi32>
    %add3A_156 = arith.constant 7 : i32
    %add3A_157 = vector.broadcast %add3A_156 : i32 to vector<16xi32>
    %add3A_158 = arith.addi %iota3A, %add3A_157 : vector<16xi32>
    %and3A_159 = arith.constant 15 : i32
    %and3A_160 = vector.broadcast %and3A_159 : i32 to vector<16xi32>
    %and3A_161 = arith.andi %add3A_158, %and3A_160 : vector<16xi32>
    %add3A_162 = arith.constant 8 : i32
    %add3A_163 = vector.broadcast %add3A_162 : i32 to vector<16xi32>
    %add3A_164 = arith.addi %iota3A, %add3A_163 : vector<16xi32>
    %and3A_165 = arith.constant 15 : i32
    %and3A_166 = vector.broadcast %and3A_165 : i32 to vector<16xi32>
    %and3A_167 = arith.andi %add3A_164, %and3A_166 : vector<16xi32>
    %add3A_168 = arith.constant 9 : i32
    %add3A_169 = vector.broadcast %add3A_168 : i32 to vector<16xi32>
    %add3A_170 = arith.addi %iota3A, %add3A_169 : vector<16xi32>
    %and3A_171 = arith.constant 15 : i32
    %and3A_172 = vector.broadcast %and3A_171 : i32 to vector<16xi32>
    %and3A_173 = arith.andi %add3A_170, %and3A_172 : vector<16xi32>
    %add3A_174 = arith.constant 10 : i32
    %add3A_175 = vector.broadcast %add3A_174 : i32 to vector<16xi32>
    %add3A_176 = arith.addi %iota3A, %add3A_175 : vector<16xi32>
    %and3A_177 = arith.constant 15 : i32
    %and3A_178 = vector.broadcast %and3A_177 : i32 to vector<16xi32>
    %and3A_179 = arith.andi %add3A_176, %and3A_178 : vector<16xi32>
    %add3A_180 = arith.constant 11 : i32
    %add3A_181 = vector.broadcast %add3A_180 : i32 to vector<16xi32>
    %add3A_182 = arith.addi %iota3A, %add3A_181 : vector<16xi32>
    %and3A_183 = arith.constant 15 : i32
    %and3A_184 = vector.broadcast %and3A_183 : i32 to vector<16xi32>
    %and3A_185 = arith.andi %add3A_182, %and3A_184 : vector<16xi32>
    %add3A_186 = arith.constant 12 : i32
    %add3A_187 = vector.broadcast %add3A_186 : i32 to vector<16xi32>
    %add3A_188 = arith.addi %iota3A, %add3A_187 : vector<16xi32>
    %and3A_189 = arith.constant 15 : i32
    %and3A_190 = vector.broadcast %and3A_189 : i32 to vector<16xi32>
    %and3A_191 = arith.andi %add3A_188, %and3A_190 : vector<16xi32>
    %add3A_192 = arith.constant 13 : i32
    %add3A_193 = vector.broadcast %add3A_192 : i32 to vector<16xi32>
    %add3A_194 = arith.addi %iota3A, %add3A_193 : vector<16xi32>
    %and3A_195 = arith.constant 15 : i32
    %and3A_196 = vector.broadcast %and3A_195 : i32 to vector<16xi32>
    %and3A_197 = arith.andi %add3A_194, %and3A_196 : vector<16xi32>
    %add3A_198 = arith.constant 14 : i32
    %add3A_199 = vector.broadcast %add3A_198 : i32 to vector<16xi32>
    %add3A_200 = arith.addi %iota3A, %add3A_199 : vector<16xi32>
    %and3A_201 = arith.constant 15 : i32
    %and3A_202 = vector.broadcast %and3A_201 : i32 to vector<16xi32>
    %and3A_203 = arith.andi %add3A_200, %and3A_202 : vector<16xi32>
    %add3A_204 = arith.constant 15 : i32
    %add3A_205 = vector.broadcast %add3A_204 : i32 to vector<16xi32>
    %add3A_206 = arith.addi %iota3A, %add3A_205 : vector<16xi32>
    %and3A_207 = arith.constant 15 : i32
    %and3A_208 = vector.broadcast %and3A_207 : i32 to vector<16xi32>
    %and3A_209 = arith.andi %add3A_206, %and3A_208 : vector<16xi32>
    %dma_start3A = arith.constant 0 : i32
    %dma_start3A_210 = arith.constant 0 : i32
    %dma_start3A_211 = arith.constant 0 : i32
    %dma_start3A_212 = tpu.memref_slice %arg6[%dma_start3A, %dma_start3A_211] : memref<50x128xi32, #tpu.memory_space<vmem>> -> memref<1x128xi32, #tpu.memory_space<vmem>>
    %dma_start3A_213 = tpu.memref_squeeze %dma_start3A_212 : memref<1x128xi32, #tpu.memory_space<vmem>> -> memref<128xi32, #tpu.memory_space<vmem>>
    %dma_start3A_214 = arith.constant 0 : i32
    %dma_start3A_215 = arith.constant 0 : i32
    %dma_start3A_216 = tpu.memref_slice %arg3[%dma_start3A_214, %dma_start3A_215] : memref<100000x64xf32, #tpu.memory_space<hbm>> -> memref<100000x64xf32, #tpu.memory_space<hbm>>
    %dma_start3A_217 = tpu.memref_slice %arg11[%dma_start3A_210] : memref<2x!tpu.dma_semaphore, #tpu.memory_space<semaphore_mem>> -> memref<1x!tpu.dma_semaphore, #tpu.memory_space<semaphore_mem>>
    %dma_start3A_218 = tpu.memref_squeeze %dma_start3A_217 : memref<1x!tpu.dma_semaphore, #tpu.memory_space<semaphore_mem>> -> memref<!tpu.dma_semaphore, #tpu.memory_space<semaphore_mem>>
    tpu.enqueue_indirect_dma source(%dma_start3A_216 : memref<100000x64xf32, #tpu.memory_space<hbm>>) target(%arg7 : memref<128x64xf32, #tpu.memory_space<vmem>>) offsets(%dma_start3A_213 : memref<128xi32, #tpu.memory_space<vmem>>) semaphore(%dma_start3A_218 : memref<!tpu.dma_semaphore, #tpu.memory_space<semaphore_mem>>)
    %scan3A = arith.constant 0 : i32
    %scan3A_219 = arith.constant 1 : i32
    %scan3A_220 = arith.constant 49 : i32
    %scan3A_221 = arith.addi %scan3A_219, %scan3A_220 : i32
    %scan3A_222 = arith.constant 1 : i32
    %scan3A_223 = scf.for %scan3A_519 = %scan3A_219 to %scan3A_221 step %scan3A_222 iter_args(%scan3A_520 = %scan3A) -> (i32)  : i32 {
      %add3A_521 = arith.constant 0 : i32
      %add3A_522 = vector.broadcast %add3A_521 : i32 to vector<16xi32>
      %add3A_523 = arith.addi %iota3A, %add3A_522 : vector<16xi32>
      %mul3A_524 = arith.constant 50 : i32
      %mul3A_525 = vector.broadcast %mul3A_524 : i32 to vector<16xi32>
      %mul3A_526 = arith.muli %add3A_523, %mul3A_525 : vector<16xi32>
      %add3A_527 = vector.broadcast %scan3A_519 : i32 to vector<16xi32>
      %add3A_528 = arith.addi %mul3A_526, %add3A_527 : vector<16xi32>
      %gather3A_529 = tpu.vector_load_idx %arg5[%add3A_528] : memref<6400xi32, #tpu.memory_space<vmem>>[vector<16xi32>], vector<16xi32>,
      %swap3A_530 = arith.index_cast %scan3A_519 : i32 to index
      %swap3A_531 = arith.constant 0 : index
      %swap3A_532 = tpu.vector_load %arg6[%swap3A_530, %swap3A_531] {strides = array<i32>} : memref<50x128xi32, #tpu.memory_space<vmem>>, vector<16xi32>,
      tpu.vector_store %arg6[%swap3A_530, %swap3A_531], %gather3A_529 {strides = array<i32>} : memref<50x128xi32, #tpu.memory_space<vmem>>, vector<16xi32>,
      %add3A_533 = arith.constant 16 : i32
      %add3A_534 = vector.broadcast %add3A_533 : i32 to vector<16xi32>
      %add3A_535 = arith.addi %iota3A, %add3A_534 : vector<16xi32>
      %mul3A_536 = arith.constant 50 : i32
      %mul3A_537 = vector.broadcast %mul3A_536 : i32 to vector<16xi32>
      %mul3A_538 = arith.muli %add3A_535, %mul3A_537 : vector<16xi32>
      %add3A_539 = vector.broadcast %scan3A_519 : i32 to vector<16xi32>
      %add3A_540 = arith.addi %mul3A_538, %add3A_539 : vector<16xi32>
      %gather3A_541 = tpu.vector_load_idx %arg5[%add3A_540] : memref<6400xi32, #tpu.memory_space<vmem>>[vector<16xi32>], vector<16xi32>,
      %swap3A_542 = arith.index_cast %scan3A_519 : i32 to index
      %swap3A_543 = arith.constant 16 : index
      %swap3A_544 = tpu.vector_load %arg6[%swap3A_542, %swap3A_543] {strides = array<i32>} : memref<50x128xi32, #tpu.memory_space<vmem>>, vector<16xi32>,
      tpu.vector_store %arg6[%swap3A_542, %swap3A_543], %gather3A_541 {strides = array<i32>} : memref<50x128xi32, #tpu.memory_space<vmem>>, vector<16xi32>,
      %add3A_545 = arith.constant 32 : i32
      %add3A_546 = vector.broadcast %add3A_545 : i32 to vector<16xi32>
      %add3A_547 = arith.addi %iota3A, %add3A_546 : vector<16xi32>
      %mul3A_548 = arith.constant 50 : i32
      %mul3A_549 = vector.broadcast %mul3A_548 : i32 to vector<16xi32>
      %mul3A_550 = arith.muli %add3A_547, %mul3A_549 : vector<16xi32>
      %add3A_551 = vector.broadcast %scan3A_519 : i32 to vector<16xi32>
      %add3A_552 = arith.addi %mul3A_550, %add3A_551 : vector<16xi32>
      %gather3A_553 = tpu.vector_load_idx %arg5[%add3A_552] : memref<6400xi32, #tpu.memory_space<vmem>>[vector<16xi32>], vector<16xi32>,
      %swap3A_554 = arith.index_cast %scan3A_519 : i32 to index
      %swap3A_555 = arith.constant 32 : index
      %swap3A_556 = tpu.vector_load %arg6[%swap3A_554, %swap3A_555] {strides = array<i32>} : memref<50x128xi32, #tpu.memory_space<vmem>>, vector<16xi32>,
      tpu.vector_store %arg6[%swap3A_554, %swap3A_555], %gather3A_553 {strides = array<i32>} : memref<50x128xi32, #tpu.memory_space<vmem>>, vector<16xi32>,
      %add3A_557 = arith.constant 48 : i32
      %add3A_558 = vector.broadcast %add3A_557 : i32 to vector<16xi32>
      %add3A_559 = arith.addi %iota3A, %add3A_558 : vector<16xi32>
      %mul3A_560 = arith.constant 50 : i32
      %mul3A_561 = vector.broadcast %mul3A_560 : i32 to vector<16xi32>
      %mul3A_562 = arith.muli %add3A_559, %mul3A_561 : vector<16xi32>
      %add3A_563 = vector.broadcast %scan3A_519 : i32 to vector<16xi32>
      %add3A_564 = arith.addi %mul3A_562, %add3A_563 : vector<16xi32>
      %gather3A_565 = tpu.vector_load_idx %arg5[%add3A_564] : memref<6400xi32, #tpu.memory_space<vmem>>[vector<16xi32>], vector<16xi32>,
      %swap3A_566 = arith.index_cast %scan3A_519 : i32 to index
      %swap3A_567 = arith.constant 48 : index
      %swap3A_568 = tpu.vector_load %arg6[%swap3A_566, %swap3A_567] {strides = array<i32>} : memref<50x128xi32, #tpu.memory_space<vmem>>, vector<16xi32>,
      tpu.vector_store %arg6[%swap3A_566, %swap3A_567], %gather3A_565 {strides = array<i32>} : memref<50x128xi32, #tpu.memory_space<vmem>>, vector<16xi32>,
      %add3A_569 = arith.constant 64 : i32
      %add3A_570 = vector.broadcast %add3A_569 : i32 to vector<16xi32>
      %add3A_571 = arith.addi %iota3A, %add3A_570 : vector<16xi32>
      %mul3A_572 = arith.constant 50 : i32
      %mul3A_573 = vector.broadcast %mul3A_572 : i32 to vector<16xi32>
      %mul3A_574 = arith.muli %add3A_571, %mul3A_573 : vector<16xi32>
      %add3A_575 = vector.broadcast %scan3A_519 : i32 to vector<16xi32>
      %add3A_576 = arith.addi %mul3A_574, %add3A_575 : vector<16xi32>
      %gather3A_577 = tpu.vector_load_idx %arg5[%add3A_576] : memref<6400xi32, #tpu.memory_space<vmem>>[vector<16xi32>], vector<16xi32>,
      %swap3A_578 = arith.index_cast %scan3A_519 : i32 to index
      %swap3A_579 = arith.constant 64 : index
      %swap3A_580 = tpu.vector_load %arg6[%swap3A_578, %swap3A_579] {strides = array<i32>} : memref<50x128xi32, #tpu.memory_space<vmem>>, vector<16xi32>,
      tpu.vector_store %arg6[%swap3A_578, %swap3A_579], %gather3A_577 {strides = array<i32>} : memref<50x128xi32, #tpu.memory_space<vmem>>, vector<16xi32>,
      %add3A_581 = arith.constant 80 : i32
      %add3A_582 = vector.broadcast %add3A_581 : i32 to vector<16xi32>
      %add3A_583 = arith.addi %iota3A, %add3A_582 : vector<16xi32>
      %mul3A_584 = arith.constant 50 : i32
      %mul3A_585 = vector.broadcast %mul3A_584 : i32 to vector<16xi32>
      %mul3A_586 = arith.muli %add3A_583, %mul3A_585 : vector<16xi32>
      %add3A_587 = vector.broadcast %scan3A_519 : i32 to vector<16xi32>
      %add3A_588 = arith.addi %mul3A_586, %add3A_587 : vector<16xi32>
      %gather3A_589 = tpu.vector_load_idx %arg5[%add3A_588] : memref<6400xi32, #tpu.memory_space<vmem>>[vector<16xi32>], vector<16xi32>,
      %swap3A_590 = arith.index_cast %scan3A_519 : i32 to index
      %swap3A_591 = arith.constant 80 : index
      %swap3A_592 = tpu.vector_load %arg6[%swap3A_590, %swap3A_591] {strides = array<i32>} : memref<50x128xi32, #tpu.memory_space<vmem>>, vector<16xi32>,
      tpu.vector_store %arg6[%swap3A_590, %swap3A_591], %gather3A_589 {strides = array<i32>} : memref<50x128xi32, #tpu.memory_space<vmem>>, vector<16xi32>,
      %add3A_593 = arith.constant 96 : i32
      %add3A_594 = vector.broadcast %add3A_593 : i32 to vector<16xi32>
      %add3A_595 = arith.addi %iota3A, %add3A_594 : vector<16xi32>
      %mul3A_596 = arith.constant 50 : i32
      %mul3A_597 = vector.broadcast %mul3A_596 : i32 to vector<16xi32>
      %mul3A_598 = arith.muli %add3A_595, %mul3A_597 : vector<16xi32>
      %add3A_599 = vector.broadcast %scan3A_519 : i32 to vector<16xi32>
      %add3A_600 = arith.addi %mul3A_598, %add3A_599 : vector<16xi32>
      %gather3A_601 = tpu.vector_load_idx %arg5[%add3A_600] : memref<6400xi32, #tpu.memory_space<vmem>>[vector<16xi32>], vector<16xi32>,
      %swap3A_602 = arith.index_cast %scan3A_519 : i32 to index
      %swap3A_603 = arith.constant 96 : index
      %swap3A_604 = tpu.vector_load %arg6[%swap3A_602, %swap3A_603] {strides = array<i32>} : memref<50x128xi32, #tpu.memory_space<vmem>>, vector<16xi32>,
      tpu.vector_store %arg6[%swap3A_602, %swap3A_603], %gather3A_601 {strides = array<i32>} : memref<50x128xi32, #tpu.memory_space<vmem>>, vector<16xi32>,
      %add3A_605 = arith.constant 112 : i32
      %add3A_606 = vector.broadcast %add3A_605 : i32 to vector<16xi32>
      %add3A_607 = arith.addi %iota3A, %add3A_606 : vector<16xi32>
      %mul3A_608 = arith.constant 50 : i32
      %mul3A_609 = vector.broadcast %mul3A_608 : i32 to vector<16xi32>
      %mul3A_610 = arith.muli %add3A_607, %mul3A_609 : vector<16xi32>
      %add3A_611 = vector.broadcast %scan3A_519 : i32 to vector<16xi32>
      %add3A_612 = arith.addi %mul3A_610, %add3A_611 : vector<16xi32>
      %gather3A_613 = tpu.vector_load_idx %arg5[%add3A_612] : memref<6400xi32, #tpu.memory_space<vmem>>[vector<16xi32>], vector<16xi32>,
      %swap3A_614 = arith.index_cast %scan3A_519 : i32 to index
      %swap3A_615 = arith.constant 112 : index
      %swap3A_616 = tpu.vector_load %arg6[%swap3A_614, %swap3A_615] {strides = array<i32>} : memref<50x128xi32, #tpu.memory_space<vmem>>, vector<16xi32>,
      tpu.vector_store %arg6[%swap3A_614, %swap3A_615], %gather3A_613 {strides = array<i32>} : memref<50x128xi32, #tpu.memory_space<vmem>>, vector<16xi32>,
      %scan3A_617 = arith.constant 0 : i32
      scf.yield %scan3A_617 : i32
    }
    %scan3A_224 = arith.constant 49 : i32
    %scan3A_225 = arith.constant 0 : i32
    %scan3A_226 = arith.constant 0 : i32
    %scan3A_227 = arith.constant 25 : i32
    %scan3A_228 = arith.addi %scan3A_226, %scan3A_227 : i32
    %scan3A_229 = arith.constant 1 : i32
    %scan3A_230 = scf.for %scan3A_519 = %scan3A_226 to %scan3A_228 step %scan3A_229 iter_args(%scan3A_520 = %scan3A_225) -> (i32)  : i32 {
      %mul3A_521 = arith.constant 2 : i32
      %mul3A_522 = arith.muli %mul3A_521, %scan3A_519 : i32
      %dma_wait3A_523 = arith.constant 0 : i32
      %dma_wait3A_524 = arith.constant 0 : i32
      %dma_wait3A_525 = tpu.memref_slice %arg6[%mul3A_522, %dma_wait3A_524] : memref<50x128xi32, #tpu.memory_space<vmem>> -> memref<1x128xi32, #tpu.memory_space<vmem>>
      %dma_wait3A_526 = tpu.memref_squeeze %dma_wait3A_525 : memref<1x128xi32, #tpu.memory_space<vmem>> -> memref<128xi32, #tpu.memory_space<vmem>>
      %dma_wait3A_527 = arith.constant 0 : i32
      %dma_wait3A_528 = arith.constant 0 : i32
      %dma_wait3A_529 = tpu.memref_slice %arg3[%dma_wait3A_527, %dma_wait3A_528] : memref<100000x64xf32, #tpu.memory_space<hbm>> -> memref<100000x64xf32, #tpu.memory_space<hbm>>
      %dma_wait3A_530 = tpu.memref_slice %arg11[%dma_wait3A_523] : memref<2x!tpu.dma_semaphore, #tpu.memory_space<semaphore_mem>> -> memref<1x!tpu.dma_semaphore, #tpu.memory_space<semaphore_mem>>
      %dma_wait3A_531 = tpu.memref_squeeze %dma_wait3A_530 : memref<1x!tpu.dma_semaphore, #tpu.memory_space<semaphore_mem>> -> memref<!tpu.dma_semaphore, #tpu.memory_space<semaphore_mem>>
      tpu.wait_indirect_dma semaphore(%dma_wait3A_531 : memref<!tpu.dma_semaphore, #tpu.memory_space<semaphore_mem>>) src(%dma_wait3A_529 : memref<100000x64xf32, #tpu.memory_space<hbm>>) dst(%arg7 : memref<128x64xf32, #tpu.memory_space<vmem>>)
      %add3A_532 = arith.constant 1 : i32
      %add3A_533 = arith.addi %mul3A_522, %add3A_532 : i32
      %lt3A = arith.constant 50 : i32
      %lt3A_534 = arith.cmpi slt, %add3A_533, %lt3A : i32
      %convert_element_type3A = arith.extui %lt3A_534 : i1 to i32
      %cond3A = arith.constant 0 : i32
      %cond3A_535 = arith.cmpi ne, %convert_element_type3A, %cond3A : i32
      scf.if %cond3A_535 {
        %add3A_916 = arith.constant 1 : i32
        %add3A_917 = arith.addi %mul3A_522, %add3A_916 : i32
        %dma_start3A_918 = arith.constant 1 : i32
        %dma_start3A_919 = arith.constant 0 : i32
        %dma_start3A_920 = tpu.memref_slice %arg6[%add3A_917, %dma_start3A_919] : memref<50x128xi32, #tpu.memory_space<vmem>> -> memref<1x128xi32, #tpu.memory_space<vmem>>
        %dma_start3A_921 = tpu.memref_squeeze %dma_start3A_920 : memref<1x128xi32, #tpu.memory_space<vmem>> -> memref<128xi32, #tpu.memory_space<vmem>>
        %dma_start3A_922 = arith.constant 0 : i32
        %dma_start3A_923 = arith.constant 0 : i32
        %dma_start3A_924 = tpu.memref_slice %arg3[%dma_start3A_922, %dma_start3A_923] : memref<100000x64xf32, #tpu.memory_space<hbm>> -> memref<100000x64xf32, #tpu.memory_space<hbm>>
        %dma_start3A_925 = tpu.memref_slice %arg11[%dma_start3A_918] : memref<2x!tpu.dma_semaphore, #tpu.memory_space<semaphore_mem>> -> memref<1x!tpu.dma_semaphore, #tpu.memory_space<semaphore_mem>>
        %dma_start3A_926 = tpu.memref_squeeze %dma_start3A_925 : memref<1x!tpu.dma_semaphore, #tpu.memory_space<semaphore_mem>> -> memref<!tpu.dma_semaphore, #tpu.memory_space<semaphore_mem>>
        tpu.enqueue_indirect_dma source(%dma_start3A_924 : memref<100000x64xf32, #tpu.memory_space<hbm>>) target(%arg8 : memref<128x64xf32, #tpu.memory_space<vmem>>) offsets(%dma_start3A_921 : memref<128xi32, #tpu.memory_space<vmem>>) semaphore(%dma_start3A_926 : memref<!tpu.dma_semaphore, #tpu.memory_space<semaphore_mem>>)
      } else {
      }
      %ge3A = arith.constant 2 : i32
      %ge3A_536 = arith.cmpi sge, %mul3A_522, %ge3A : i32
      %convert_element_type3A_537 = arith.extui %ge3A_536 : i1 to i32
      %cond3A_538 = arith.constant 0 : i32
      %cond3A_539 = arith.cmpi ne, %convert_element_type3A_537, %cond3A_538 : i32
      scf.if %cond3A_539 {
        %sub3A = arith.constant 2 : i32
        %sub3A_916 = arith.subi %mul3A_522, %sub3A : i32
        %mul3A_917 = arith.constant 8 : i32
        %mul3A_918 = arith.muli %sub3A_916, %mul3A_917 : i32
        %add3A_919 = arith.constant 0 : i32
        %add3A_920 = arith.addi %mul3A_918, %add3A_919 : i32
        %mul3A_921 = arith.constant 8 : i32
        %mul3A_922 = arith.muli %sub3A_916, %mul3A_921 : i32
        %add3A_923 = arith.constant 1 : i32
        %add3A_924 = arith.addi %mul3A_922, %add3A_923 : i32
        %mul3A_925 = arith.constant 8 : i32
        %mul3A_926 = arith.muli %sub3A_916, %mul3A_925 : i32
        %add3A_927 = arith.constant 2 : i32
        %add3A_928 = arith.addi %mul3A_926, %add3A_927 : i32
        %mul3A_929 = arith.constant 8 : i32
        %mul3A_930 = arith.muli %sub3A_916, %mul3A_929 : i32
        %add3A_931 = arith.constant 3 : i32
        %add3A_932 = arith.addi %mul3A_930, %add3A_931 : i32
        %mul3A_933 = arith.constant 8 : i32
        %mul3A_934 = arith.muli %sub3A_916, %mul3A_933 : i32
        %add3A_935 = arith.constant 4 : i32
        %add3A_936 = arith.addi %mul3A_934, %add3A_935 : i32
        %mul3A_937 = arith.constant 8 : i32
        %mul3A_938 = arith.muli %sub3A_916, %mul3A_937 : i32
        %add3A_939 = arith.constant 5 : i32
        %add3A_940 = arith.addi %mul3A_938, %add3A_939 : i32
        %mul3A_941 = arith.constant 8 : i32
        %mul3A_942 = arith.muli %sub3A_916, %mul3A_941 : i32
        %add3A_943 = arith.constant 6 : i32
        %add3A_944 = arith.addi %mul3A_942, %add3A_943 : i32
        %mul3A_945 = arith.constant 8 : i32
        %mul3A_946 = arith.muli %sub3A_916, %mul3A_945 : i32
        %add3A_947 = arith.constant 7 : i32
        %add3A_948 = arith.addi %mul3A_946, %add3A_947 : i32
        %dma_wait3A_949 = arith.constant 0 : i32
        %dma_wait3A_950 = arith.constant 0 : i32
        %dma_wait3A_951 = arith.constant 0 : i32
        %dma_wait3A_952 = tpu.memref_slice %arg9[%dma_wait3A_950, %dma_wait3A_951] : memref<64x128xf32, #tpu.memory_space<vmem>> -> memref<8x128xf32, #tpu.memory_space<vmem>>
        %dma_wait3A_953 = arith.constant 0 : i32
        %dma_wait3A_954 = arith.constant 0 : i32
        %dma_wait3A_955 = tpu.memref_slice %arg4[%add3A_920, %add3A, %dma_wait3A_953, %dma_wait3A_954] : memref<400x32x8x128xf32, #tpu.memory_space<hbm>> -> memref<1x1x8x128xf32, #tpu.memory_space<hbm>>
        %dma_wait3A_956 = tpu.memref_squeeze %dma_wait3A_955 : memref<1x1x8x128xf32, #tpu.memory_space<hbm>> -> memref<8x128xf32, #tpu.memory_space<hbm>>
        %dma_wait3A_957 = tpu.memref_slice %arg12[%dma_wait3A_949] : memref<2x!tpu.dma_semaphore, #tpu.memory_space<semaphore_mem>> -> memref<1x!tpu.dma_semaphore, #tpu.memory_space<semaphore_mem>>
        %dma_wait3A_958 = tpu.memref_squeeze %dma_wait3A_957 : memref<1x!tpu.dma_semaphore, #tpu.memory_space<semaphore_mem>> -> memref<!tpu.dma_semaphore, #tpu.memory_space<semaphore_mem>>
        %dma_wait3A_959 = arith.constant 0 : i32
        %dma_wait3A_960 = arith.constant 0 : i32
        %dma_wait3A_961 = tpu.memref_slice %arg4[%add3A_920, %add3A, %dma_wait3A_959, %dma_wait3A_960] : memref<400x32x8x128xf32, #tpu.memory_space<hbm>> -> memref<1x1x8x128xf32, #tpu.memory_space<hbm>>
        %dma_wait3A_962 = tpu.memref_squeeze %dma_wait3A_961 : memref<1x1x8x128xf32, #tpu.memory_space<hbm>> -> memref<8x128xf32, #tpu.memory_space<hbm>>
        %dma_wait3A_963 = arith.constant 0 : i32
        %dma_wait3A_964 = arith.constant 0 : i32
        %dma_wait3A_965 = tpu.memref_slice %arg9[%dma_wait3A_963, %dma_wait3A_964] : memref<64x128xf32, #tpu.memory_space<vmem>> -> memref<8x128xf32, #tpu.memory_space<vmem>>
        tpu.wait_dma2 semaphore(%dma_wait3A_958 : memref<!tpu.dma_semaphore, #tpu.memory_space<semaphore_mem>>) src(%dma_wait3A_965 : memref<8x128xf32, #tpu.memory_space<vmem>>) dst(%dma_wait3A_962 : memref<8x128xf32, #tpu.memory_space<hbm>>)
        %dma_wait3A_966 = arith.constant 0 : i32
        %dma_wait3A_967 = arith.constant 8 : i32
        %dma_wait3A_968 = arith.constant 0 : i32
        %dma_wait3A_969 = tpu.memref_slice %arg9[%dma_wait3A_967, %dma_wait3A_968] : memref<64x128xf32, #tpu.memory_space<vmem>> -> memref<8x128xf32, #tpu.memory_space<vmem>>
        %dma_wait3A_970 = arith.constant 0 : i32
        %dma_wait3A_971 = arith.constant 0 : i32
        %dma_wait3A_972 = tpu.memref_slice %arg4[%add3A_924, %add3A, %dma_wait3A_970, %dma_wait3A_971] : memref<400x32x8x128xf32, #tpu.memory_space<hbm>> -> memref<1x1x8x128xf32, #tpu.memory_space<hbm>>
        %dma_wait3A_973 = tpu.memref_squeeze %dma_wait3A_972 : memref<1x1x8x128xf32, #tpu.memory_space<hbm>> -> memref<8x128xf32, #tpu.memory_space<hbm>>
        %dma_wait3A_974 = tpu.memref_slice %arg12[%dma_wait3A_966] : memref<2x!tpu.dma_semaphore, #tpu.memory_space<semaphore_mem>> -> memref<1x!tpu.dma_semaphore, #tpu.memory_space<semaphore_mem>>
        %dma_wait3A_975 = tpu.memref_squeeze %dma_wait3A_974 : memref<1x!tpu.dma_semaphore, #tpu.memory_space<semaphore_mem>> -> memref<!tpu.dma_semaphore, #tpu.memory_space<semaphore_mem>>
        %dma_wait3A_976 = arith.constant 0 : i32
        %dma_wait3A_977 = arith.constant 0 : i32
        %dma_wait3A_978 = tpu.memref_slice %arg4[%add3A_924, %add3A, %dma_wait3A_976, %dma_wait3A_977] : memref<400x32x8x128xf32, #tpu.memory_space<hbm>> -> memref<1x1x8x128xf32, #tpu.memory_space<hbm>>
        %dma_wait3A_979 = tpu.memref_squeeze %dma_wait3A_978 : memref<1x1x8x128xf32, #tpu.memory_space<hbm>> -> memref<8x128xf32, #tpu.memory_space<hbm>>
        %dma_wait3A_980 = arith.constant 8 : i32
        %dma_wait3A_981 = arith.constant 0 : i32
        %dma_wait3A_982 = tpu.memref_slice %arg9[%dma_wait3A_980, %dma_wait3A_981] : memref<64x128xf32, #tpu.memory_space<vmem>> -> memref<8x128xf32, #tpu.memory_space<vmem>>
        tpu.wait_dma2 semaphore(%dma_wait3A_975 : memref<!tpu.dma_semaphore, #tpu.memory_space<semaphore_mem>>) src(%dma_wait3A_982 : memref<8x128xf32, #tpu.memory_space<vmem>>) dst(%dma_wait3A_979 : memref<8x128xf32, #tpu.memory_space<hbm>>)
        %dma_wait3A_983 = arith.constant 0 : i32
        %dma_wait3A_984 = arith.constant 16 : i32
        %dma_wait3A_985 = arith.constant 0 : i32
        %dma_wait3A_986 = tpu.memref_slice %arg9[%dma_wait3A_984, %dma_wait3A_985] : memref<64x128xf32, #tpu.memory_space<vmem>> -> memref<8x128xf32, #tpu.memory_space<vmem>>
        %dma_wait3A_987 = arith.constant 0 : i32
        %dma_wait3A_988 = arith.constant 0 : i32
        %dma_wait3A_989 = tpu.memref_slice %arg4[%add3A_928, %add3A, %dma_wait3A_987, %dma_wait3A_988] : memref<400x32x8x128xf32, #tpu.memory_space<hbm>> -> memref<1x1x8x128xf32, #tpu.memory_space<hbm>>
        %dma_wait3A_990 = tpu.memref_squeeze %dma_wait3A_989 : memref<1x1x8x128xf32, #tpu.memory_space<hbm>> -> memref<8x128xf32, #tpu.memory_space<hbm>>
        %dma_wait3A_991 = tpu.memref_slice %arg12[%dma_wait3A_983] : memref<2x!tpu.dma_semaphore, #tpu.memory_space<semaphore_mem>> -> memref<1x!tpu.dma_semaphore, #tpu.memory_space<semaphore_mem>>
        %dma_wait3A_992 = tpu.memref_squeeze %dma_wait3A_991 : memref<1x!tpu.dma_semaphore, #tpu.memory_space<semaphore_mem>> -> memref<!tpu.dma_semaphore, #tpu.memory_space<semaphore_mem>>
        %dma_wait3A_993 = arith.constant 0 : i32
        %dma_wait3A_994 = arith.constant 0 : i32
        %dma_wait3A_995 = tpu.memref_slice %arg4[%add3A_928, %add3A, %dma_wait3A_993, %dma_wait3A_994] : memref<400x32x8x128xf32, #tpu.memory_space<hbm>> -> memref<1x1x8x128xf32, #tpu.memory_space<hbm>>
        %dma_wait3A_996 = tpu.memref_squeeze %dma_wait3A_995 : memref<1x1x8x128xf32, #tpu.memory_space<hbm>> -> memref<8x128xf32, #tpu.memory_space<hbm>>
        %dma_wait3A_997 = arith.constant 16 : i32
        %dma_wait3A_998 = arith.constant 0 : i32
        %dma_wait3A_999 = tpu.memref_slice %arg9[%dma_wait3A_997, %dma_wait3A_998] : memref<64x128xf32, #tpu.memory_space<vmem>> -> memref<8x128xf32, #tpu.memory_space<vmem>>
        tpu.wait_dma2 semaphore(%dma_wait3A_992 : memref<!tpu.dma_semaphore, #tpu.memory_space<semaphore_mem>>) src(%dma_wait3A_999 : memref<8x128xf32, #tpu.memory_space<vmem>>) dst(%dma_wait3A_996 : memref<8x128xf32, #tpu.memory_space<hbm>>)
        %dma_wait3A_1000 = arith.constant 0 : i32
        %dma_wait3A_1001 = arith.constant 24 : i32
        %dma_wait3A_1002 = arith.constant 0 : i32
        %dma_wait3A_1003 = tpu.memref_slice %arg9[%dma_wait3A_1001, %dma_wait3A_1002] : memref<64x128xf32, #tpu.memory_space<vmem>> -> memref<8x128xf32, #tpu.memory_space<vmem>>
        %dma_wait3A_1004 = arith.constant 0 : i32
        %dma_wait3A_1005 = arith.constant 0 : i32
        %dma_wait3A_1006 = tpu.memref_slice %arg4[%add3A_932, %add3A, %dma_wait3A_1004, %dma_wait3A_1005] : memref<400x32x8x128xf32, #tpu.memory_space<hbm>> -> memref<1x1x8x128xf32, #tpu.memory_space<hbm>>
        %dma_wait3A_1007 = tpu.memref_squeeze %dma_wait3A_1006 : memref<1x1x8x128xf32, #tpu.memory_space<hbm>> -> memref<8x128xf32, #tpu.memory_space<hbm>>
        %dma_wait3A_1008 = tpu.memref_slice %arg12[%dma_wait3A_1000] : memref<2x!tpu.dma_semaphore, #tpu.memory_space<semaphore_mem>> -> memref<1x!tpu.dma_semaphore, #tpu.memory_space<semaphore_mem>>
        %dma_wait3A_1009 = tpu.memref_squeeze %dma_wait3A_1008 : memref<1x!tpu.dma_semaphore, #tpu.memory_space<semaphore_mem>> -> memref<!tpu.dma_semaphore, #tpu.memory_space<semaphore_mem>>
        %dma_wait3A_1010 = arith.constant 0 : i32
        %dma_wait3A_1011 = arith.constant 0 : i32
        %dma_wait3A_1012 = tpu.memref_slice %arg4[%add3A_932, %add3A, %dma_wait3A_1010, %dma_wait3A_1011] : memref<400x32x8x128xf32, #tpu.memory_space<hbm>> -> memref<1x1x8x128xf32, #tpu.memory_space<hbm>>
        %dma_wait3A_1013 = tpu.memref_squeeze %dma_wait3A_1012 : memref<1x1x8x128xf32, #tpu.memory_space<hbm>> -> memref<8x128xf32, #tpu.memory_space<hbm>>
        %dma_wait3A_1014 = arith.constant 24 : i32
        %dma_wait3A_1015 = arith.constant 0 : i32
        %dma_wait3A_1016 = tpu.memref_slice %arg9[%dma_wait3A_1014, %dma_wait3A_1015] : memref<64x128xf32, #tpu.memory_space<vmem>> -> memref<8x128xf32, #tpu.memory_space<vmem>>
        tpu.wait_dma2 semaphore(%dma_wait3A_1009 : memref<!tpu.dma_semaphore, #tpu.memory_space<semaphore_mem>>) src(%dma_wait3A_1016 : memref<8x128xf32, #tpu.memory_space<vmem>>) dst(%dma_wait3A_1013 : memref<8x128xf32, #tpu.memory_space<hbm>>)
        %dma_wait3A_1017 = arith.constant 0 : i32
        %dma_wait3A_1018 = arith.constant 32 : i32
        %dma_wait3A_1019 = arith.constant 0 : i32
        %dma_wait3A_1020 = tpu.memref_slice %arg9[%dma_wait3A_1018, %dma_wait3A_1019] : memref<64x128xf32, #tpu.memory_space<vmem>> -> memref<8x128xf32, #tpu.memory_space<vmem>>
        %dma_wait3A_1021 = arith.constant 0 : i32
        %dma_wait3A_1022 = arith.constant 0 : i32
        %dma_wait3A_1023 = tpu.memref_slice %arg4[%add3A_936, %add3A, %dma_wait3A_1021, %dma_wait3A_1022] : memref<400x32x8x128xf32, #tpu.memory_space<hbm>> -> memref<1x1x8x128xf32, #tpu.memory_space<hbm>>
        %dma_wait3A_1024 = tpu.memref_squeeze %dma_wait3A_1023 : memref<1x1x8x128xf32, #tpu.memory_space<hbm>> -> memref<8x128xf32, #tpu.memory_space<hbm>>
        %dma_wait3A_1025 = tpu.memref_slice %arg12[%dma_wait3A_1017] : memref<2x!tpu.dma_semaphore, #tpu.memory_space<semaphore_mem>> -> memref<1x!tpu.dma_semaphore, #tpu.memory_space<semaphore_mem>>
        %dma_wait3A_1026 = tpu.memref_squeeze %dma_wait3A_1025 : memref<1x!tpu.dma_semaphore, #tpu.memory_space<semaphore_mem>> -> memref<!tpu.dma_semaphore, #tpu.memory_space<semaphore_mem>>
        %dma_wait3A_1027 = arith.constant 0 : i32
        %dma_wait3A_1028 = arith.constant 0 : i32
        %dma_wait3A_1029 = tpu.memref_slice %arg4[%add3A_936, %add3A, %dma_wait3A_1027, %dma_wait3A_1028] : memref<400x32x8x128xf32, #tpu.memory_space<hbm>> -> memref<1x1x8x128xf32, #tpu.memory_space<hbm>>
        %dma_wait3A_1030 = tpu.memref_squeeze %dma_wait3A_1029 : memref<1x1x8x128xf32, #tpu.memory_space<hbm>> -> memref<8x128xf32, #tpu.memory_space<hbm>>
        %dma_wait3A_1031 = arith.constant 32 : i32
        %dma_wait3A_1032 = arith.constant 0 : i32
        %dma_wait3A_1033 = tpu.memref_slice %arg9[%dma_wait3A_1031, %dma_wait3A_1032] : memref<64x128xf32, #tpu.memory_space<vmem>> -> memref<8x128xf32, #tpu.memory_space<vmem>>
        tpu.wait_dma2 semaphore(%dma_wait3A_1026 : memref<!tpu.dma_semaphore, #tpu.memory_space<semaphore_mem>>) src(%dma_wait3A_1033 : memref<8x128xf32, #tpu.memory_space<vmem>>) dst(%dma_wait3A_1030 : memref<8x128xf32, #tpu.memory_space<hbm>>)
        %dma_wait3A_1034 = arith.constant 0 : i32
        %dma_wait3A_1035 = arith.constant 40 : i32
        %dma_wait3A_1036 = arith.constant 0 : i32
        %dma_wait3A_1037 = tpu.memref_slice %arg9[%dma_wait3A_1035, %dma_wait3A_1036] : memref<64x128xf32, #tpu.memory_space<vmem>> -> memref<8x128xf32, #tpu.memory_space<vmem>>
        %dma_wait3A_1038 = arith.constant 0 : i32
        %dma_wait3A_1039 = arith.constant 0 : i32
        %dma_wait3A_1040 = tpu.memref_slice %arg4[%add3A_940, %add3A, %dma_wait3A_1038, %dma_wait3A_1039] : memref<400x32x8x128xf32, #tpu.memory_space<hbm>> -> memref<1x1x8x128xf32, #tpu.memory_space<hbm>>
        %dma_wait3A_1041 = tpu.memref_squeeze %dma_wait3A_1040 : memref<1x1x8x128xf32, #tpu.memory_space<hbm>> -> memref<8x128xf32, #tpu.memory_space<hbm>>
        %dma_wait3A_1042 = tpu.memref_slice %arg12[%dma_wait3A_1034] : memref<2x!tpu.dma_semaphore, #tpu.memory_space<semaphore_mem>> -> memref<1x!tpu.dma_semaphore, #tpu.memory_space<semaphore_mem>>
        %dma_wait3A_1043 = tpu.memref_squeeze %dma_wait3A_1042 : memref<1x!tpu.dma_semaphore, #tpu.memory_space<semaphore_mem>> -> memref<!tpu.dma_semaphore, #tpu.memory_space<semaphore_mem>>
        %dma_wait3A_1044 = arith.constant 0 : i32
        %dma_wait3A_1045 = arith.constant 0 : i32
        %dma_wait3A_1046 = tpu.memref_slice %arg4[%add3A_940, %add3A, %dma_wait3A_1044, %dma_wait3A_1045] : memref<400x32x8x128xf32, #tpu.memory_space<hbm>> -> memref<1x1x8x128xf32, #tpu.memory_space<hbm>>
        %dma_wait3A_1047 = tpu.memref_squeeze %dma_wait3A_1046 : memref<1x1x8x128xf32, #tpu.memory_space<hbm>> -> memref<8x128xf32, #tpu.memory_space<hbm>>
        %dma_wait3A_1048 = arith.constant 40 : i32
        %dma_wait3A_1049 = arith.constant 0 : i32
        %dma_wait3A_1050 = tpu.memref_slice %arg9[%dma_wait3A_1048, %dma_wait3A_1049] : memref<64x128xf32, #tpu.memory_space<vmem>> -> memref<8x128xf32, #tpu.memory_space<vmem>>
        tpu.wait_dma2 semaphore(%dma_wait3A_1043 : memref<!tpu.dma_semaphore, #tpu.memory_space<semaphore_mem>>) src(%dma_wait3A_1050 : memref<8x128xf32, #tpu.memory_space<vmem>>) dst(%dma_wait3A_1047 : memref<8x128xf32, #tpu.memory_space<hbm>>)
        %dma_wait3A_1051 = arith.constant 0 : i32
        %dma_wait3A_1052 = arith.constant 48 : i32
        %dma_wait3A_1053 = arith.constant 0 : i32
        %dma_wait3A_1054 = tpu.memref_slice %arg9[%dma_wait3A_1052, %dma_wait3A_1053] : memref<64x128xf32, #tpu.memory_space<vmem>> -> memref<8x128xf32, #tpu.memory_space<vmem>>
        %dma_wait3A_1055 = arith.constant 0 : i32
        %dma_wait3A_1056 = arith.constant 0 : i32
        %dma_wait3A_1057 = tpu.memref_slice %arg4[%add3A_944, %add3A, %dma_wait3A_1055, %dma_wait3A_1056] : memref<400x32x8x128xf32, #tpu.memory_space<hbm>> -> memref<1x1x8x128xf32, #tpu.memory_space<hbm>>
        %dma_wait3A_1058 = tpu.memref_squeeze %dma_wait3A_1057 : memref<1x1x8x128xf32, #tpu.memory_space<hbm>> -> memref<8x128xf32, #tpu.memory_space<hbm>>
        %dma_wait3A_1059 = tpu.memref_slice %arg12[%dma_wait3A_1051] : memref<2x!tpu.dma_semaphore, #tpu.memory_space<semaphore_mem>> -> memref<1x!tpu.dma_semaphore, #tpu.memory_space<semaphore_mem>>
        %dma_wait3A_1060 = tpu.memref_squeeze %dma_wait3A_1059 : memref<1x!tpu.dma_semaphore, #tpu.memory_space<semaphore_mem>> -> memref<!tpu.dma_semaphore, #tpu.memory_space<semaphore_mem>>
        %dma_wait3A_1061 = arith.constant 0 : i32
        %dma_wait3A_1062 = arith.constant 0 : i32
        %dma_wait3A_1063 = tpu.memref_slice %arg4[%add3A_944, %add3A, %dma_wait3A_1061, %dma_wait3A_1062] : memref<400x32x8x128xf32, #tpu.memory_space<hbm>> -> memref<1x1x8x128xf32, #tpu.memory_space<hbm>>
        %dma_wait3A_1064 = tpu.memref_squeeze %dma_wait3A_1063 : memref<1x1x8x128xf32, #tpu.memory_space<hbm>> -> memref<8x128xf32, #tpu.memory_space<hbm>>
        %dma_wait3A_1065 = arith.constant 48 : i32
        %dma_wait3A_1066 = arith.constant 0 : i32
        %dma_wait3A_1067 = tpu.memref_slice %arg9[%dma_wait3A_1065, %dma_wait3A_1066] : memref<64x128xf32, #tpu.memory_space<vmem>> -> memref<8x128xf32, #tpu.memory_space<vmem>>
        tpu.wait_dma2 semaphore(%dma_wait3A_1060 : memref<!tpu.dma_semaphore, #tpu.memory_space<semaphore_mem>>) src(%dma_wait3A_1067 : memref<8x128xf32, #tpu.memory_space<vmem>>) dst(%dma_wait3A_1064 : memref<8x128xf32, #tpu.memory_space<hbm>>)
        %dma_wait3A_1068 = arith.constant 0 : i32
        %dma_wait3A_1069 = arith.constant 56 : i32
        %dma_wait3A_1070 = arith.constant 0 : i32
        %dma_wait3A_1071 = tpu.memref_slice %arg9[%dma_wait3A_1069, %dma_wait3A_1070] : memref<64x128xf32, #tpu.memory_space<vmem>> -> memref<8x128xf32, #tpu.memory_space<vmem>>
        %dma_wait3A_1072 = arith.constant 0 : i32
        %dma_wait3A_1073 = arith.constant 0 : i32
        %dma_wait3A_1074 = tpu.memref_slice %arg4[%add3A_948, %add3A, %dma_wait3A_1072, %dma_wait3A_1073] : memref<400x32x8x128xf32, #tpu.memory_space<hbm>> -> memref<1x1x8x128xf32, #tpu.memory_space<hbm>>
        %dma_wait3A_1075 = tpu.memref_squeeze %dma_wait3A_1074 : memref<1x1x8x128xf32, #tpu.memory_space<hbm>> -> memref<8x128xf32, #tpu.memory_space<hbm>>
        %dma_wait3A_1076 = tpu.memref_slice %arg12[%dma_wait3A_1068] : memref<2x!tpu.dma_semaphore, #tpu.memory_space<semaphore_mem>> -> memref<1x!tpu.dma_semaphore, #tpu.memory_space<semaphore_mem>>
        %dma_wait3A_1077 = tpu.memref_squeeze %dma_wait3A_1076 : memref<1x!tpu.dma_semaphore, #tpu.memory_space<semaphore_mem>> -> memref<!tpu.dma_semaphore, #tpu.memory_space<semaphore_mem>>
        %dma_wait3A_1078 = arith.constant 0 : i32
        %dma_wait3A_1079 = arith.constant 0 : i32
        %dma_wait3A_1080 = tpu.memref_slice %arg4[%add3A_948, %add3A, %dma_wait3A_1078, %dma_wait3A_1079] : memref<400x32x8x128xf32, #tpu.memory_space<hbm>> -> memref<1x1x8x128xf32, #tpu.memory_space<hbm>>
        %dma_wait3A_1081 = tpu.memref_squeeze %dma_wait3A_1080 : memref<1x1x8x128xf32, #tpu.memory_space<hbm>> -> memref<8x128xf32, #tpu.memory_space<hbm>>
        %dma_wait3A_1082 = arith.constant 56 : i32
        %dma_wait3A_1083 = arith.constant 0 : i32
        %dma_wait3A_1084 = tpu.memref_slice %arg9[%dma_wait3A_1082, %dma_wait3A_1083] : memref<64x128xf32, #tpu.memory_space<vmem>> -> memref<8x128xf32, #tpu.memory_space<vmem>>
        tpu.wait_dma2 semaphore(%dma_wait3A_1077 : memref<!tpu.dma_semaphore, #tpu.memory_space<semaphore_mem>>) src(%dma_wait3A_1084 : memref<8x128xf32, #tpu.memory_space<vmem>>) dst(%dma_wait3A_1081 : memref<8x128xf32, #tpu.memory_space<hbm>>)
      } else {
      }
      %scan3A_540 = arith.constant 0 : i32
      %scan3A_541 = arith.constant 0 : i32
      %scan3A_542 = arith.constant 8 : i32
      %scan3A_543 = arith.addi %scan3A_541, %scan3A_542 : i32
      %scan3A_544 = arith.constant 1 : i32
      %scan3A_545 = scf.for %scan3A_916 = %scan3A_541 to %scan3A_543 step %scan3A_544 iter_args(%scan3A_917 = %scan3A_540) -> (i32)  : i32 {
        %mul3A_918 = arith.constant 16 : i32
        %mul3A_919 = arith.muli %scan3A_916, %mul3A_918 : i32
        %add3A_920 = vector.broadcast %mul3A_919 : i32 to vector<16xi32>
        %add3A_921 = arith.addi %iota3A, %add3A_920 : vector<16xi32>
        %add3A_922 = arith.constant 0 : i32
        %add3A_923 = vector.broadcast %add3A_922 : i32 to vector<16xi32>
        %add3A_924 = arith.addi %and3A_119, %add3A_923 : vector<16xi32>
        %add3A_925 = arith.constant 0 : i32
        %add3A_926 = vector.broadcast %add3A_925 : i32 to vector<16xi32>
        %add3A_927 = arith.addi %and3A_125, %add3A_926 : vector<16xi32>
        %add3A_928 = arith.constant 0 : i32
        %add3A_929 = vector.broadcast %add3A_928 : i32 to vector<16xi32>
        %add3A_930 = arith.addi %and3A_131, %add3A_929 : vector<16xi32>
        %add3A_931 = arith.constant 0 : i32
        %add3A_932 = vector.broadcast %add3A_931 : i32 to vector<16xi32>
        %add3A_933 = arith.addi %and3A_137, %add3A_932 : vector<16xi32>
        %gather3A_934 = tpu.vector_load_idx %arg7[%add3A_921, %add3A_924] : memref<128x64xf32, #tpu.memory_space<vmem>>[vector<16xi32>, vector<16xi32>], vector<16xf32>,
        %gather3A_935 = tpu.vector_load_idx %arg7[%add3A_921, %add3A_927] : memref<128x64xf32, #tpu.memory_space<vmem>>[vector<16xi32>, vector<16xi32>], vector<16xf32>,
        %gather3A_936 = tpu.vector_load_idx %arg7[%add3A_921, %add3A_930] : memref<128x64xf32, #tpu.memory_space<vmem>>[vector<16xi32>, vector<16xi32>], vector<16xf32>,
        %gather3A_937 = tpu.vector_load_idx %arg7[%add3A_921, %add3A_933] : memref<128x64xf32, #tpu.memory_space<vmem>>[vector<16xi32>, vector<16xi32>], vector<16xf32>,
        tpu.vector_store_idx %arg9[%add3A_924, %add3A_921], %gather3A_934 : memref<64x128xf32, #tpu.memory_space<vmem>>[vector<16xi32>, vector<16xi32>], vector<16xf32>,
        tpu.vector_store_idx %arg9[%add3A_927, %add3A_921], %gather3A_935 : memref<64x128xf32, #tpu.memory_space<vmem>>[vector<16xi32>, vector<16xi32>], vector<16xf32>,
        tpu.vector_store_idx %arg9[%add3A_930, %add3A_921], %gather3A_936 : memref<64x128xf32, #tpu.memory_space<vmem>>[vector<16xi32>, vector<16xi32>], vector<16xf32>,
        tpu.vector_store_idx %arg9[%add3A_933, %add3A_921], %gather3A_937 : memref<64x128xf32, #tpu.memory_space<vmem>>[vector<16xi32>, vector<16xi32>], vector<16xf32>,
        %add3A_938 = arith.constant 0 : i32
        %add3A_939 = vector.broadcast %add3A_938 : i32 to vector<16xi32>
        %add3A_940 = arith.addi %and3A_143, %add3A_939 : vector<16xi32>
        %add3A_941 = arith.constant 0 : i32
        %add3A_942 = vector.broadcast %add3A_941 : i32 to vector<16xi32>
        %add3A_943 = arith.addi %and3A_149, %add3A_942 : vector<16xi32>
        %add3A_944 = arith.constant 0 : i32
        %add3A_945 = vector.broadcast %add3A_944 : i32 to vector<16xi32>
        %add3A_946 = arith.addi %and3A_155, %add3A_945 : vector<16xi32>
        %add3A_947 = arith.constant 0 : i32
        %add3A_948 = vector.broadcast %add3A_947 : i32 to vector<16xi32>
        %add3A_949 = arith.addi %and3A_161, %add3A_948 : vector<16xi32>
        %gather3A_950 = tpu.vector_load_idx %arg7[%add3A_921, %add3A_940] : memref<128x64xf32, #tpu.memory_space<vmem>>[vector<16xi32>, vector<16xi32>], vector<16xf32>,
        %gather3A_951 = tpu.vector_load_idx %arg7[%add3A_921, %add3A_943] : memref<128x64xf32, #tpu.memory_space<vmem>>[vector<16xi32>, vector<16xi32>], vector<16xf32>,
        %gather3A_952 = tpu.vector_load_idx %arg7[%add3A_921, %add3A_946] : memref<128x64xf32, #tpu.memory_space<vmem>>[vector<16xi32>, vector<16xi32>], vector<16xf32>,
        %gather3A_953 = tpu.vector_load_idx %arg7[%add3A_921, %add3A_949] : memref<128x64xf32, #tpu.memory_space<vmem>>[vector<16xi32>, vector<16xi32>], vector<16xf32>,
        tpu.vector_store_idx %arg9[%add3A_940, %add3A_921], %gather3A_950 : memref<64x128xf32, #tpu.memory_space<vmem>>[vector<16xi32>, vector<16xi32>], vector<16xf32>,
        tpu.vector_store_idx %arg9[%add3A_943, %add3A_921], %gather3A_951 : memref<64x128xf32, #tpu.memory_space<vmem>>[vector<16xi32>, vector<16xi32>], vector<16xf32>,
        tpu.vector_store_idx %arg9[%add3A_946, %add3A_921], %gather3A_952 : memref<64x128xf32, #tpu.memory_space<vmem>>[vector<16xi32>, vector<16xi32>], vector<16xf32>,
        tpu.vector_store_idx %arg9[%add3A_949, %add3A_921], %gather3A_953 : memref<64x128xf32, #tpu.memory_space<vmem>>[vector<16xi32>, vector<16xi32>], vector<16xf32>,
        %add3A_954 = arith.constant 0 : i32
        %add3A_955 = vector.broadcast %add3A_954 : i32 to vector<16xi32>
        %add3A_956 = arith.addi %and3A_167, %add3A_955 : vector<16xi32>
        %add3A_957 = arith.constant 0 : i32
        %add3A_958 = vector.broadcast %add3A_957 : i32 to vector<16xi32>
        %add3A_959 = arith.addi %and3A_173, %add3A_958 : vector<16xi32>
        %add3A_960 = arith.constant 0 : i32
        %add3A_961 = vector.broadcast %add3A_960 : i32 to vector<16xi32>
        %add3A_962 = arith.addi %and3A_179, %add3A_961 : vector<16xi32>
        %add3A_963 = arith.constant 0 : i32
        %add3A_964 = vector.broadcast %add3A_963 : i32 to vector<16xi32>
        %add3A_965 = arith.addi %and3A_185, %add3A_964 : vector<16xi32>
        %gather3A_966 = tpu.vector_load_idx %arg7[%add3A_921, %add3A_956] : memref<128x64xf32, #tpu.memory_space<vmem>>[vector<16xi32>, vector<16xi32>], vector<16xf32>,
        %gather3A_967 = tpu.vector_load_idx %arg7[%add3A_921, %add3A_959] : memref<128x64xf32, #tpu.memory_space<vmem>>[vector<16xi32>, vector<16xi32>], vector<16xf32>,
        %gather3A_968 = tpu.vector_load_idx %arg7[%add3A_921, %add3A_962] : memref<128x64xf32, #tpu.memory_space<vmem>>[vector<16xi32>, vector<16xi32>], vector<16xf32>,
        %gather3A_969 = tpu.vector_load_idx %arg7[%add3A_921, %add3A_965] : memref<128x64xf32, #tpu.memory_space<vmem>>[vector<16xi32>, vector<16xi32>], vector<16xf32>,
        tpu.vector_store_idx %arg9[%add3A_956, %add3A_921], %gather3A_966 : memref<64x128xf32, #tpu.memory_space<vmem>>[vector<16xi32>, vector<16xi32>], vector<16xf32>,
        tpu.vector_store_idx %arg9[%add3A_959, %add3A_921], %gather3A_967 : memref<64x128xf32, #tpu.memory_space<vmem>>[vector<16xi32>, vector<16xi32>], vector<16xf32>,
        tpu.vector_store_idx %arg9[%add3A_962, %add3A_921], %gather3A_968 : memref<64x128xf32, #tpu.memory_space<vmem>>[vector<16xi32>, vector<16xi32>], vector<16xf32>,
        tpu.vector_store_idx %arg9[%add3A_965, %add3A_921], %gather3A_969 : memref<64x128xf32, #tpu.memory_space<vmem>>[vector<16xi32>, vector<16xi32>], vector<16xf32>,
        %add3A_970 = arith.constant 0 : i32
        %add3A_971 = vector.broadcast %add3A_970 : i32 to vector<16xi32>
        %add3A_972 = arith.addi %and3A_191, %add3A_971 : vector<16xi32>
        %add3A_973 = arith.constant 0 : i32
        %add3A_974 = vector.broadcast %add3A_973 : i32 to vector<16xi32>
        %add3A_975 = arith.addi %and3A_197, %add3A_974 : vector<16xi32>
        %add3A_976 = arith.constant 0 : i32
        %add3A_977 = vector.broadcast %add3A_976 : i32 to vector<16xi32>
        %add3A_978 = arith.addi %and3A_203, %add3A_977 : vector<16xi32>
        %add3A_979 = arith.constant 0 : i32
        %add3A_980 = vector.broadcast %add3A_979 : i32 to vector<16xi32>
        %add3A_981 = arith.addi %and3A_209, %add3A_980 : vector<16xi32>
        %gather3A_982 = tpu.vector_load_idx %arg7[%add3A_921, %add3A_972] : memref<128x64xf32, #tpu.memory_space<vmem>>[vector<16xi32>, vector<16xi32>], vector<16xf32>,
        %gather3A_983 = tpu.vector_load_idx %arg7[%add3A_921, %add3A_975] : memref<128x64xf32, #tpu.memory_space<vmem>>[vector<16xi32>, vector<16xi32>], vector<16xf32>,
        %gather3A_984 = tpu.vector_load_idx %arg7[%add3A_921, %add3A_978] : memref<128x64xf32, #tpu.memory_space<vmem>>[vector<16xi32>, vector<16xi32>], vector<16xf32>,
        %gather3A_985 = tpu.vector_load_idx %arg7[%add3A_921, %add3A_981] : memref<128x64xf32, #tpu.memory_space<vmem>>[vector<16xi32>, vector<16xi32>], vector<16xf32>,
        tpu.vector_store_idx %arg9[%add3A_972, %add3A_921], %gather3A_982 : memref<64x128xf32, #tpu.memory_space<vmem>>[vector<16xi32>, vector<16xi32>], vector<16xf32>,
        tpu.vector_store_idx %arg9[%add3A_975, %add3A_921], %gather3A_983 : memref<64x128xf32, #tpu.memory_space<vmem>>[vector<16xi32>, vector<16xi32>], vector<16xf32>,
        tpu.vector_store_idx %arg9[%add3A_978, %add3A_921], %gather3A_984 : memref<64x128xf32, #tpu.memory_space<vmem>>[vector<16xi32>, vector<16xi32>], vector<16xf32>,
        tpu.vector_store_idx %arg9[%add3A_981, %add3A_921], %gather3A_985 : memref<64x128xf32, #tpu.memory_space<vmem>>[vector<16xi32>, vector<16xi32>], vector<16xf32>,
        %add3A_986 = arith.constant 16 : i32
        %add3A_987 = vector.broadcast %add3A_986 : i32 to vector<16xi32>
        %add3A_988 = arith.addi %and3A_119, %add3A_987 : vector<16xi32>
        %add3A_989 = arith.constant 16 : i32
        %add3A_990 = vector.broadcast %add3A_989 : i32 to vector<16xi32>
        %add3A_991 = arith.addi %and3A_125, %add3A_990 : vector<16xi32>
        %add3A_992 = arith.constant 16 : i32
        %add3A_993 = vector.broadcast %add3A_992 : i32 to vector<16xi32>
        %add3A_994 = arith.addi %and3A_131, %add3A_993 : vector<16xi32>
        %add3A_995 = arith.constant 16 : i32
        %add3A_996 = vector.broadcast %add3A_995 : i32 to vector<16xi32>
        %add3A_997 = arith.addi %and3A_137, %add3A_996 : vector<16xi32>
        %gather3A_998 = tpu.vector_load_idx %arg7[%add3A_921, %add3A_988] : memref<128x64xf32, #tpu.memory_space<vmem>>[vector<16xi32>, vector<16xi32>], vector<16xf32>,
        %gather3A_999 = tpu.vector_load_idx %arg7[%add3A_921, %add3A_991] : memref<128x64xf32, #tpu.memory_space<vmem>>[vector<16xi32>, vector<16xi32>], vector<16xf32>,
        %gather3A_1000 = tpu.vector_load_idx %arg7[%add3A_921, %add3A_994] : memref<128x64xf32, #tpu.memory_space<vmem>>[vector<16xi32>, vector<16xi32>], vector<16xf32>,
        %gather3A_1001 = tpu.vector_load_idx %arg7[%add3A_921, %add3A_997] : memref<128x64xf32, #tpu.memory_space<vmem>>[vector<16xi32>, vector<16xi32>], vector<16xf32>,
        tpu.vector_store_idx %arg9[%add3A_988, %add3A_921], %gather3A_998 : memref<64x128xf32, #tpu.memory_space<vmem>>[vector<16xi32>, vector<16xi32>], vector<16xf32>,
        tpu.vector_store_idx %arg9[%add3A_991, %add3A_921], %gather3A_999 : memref<64x128xf32, #tpu.memory_space<vmem>>[vector<16xi32>, vector<16xi32>], vector<16xf32>,
        tpu.vector_store_idx %arg9[%add3A_994, %add3A_921], %gather3A_1000 : memref<64x128xf32, #tpu.memory_space<vmem>>[vector<16xi32>, vector<16xi32>], vector<16xf32>,
        tpu.vector_store_idx %arg9[%add3A_997, %add3A_921], %gather3A_1001 : memref<64x128xf32, #tpu.memory_space<vmem>>[vector<16xi32>, vector<16xi32>], vector<16xf32>,
        %add3A_1002 = arith.constant 16 : i32
        %add3A_1003 = vector.broadcast %add3A_1002 : i32 to vector<16xi32>
        %add3A_1004 = arith.addi %and3A_143, %add3A_1003 : vector<16xi32>
        %add3A_1005 = arith.constant 16 : i32
        %add3A_1006 = vector.broadcast %add3A_1005 : i32 to vector<16xi32>
        %add3A_1007 = arith.addi %and3A_149, %add3A_1006 : vector<16xi32>
        %add3A_1008 = arith.constant 16 : i32
        %add3A_1009 = vector.broadcast %add3A_1008 : i32 to vector<16xi32>
        %add3A_1010 = arith.addi %and3A_155, %add3A_1009 : vector<16xi32>
        %add3A_1011 = arith.constant 16 : i32
        %add3A_1012 = vector.broadcast %add3A_1011 : i32 to vector<16xi32>
        %add3A_1013 = arith.addi %and3A_161, %add3A_1012 : vector<16xi32>
        %gather3A_1014 = tpu.vector_load_idx %arg7[%add3A_921, %add3A_1004] : memref<128x64xf32, #tpu.memory_space<vmem>>[vector<16xi32>, vector<16xi32>], vector<16xf32>,
        %gather3A_1015 = tpu.vector_load_idx %arg7[%add3A_921, %add3A_1007] : memref<128x64xf32, #tpu.memory_space<vmem>>[vector<16xi32>, vector<16xi32>], vector<16xf32>,
        %gather3A_1016 = tpu.vector_load_idx %arg7[%add3A_921, %add3A_1010] : memref<128x64xf32, #tpu.memory_space<vmem>>[vector<16xi32>, vector<16xi32>], vector<16xf32>,
        %gather3A_1017 = tpu.vector_load_idx %arg7[%add3A_921, %add3A_1013] : memref<128x64xf32, #tpu.memory_space<vmem>>[vector<16xi32>, vector<16xi32>], vector<16xf32>,
        tpu.vector_store_idx %arg9[%add3A_1004, %add3A_921], %gather3A_1014 : memref<64x128xf32, #tpu.memory_space<vmem>>[vector<16xi32>, vector<16xi32>], vector<16xf32>,
        tpu.vector_store_idx %arg9[%add3A_1007, %add3A_921], %gather3A_1015 : memref<64x128xf32, #tpu.memory_space<vmem>>[vector<16xi32>, vector<16xi32>], vector<16xf32>,
        tpu.vector_store_idx %arg9[%add3A_1010, %add3A_921], %gather3A_1016 : memref<64x128xf32, #tpu.memory_space<vmem>>[vector<16xi32>, vector<16xi32>], vector<16xf32>,
        tpu.vector_store_idx %arg9[%add3A_1013, %add3A_921], %gather3A_1017 : memref<64x128xf32, #tpu.memory_space<vmem>>[vector<16xi32>, vector<16xi32>], vector<16xf32>,
        %add3A_1018 = arith.constant 16 : i32
        %add3A_1019 = vector.broadcast %add3A_1018 : i32 to vector<16xi32>
        %add3A_1020 = arith.addi %and3A_167, %add3A_1019 : vector<16xi32>
        %add3A_1021 = arith.constant 16 : i32
        %add3A_1022 = vector.broadcast %add3A_1021 : i32 to vector<16xi32>
        %add3A_1023 = arith.addi %and3A_173, %add3A_1022 : vector<16xi32>
        %add3A_1024 = arith.constant 16 : i32
        %add3A_1025 = vector.broadcast %add3A_1024 : i32 to vector<16xi32>
        %add3A_1026 = arith.addi %and3A_179, %add3A_1025 : vector<16xi32>
        %add3A_1027 = arith.constant 16 : i32
        %add3A_1028 = vector.broadcast %add3A_1027 : i32 to vector<16xi32>
        %add3A_1029 = arith.addi %and3A_185, %add3A_1028 : vector<16xi32>
        %gather3A_1030 = tpu.vector_load_idx %arg7[%add3A_921, %add3A_1020] : memref<128x64xf32, #tpu.memory_space<vmem>>[vector<16xi32>, vector<16xi32>], vector<16xf32>,
        %gather3A_1031 = tpu.vector_load_idx %arg7[%add3A_921, %add3A_1023] : memref<128x64xf32, #tpu.memory_space<vmem>>[vector<16xi32>, vector<16xi32>], vector<16xf32>,
        %gather3A_1032 = tpu.vector_load_idx %arg7[%add3A_921, %add3A_1026] : memref<128x64xf32, #tpu.memory_space<vmem>>[vector<16xi32>, vector<16xi32>], vector<16xf32>,
        %gather3A_1033 = tpu.vector_load_idx %arg7[%add3A_921, %add3A_1029] : memref<128x64xf32, #tpu.memory_space<vmem>>[vector<16xi32>, vector<16xi32>], vector<16xf32>,
        tpu.vector_store_idx %arg9[%add3A_1020, %add3A_921], %gather3A_1030 : memref<64x128xf32, #tpu.memory_space<vmem>>[vector<16xi32>, vector<16xi32>], vector<16xf32>,
        tpu.vector_store_idx %arg9[%add3A_1023, %add3A_921], %gather3A_1031 : memref<64x128xf32, #tpu.memory_space<vmem>>[vector<16xi32>, vector<16xi32>], vector<16xf32>,
        tpu.vector_store_idx %arg9[%add3A_1026, %add3A_921], %gather3A_1032 : memref<64x128xf32, #tpu.memory_space<vmem>>[vector<16xi32>, vector<16xi32>], vector<16xf32>,
        tpu.vector_store_idx %arg9[%add3A_1029, %add3A_921], %gather3A_1033 : memref<64x128xf32, #tpu.memory_space<vmem>>[vector<16xi32>, vector<16xi32>], vector<16xf32>,
        %add3A_1034 = arith.constant 16 : i32
        %add3A_1035 = vector.broadcast %add3A_1034 : i32 to vector<16xi32>
        %add3A_1036 = arith.addi %and3A_191, %add3A_1035 : vector<16xi32>
        %add3A_1037 = arith.constant 16 : i32
        %add3A_1038 = vector.broadcast %add3A_1037 : i32 to vector<16xi32>
        %add3A_1039 = arith.addi %and3A_197, %add3A_1038 : vector<16xi32>
        %add3A_1040 = arith.constant 16 : i32
        %add3A_1041 = vector.broadcast %add3A_1040 : i32 to vector<16xi32>
        %add3A_1042 = arith.addi %and3A_203, %add3A_1041 : vector<16xi32>
        %add3A_1043 = arith.constant 16 : i32
        %add3A_1044 = vector.broadcast %add3A_1043 : i32 to vector<16xi32>
        %add3A_1045 = arith.addi %and3A_209, %add3A_1044 : vector<16xi32>
        %gather3A_1046 = tpu.vector_load_idx %arg7[%add3A_921, %add3A_1036] : memref<128x64xf32, #tpu.memory_space<vmem>>[vector<16xi32>, vector<16xi32>], vector<16xf32>,
        %gather3A_1047 = tpu.vector_load_idx %arg7[%add3A_921, %add3A_1039] : memref<128x64xf32, #tpu.memory_space<vmem>>[vector<16xi32>, vector<16xi32>], vector<16xf32>,
        %gather3A_1048 = tpu.vector_load_idx %arg7[%add3A_921, %add3A_1042] : memref<128x64xf32, #tpu.memory_space<vmem>>[vector<16xi32>, vector<16xi32>], vector<16xf32>,
        %gather3A_1049 = tpu.vector_load_idx %arg7[%add3A_921, %add3A_1045] : memref<128x64xf32, #tpu.memory_space<vmem>>[vector<16xi32>, vector<16xi32>], vector<16xf32>,
        tpu.vector_store_idx %arg9[%add3A_1036, %add3A_921], %gather3A_1046 : memref<64x128xf32, #tpu.memory_space<vmem>>[vector<16xi32>, vector<16xi32>], vector<16xf32>,
        tpu.vector_store_idx %arg9[%add3A_1039, %add3A_921], %gather3A_1047 : memref<64x128xf32, #tpu.memory_space<vmem>>[vector<16xi32>, vector<16xi32>], vector<16xf32>,
        tpu.vector_store_idx %arg9[%add3A_1042, %add3A_921], %gather3A_1048 : memref<64x128xf32, #tpu.memory_space<vmem>>[vector<16xi32>, vector<16xi32>], vector<16xf32>,
        tpu.vector_store_idx %arg9[%add3A_1045, %add3A_921], %gather3A_1049 : memref<64x128xf32, #tpu.memory_space<vmem>>[vector<16xi32>, vector<16xi32>], vector<16xf32>,
        %add3A_1050 = arith.constant 32 : i32
        %add3A_1051 = vector.broadcast %add3A_1050 : i32 to vector<16xi32>
        %add3A_1052 = arith.addi %and3A_119, %add3A_1051 : vector<16xi32>
        %add3A_1053 = arith.constant 32 : i32
        %add3A_1054 = vector.broadcast %add3A_1053 : i32 to vector<16xi32>
        %add3A_1055 = arith.addi %and3A_125, %add3A_1054 : vector<16xi32>
        %add3A_1056 = arith.constant 32 : i32
        %add3A_1057 = vector.broadcast %add3A_1056 : i32 to vector<16xi32>
        %add3A_1058 = arith.addi %and3A_131, %add3A_1057 : vector<16xi32>
        %add3A_1059 = arith.constant 32 : i32
        %add3A_1060 = vector.broadcast %add3A_1059 : i32 to vector<16xi32>
        %add3A_1061 = arith.addi %and3A_137, %add3A_1060 : vector<16xi32>
        %gather3A_1062 = tpu.vector_load_idx %arg7[%add3A_921, %add3A_1052] : memref<128x64xf32, #tpu.memory_space<vmem>>[vector<16xi32>, vector<16xi32>], vector<16xf32>,
        %gather3A_1063 = tpu.vector_load_idx %arg7[%add3A_921, %add3A_1055] : memref<128x64xf32, #tpu.memory_space<vmem>>[vector<16xi32>, vector<16xi32>], vector<16xf32>,
        %gather3A_1064 = tpu.vector_load_idx %arg7[%add3A_921, %add3A_1058] : memref<128x64xf32, #tpu.memory_space<vmem>>[vector<16xi32>, vector<16xi32>], vector<16xf32>,
        %gather3A_1065 = tpu.vector_load_idx %arg7[%add3A_921, %add3A_1061] : memref<128x64xf32, #tpu.memory_space<vmem>>[vector<16xi32>, vector<16xi32>], vector<16xf32>,
        tpu.vector_store_idx %arg9[%add3A_1052, %add3A_921], %gather3A_1062 : memref<64x128xf32, #tpu.memory_space<vmem>>[vector<16xi32>, vector<16xi32>], vector<16xf32>,
        tpu.vector_store_idx %arg9[%add3A_1055, %add3A_921], %gather3A_1063 : memref<64x128xf32, #tpu.memory_space<vmem>>[vector<16xi32>, vector<16xi32>], vector<16xf32>,
        tpu.vector_store_idx %arg9[%add3A_1058, %add3A_921], %gather3A_1064 : memref<64x128xf32, #tpu.memory_space<vmem>>[vector<16xi32>, vector<16xi32>], vector<16xf32>,
        tpu.vector_store_idx %arg9[%add3A_1061, %add3A_921], %gather3A_1065 : memref<64x128xf32, #tpu.memory_space<vmem>>[vector<16xi32>, vector<16xi32>], vector<16xf32>,
        %add3A_1066 = arith.constant 32 : i32
        %add3A_1067 = vector.broadcast %add3A_1066 : i32 to vector<16xi32>
        %add3A_1068 = arith.addi %and3A_143, %add3A_1067 : vector<16xi32>
        %add3A_1069 = arith.constant 32 : i32
        %add3A_1070 = vector.broadcast %add3A_1069 : i32 to vector<16xi32>
        %add3A_1071 = arith.addi %and3A_149, %add3A_1070 : vector<16xi32>
        %add3A_1072 = arith.constant 32 : i32
        %add3A_1073 = vector.broadcast %add3A_1072 : i32 to vector<16xi32>
        %add3A_1074 = arith.addi %and3A_155, %add3A_1073 : vector<16xi32>
        %add3A_1075 = arith.constant 32 : i32
        %add3A_1076 = vector.broadcast %add3A_1075 : i32 to vector<16xi32>
        %add3A_1077 = arith.addi %and3A_161, %add3A_1076 : vector<16xi32>
        %gather3A_1078 = tpu.vector_load_idx %arg7[%add3A_921, %add3A_1068] : memref<128x64xf32, #tpu.memory_space<vmem>>[vector<16xi32>, vector<16xi32>], vector<16xf32>,
        %gather3A_1079 = tpu.vector_load_idx %arg7[%add3A_921, %add3A_1071] : memref<128x64xf32, #tpu.memory_space<vmem>>[vector<16xi32>, vector<16xi32>], vector<16xf32>,
        %gather3A_1080 = tpu.vector_load_idx %arg7[%add3A_921, %add3A_1074] : memref<128x64xf32, #tpu.memory_space<vmem>>[vector<16xi32>, vector<16xi32>], vector<16xf32>,
        %gather3A_1081 = tpu.vector_load_idx %arg7[%add3A_921, %add3A_1077] : memref<128x64xf32, #tpu.memory_space<vmem>>[vector<16xi32>, vector<16xi32>], vector<16xf32>,
        tpu.vector_store_idx %arg9[%add3A_1068, %add3A_921], %gather3A_1078 : memref<64x128xf32, #tpu.memory_space<vmem>>[vector<16xi32>, vector<16xi32>], vector<16xf32>,
        tpu.vector_store_idx %arg9[%add3A_1071, %add3A_921], %gather3A_1079 : memref<64x128xf32, #tpu.memory_space<vmem>>[vector<16xi32>, vector<16xi32>], vector<16xf32>,
        tpu.vector_store_idx %arg9[%add3A_1074, %add3A_921], %gather3A_1080 : memref<64x128xf32, #tpu.memory_space<vmem>>[vector<16xi32>, vector<16xi32>], vector<16xf32>,
        tpu.vector_store_idx %arg9[%add3A_1077, %add3A_921], %gather3A_1081 : memref<64x128xf32, #tpu.memory_space<vmem>>[vector<16xi32>, vector<16xi32>], vector<16xf32>,
        %add3A_1082 = arith.constant 32 : i32
        %add3A_1083 = vector.broadcast %add3A_1082 : i32 to vector<16xi32>
        %add3A_1084 = arith.addi %and3A_167, %add3A_1083 : vector<16xi32>
        %add3A_1085 = arith.constant 32 : i32
        %add3A_1086 = vector.broadcast %add3A_1085 : i32 to vector<16xi32>
        %add3A_1087 = arith.addi %and3A_173, %add3A_1086 : vector<16xi32>
        %add3A_1088 = arith.constant 32 : i32
        %add3A_1089 = vector.broadcast %add3A_1088 : i32 to vector<16xi32>
        %add3A_1090 = arith.addi %and3A_179, %add3A_1089 : vector<16xi32>
        %add3A_1091 = arith.constant 32 : i32
        %add3A_1092 = vector.broadcast %add3A_1091 : i32 to vector<16xi32>
        %add3A_1093 = arith.addi %and3A_185, %add3A_1092 : vector<16xi32>
        %gather3A_1094 = tpu.vector_load_idx %arg7[%add3A_921, %add3A_1084] : memref<128x64xf32, #tpu.memory_space<vmem>>[vector<16xi32>, vector<16xi32>], vector<16xf32>,
        %gather3A_1095 = tpu.vector_load_idx %arg7[%add3A_921, %add3A_1087] : memref<128x64xf32, #tpu.memory_space<vmem>>[vector<16xi32>, vector<16xi32>], vector<16xf32>,
        %gather3A_1096 = tpu.vector_load_idx %arg7[%add3A_921, %add3A_1090] : memref<128x64xf32, #tpu.memory_space<vmem>>[vector<16xi32>, vector<16xi32>], vector<16xf32>,
        %gather3A_1097 = tpu.vector_load_idx %arg7[%add3A_921, %add3A_1093] : memref<128x64xf32, #tpu.memory_space<vmem>>[vector<16xi32>, vector<16xi32>], vector<16xf32>,
        tpu.vector_store_idx %arg9[%add3A_1084, %add3A_921], %gather3A_1094 : memref<64x128xf32, #tpu.memory_space<vmem>>[vector<16xi32>, vector<16xi32>], vector<16xf32>,
        tpu.vector_store_idx %arg9[%add3A_1087, %add3A_921], %gather3A_1095 : memref<64x128xf32, #tpu.memory_space<vmem>>[vector<16xi32>, vector<16xi32>], vector<16xf32>,
        tpu.vector_store_idx %arg9[%add3A_1090, %add3A_921], %gather3A_1096 : memref<64x128xf32, #tpu.memory_space<vmem>>[vector<16xi32>, vector<16xi32>], vector<16xf32>,
        tpu.vector_store_idx %arg9[%add3A_1093, %add3A_921], %gather3A_1097 : memref<64x128xf32, #tpu.memory_space<vmem>>[vector<16xi32>, vector<16xi32>], vector<16xf32>,
        %add3A_1098 = arith.constant 32 : i32
        %add3A_1099 = vector.broadcast %add3A_1098 : i32 to vector<16xi32>
        %add3A_1100 = arith.addi %and3A_191, %add3A_1099 : vector<16xi32>
        %add3A_1101 = arith.constant 32 : i32
        %add3A_1102 = vector.broadcast %add3A_1101 : i32 to vector<16xi32>
        %add3A_1103 = arith.addi %and3A_197, %add3A_1102 : vector<16xi32>
        %add3A_1104 = arith.constant 32 : i32
        %add3A_1105 = vector.broadcast %add3A_1104 : i32 to vector<16xi32>
        %add3A_1106 = arith.addi %and3A_203, %add3A_1105 : vector<16xi32>
        %add3A_1107 = arith.constant 32 : i32
        %add3A_1108 = vector.broadcast %add3A_1107 : i32 to vector<16xi32>
        %add3A_1109 = arith.addi %and3A_209, %add3A_1108 : vector<16xi32>
        %gather3A_1110 = tpu.vector_load_idx %arg7[%add3A_921, %add3A_1100] : memref<128x64xf32, #tpu.memory_space<vmem>>[vector<16xi32>, vector<16xi32>], vector<16xf32>,
        %gather3A_1111 = tpu.vector_load_idx %arg7[%add3A_921, %add3A_1103] : memref<128x64xf32, #tpu.memory_space<vmem>>[vector<16xi32>, vector<16xi32>], vector<16xf32>,
        %gather3A_1112 = tpu.vector_load_idx %arg7[%add3A_921, %add3A_1106] : memref<128x64xf32, #tpu.memory_space<vmem>>[vector<16xi32>, vector<16xi32>], vector<16xf32>,
        %gather3A_1113 = tpu.vector_load_idx %arg7[%add3A_921, %add3A_1109] : memref<128x64xf32, #tpu.memory_space<vmem>>[vector<16xi32>, vector<16xi32>], vector<16xf32>,
        tpu.vector_store_idx %arg9[%add3A_1100, %add3A_921], %gather3A_1110 : memref<64x128xf32, #tpu.memory_space<vmem>>[vector<16xi32>, vector<16xi32>], vector<16xf32>,
        tpu.vector_store_idx %arg9[%add3A_1103, %add3A_921], %gather3A_1111 : memref<64x128xf32, #tpu.memory_space<vmem>>[vector<16xi32>, vector<16xi32>], vector<16xf32>,
        tpu.vector_store_idx %arg9[%add3A_1106, %add3A_921], %gather3A_1112 : memref<64x128xf32, #tpu.memory_space<vmem>>[vector<16xi32>, vector<16xi32>], vector<16xf32>,
        tpu.vector_store_idx %arg9[%add3A_1109, %add3A_921], %gather3A_1113 : memref<64x128xf32, #tpu.memory_space<vmem>>[vector<16xi32>, vector<16xi32>], vector<16xf32>,
        %add3A_1114 = arith.constant 48 : i32
        %add3A_1115 = vector.broadcast %add3A_1114 : i32 to vector<16xi32>
        %add3A_1116 = arith.addi %and3A_119, %add3A_1115 : vector<16xi32>
        %add3A_1117 = arith.constant 48 : i32
        %add3A_1118 = vector.broadcast %add3A_1117 : i32 to vector<16xi32>
        %add3A_1119 = arith.addi %and3A_125, %add3A_1118 : vector<16xi32>
        %add3A_1120 = arith.constant 48 : i32
        %add3A_1121 = vector.broadcast %add3A_1120 : i32 to vector<16xi32>
        %add3A_1122 = arith.addi %and3A_131, %add3A_1121 : vector<16xi32>
        %add3A_1123 = arith.constant 48 : i32
        %add3A_1124 = vector.broadcast %add3A_1123 : i32 to vector<16xi32>
        %add3A_1125 = arith.addi %and3A_137, %add3A_1124 : vector<16xi32>
        %gather3A_1126 = tpu.vector_load_idx %arg7[%add3A_921, %add3A_1116] : memref<128x64xf32, #tpu.memory_space<vmem>>[vector<16xi32>, vector<16xi32>], vector<16xf32>,
        %gather3A_1127 = tpu.vector_load_idx %arg7[%add3A_921, %add3A_1119] : memref<128x64xf32, #tpu.memory_space<vmem>>[vector<16xi32>, vector<16xi32>], vector<16xf32>,
        %gather3A_1128 = tpu.vector_load_idx %arg7[%add3A_921, %add3A_1122] : memref<128x64xf32, #tpu.memory_space<vmem>>[vector<16xi32>, vector<16xi32>], vector<16xf32>,
        %gather3A_1129 = tpu.vector_load_idx %arg7[%add3A_921, %add3A_1125] : memref<128x64xf32, #tpu.memory_space<vmem>>[vector<16xi32>, vector<16xi32>], vector<16xf32>,
        tpu.vector_store_idx %arg9[%add3A_1116, %add3A_921], %gather3A_1126 : memref<64x128xf32, #tpu.memory_space<vmem>>[vector<16xi32>, vector<16xi32>], vector<16xf32>,
        tpu.vector_store_idx %arg9[%add3A_1119, %add3A_921], %gather3A_1127 : memref<64x128xf32, #tpu.memory_space<vmem>>[vector<16xi32>, vector<16xi32>], vector<16xf32>,
        tpu.vector_store_idx %arg9[%add3A_1122, %add3A_921], %gather3A_1128 : memref<64x128xf32, #tpu.memory_space<vmem>>[vector<16xi32>, vector<16xi32>], vector<16xf32>,
        tpu.vector_store_idx %arg9[%add3A_1125, %add3A_921], %gather3A_1129 : memref<64x128xf32, #tpu.memory_space<vmem>>[vector<16xi32>, vector<16xi32>], vector<16xf32>,
        %add3A_1130 = arith.constant 48 : i32
        %add3A_1131 = vector.broadcast %add3A_1130 : i32 to vector<16xi32>
        %add3A_1132 = arith.addi %and3A_143, %add3A_1131 : vector<16xi32>
        %add3A_1133 = arith.constant 48 : i32
        %add3A_1134 = vector.broadcast %add3A_1133 : i32 to vector<16xi32>
        %add3A_1135 = arith.addi %and3A_149, %add3A_1134 : vector<16xi32>
        %add3A_1136 = arith.constant 48 : i32
        %add3A_1137 = vector.broadcast %add3A_1136 : i32 to vector<16xi32>
        %add3A_1138 = arith.addi %and3A_155, %add3A_1137 : vector<16xi32>
        %add3A_1139 = arith.constant 48 : i32
        %add3A_1140 = vector.broadcast %add3A_1139 : i32 to vector<16xi32>
        %add3A_1141 = arith.addi %and3A_161, %add3A_1140 : vector<16xi32>
        %gather3A_1142 = tpu.vector_load_idx %arg7[%add3A_921, %add3A_1132] : memref<128x64xf32, #tpu.memory_space<vmem>>[vector<16xi32>, vector<16xi32>], vector<16xf32>,
        %gather3A_1143 = tpu.vector_load_idx %arg7[%add3A_921, %add3A_1135] : memref<128x64xf32, #tpu.memory_space<vmem>>[vector<16xi32>, vector<16xi32>], vector<16xf32>,
        %gather3A_1144 = tpu.vector_load_idx %arg7[%add3A_921, %add3A_1138] : memref<128x64xf32, #tpu.memory_space<vmem>>[vector<16xi32>, vector<16xi32>], vector<16xf32>,
        %gather3A_1145 = tpu.vector_load_idx %arg7[%add3A_921, %add3A_1141] : memref<128x64xf32, #tpu.memory_space<vmem>>[vector<16xi32>, vector<16xi32>], vector<16xf32>,
        tpu.vector_store_idx %arg9[%add3A_1132, %add3A_921], %gather3A_1142 : memref<64x128xf32, #tpu.memory_space<vmem>>[vector<16xi32>, vector<16xi32>], vector<16xf32>,
        tpu.vector_store_idx %arg9[%add3A_1135, %add3A_921], %gather3A_1143 : memref<64x128xf32, #tpu.memory_space<vmem>>[vector<16xi32>, vector<16xi32>], vector<16xf32>,
        tpu.vector_store_idx %arg9[%add3A_1138, %add3A_921], %gather3A_1144 : memref<64x128xf32, #tpu.memory_space<vmem>>[vector<16xi32>, vector<16xi32>], vector<16xf32>,
        tpu.vector_store_idx %arg9[%add3A_1141, %add3A_921], %gather3A_1145 : memref<64x128xf32, #tpu.memory_space<vmem>>[vector<16xi32>, vector<16xi32>], vector<16xf32>,
        %add3A_1146 = arith.constant 48 : i32
        %add3A_1147 = vector.broadcast %add3A_1146 : i32 to vector<16xi32>
        %add3A_1148 = arith.addi %and3A_167, %add3A_1147 : vector<16xi32>
        %add3A_1149 = arith.constant 48 : i32
        %add3A_1150 = vector.broadcast %add3A_1149 : i32 to vector<16xi32>
        %add3A_1151 = arith.addi %and3A_173, %add3A_1150 : vector<16xi32>
        %add3A_1152 = arith.constant 48 : i32
        %add3A_1153 = vector.broadcast %add3A_1152 : i32 to vector<16xi32>
        %add3A_1154 = arith.addi %and3A_179, %add3A_1153 : vector<16xi32>
        %add3A_1155 = arith.constant 48 : i32
        %add3A_1156 = vector.broadcast %add3A_1155 : i32 to vector<16xi32>
        %add3A_1157 = arith.addi %and3A_185, %add3A_1156 : vector<16xi32>
        %gather3A_1158 = tpu.vector_load_idx %arg7[%add3A_921, %add3A_1148] : memref<128x64xf32, #tpu.memory_space<vmem>>[vector<16xi32>, vector<16xi32>], vector<16xf32>,
        %gather3A_1159 = tpu.vector_load_idx %arg7[%add3A_921, %add3A_1151] : memref<128x64xf32, #tpu.memory_space<vmem>>[vector<16xi32>, vector<16xi32>], vector<16xf32>,
        %gather3A_1160 = tpu.vector_load_idx %arg7[%add3A_921, %add3A_1154] : memref<128x64xf32, #tpu.memory_space<vmem>>[vector<16xi32>, vector<16xi32>], vector<16xf32>,
        %gather3A_1161 = tpu.vector_load_idx %arg7[%add3A_921, %add3A_1157] : memref<128x64xf32, #tpu.memory_space<vmem>>[vector<16xi32>, vector<16xi32>], vector<16xf32>,
        tpu.vector_store_idx %arg9[%add3A_1148, %add3A_921], %gather3A_1158 : memref<64x128xf32, #tpu.memory_space<vmem>>[vector<16xi32>, vector<16xi32>], vector<16xf32>,
        tpu.vector_store_idx %arg9[%add3A_1151, %add3A_921], %gather3A_1159 : memref<64x128xf32, #tpu.memory_space<vmem>>[vector<16xi32>, vector<16xi32>], vector<16xf32>,
        tpu.vector_store_idx %arg9[%add3A_1154, %add3A_921], %gather3A_1160 : memref<64x128xf32, #tpu.memory_space<vmem>>[vector<16xi32>, vector<16xi32>], vector<16xf32>,
        tpu.vector_store_idx %arg9[%add3A_1157, %add3A_921], %gather3A_1161 : memref<64x128xf32, #tpu.memory_space<vmem>>[vector<16xi32>, vector<16xi32>], vector<16xf32>,
        %add3A_1162 = arith.constant 48 : i32
        %add3A_1163 = vector.broadcast %add3A_1162 : i32 to vector<16xi32>
        %add3A_1164 = arith.addi %and3A_191, %add3A_1163 : vector<16xi32>
        %add3A_1165 = arith.constant 48 : i32
        %add3A_1166 = vector.broadcast %add3A_1165 : i32 to vector<16xi32>
        %add3A_1167 = arith.addi %and3A_197, %add3A_1166 : vector<16xi32>
        %add3A_1168 = arith.constant 48 : i32
        %add3A_1169 = vector.broadcast %add3A_1168 : i32 to vector<16xi32>
        %add3A_1170 = arith.addi %and3A_203, %add3A_1169 : vector<16xi32>
        %add3A_1171 = arith.constant 48 : i32
        %add3A_1172 = vector.broadcast %add3A_1171 : i32 to vector<16xi32>
        %add3A_1173 = arith.addi %and3A_209, %add3A_1172 : vector<16xi32>
        %gather3A_1174 = tpu.vector_load_idx %arg7[%add3A_921, %add3A_1164] : memref<128x64xf32, #tpu.memory_space<vmem>>[vector<16xi32>, vector<16xi32>], vector<16xf32>,
        %gather3A_1175 = tpu.vector_load_idx %arg7[%add3A_921, %add3A_1167] : memref<128x64xf32, #tpu.memory_space<vmem>>[vector<16xi32>, vector<16xi32>], vector<16xf32>,
        %gather3A_1176 = tpu.vector_load_idx %arg7[%add3A_921, %add3A_1170] : memref<128x64xf32, #tpu.memory_space<vmem>>[vector<16xi32>, vector<16xi32>], vector<16xf32>,
        %gather3A_1177 = tpu.vector_load_idx %arg7[%add3A_921, %add3A_1173] : memref<128x64xf32, #tpu.memory_space<vmem>>[vector<16xi32>, vector<16xi32>], vector<16xf32>,
        tpu.vector_store_idx %arg9[%add3A_1164, %add3A_921], %gather3A_1174 : memref<64x128xf32, #tpu.memory_space<vmem>>[vector<16xi32>, vector<16xi32>], vector<16xf32>,
        tpu.vector_store_idx %arg9[%add3A_1167, %add3A_921], %gather3A_1175 : memref<64x128xf32, #tpu.memory_space<vmem>>[vector<16xi32>, vector<16xi32>], vector<16xf32>,
        tpu.vector_store_idx %arg9[%add3A_1170, %add3A_921], %gather3A_1176 : memref<64x128xf32, #tpu.memory_space<vmem>>[vector<16xi32>, vector<16xi32>], vector<16xf32>,
        tpu.vector_store_idx %arg9[%add3A_1173, %add3A_921], %gather3A_1177 : memref<64x128xf32, #tpu.memory_space<vmem>>[vector<16xi32>, vector<16xi32>], vector<16xf32>,
        %scan3A_1178 = arith.constant 0 : i32
        scf.yield %scan3A_1178 : i32
      }
      %scan3A_546 = arith.constant 8 : i32
      %mul3A_547 = arith.constant 8 : i32
      %mul3A_548 = arith.muli %mul3A_522, %mul3A_547 : i32
      %add3A_549 = arith.constant 0 : i32
      %add3A_550 = arith.addi %mul3A_548, %add3A_549 : i32
      %mul3A_551 = arith.constant 8 : i32
      %mul3A_552 = arith.muli %mul3A_522, %mul3A_551 : i32
      %add3A_553 = arith.constant 1 : i32
      %add3A_554 = arith.addi %mul3A_552, %add3A_553 : i32
      %mul3A_555 = arith.constant 8 : i32
      %mul3A_556 = arith.muli %mul3A_522, %mul3A_555 : i32
      %add3A_557 = arith.constant 2 : i32
      %add3A_558 = arith.addi %mul3A_556, %add3A_557 : i32
      %mul3A_559 = arith.constant 8 : i32
      %mul3A_560 = arith.muli %mul3A_522, %mul3A_559 : i32
      %add3A_561 = arith.constant 3 : i32
      %add3A_562 = arith.addi %mul3A_560, %add3A_561 : i32
      %mul3A_563 = arith.constant 8 : i32
      %mul3A_564 = arith.muli %mul3A_522, %mul3A_563 : i32
      %add3A_565 = arith.constant 4 : i32
      %add3A_566 = arith.addi %mul3A_564, %add3A_565 : i32
      %mul3A_567 = arith.constant 8 : i32
      %mul3A_568 = arith.muli %mul3A_522, %mul3A_567 : i32
      %add3A_569 = arith.constant 5 : i32
      %add3A_570 = arith.addi %mul3A_568, %add3A_569 : i32
      %mul3A_571 = arith.constant 8 : i32
      %mul3A_572 = arith.muli %mul3A_522, %mul3A_571 : i32
      %add3A_573 = arith.constant 6 : i32
      %add3A_574 = arith.addi %mul3A_572, %add3A_573 : i32
      %mul3A_575 = arith.constant 8 : i32
      %mul3A_576 = arith.muli %mul3A_522, %mul3A_575 : i32
      %add3A_577 = arith.constant 7 : i32
      %add3A_578 = arith.addi %mul3A_576, %add3A_577 : i32
      %dma_start3A_579 = arith.constant 0 : i32
      %dma_start3A_580 = arith.constant 0 : i32
      %dma_start3A_581 = arith.constant 0 : i32
      %dma_start3A_582 = tpu.memref_slice %arg9[%dma_start3A_580, %dma_start3A_581] : memref<64x128xf32, #tpu.memory_space<vmem>> -> memref<8x128xf32, #tpu.memory_space<vmem>>
      %dma_start3A_583 = arith.constant 0 : i32
      %dma_start3A_584 = arith.constant 0 : i32
      %dma_start3A_585 = tpu.memref_slice %arg4[%add3A_550, %add3A, %dma_start3A_583, %dma_start3A_584] : memref<400x32x8x128xf32, #tpu.memory_space<hbm>> -> memref<1x1x8x128xf32, #tpu.memory_space<hbm>>
      %dma_start3A_586 = tpu.memref_squeeze %dma_start3A_585 : memref<1x1x8x128xf32, #tpu.memory_space<hbm>> -> memref<8x128xf32, #tpu.memory_space<hbm>>
      %dma_start3A_587 = tpu.memref_slice %arg12[%dma_start3A_579] : memref<2x!tpu.dma_semaphore, #tpu.memory_space<semaphore_mem>> -> memref<1x!tpu.dma_semaphore, #tpu.memory_space<semaphore_mem>>
      %dma_start3A_588 = tpu.memref_squeeze %dma_start3A_587 : memref<1x!tpu.dma_semaphore, #tpu.memory_space<semaphore_mem>> -> memref<!tpu.dma_semaphore, #tpu.memory_space<semaphore_mem>>
      %dma_start3A_589 = arith.constant 0 : i32
      %dma_start3A_590 = arith.constant 0 : i32
      %dma_start3A_591 = tpu.memref_slice %arg4[%add3A_550, %add3A, %dma_start3A_589, %dma_start3A_590] : memref<400x32x8x128xf32, #tpu.memory_space<hbm>> -> memref<1x1x8x128xf32, #tpu.memory_space<hbm>>
      %dma_start3A_592 = tpu.memref_squeeze %dma_start3A_591 : memref<1x1x8x128xf32, #tpu.memory_space<hbm>> -> memref<8x128xf32, #tpu.memory_space<hbm>>
      %dma_start3A_593 = arith.constant 0 : i32
      %dma_start3A_594 = arith.constant 0 : i32
      %dma_start3A_595 = tpu.memref_slice %arg9[%dma_start3A_593, %dma_start3A_594] : memref<64x128xf32, #tpu.memory_space<vmem>> -> memref<8x128xf32, #tpu.memory_space<vmem>>
      tpu.enqueue_dma source(%dma_start3A_595 : memref<8x128xf32, #tpu.memory_space<vmem>>) target(%dma_start3A_592 : memref<8x128xf32, #tpu.memory_space<hbm>>) target_semaphore(%dma_start3A_588 : memref<!tpu.dma_semaphore, #tpu.memory_space<semaphore_mem>>)
      %dma_start3A_596 = arith.constant 0 : i32
      %dma_start3A_597 = arith.constant 8 : i32
      %dma_start3A_598 = arith.constant 0 : i32
      %dma_start3A_599 = tpu.memref_slice %arg9[%dma_start3A_597, %dma_start3A_598] : memref<64x128xf32, #tpu.memory_space<vmem>> -> memref<8x128xf32, #tpu.memory_space<vmem>>
      %dma_start3A_600 = arith.constant 0 : i32
      %dma_start3A_601 = arith.constant 0 : i32
      %dma_start3A_602 = tpu.memref_slice %arg4[%add3A_554, %add3A, %dma_start3A_600, %dma_start3A_601] : memref<400x32x8x128xf32, #tpu.memory_space<hbm>> -> memref<1x1x8x128xf32, #tpu.memory_space<hbm>>
      %dma_start3A_603 = tpu.memref_squeeze %dma_start3A_602 : memref<1x1x8x128xf32, #tpu.memory_space<hbm>> -> memref<8x128xf32, #tpu.memory_space<hbm>>
      %dma_start3A_604 = tpu.memref_slice %arg12[%dma_start3A_596] : memref<2x!tpu.dma_semaphore, #tpu.memory_space<semaphore_mem>> -> memref<1x!tpu.dma_semaphore, #tpu.memory_space<semaphore_mem>>
      %dma_start3A_605 = tpu.memref_squeeze %dma_start3A_604 : memref<1x!tpu.dma_semaphore, #tpu.memory_space<semaphore_mem>> -> memref<!tpu.dma_semaphore, #tpu.memory_space<semaphore_mem>>
      %dma_start3A_606 = arith.constant 0 : i32
      %dma_start3A_607 = arith.constant 0 : i32
      %dma_start3A_608 = tpu.memref_slice %arg4[%add3A_554, %add3A, %dma_start3A_606, %dma_start3A_607] : memref<400x32x8x128xf32, #tpu.memory_space<hbm>> -> memref<1x1x8x128xf32, #tpu.memory_space<hbm>>
      %dma_start3A_609 = tpu.memref_squeeze %dma_start3A_608 : memref<1x1x8x128xf32, #tpu.memory_space<hbm>> -> memref<8x128xf32, #tpu.memory_space<hbm>>
      %dma_start3A_610 = arith.constant 8 : i32
      %dma_start3A_611 = arith.constant 0 : i32
      %dma_start3A_612 = tpu.memref_slice %arg9[%dma_start3A_610, %dma_start3A_611] : memref<64x128xf32, #tpu.memory_space<vmem>> -> memref<8x128xf32, #tpu.memory_space<vmem>>
      tpu.enqueue_dma source(%dma_start3A_612 : memref<8x128xf32, #tpu.memory_space<vmem>>) target(%dma_start3A_609 : memref<8x128xf32, #tpu.memory_space<hbm>>) target_semaphore(%dma_start3A_605 : memref<!tpu.dma_semaphore, #tpu.memory_space<semaphore_mem>>)
      %dma_start3A_613 = arith.constant 0 : i32
      %dma_start3A_614 = arith.constant 16 : i32
      %dma_start3A_615 = arith.constant 0 : i32
      %dma_start3A_616 = tpu.memref_slice %arg9[%dma_start3A_614, %dma_start3A_615] : memref<64x128xf32, #tpu.memory_space<vmem>> -> memref<8x128xf32, #tpu.memory_space<vmem>>
      %dma_start3A_617 = arith.constant 0 : i32
      %dma_start3A_618 = arith.constant 0 : i32
      %dma_start3A_619 = tpu.memref_slice %arg4[%add3A_558, %add3A, %dma_start3A_617, %dma_start3A_618] : memref<400x32x8x128xf32, #tpu.memory_space<hbm>> -> memref<1x1x8x128xf32, #tpu.memory_space<hbm>>
      %dma_start3A_620 = tpu.memref_squeeze %dma_start3A_619 : memref<1x1x8x128xf32, #tpu.memory_space<hbm>> -> memref<8x128xf32, #tpu.memory_space<hbm>>
      %dma_start3A_621 = tpu.memref_slice %arg12[%dma_start3A_613] : memref<2x!tpu.dma_semaphore, #tpu.memory_space<semaphore_mem>> -> memref<1x!tpu.dma_semaphore, #tpu.memory_space<semaphore_mem>>
      %dma_start3A_622 = tpu.memref_squeeze %dma_start3A_621 : memref<1x!tpu.dma_semaphore, #tpu.memory_space<semaphore_mem>> -> memref<!tpu.dma_semaphore, #tpu.memory_space<semaphore_mem>>
      %dma_start3A_623 = arith.constant 0 : i32
      %dma_start3A_624 = arith.constant 0 : i32
      %dma_start3A_625 = tpu.memref_slice %arg4[%add3A_558, %add3A, %dma_start3A_623, %dma_start3A_624] : memref<400x32x8x128xf32, #tpu.memory_space<hbm>> -> memref<1x1x8x128xf32, #tpu.memory_space<hbm>>
      %dma_start3A_626 = tpu.memref_squeeze %dma_start3A_625 : memref<1x1x8x128xf32, #tpu.memory_space<hbm>> -> memref<8x128xf32, #tpu.memory_space<hbm>>
      %dma_start3A_627 = arith.constant 16 : i32
      %dma_start3A_628 = arith.constant 0 : i32
      %dma_start3A_629 = tpu.memref_slice %arg9[%dma_start3A_627, %dma_start3A_628] : memref<64x128xf32, #tpu.memory_space<vmem>> -> memref<8x128xf32, #tpu.memory_space<vmem>>
      tpu.enqueue_dma source(%dma_start3A_629 : memref<8x128xf32, #tpu.memory_space<vmem>>) target(%dma_start3A_626 : memref<8x128xf32, #tpu.memory_space<hbm>>) target_semaphore(%dma_start3A_622 : memref<!tpu.dma_semaphore, #tpu.memory_space<semaphore_mem>>)
      %dma_start3A_630 = arith.constant 0 : i32
      %dma_start3A_631 = arith.constant 24 : i32
      %dma_start3A_632 = arith.constant 0 : i32
      %dma_start3A_633 = tpu.memref_slice %arg9[%dma_start3A_631, %dma_start3A_632] : memref<64x128xf32, #tpu.memory_space<vmem>> -> memref<8x128xf32, #tpu.memory_space<vmem>>
      %dma_start3A_634 = arith.constant 0 : i32
      %dma_start3A_635 = arith.constant 0 : i32
      %dma_start3A_636 = tpu.memref_slice %arg4[%add3A_562, %add3A, %dma_start3A_634, %dma_start3A_635] : memref<400x32x8x128xf32, #tpu.memory_space<hbm>> -> memref<1x1x8x128xf32, #tpu.memory_space<hbm>>
      %dma_start3A_637 = tpu.memref_squeeze %dma_start3A_636 : memref<1x1x8x128xf32, #tpu.memory_space<hbm>> -> memref<8x128xf32, #tpu.memory_space<hbm>>
      %dma_start3A_638 = tpu.memref_slice %arg12[%dma_start3A_630] : memref<2x!tpu.dma_semaphore, #tpu.memory_space<semaphore_mem>> -> memref<1x!tpu.dma_semaphore, #tpu.memory_space<semaphore_mem>>
      %dma_start3A_639 = tpu.memref_squeeze %dma_start3A_638 : memref<1x!tpu.dma_semaphore, #tpu.memory_space<semaphore_mem>> -> memref<!tpu.dma_semaphore, #tpu.memory_space<semaphore_mem>>
      %dma_start3A_640 = arith.constant 0 : i32
      %dma_start3A_641 = arith.constant 0 : i32
      %dma_start3A_642 = tpu.memref_slice %arg4[%add3A_562, %add3A, %dma_start3A_640, %dma_start3A_641] : memref<400x32x8x128xf32, #tpu.memory_space<hbm>> -> memref<1x1x8x128xf32, #tpu.memory_space<hbm>>
      %dma_start3A_643 = tpu.memref_squeeze %dma_start3A_642 : memref<1x1x8x128xf32, #tpu.memory_space<hbm>> -> memref<8x128xf32, #tpu.memory_space<hbm>>
      %dma_start3A_644 = arith.constant 24 : i32
      %dma_start3A_645 = arith.constant 0 : i32
      %dma_start3A_646 = tpu.memref_slice %arg9[%dma_start3A_644, %dma_start3A_645] : memref<64x128xf32, #tpu.memory_space<vmem>> -> memref<8x128xf32, #tpu.memory_space<vmem>>
      tpu.enqueue_dma source(%dma_start3A_646 : memref<8x128xf32, #tpu.memory_space<vmem>>) target(%dma_start3A_643 : memref<8x128xf32, #tpu.memory_space<hbm>>) target_semaphore(%dma_start3A_639 : memref<!tpu.dma_semaphore, #tpu.memory_space<semaphore_mem>>)
      %dma_start3A_647 = arith.constant 0 : i32
      %dma_start3A_648 = arith.constant 32 : i32
      %dma_start3A_649 = arith.constant 0 : i32
      %dma_start3A_650 = tpu.memref_slice %arg9[%dma_start3A_648, %dma_start3A_649] : memref<64x128xf32, #tpu.memory_space<vmem>> -> memref<8x128xf32, #tpu.memory_space<vmem>>
      %dma_start3A_651 = arith.constant 0 : i32
      %dma_start3A_652 = arith.constant 0 : i32
      %dma_start3A_653 = tpu.memref_slice %arg4[%add3A_566, %add3A, %dma_start3A_651, %dma_start3A_652] : memref<400x32x8x128xf32, #tpu.memory_space<hbm>> -> memref<1x1x8x128xf32, #tpu.memory_space<hbm>>
      %dma_start3A_654 = tpu.memref_squeeze %dma_start3A_653 : memref<1x1x8x128xf32, #tpu.memory_space<hbm>> -> memref<8x128xf32, #tpu.memory_space<hbm>>
      %dma_start3A_655 = tpu.memref_slice %arg12[%dma_start3A_647] : memref<2x!tpu.dma_semaphore, #tpu.memory_space<semaphore_mem>> -> memref<1x!tpu.dma_semaphore, #tpu.memory_space<semaphore_mem>>
      %dma_start3A_656 = tpu.memref_squeeze %dma_start3A_655 : memref<1x!tpu.dma_semaphore, #tpu.memory_space<semaphore_mem>> -> memref<!tpu.dma_semaphore, #tpu.memory_space<semaphore_mem>>
      %dma_start3A_657 = arith.constant 0 : i32
      %dma_start3A_658 = arith.constant 0 : i32
      %dma_start3A_659 = tpu.memref_slice %arg4[%add3A_566, %add3A, %dma_start3A_657, %dma_start3A_658] : memref<400x32x8x128xf32, #tpu.memory_space<hbm>> -> memref<1x1x8x128xf32, #tpu.memory_space<hbm>>
      %dma_start3A_660 = tpu.memref_squeeze %dma_start3A_659 : memref<1x1x8x128xf32, #tpu.memory_space<hbm>> -> memref<8x128xf32, #tpu.memory_space<hbm>>
      %dma_start3A_661 = arith.constant 32 : i32
      %dma_start3A_662 = arith.constant 0 : i32
      %dma_start3A_663 = tpu.memref_slice %arg9[%dma_start3A_661, %dma_start3A_662] : memref<64x128xf32, #tpu.memory_space<vmem>> -> memref<8x128xf32, #tpu.memory_space<vmem>>
      tpu.enqueue_dma source(%dma_start3A_663 : memref<8x128xf32, #tpu.memory_space<vmem>>) target(%dma_start3A_660 : memref<8x128xf32, #tpu.memory_space<hbm>>) target_semaphore(%dma_start3A_656 : memref<!tpu.dma_semaphore, #tpu.memory_space<semaphore_mem>>)
      %dma_start3A_664 = arith.constant 0 : i32
      %dma_start3A_665 = arith.constant 40 : i32
      %dma_start3A_666 = arith.constant 0 : i32
      %dma_start3A_667 = tpu.memref_slice %arg9[%dma_start3A_665, %dma_start3A_666] : memref<64x128xf32, #tpu.memory_space<vmem>> -> memref<8x128xf32, #tpu.memory_space<vmem>>
      %dma_start3A_668 = arith.constant 0 : i32
      %dma_start3A_669 = arith.constant 0 : i32
      %dma_start3A_670 = tpu.memref_slice %arg4[%add3A_570, %add3A, %dma_start3A_668, %dma_start3A_669] : memref<400x32x8x128xf32, #tpu.memory_space<hbm>> -> memref<1x1x8x128xf32, #tpu.memory_space<hbm>>
      %dma_start3A_671 = tpu.memref_squeeze %dma_start3A_670 : memref<1x1x8x128xf32, #tpu.memory_space<hbm>> -> memref<8x128xf32, #tpu.memory_space<hbm>>
      %dma_start3A_672 = tpu.memref_slice %arg12[%dma_start3A_664] : memref<2x!tpu.dma_semaphore, #tpu.memory_space<semaphore_mem>> -> memref<1x!tpu.dma_semaphore, #tpu.memory_space<semaphore_mem>>
      %dma_start3A_673 = tpu.memref_squeeze %dma_start3A_672 : memref<1x!tpu.dma_semaphore, #tpu.memory_space<semaphore_mem>> -> memref<!tpu.dma_semaphore, #tpu.memory_space<semaphore_mem>>
      %dma_start3A_674 = arith.constant 0 : i32
      %dma_start3A_675 = arith.constant 0 : i32
      %dma_start3A_676 = tpu.memref_slice %arg4[%add3A_570, %add3A, %dma_start3A_674, %dma_start3A_675] : memref<400x32x8x128xf32, #tpu.memory_space<hbm>> -> memref<1x1x8x128xf32, #tpu.memory_space<hbm>>
      %dma_start3A_677 = tpu.memref_squeeze %dma_start3A_676 : memref<1x1x8x128xf32, #tpu.memory_space<hbm>> -> memref<8x128xf32, #tpu.memory_space<hbm>>
      %dma_start3A_678 = arith.constant 40 : i32
      %dma_start3A_679 = arith.constant 0 : i32
      %dma_start3A_680 = tpu.memref_slice %arg9[%dma_start3A_678, %dma_start3A_679] : memref<64x128xf32, #tpu.memory_space<vmem>> -> memref<8x128xf32, #tpu.memory_space<vmem>>
      tpu.enqueue_dma source(%dma_start3A_680 : memref<8x128xf32, #tpu.memory_space<vmem>>) target(%dma_start3A_677 : memref<8x128xf32, #tpu.memory_space<hbm>>) target_semaphore(%dma_start3A_673 : memref<!tpu.dma_semaphore, #tpu.memory_space<semaphore_mem>>)
      %dma_start3A_681 = arith.constant 0 : i32
      %dma_start3A_682 = arith.constant 48 : i32
      %dma_start3A_683 = arith.constant 0 : i32
      %dma_start3A_684 = tpu.memref_slice %arg9[%dma_start3A_682, %dma_start3A_683] : memref<64x128xf32, #tpu.memory_space<vmem>> -> memref<8x128xf32, #tpu.memory_space<vmem>>
      %dma_start3A_685 = arith.constant 0 : i32
      %dma_start3A_686 = arith.constant 0 : i32
      %dma_start3A_687 = tpu.memref_slice %arg4[%add3A_574, %add3A, %dma_start3A_685, %dma_start3A_686] : memref<400x32x8x128xf32, #tpu.memory_space<hbm>> -> memref<1x1x8x128xf32, #tpu.memory_space<hbm>>
      %dma_start3A_688 = tpu.memref_squeeze %dma_start3A_687 : memref<1x1x8x128xf32, #tpu.memory_space<hbm>> -> memref<8x128xf32, #tpu.memory_space<hbm>>
      %dma_start3A_689 = tpu.memref_slice %arg12[%dma_start3A_681] : memref<2x!tpu.dma_semaphore, #tpu.memory_space<semaphore_mem>> -> memref<1x!tpu.dma_semaphore, #tpu.memory_space<semaphore_mem>>
      %dma_start3A_690 = tpu.memref_squeeze %dma_start3A_689 : memref<1x!tpu.dma_semaphore, #tpu.memory_space<semaphore_mem>> -> memref<!tpu.dma_semaphore, #tpu.memory_space<semaphore_mem>>
      %dma_start3A_691 = arith.constant 0 : i32
      %dma_start3A_692 = arith.constant 0 : i32
      %dma_start3A_693 = tpu.memref_slice %arg4[%add3A_574, %add3A, %dma_start3A_691, %dma_start3A_692] : memref<400x32x8x128xf32, #tpu.memory_space<hbm>> -> memref<1x1x8x128xf32, #tpu.memory_space<hbm>>
      %dma_start3A_694 = tpu.memref_squeeze %dma_start3A_693 : memref<1x1x8x128xf32, #tpu.memory_space<hbm>> -> memref<8x128xf32, #tpu.memory_space<hbm>>
      %dma_start3A_695 = arith.constant 48 : i32
      %dma_start3A_696 = arith.constant 0 : i32
      %dma_start3A_697 = tpu.memref_slice %arg9[%dma_start3A_695, %dma_start3A_696] : memref<64x128xf32, #tpu.memory_space<vmem>> -> memref<8x128xf32, #tpu.memory_space<vmem>>
      tpu.enqueue_dma source(%dma_start3A_697 : memref<8x128xf32, #tpu.memory_space<vmem>>) target(%dma_start3A_694 : memref<8x128xf32, #tpu.memory_space<hbm>>) target_semaphore(%dma_start3A_690 : memref<!tpu.dma_semaphore, #tpu.memory_space<semaphore_mem>>)
      %dma_start3A_698 = arith.constant 0 : i32
      %dma_start3A_699 = arith.constant 56 : i32
      %dma_start3A_700 = arith.constant 0 : i32
      %dma_start3A_701 = tpu.memref_slice %arg9[%dma_start3A_699, %dma_start3A_700] : memref<64x128xf32, #tpu.memory_space<vmem>> -> memref<8x128xf32, #tpu.memory_space<vmem>>
      %dma_start3A_702 = arith.constant 0 : i32
      %dma_start3A_703 = arith.constant 0 : i32
      %dma_start3A_704 = tpu.memref_slice %arg4[%add3A_578, %add3A, %dma_start3A_702, %dma_start3A_703] : memref<400x32x8x128xf32, #tpu.memory_space<hbm>> -> memref<1x1x8x128xf32, #tpu.memory_space<hbm>>
      %dma_start3A_705 = tpu.memref_squeeze %dma_start3A_704 : memref<1x1x8x128xf32, #tpu.memory_space<hbm>> -> memref<8x128xf32, #tpu.memory_space<hbm>>
      %dma_start3A_706 = tpu.memref_slice %arg12[%dma_start3A_698] : memref<2x!tpu.dma_semaphore, #tpu.memory_space<semaphore_mem>> -> memref<1x!tpu.dma_semaphore, #tpu.memory_space<semaphore_mem>>
      %dma_start3A_707 = tpu.memref_squeeze %dma_start3A_706 : memref<1x!tpu.dma_semaphore, #tpu.memory_space<semaphore_mem>> -> memref<!tpu.dma_semaphore, #tpu.memory_space<semaphore_mem>>
      %dma_start3A_708 = arith.constant 0 : i32
      %dma_start3A_709 = arith.constant 0 : i32
      %dma_start3A_710 = tpu.memref_slice %arg4[%add3A_578, %add3A, %dma_start3A_708, %dma_start3A_709] : memref<400x32x8x128xf32, #tpu.memory_space<hbm>> -> memref<1x1x8x128xf32, #tpu.memory_space<hbm>>
      %dma_start3A_711 = tpu.memref_squeeze %dma_start3A_710 : memref<1x1x8x128xf32, #tpu.memory_space<hbm>> -> memref<8x128xf32, #tpu.memory_space<hbm>>
      %dma_start3A_712 = arith.constant 56 : i32
      %dma_start3A_713 = arith.constant 0 : i32
      %dma_start3A_714 = tpu.memref_slice %arg9[%dma_start3A_712, %dma_start3A_713] : memref<64x128xf32, #tpu.memory_space<vmem>> -> memref<8x128xf32, #tpu.memory_space<vmem>>
      tpu.enqueue_dma source(%dma_start3A_714 : memref<8x128xf32, #tpu.memory_space<vmem>>) target(%dma_start3A_711 : memref<8x128xf32, #tpu.memory_space<hbm>>) target_semaphore(%dma_start3A_707 : memref<!tpu.dma_semaphore, #tpu.memory_space<semaphore_mem>>)
      %mul3A_715 = arith.constant 2 : i32
      %mul3A_716 = arith.muli %mul3A_715, %scan3A_519 : i32
      %add3A_717 = arith.constant 1 : i32
      %add3A_718 = arith.addi %mul3A_716, %add3A_717 : i32
      %dma_wait3A_719 = arith.constant 1 : i32
      %dma_wait3A_720 = arith.constant 0 : i32
      %dma_wait3A_721 = tpu.memref_slice %arg6[%add3A_718, %dma_wait3A_720] : memref<50x128xi32, #tpu.memory_space<vmem>> -> memref<1x128xi32, #tpu.memory_space<vmem>>
      %dma_wait3A_722 = tpu.memref_squeeze %dma_wait3A_721 : memref<1x128xi32, #tpu.memory_space<vmem>> -> memref<128xi32, #tpu.memory_space<vmem>>
      %dma_wait3A_723 = arith.constant 0 : i32
      %dma_wait3A_724 = arith.constant 0 : i32
      %dma_wait3A_725 = tpu.memref_slice %arg3[%dma_wait3A_723, %dma_wait3A_724] : memref<100000x64xf32, #tpu.memory_space<hbm>> -> memref<100000x64xf32, #tpu.memory_space<hbm>>
      %dma_wait3A_726 = tpu.memref_slice %arg11[%dma_wait3A_719] : memref<2x!tpu.dma_semaphore, #tpu.memory_space<semaphore_mem>> -> memref<1x!tpu.dma_semaphore, #tpu.memory_space<semaphore_mem>>
      %dma_wait3A_727 = tpu.memref_squeeze %dma_wait3A_726 : memref<1x!tpu.dma_semaphore, #tpu.memory_space<semaphore_mem>> -> memref<!tpu.dma_semaphore, #tpu.memory_space<semaphore_mem>>
      tpu.wait_indirect_dma semaphore(%dma_wait3A_727 : memref<!tpu.dma_semaphore, #tpu.memory_space<semaphore_mem>>) src(%dma_wait3A_725 : memref<100000x64xf32, #tpu.memory_space<hbm>>) dst(%arg8 : memref<128x64xf32, #tpu.memory_space<vmem>>)
      %add3A_728 = arith.constant 1 : i32
      %add3A_729 = arith.addi %add3A_718, %add3A_728 : i32
      %lt3A_730 = arith.constant 50 : i32
      %lt3A_731 = arith.cmpi slt, %add3A_729, %lt3A_730 : i32
      %convert_element_type3A_732 = arith.extui %lt3A_731 : i1 to i32
      %cond3A_733 = arith.constant 0 : i32
      %cond3A_734 = arith.cmpi ne, %convert_element_type3A_732, %cond3A_733 : i32
      scf.if %cond3A_734 {
        %add3A_916 = arith.constant 1 : i32
        %add3A_917 = arith.addi %add3A_718, %add3A_916 : i32
        %dma_start3A_918 = arith.constant 0 : i32
        %dma_start3A_919 = arith.constant 0 : i32
        %dma_start3A_920 = tpu.memref_slice %arg6[%add3A_917, %dma_start3A_919] : memref<50x128xi32, #tpu.memory_space<vmem>> -> memref<1x128xi32, #tpu.memory_space<vmem>>
        %dma_start3A_921 = tpu.memref_squeeze %dma_start3A_920 : memref<1x128xi32, #tpu.memory_space<vmem>> -> memref<128xi32, #tpu.memory_space<vmem>>
        %dma_start3A_922 = arith.constant 0 : i32
        %dma_start3A_923 = arith.constant 0 : i32
        %dma_start3A_924 = tpu.memref_slice %arg3[%dma_start3A_922, %dma_start3A_923] : memref<100000x64xf32, #tpu.memory_space<hbm>> -> memref<100000x64xf32, #tpu.memory_space<hbm>>
        %dma_start3A_925 = tpu.memref_slice %arg11[%dma_start3A_918] : memref<2x!tpu.dma_semaphore, #tpu.memory_space<semaphore_mem>> -> memref<1x!tpu.dma_semaphore, #tpu.memory_space<semaphore_mem>>
        %dma_start3A_926 = tpu.memref_squeeze %dma_start3A_925 : memref<1x!tpu.dma_semaphore, #tpu.memory_space<semaphore_mem>> -> memref<!tpu.dma_semaphore, #tpu.memory_space<semaphore_mem>>
        tpu.enqueue_indirect_dma source(%dma_start3A_924 : memref<100000x64xf32, #tpu.memory_space<hbm>>) target(%arg7 : memref<128x64xf32, #tpu.memory_space<vmem>>) offsets(%dma_start3A_921 : memref<128xi32, #tpu.memory_space<vmem>>) semaphore(%dma_start3A_926 : memref<!tpu.dma_semaphore, #tpu.memory_space<semaphore_mem>>)
      } else {
      }
      %ge3A_735 = arith.constant 2 : i32
      %ge3A_736 = arith.cmpi sge, %add3A_718, %ge3A_735 : i32
      %convert_element_type3A_737 = arith.extui %ge3A_736 : i1 to i32
      %cond3A_738 = arith.constant 0 : i32
      %cond3A_739 = arith.cmpi ne, %convert_element_type3A_737, %cond3A_738 : i32
      scf.if %cond3A_739 {
        %sub3A = arith.constant 2 : i32
        %sub3A_916 = arith.subi %add3A_718, %sub3A : i32
        %mul3A_917 = arith.constant 8 : i32
        %mul3A_918 = arith.muli %sub3A_916, %mul3A_917 : i32
        %add3A_919 = arith.constant 0 : i32
        %add3A_920 = arith.addi %mul3A_918, %add3A_919 : i32
        %mul3A_921 = arith.constant 8 : i32
        %mul3A_922 = arith.muli %sub3A_916, %mul3A_921 : i32
        %add3A_923 = arith.constant 1 : i32
        %add3A_924 = arith.addi %mul3A_922, %add3A_923 : i32
        %mul3A_925 = arith.constant 8 : i32
        %mul3A_926 = arith.muli %sub3A_916, %mul3A_925 : i32
        %add3A_927 = arith.constant 2 : i32
        %add3A_928 = arith.addi %mul3A_926, %add3A_927 : i32
        %mul3A_929 = arith.constant 8 : i32
        %mul3A_930 = arith.muli %sub3A_916, %mul3A_929 : i32
        %add3A_931 = arith.constant 3 : i32
        %add3A_932 = arith.addi %mul3A_930, %add3A_931 : i32
        %mul3A_933 = arith.constant 8 : i32
        %mul3A_934 = arith.muli %sub3A_916, %mul3A_933 : i32
        %add3A_935 = arith.constant 4 : i32
        %add3A_936 = arith.addi %mul3A_934, %add3A_935 : i32
        %mul3A_937 = arith.constant 8 : i32
        %mul3A_938 = arith.muli %sub3A_916, %mul3A_937 : i32
        %add3A_939 = arith.constant 5 : i32
        %add3A_940 = arith.addi %mul3A_938, %add3A_939 : i32
        %mul3A_941 = arith.constant 8 : i32
        %mul3A_942 = arith.muli %sub3A_916, %mul3A_941 : i32
        %add3A_943 = arith.constant 6 : i32
        %add3A_944 = arith.addi %mul3A_942, %add3A_943 : i32
        %mul3A_945 = arith.constant 8 : i32
        %mul3A_946 = arith.muli %sub3A_916, %mul3A_945 : i32
        %add3A_947 = arith.constant 7 : i32
        %add3A_948 = arith.addi %mul3A_946, %add3A_947 : i32
        %dma_wait3A_949 = arith.constant 1 : i32
        %dma_wait3A_950 = arith.constant 0 : i32
        %dma_wait3A_951 = arith.constant 0 : i32
        %dma_wait3A_952 = tpu.memref_slice %arg10[%dma_wait3A_950, %dma_wait3A_951] : memref<64x128xf32, #tpu.memory_space<vmem>> -> memref<8x128xf32, #tpu.memory_space<vmem>>
        %dma_wait3A_953 = arith.constant 0 : i32
        %dma_wait3A_954 = arith.constant 0 : i32
        %dma_wait3A_955 = tpu.memref_slice %arg4[%add3A_920, %add3A, %dma_wait3A_953, %dma_wait3A_954] : memref<400x32x8x128xf32, #tpu.memory_space<hbm>> -> memref<1x1x8x128xf32, #tpu.memory_space<hbm>>
        %dma_wait3A_956 = tpu.memref_squeeze %dma_wait3A_955 : memref<1x1x8x128xf32, #tpu.memory_space<hbm>> -> memref<8x128xf32, #tpu.memory_space<hbm>>
        %dma_wait3A_957 = tpu.memref_slice %arg12[%dma_wait3A_949] : memref<2x!tpu.dma_semaphore, #tpu.memory_space<semaphore_mem>> -> memref<1x!tpu.dma_semaphore, #tpu.memory_space<semaphore_mem>>
        %dma_wait3A_958 = tpu.memref_squeeze %dma_wait3A_957 : memref<1x!tpu.dma_semaphore, #tpu.memory_space<semaphore_mem>> -> memref<!tpu.dma_semaphore, #tpu.memory_space<semaphore_mem>>
        %dma_wait3A_959 = arith.constant 0 : i32
        %dma_wait3A_960 = arith.constant 0 : i32
        %dma_wait3A_961 = tpu.memref_slice %arg4[%add3A_920, %add3A, %dma_wait3A_959, %dma_wait3A_960] : memref<400x32x8x128xf32, #tpu.memory_space<hbm>> -> memref<1x1x8x128xf32, #tpu.memory_space<hbm>>
        %dma_wait3A_962 = tpu.memref_squeeze %dma_wait3A_961 : memref<1x1x8x128xf32, #tpu.memory_space<hbm>> -> memref<8x128xf32, #tpu.memory_space<hbm>>
        %dma_wait3A_963 = arith.constant 0 : i32
        %dma_wait3A_964 = arith.constant 0 : i32
        %dma_wait3A_965 = tpu.memref_slice %arg10[%dma_wait3A_963, %dma_wait3A_964] : memref<64x128xf32, #tpu.memory_space<vmem>> -> memref<8x128xf32, #tpu.memory_space<vmem>>
        tpu.wait_dma2 semaphore(%dma_wait3A_958 : memref<!tpu.dma_semaphore, #tpu.memory_space<semaphore_mem>>) src(%dma_wait3A_965 : memref<8x128xf32, #tpu.memory_space<vmem>>) dst(%dma_wait3A_962 : memref<8x128xf32, #tpu.memory_space<hbm>>)
        %dma_wait3A_966 = arith.constant 1 : i32
        %dma_wait3A_967 = arith.constant 8 : i32
        %dma_wait3A_968 = arith.constant 0 : i32
        %dma_wait3A_969 = tpu.memref_slice %arg10[%dma_wait3A_967, %dma_wait3A_968] : memref<64x128xf32, #tpu.memory_space<vmem>> -> memref<8x128xf32, #tpu.memory_space<vmem>>
        %dma_wait3A_970 = arith.constant 0 : i32
        %dma_wait3A_971 = arith.constant 0 : i32
        %dma_wait3A_972 = tpu.memref_slice %arg4[%add3A_924, %add3A, %dma_wait3A_970, %dma_wait3A_971] : memref<400x32x8x128xf32, #tpu.memory_space<hbm>> -> memref<1x1x8x128xf32, #tpu.memory_space<hbm>>
        %dma_wait3A_973 = tpu.memref_squeeze %dma_wait3A_972 : memref<1x1x8x128xf32, #tpu.memory_space<hbm>> -> memref<8x128xf32, #tpu.memory_space<hbm>>
        %dma_wait3A_974 = tpu.memref_slice %arg12[%dma_wait3A_966] : memref<2x!tpu.dma_semaphore, #tpu.memory_space<semaphore_mem>> -> memref<1x!tpu.dma_semaphore, #tpu.memory_space<semaphore_mem>>
        %dma_wait3A_975 = tpu.memref_squeeze %dma_wait3A_974 : memref<1x!tpu.dma_semaphore, #tpu.memory_space<semaphore_mem>> -> memref<!tpu.dma_semaphore, #tpu.memory_space<semaphore_mem>>
        %dma_wait3A_976 = arith.constant 0 : i32
        %dma_wait3A_977 = arith.constant 0 : i32
        %dma_wait3A_978 = tpu.memref_slice %arg4[%add3A_924, %add3A, %dma_wait3A_976, %dma_wait3A_977] : memref<400x32x8x128xf32, #tpu.memory_space<hbm>> -> memref<1x1x8x128xf32, #tpu.memory_space<hbm>>
        %dma_wait3A_979 = tpu.memref_squeeze %dma_wait3A_978 : memref<1x1x8x128xf32, #tpu.memory_space<hbm>> -> memref<8x128xf32, #tpu.memory_space<hbm>>
        %dma_wait3A_980 = arith.constant 8 : i32
        %dma_wait3A_981 = arith.constant 0 : i32
        %dma_wait3A_982 = tpu.memref_slice %arg10[%dma_wait3A_980, %dma_wait3A_981] : memref<64x128xf32, #tpu.memory_space<vmem>> -> memref<8x128xf32, #tpu.memory_space<vmem>>
        tpu.wait_dma2 semaphore(%dma_wait3A_975 : memref<!tpu.dma_semaphore, #tpu.memory_space<semaphore_mem>>) src(%dma_wait3A_982 : memref<8x128xf32, #tpu.memory_space<vmem>>) dst(%dma_wait3A_979 : memref<8x128xf32, #tpu.memory_space<hbm>>)
        %dma_wait3A_983 = arith.constant 1 : i32
        %dma_wait3A_984 = arith.constant 16 : i32
        %dma_wait3A_985 = arith.constant 0 : i32
        %dma_wait3A_986 = tpu.memref_slice %arg10[%dma_wait3A_984, %dma_wait3A_985] : memref<64x128xf32, #tpu.memory_space<vmem>> -> memref<8x128xf32, #tpu.memory_space<vmem>>
        %dma_wait3A_987 = arith.constant 0 : i32
        %dma_wait3A_988 = arith.constant 0 : i32
        %dma_wait3A_989 = tpu.memref_slice %arg4[%add3A_928, %add3A, %dma_wait3A_987, %dma_wait3A_988] : memref<400x32x8x128xf32, #tpu.memory_space<hbm>> -> memref<1x1x8x128xf32, #tpu.memory_space<hbm>>
        %dma_wait3A_990 = tpu.memref_squeeze %dma_wait3A_989 : memref<1x1x8x128xf32, #tpu.memory_space<hbm>> -> memref<8x128xf32, #tpu.memory_space<hbm>>
        %dma_wait3A_991 = tpu.memref_slice %arg12[%dma_wait3A_983] : memref<2x!tpu.dma_semaphore, #tpu.memory_space<semaphore_mem>> -> memref<1x!tpu.dma_semaphore, #tpu.memory_space<semaphore_mem>>
        %dma_wait3A_992 = tpu.memref_squeeze %dma_wait3A_991 : memref<1x!tpu.dma_semaphore, #tpu.memory_space<semaphore_mem>> -> memref<!tpu.dma_semaphore, #tpu.memory_space<semaphore_mem>>
        %dma_wait3A_993 = arith.constant 0 : i32
        %dma_wait3A_994 = arith.constant 0 : i32
        %dma_wait3A_995 = tpu.memref_slice %arg4[%add3A_928, %add3A, %dma_wait3A_993, %dma_wait3A_994] : memref<400x32x8x128xf32, #tpu.memory_space<hbm>> -> memref<1x1x8x128xf32, #tpu.memory_space<hbm>>
        %dma_wait3A_996 = tpu.memref_squeeze %dma_wait3A_995 : memref<1x1x8x128xf32, #tpu.memory_space<hbm>> -> memref<8x128xf32, #tpu.memory_space<hbm>>
        %dma_wait3A_997 = arith.constant 16 : i32
        %dma_wait3A_998 = arith.constant 0 : i32
        %dma_wait3A_999 = tpu.memref_slice %arg10[%dma_wait3A_997, %dma_wait3A_998] : memref<64x128xf32, #tpu.memory_space<vmem>> -> memref<8x128xf32, #tpu.memory_space<vmem>>
        tpu.wait_dma2 semaphore(%dma_wait3A_992 : memref<!tpu.dma_semaphore, #tpu.memory_space<semaphore_mem>>) src(%dma_wait3A_999 : memref<8x128xf32, #tpu.memory_space<vmem>>) dst(%dma_wait3A_996 : memref<8x128xf32, #tpu.memory_space<hbm>>)
        %dma_wait3A_1000 = arith.constant 1 : i32
        %dma_wait3A_1001 = arith.constant 24 : i32
        %dma_wait3A_1002 = arith.constant 0 : i32
        %dma_wait3A_1003 = tpu.memref_slice %arg10[%dma_wait3A_1001, %dma_wait3A_1002] : memref<64x128xf32, #tpu.memory_space<vmem>> -> memref<8x128xf32, #tpu.memory_space<vmem>>
        %dma_wait3A_1004 = arith.constant 0 : i32
        %dma_wait3A_1005 = arith.constant 0 : i32
        %dma_wait3A_1006 = tpu.memref_slice %arg4[%add3A_932, %add3A, %dma_wait3A_1004, %dma_wait3A_1005] : memref<400x32x8x128xf32, #tpu.memory_space<hbm>> -> memref<1x1x8x128xf32, #tpu.memory_space<hbm>>
        %dma_wait3A_1007 = tpu.memref_squeeze %dma_wait3A_1006 : memref<1x1x8x128xf32, #tpu.memory_space<hbm>> -> memref<8x128xf32, #tpu.memory_space<hbm>>
        %dma_wait3A_1008 = tpu.memref_slice %arg12[%dma_wait3A_1000] : memref<2x!tpu.dma_semaphore, #tpu.memory_space<semaphore_mem>> -> memref<1x!tpu.dma_semaphore, #tpu.memory_space<semaphore_mem>>
        %dma_wait3A_1009 = tpu.memref_squeeze %dma_wait3A_1008 : memref<1x!tpu.dma_semaphore, #tpu.memory_space<semaphore_mem>> -> memref<!tpu.dma_semaphore, #tpu.memory_space<semaphore_mem>>
        %dma_wait3A_1010 = arith.constant 0 : i32
        %dma_wait3A_1011 = arith.constant 0 : i32
        %dma_wait3A_1012 = tpu.memref_slice %arg4[%add3A_932, %add3A, %dma_wait3A_1010, %dma_wait3A_1011] : memref<400x32x8x128xf32, #tpu.memory_space<hbm>> -> memref<1x1x8x128xf32, #tpu.memory_space<hbm>>
        %dma_wait3A_1013 = tpu.memref_squeeze %dma_wait3A_1012 : memref<1x1x8x128xf32, #tpu.memory_space<hbm>> -> memref<8x128xf32, #tpu.memory_space<hbm>>
        %dma_wait3A_1014 = arith.constant 24 : i32
        %dma_wait3A_1015 = arith.constant 0 : i32
        %dma_wait3A_1016 = tpu.memref_slice %arg10[%dma_wait3A_1014, %dma_wait3A_1015] : memref<64x128xf32, #tpu.memory_space<vmem>> -> memref<8x128xf32, #tpu.memory_space<vmem>>
        tpu.wait_dma2 semaphore(%dma_wait3A_1009 : memref<!tpu.dma_semaphore, #tpu.memory_space<semaphore_mem>>) src(%dma_wait3A_1016 : memref<8x128xf32, #tpu.memory_space<vmem>>) dst(%dma_wait3A_1013 : memref<8x128xf32, #tpu.memory_space<hbm>>)
        %dma_wait3A_1017 = arith.constant 1 : i32
        %dma_wait3A_1018 = arith.constant 32 : i32
        %dma_wait3A_1019 = arith.constant 0 : i32
        %dma_wait3A_1020 = tpu.memref_slice %arg10[%dma_wait3A_1018, %dma_wait3A_1019] : memref<64x128xf32, #tpu.memory_space<vmem>> -> memref<8x128xf32, #tpu.memory_space<vmem>>
        %dma_wait3A_1021 = arith.constant 0 : i32
        %dma_wait3A_1022 = arith.constant 0 : i32
        %dma_wait3A_1023 = tpu.memref_slice %arg4[%add3A_936, %add3A, %dma_wait3A_1021, %dma_wait3A_1022] : memref<400x32x8x128xf32, #tpu.memory_space<hbm>> -> memref<1x1x8x128xf32, #tpu.memory_space<hbm>>
        %dma_wait3A_1024 = tpu.memref_squeeze %dma_wait3A_1023 : memref<1x1x8x128xf32, #tpu.memory_space<hbm>> -> memref<8x128xf32, #tpu.memory_space<hbm>>
        %dma_wait3A_1025 = tpu.memref_slice %arg12[%dma_wait3A_1017] : memref<2x!tpu.dma_semaphore, #tpu.memory_space<semaphore_mem>> -> memref<1x!tpu.dma_semaphore, #tpu.memory_space<semaphore_mem>>
        %dma_wait3A_1026 = tpu.memref_squeeze %dma_wait3A_1025 : memref<1x!tpu.dma_semaphore, #tpu.memory_space<semaphore_mem>> -> memref<!tpu.dma_semaphore, #tpu.memory_space<semaphore_mem>>
        %dma_wait3A_1027 = arith.constant 0 : i32
        %dma_wait3A_1028 = arith.constant 0 : i32
        %dma_wait3A_1029 = tpu.memref_slice %arg4[%add3A_936, %add3A, %dma_wait3A_1027, %dma_wait3A_1028] : memref<400x32x8x128xf32, #tpu.memory_space<hbm>> -> memref<1x1x8x128xf32, #tpu.memory_space<hbm>>
        %dma_wait3A_1030 = tpu.memref_squeeze %dma_wait3A_1029 : memref<1x1x8x128xf32, #tpu.memory_space<hbm>> -> memref<8x128xf32, #tpu.memory_space<hbm>>
        %dma_wait3A_1031 = arith.constant 32 : i32
        %dma_wait3A_1032 = arith.constant 0 : i32
        %dma_wait3A_1033 = tpu.memref_slice %arg10[%dma_wait3A_1031, %dma_wait3A_1032] : memref<64x128xf32, #tpu.memory_space<vmem>> -> memref<8x128xf32, #tpu.memory_space<vmem>>
        tpu.wait_dma2 semaphore(%dma_wait3A_1026 : memref<!tpu.dma_semaphore, #tpu.memory_space<semaphore_mem>>) src(%dma_wait3A_1033 : memref<8x128xf32, #tpu.memory_space<vmem>>) dst(%dma_wait3A_1030 : memref<8x128xf32, #tpu.memory_space<hbm>>)
        %dma_wait3A_1034 = arith.constant 1 : i32
        %dma_wait3A_1035 = arith.constant 40 : i32
        %dma_wait3A_1036 = arith.constant 0 : i32
        %dma_wait3A_1037 = tpu.memref_slice %arg10[%dma_wait3A_1035, %dma_wait3A_1036] : memref<64x128xf32, #tpu.memory_space<vmem>> -> memref<8x128xf32, #tpu.memory_space<vmem>>
        %dma_wait3A_1038 = arith.constant 0 : i32
        %dma_wait3A_1039 = arith.constant 0 : i32
        %dma_wait3A_1040 = tpu.memref_slice %arg4[%add3A_940, %add3A, %dma_wait3A_1038, %dma_wait3A_1039] : memref<400x32x8x128xf32, #tpu.memory_space<hbm>> -> memref<1x1x8x128xf32, #tpu.memory_space<hbm>>
        %dma_wait3A_1041 = tpu.memref_squeeze %dma_wait3A_1040 : memref<1x1x8x128xf32, #tpu.memory_space<hbm>> -> memref<8x128xf32, #tpu.memory_space<hbm>>
        %dma_wait3A_1042 = tpu.memref_slice %arg12[%dma_wait3A_1034] : memref<2x!tpu.dma_semaphore, #tpu.memory_space<semaphore_mem>> -> memref<1x!tpu.dma_semaphore, #tpu.memory_space<semaphore_mem>>
        %dma_wait3A_1043 = tpu.memref_squeeze %dma_wait3A_1042 : memref<1x!tpu.dma_semaphore, #tpu.memory_space<semaphore_mem>> -> memref<!tpu.dma_semaphore, #tpu.memory_space<semaphore_mem>>
        %dma_wait3A_1044 = arith.constant 0 : i32
        %dma_wait3A_1045 = arith.constant 0 : i32
        %dma_wait3A_1046 = tpu.memref_slice %arg4[%add3A_940, %add3A, %dma_wait3A_1044, %dma_wait3A_1045] : memref<400x32x8x128xf32, #tpu.memory_space<hbm>> -> memref<1x1x8x128xf32, #tpu.memory_space<hbm>>
        %dma_wait3A_1047 = tpu.memref_squeeze %dma_wait3A_1046 : memref<1x1x8x128xf32, #tpu.memory_space<hbm>> -> memref<8x128xf32, #tpu.memory_space<hbm>>
        %dma_wait3A_1048 = arith.constant 40 : i32
        %dma_wait3A_1049 = arith.constant 0 : i32
        %dma_wait3A_1050 = tpu.memref_slice %arg10[%dma_wait3A_1048, %dma_wait3A_1049] : memref<64x128xf32, #tpu.memory_space<vmem>> -> memref<8x128xf32, #tpu.memory_space<vmem>>
        tpu.wait_dma2 semaphore(%dma_wait3A_1043 : memref<!tpu.dma_semaphore, #tpu.memory_space<semaphore_mem>>) src(%dma_wait3A_1050 : memref<8x128xf32, #tpu.memory_space<vmem>>) dst(%dma_wait3A_1047 : memref<8x128xf32, #tpu.memory_space<hbm>>)
        %dma_wait3A_1051 = arith.constant 1 : i32
        %dma_wait3A_1052 = arith.constant 48 : i32
        %dma_wait3A_1053 = arith.constant 0 : i32
        %dma_wait3A_1054 = tpu.memref_slice %arg10[%dma_wait3A_1052, %dma_wait3A_1053] : memref<64x128xf32, #tpu.memory_space<vmem>> -> memref<8x128xf32, #tpu.memory_space<vmem>>
        %dma_wait3A_1055 = arith.constant 0 : i32
        %dma_wait3A_1056 = arith.constant 0 : i32
        %dma_wait3A_1057 = tpu.memref_slice %arg4[%add3A_944, %add3A, %dma_wait3A_1055, %dma_wait3A_1056] : memref<400x32x8x128xf32, #tpu.memory_space<hbm>> -> memref<1x1x8x128xf32, #tpu.memory_space<hbm>>
        %dma_wait3A_1058 = tpu.memref_squeeze %dma_wait3A_1057 : memref<1x1x8x128xf32, #tpu.memory_space<hbm>> -> memref<8x128xf32, #tpu.memory_space<hbm>>
        %dma_wait3A_1059 = tpu.memref_slice %arg12[%dma_wait3A_1051] : memref<2x!tpu.dma_semaphore, #tpu.memory_space<semaphore_mem>> -> memref<1x!tpu.dma_semaphore, #tpu.memory_space<semaphore_mem>>
        %dma_wait3A_1060 = tpu.memref_squeeze %dma_wait3A_1059 : memref<1x!tpu.dma_semaphore, #tpu.memory_space<semaphore_mem>> -> memref<!tpu.dma_semaphore, #tpu.memory_space<semaphore_mem>>
        %dma_wait3A_1061 = arith.constant 0 : i32
        %dma_wait3A_1062 = arith.constant 0 : i32
        %dma_wait3A_1063 = tpu.memref_slice %arg4[%add3A_944, %add3A, %dma_wait3A_1061, %dma_wait3A_1062] : memref<400x32x8x128xf32, #tpu.memory_space<hbm>> -> memref<1x1x8x128xf32, #tpu.memory_space<hbm>>
        %dma_wait3A_1064 = tpu.memref_squeeze %dma_wait3A_1063 : memref<1x1x8x128xf32, #tpu.memory_space<hbm>> -> memref<8x128xf32, #tpu.memory_space<hbm>>
        %dma_wait3A_1065 = arith.constant 48 : i32
        %dma_wait3A_1066 = arith.constant 0 : i32
        %dma_wait3A_1067 = tpu.memref_slice %arg10[%dma_wait3A_1065, %dma_wait3A_1066] : memref<64x128xf32, #tpu.memory_space<vmem>> -> memref<8x128xf32, #tpu.memory_space<vmem>>
        tpu.wait_dma2 semaphore(%dma_wait3A_1060 : memref<!tpu.dma_semaphore, #tpu.memory_space<semaphore_mem>>) src(%dma_wait3A_1067 : memref<8x128xf32, #tpu.memory_space<vmem>>) dst(%dma_wait3A_1064 : memref<8x128xf32, #tpu.memory_space<hbm>>)
        %dma_wait3A_1068 = arith.constant 1 : i32
        %dma_wait3A_1069 = arith.constant 56 : i32
        %dma_wait3A_1070 = arith.constant 0 : i32
        %dma_wait3A_1071 = tpu.memref_slice %arg10[%dma_wait3A_1069, %dma_wait3A_1070] : memref<64x128xf32, #tpu.memory_space<vmem>> -> memref<8x128xf32, #tpu.memory_space<vmem>>
        %dma_wait3A_1072 = arith.constant 0 : i32
        %dma_wait3A_1073 = arith.constant 0 : i32
        %dma_wait3A_1074 = tpu.memref_slice %arg4[%add3A_948, %add3A, %dma_wait3A_1072, %dma_wait3A_1073] : memref<400x32x8x128xf32, #tpu.memory_space<hbm>> -> memref<1x1x8x128xf32, #tpu.memory_space<hbm>>
        %dma_wait3A_1075 = tpu.memref_squeeze %dma_wait3A_1074 : memref<1x1x8x128xf32, #tpu.memory_space<hbm>> -> memref<8x128xf32, #tpu.memory_space<hbm>>
        %dma_wait3A_1076 = tpu.memref_slice %arg12[%dma_wait3A_1068] : memref<2x!tpu.dma_semaphore, #tpu.memory_space<semaphore_mem>> -> memref<1x!tpu.dma_semaphore, #tpu.memory_space<semaphore_mem>>
        %dma_wait3A_1077 = tpu.memref_squeeze %dma_wait3A_1076 : memref<1x!tpu.dma_semaphore, #tpu.memory_space<semaphore_mem>> -> memref<!tpu.dma_semaphore, #tpu.memory_space<semaphore_mem>>
        %dma_wait3A_1078 = arith.constant 0 : i32
        %dma_wait3A_1079 = arith.constant 0 : i32
        %dma_wait3A_1080 = tpu.memref_slice %arg4[%add3A_948, %add3A, %dma_wait3A_1078, %dma_wait3A_1079] : memref<400x32x8x128xf32, #tpu.memory_space<hbm>> -> memref<1x1x8x128xf32, #tpu.memory_space<hbm>>
        %dma_wait3A_1081 = tpu.memref_squeeze %dma_wait3A_1080 : memref<1x1x8x128xf32, #tpu.memory_space<hbm>> -> memref<8x128xf32, #tpu.memory_space<hbm>>
        %dma_wait3A_1082 = arith.constant 56 : i32
        %dma_wait3A_1083 = arith.constant 0 : i32
        %dma_wait3A_1084 = tpu.memref_slice %arg10[%dma_wait3A_1082, %dma_wait3A_1083] : memref<64x128xf32, #tpu.memory_space<vmem>> -> memref<8x128xf32, #tpu.memory_space<vmem>>
        tpu.wait_dma2 semaphore(%dma_wait3A_1077 : memref<!tpu.dma_semaphore, #tpu.memory_space<semaphore_mem>>) src(%dma_wait3A_1084 : memref<8x128xf32, #tpu.memory_space<vmem>>) dst(%dma_wait3A_1081 : memref<8x128xf32, #tpu.memory_space<hbm>>)
      } else {
      }
      %scan3A_740 = arith.constant 0 : i32
      %scan3A_741 = arith.constant 0 : i32
      %scan3A_742 = arith.constant 8 : i32
      %scan3A_743 = arith.addi %scan3A_741, %scan3A_742 : i32
      %scan3A_744 = arith.constant 1 : i32
      %scan3A_745 = scf.for %scan3A_916 = %scan3A_741 to %scan3A_743 step %scan3A_744 iter_args(%scan3A_917 = %scan3A_740) -> (i32)  : i32 {
        %mul3A_918 = arith.constant 16 : i32
        %mul3A_919 = arith.muli %scan3A_916, %mul3A_918 : i32
        %add3A_920 = vector.broadcast %mul3A_919 : i32 to vector<16xi32>
        %add3A_921 = arith.addi %iota3A, %add3A_920 : vector<16xi32>
        %add3A_922 = arith.constant 0 : i32
        %add3A_923 = vector.broadcast %add3A_922 : i32 to vector<16xi32>
        %add3A_924 = arith.addi %and3A_119, %add3A_923 : vector<16xi32>
        %add3A_925 = arith.constant 0 : i32
        %add3A_926 = vector.broadcast %add3A_925 : i32 to vector<16xi32>
        %add3A_927 = arith.addi %and3A_125, %add3A_926 : vector<16xi32>
        %add3A_928 = arith.constant 0 : i32
        %add3A_929 = vector.broadcast %add3A_928 : i32 to vector<16xi32>
        %add3A_930 = arith.addi %and3A_131, %add3A_929 : vector<16xi32>
        %add3A_931 = arith.constant 0 : i32
        %add3A_932 = vector.broadcast %add3A_931 : i32 to vector<16xi32>
        %add3A_933 = arith.addi %and3A_137, %add3A_932 : vector<16xi32>
        %gather3A_934 = tpu.vector_load_idx %arg8[%add3A_921, %add3A_924] : memref<128x64xf32, #tpu.memory_space<vmem>>[vector<16xi32>, vector<16xi32>], vector<16xf32>,
        %gather3A_935 = tpu.vector_load_idx %arg8[%add3A_921, %add3A_927] : memref<128x64xf32, #tpu.memory_space<vmem>>[vector<16xi32>, vector<16xi32>], vector<16xf32>,
        %gather3A_936 = tpu.vector_load_idx %arg8[%add3A_921, %add3A_930] : memref<128x64xf32, #tpu.memory_space<vmem>>[vector<16xi32>, vector<16xi32>], vector<16xf32>,
        %gather3A_937 = tpu.vector_load_idx %arg8[%add3A_921, %add3A_933] : memref<128x64xf32, #tpu.memory_space<vmem>>[vector<16xi32>, vector<16xi32>], vector<16xf32>,
        tpu.vector_store_idx %arg10[%add3A_924, %add3A_921], %gather3A_934 : memref<64x128xf32, #tpu.memory_space<vmem>>[vector<16xi32>, vector<16xi32>], vector<16xf32>,
        tpu.vector_store_idx %arg10[%add3A_927, %add3A_921], %gather3A_935 : memref<64x128xf32, #tpu.memory_space<vmem>>[vector<16xi32>, vector<16xi32>], vector<16xf32>,
        tpu.vector_store_idx %arg10[%add3A_930, %add3A_921], %gather3A_936 : memref<64x128xf32, #tpu.memory_space<vmem>>[vector<16xi32>, vector<16xi32>], vector<16xf32>,
        tpu.vector_store_idx %arg10[%add3A_933, %add3A_921], %gather3A_937 : memref<64x128xf32, #tpu.memory_space<vmem>>[vector<16xi32>, vector<16xi32>], vector<16xf32>,
        %add3A_938 = arith.constant 0 : i32
        %add3A_939 = vector.broadcast %add3A_938 : i32 to vector<16xi32>
        %add3A_940 = arith.addi %and3A_143, %add3A_939 : vector<16xi32>
        %add3A_941 = arith.constant 0 : i32
        %add3A_942 = vector.broadcast %add3A_941 : i32 to vector<16xi32>
        %add3A_943 = arith.addi %and3A_149, %add3A_942 : vector<16xi32>
        %add3A_944 = arith.constant 0 : i32
        %add3A_945 = vector.broadcast %add3A_944 : i32 to vector<16xi32>
        %add3A_946 = arith.addi %and3A_155, %add3A_945 : vector<16xi32>
        %add3A_947 = arith.constant 0 : i32
        %add3A_948 = vector.broadcast %add3A_947 : i32 to vector<16xi32>
        %add3A_949 = arith.addi %and3A_161, %add3A_948 : vector<16xi32>
        %gather3A_950 = tpu.vector_load_idx %arg8[%add3A_921, %add3A_940] : memref<128x64xf32, #tpu.memory_space<vmem>>[vector<16xi32>, vector<16xi32>], vector<16xf32>,
        %gather3A_951 = tpu.vector_load_idx %arg8[%add3A_921, %add3A_943] : memref<128x64xf32, #tpu.memory_space<vmem>>[vector<16xi32>, vector<16xi32>], vector<16xf32>,
        %gather3A_952 = tpu.vector_load_idx %arg8[%add3A_921, %add3A_946] : memref<128x64xf32, #tpu.memory_space<vmem>>[vector<16xi32>, vector<16xi32>], vector<16xf32>,
        %gather3A_953 = tpu.vector_load_idx %arg8[%add3A_921, %add3A_949] : memref<128x64xf32, #tpu.memory_space<vmem>>[vector<16xi32>, vector<16xi32>], vector<16xf32>,
        tpu.vector_store_idx %arg10[%add3A_940, %add3A_921], %gather3A_950 : memref<64x128xf32, #tpu.memory_space<vmem>>[vector<16xi32>, vector<16xi32>], vector<16xf32>,
        tpu.vector_store_idx %arg10[%add3A_943, %add3A_921], %gather3A_951 : memref<64x128xf32, #tpu.memory_space<vmem>>[vector<16xi32>, vector<16xi32>], vector<16xf32>,
        tpu.vector_store_idx %arg10[%add3A_946, %add3A_921], %gather3A_952 : memref<64x128xf32, #tpu.memory_space<vmem>>[vector<16xi32>, vector<16xi32>], vector<16xf32>,
        tpu.vector_store_idx %arg10[%add3A_949, %add3A_921], %gather3A_953 : memref<64x128xf32, #tpu.memory_space<vmem>>[vector<16xi32>, vector<16xi32>], vector<16xf32>,
        %add3A_954 = arith.constant 0 : i32
        %add3A_955 = vector.broadcast %add3A_954 : i32 to vector<16xi32>
        %add3A_956 = arith.addi %and3A_167, %add3A_955 : vector<16xi32>
        %add3A_957 = arith.constant 0 : i32
        %add3A_958 = vector.broadcast %add3A_957 : i32 to vector<16xi32>
        %add3A_959 = arith.addi %and3A_173, %add3A_958 : vector<16xi32>
        %add3A_960 = arith.constant 0 : i32
        %add3A_961 = vector.broadcast %add3A_960 : i32 to vector<16xi32>
        %add3A_962 = arith.addi %and3A_179, %add3A_961 : vector<16xi32>
        %add3A_963 = arith.constant 0 : i32
        %add3A_964 = vector.broadcast %add3A_963 : i32 to vector<16xi32>
        %add3A_965 = arith.addi %and3A_185, %add3A_964 : vector<16xi32>
        %gather3A_966 = tpu.vector_load_idx %arg8[%add3A_921, %add3A_956] : memref<128x64xf32, #tpu.memory_space<vmem>>[vector<16xi32>, vector<16xi32>], vector<16xf32>,
        %gather3A_967 = tpu.vector_load_idx %arg8[%add3A_921, %add3A_959] : memref<128x64xf32, #tpu.memory_space<vmem>>[vector<16xi32>, vector<16xi32>], vector<16xf32>,
        %gather3A_968 = tpu.vector_load_idx %arg8[%add3A_921, %add3A_962] : memref<128x64xf32, #tpu.memory_space<vmem>>[vector<16xi32>, vector<16xi32>], vector<16xf32>,
        %gather3A_969 = tpu.vector_load_idx %arg8[%add3A_921, %add3A_965] : memref<128x64xf32, #tpu.memory_space<vmem>>[vector<16xi32>, vector<16xi32>], vector<16xf32>,
        tpu.vector_store_idx %arg10[%add3A_956, %add3A_921], %gather3A_966 : memref<64x128xf32, #tpu.memory_space<vmem>>[vector<16xi32>, vector<16xi32>], vector<16xf32>,
        tpu.vector_store_idx %arg10[%add3A_959, %add3A_921], %gather3A_967 : memref<64x128xf32, #tpu.memory_space<vmem>>[vector<16xi32>, vector<16xi32>], vector<16xf32>,
        tpu.vector_store_idx %arg10[%add3A_962, %add3A_921], %gather3A_968 : memref<64x128xf32, #tpu.memory_space<vmem>>[vector<16xi32>, vector<16xi32>], vector<16xf32>,
        tpu.vector_store_idx %arg10[%add3A_965, %add3A_921], %gather3A_969 : memref<64x128xf32, #tpu.memory_space<vmem>>[vector<16xi32>, vector<16xi32>], vector<16xf32>,
        %add3A_970 = arith.constant 0 : i32
        %add3A_971 = vector.broadcast %add3A_970 : i32 to vector<16xi32>
        %add3A_972 = arith.addi %and3A_191, %add3A_971 : vector<16xi32>
        %add3A_973 = arith.constant 0 : i32
        %add3A_974 = vector.broadcast %add3A_973 : i32 to vector<16xi32>
        %add3A_975 = arith.addi %and3A_197, %add3A_974 : vector<16xi32>
        %add3A_976 = arith.constant 0 : i32
        %add3A_977 = vector.broadcast %add3A_976 : i32 to vector<16xi32>
        %add3A_978 = arith.addi %and3A_203, %add3A_977 : vector<16xi32>
        %add3A_979 = arith.constant 0 : i32
        %add3A_980 = vector.broadcast %add3A_979 : i32 to vector<16xi32>
        %add3A_981 = arith.addi %and3A_209, %add3A_980 : vector<16xi32>
        %gather3A_982 = tpu.vector_load_idx %arg8[%add3A_921, %add3A_972] : memref<128x64xf32, #tpu.memory_space<vmem>>[vector<16xi32>, vector<16xi32>], vector<16xf32>,
        %gather3A_983 = tpu.vector_load_idx %arg8[%add3A_921, %add3A_975] : memref<128x64xf32, #tpu.memory_space<vmem>>[vector<16xi32>, vector<16xi32>], vector<16xf32>,
        %gather3A_984 = tpu.vector_load_idx %arg8[%add3A_921, %add3A_978] : memref<128x64xf32, #tpu.memory_space<vmem>>[vector<16xi32>, vector<16xi32>], vector<16xf32>,
        %gather3A_985 = tpu.vector_load_idx %arg8[%add3A_921, %add3A_981] : memref<128x64xf32, #tpu.memory_space<vmem>>[vector<16xi32>, vector<16xi32>], vector<16xf32>,
        tpu.vector_store_idx %arg10[%add3A_972, %add3A_921], %gather3A_982 : memref<64x128xf32, #tpu.memory_space<vmem>>[vector<16xi32>, vector<16xi32>], vector<16xf32>,
        tpu.vector_store_idx %arg10[%add3A_975, %add3A_921], %gather3A_983 : memref<64x128xf32, #tpu.memory_space<vmem>>[vector<16xi32>, vector<16xi32>], vector<16xf32>,
        tpu.vector_store_idx %arg10[%add3A_978, %add3A_921], %gather3A_984 : memref<64x128xf32, #tpu.memory_space<vmem>>[vector<16xi32>, vector<16xi32>], vector<16xf32>,
        tpu.vector_store_idx %arg10[%add3A_981, %add3A_921], %gather3A_985 : memref<64x128xf32, #tpu.memory_space<vmem>>[vector<16xi32>, vector<16xi32>], vector<16xf32>,
        %add3A_986 = arith.constant 16 : i32
        %add3A_987 = vector.broadcast %add3A_986 : i32 to vector<16xi32>
        %add3A_988 = arith.addi %and3A_119, %add3A_987 : vector<16xi32>
        %add3A_989 = arith.constant 16 : i32
        %add3A_990 = vector.broadcast %add3A_989 : i32 to vector<16xi32>
        %add3A_991 = arith.addi %and3A_125, %add3A_990 : vector<16xi32>
        %add3A_992 = arith.constant 16 : i32
        %add3A_993 = vector.broadcast %add3A_992 : i32 to vector<16xi32>
        %add3A_994 = arith.addi %and3A_131, %add3A_993 : vector<16xi32>
        %add3A_995 = arith.constant 16 : i32
        %add3A_996 = vector.broadcast %add3A_995 : i32 to vector<16xi32>
        %add3A_997 = arith.addi %and3A_137, %add3A_996 : vector<16xi32>
        %gather3A_998 = tpu.vector_load_idx %arg8[%add3A_921, %add3A_988] : memref<128x64xf32, #tpu.memory_space<vmem>>[vector<16xi32>, vector<16xi32>], vector<16xf32>,
        %gather3A_999 = tpu.vector_load_idx %arg8[%add3A_921, %add3A_991] : memref<128x64xf32, #tpu.memory_space<vmem>>[vector<16xi32>, vector<16xi32>], vector<16xf32>,
        %gather3A_1000 = tpu.vector_load_idx %arg8[%add3A_921, %add3A_994] : memref<128x64xf32, #tpu.memory_space<vmem>>[vector<16xi32>, vector<16xi32>], vector<16xf32>,
        %gather3A_1001 = tpu.vector_load_idx %arg8[%add3A_921, %add3A_997] : memref<128x64xf32, #tpu.memory_space<vmem>>[vector<16xi32>, vector<16xi32>], vector<16xf32>,
        tpu.vector_store_idx %arg10[%add3A_988, %add3A_921], %gather3A_998 : memref<64x128xf32, #tpu.memory_space<vmem>>[vector<16xi32>, vector<16xi32>], vector<16xf32>,
        tpu.vector_store_idx %arg10[%add3A_991, %add3A_921], %gather3A_999 : memref<64x128xf32, #tpu.memory_space<vmem>>[vector<16xi32>, vector<16xi32>], vector<16xf32>,
        tpu.vector_store_idx %arg10[%add3A_994, %add3A_921], %gather3A_1000 : memref<64x128xf32, #tpu.memory_space<vmem>>[vector<16xi32>, vector<16xi32>], vector<16xf32>,
        tpu.vector_store_idx %arg10[%add3A_997, %add3A_921], %gather3A_1001 : memref<64x128xf32, #tpu.memory_space<vmem>>[vector<16xi32>, vector<16xi32>], vector<16xf32>,
        %add3A_1002 = arith.constant 16 : i32
        %add3A_1003 = vector.broadcast %add3A_1002 : i32 to vector<16xi32>
        %add3A_1004 = arith.addi %and3A_143, %add3A_1003 : vector<16xi32>
        %add3A_1005 = arith.constant 16 : i32
        %add3A_1006 = vector.broadcast %add3A_1005 : i32 to vector<16xi32>
        %add3A_1007 = arith.addi %and3A_149, %add3A_1006 : vector<16xi32>
        %add3A_1008 = arith.constant 16 : i32
        %add3A_1009 = vector.broadcast %add3A_1008 : i32 to vector<16xi32>
        %add3A_1010 = arith.addi %and3A_155, %add3A_1009 : vector<16xi32>
        %add3A_1011 = arith.constant 16 : i32
        %add3A_1012 = vector.broadcast %add3A_1011 : i32 to vector<16xi32>
        %add3A_1013 = arith.addi %and3A_161, %add3A_1012 : vector<16xi32>
        %gather3A_1014 = tpu.vector_load_idx %arg8[%add3A_921, %add3A_1004] : memref<128x64xf32, #tpu.memory_space<vmem>>[vector<16xi32>, vector<16xi32>], vector<16xf32>,
        %gather3A_1015 = tpu.vector_load_idx %arg8[%add3A_921, %add3A_1007] : memref<128x64xf32, #tpu.memory_space<vmem>>[vector<16xi32>, vector<16xi32>], vector<16xf32>,
        %gather3A_1016 = tpu.vector_load_idx %arg8[%add3A_921, %add3A_1010] : memref<128x64xf32, #tpu.memory_space<vmem>>[vector<16xi32>, vector<16xi32>], vector<16xf32>,
        %gather3A_1017 = tpu.vector_load_idx %arg8[%add3A_921, %add3A_1013] : memref<128x64xf32, #tpu.memory_space<vmem>>[vector<16xi32>, vector<16xi32>], vector<16xf32>,
        tpu.vector_store_idx %arg10[%add3A_1004, %add3A_921], %gather3A_1014 : memref<64x128xf32, #tpu.memory_space<vmem>>[vector<16xi32>, vector<16xi32>], vector<16xf32>,
        tpu.vector_store_idx %arg10[%add3A_1007, %add3A_921], %gather3A_1015 : memref<64x128xf32, #tpu.memory_space<vmem>>[vector<16xi32>, vector<16xi32>], vector<16xf32>,
        tpu.vector_store_idx %arg10[%add3A_1010, %add3A_921], %gather3A_1016 : memref<64x128xf32, #tpu.memory_space<vmem>>[vector<16xi32>, vector<16xi32>], vector<16xf32>,
        tpu.vector_store_idx %arg10[%add3A_1013, %add3A_921], %gather3A_1017 : memref<64x128xf32, #tpu.memory_space<vmem>>[vector<16xi32>, vector<16xi32>], vector<16xf32>,
        %add3A_1018 = arith.constant 16 : i32
        %add3A_1019 = vector.broadcast %add3A_1018 : i32 to vector<16xi32>
        %add3A_1020 = arith.addi %and3A_167, %add3A_1019 : vector<16xi32>
        %add3A_1021 = arith.constant 16 : i32
        %add3A_1022 = vector.broadcast %add3A_1021 : i32 to vector<16xi32>
        %add3A_1023 = arith.addi %and3A_173, %add3A_1022 : vector<16xi32>
        %add3A_1024 = arith.constant 16 : i32
        %add3A_1025 = vector.broadcast %add3A_1024 : i32 to vector<16xi32>
        %add3A_1026 = arith.addi %and3A_179, %add3A_1025 : vector<16xi32>
        %add3A_1027 = arith.constant 16 : i32
        %add3A_1028 = vector.broadcast %add3A_1027 : i32 to vector<16xi32>
        %add3A_1029 = arith.addi %and3A_185, %add3A_1028 : vector<16xi32>
        %gather3A_1030 = tpu.vector_load_idx %arg8[%add3A_921, %add3A_1020] : memref<128x64xf32, #tpu.memory_space<vmem>>[vector<16xi32>, vector<16xi32>], vector<16xf32>,
        %gather3A_1031 = tpu.vector_load_idx %arg8[%add3A_921, %add3A_1023] : memref<128x64xf32, #tpu.memory_space<vmem>>[vector<16xi32>, vector<16xi32>], vector<16xf32>,
        %gather3A_1032 = tpu.vector_load_idx %arg8[%add3A_921, %add3A_1026] : memref<128x64xf32, #tpu.memory_space<vmem>>[vector<16xi32>, vector<16xi32>], vector<16xf32>,
        %gather3A_1033 = tpu.vector_load_idx %arg8[%add3A_921, %add3A_1029] : memref<128x64xf32, #tpu.memory_space<vmem>>[vector<16xi32>, vector<16xi32>], vector<16xf32>,
        tpu.vector_store_idx %arg10[%add3A_1020, %add3A_921], %gather3A_1030 : memref<64x128xf32, #tpu.memory_space<vmem>>[vector<16xi32>, vector<16xi32>], vector<16xf32>,
        tpu.vector_store_idx %arg10[%add3A_1023, %add3A_921], %gather3A_1031 : memref<64x128xf32, #tpu.memory_space<vmem>>[vector<16xi32>, vector<16xi32>], vector<16xf32>,
        tpu.vector_store_idx %arg10[%add3A_1026, %add3A_921], %gather3A_1032 : memref<64x128xf32, #tpu.memory_space<vmem>>[vector<16xi32>, vector<16xi32>], vector<16xf32>,
        tpu.vector_store_idx %arg10[%add3A_1029, %add3A_921], %gather3A_1033 : memref<64x128xf32, #tpu.memory_space<vmem>>[vector<16xi32>, vector<16xi32>], vector<16xf32>,
        %add3A_1034 = arith.constant 16 : i32
        %add3A_1035 = vector.broadcast %add3A_1034 : i32 to vector<16xi32>
        %add3A_1036 = arith.addi %and3A_191, %add3A_1035 : vector<16xi32>
        %add3A_1037 = arith.constant 16 : i32
        %add3A_1038 = vector.broadcast %add3A_1037 : i32 to vector<16xi32>
        %add3A_1039 = arith.addi %and3A_197, %add3A_1038 : vector<16xi32>
        %add3A_1040 = arith.constant 16 : i32
        %add3A_1041 = vector.broadcast %add3A_1040 : i32 to vector<16xi32>
        %add3A_1042 = arith.addi %and3A_203, %add3A_1041 : vector<16xi32>
        %add3A_1043 = arith.constant 16 : i32
        %add3A_1044 = vector.broadcast %add3A_1043 : i32 to vector<16xi32>
        %add3A_1045 = arith.addi %and3A_209, %add3A_1044 : vector<16xi32>
        %gather3A_1046 = tpu.vector_load_idx %arg8[%add3A_921, %add3A_1036] : memref<128x64xf32, #tpu.memory_space<vmem>>[vector<16xi32>, vector<16xi32>], vector<16xf32>,
        %gather3A_1047 = tpu.vector_load_idx %arg8[%add3A_921, %add3A_1039] : memref<128x64xf32, #tpu.memory_space<vmem>>[vector<16xi32>, vector<16xi32>], vector<16xf32>,
        %gather3A_1048 = tpu.vector_load_idx %arg8[%add3A_921, %add3A_1042] : memref<128x64xf32, #tpu.memory_space<vmem>>[vector<16xi32>, vector<16xi32>], vector<16xf32>,
        %gather3A_1049 = tpu.vector_load_idx %arg8[%add3A_921, %add3A_1045] : memref<128x64xf32, #tpu.memory_space<vmem>>[vector<16xi32>, vector<16xi32>], vector<16xf32>,
        tpu.vector_store_idx %arg10[%add3A_1036, %add3A_921], %gather3A_1046 : memref<64x128xf32, #tpu.memory_space<vmem>>[vector<16xi32>, vector<16xi32>], vector<16xf32>,
        tpu.vector_store_idx %arg10[%add3A_1039, %add3A_921], %gather3A_1047 : memref<64x128xf32, #tpu.memory_space<vmem>>[vector<16xi32>, vector<16xi32>], vector<16xf32>,
        tpu.vector_store_idx %arg10[%add3A_1042, %add3A_921], %gather3A_1048 : memref<64x128xf32, #tpu.memory_space<vmem>>[vector<16xi32>, vector<16xi32>], vector<16xf32>,
        tpu.vector_store_idx %arg10[%add3A_1045, %add3A_921], %gather3A_1049 : memref<64x128xf32, #tpu.memory_space<vmem>>[vector<16xi32>, vector<16xi32>], vector<16xf32>,
        %add3A_1050 = arith.constant 32 : i32
        %add3A_1051 = vector.broadcast %add3A_1050 : i32 to vector<16xi32>
        %add3A_1052 = arith.addi %and3A_119, %add3A_1051 : vector<16xi32>
        %add3A_1053 = arith.constant 32 : i32
        %add3A_1054 = vector.broadcast %add3A_1053 : i32 to vector<16xi32>
        %add3A_1055 = arith.addi %and3A_125, %add3A_1054 : vector<16xi32>
        %add3A_1056 = arith.constant 32 : i32
        %add3A_1057 = vector.broadcast %add3A_1056 : i32 to vector<16xi32>
        %add3A_1058 = arith.addi %and3A_131, %add3A_1057 : vector<16xi32>
        %add3A_1059 = arith.constant 32 : i32
        %add3A_1060 = vector.broadcast %add3A_1059 : i32 to vector<16xi32>
        %add3A_1061 = arith.addi %and3A_137, %add3A_1060 : vector<16xi32>
        %gather3A_1062 = tpu.vector_load_idx %arg8[%add3A_921, %add3A_1052] : memref<128x64xf32, #tpu.memory_space<vmem>>[vector<16xi32>, vector<16xi32>], vector<16xf32>,
        %gather3A_1063 = tpu.vector_load_idx %arg8[%add3A_921, %add3A_1055] : memref<128x64xf32, #tpu.memory_space<vmem>>[vector<16xi32>, vector<16xi32>], vector<16xf32>,
        %gather3A_1064 = tpu.vector_load_idx %arg8[%add3A_921, %add3A_1058] : memref<128x64xf32, #tpu.memory_space<vmem>>[vector<16xi32>, vector<16xi32>], vector<16xf32>,
        %gather3A_1065 = tpu.vector_load_idx %arg8[%add3A_921, %add3A_1061] : memref<128x64xf32, #tpu.memory_space<vmem>>[vector<16xi32>, vector<16xi32>], vector<16xf32>,
        tpu.vector_store_idx %arg10[%add3A_1052, %add3A_921], %gather3A_1062 : memref<64x128xf32, #tpu.memory_space<vmem>>[vector<16xi32>, vector<16xi32>], vector<16xf32>,
        tpu.vector_store_idx %arg10[%add3A_1055, %add3A_921], %gather3A_1063 : memref<64x128xf32, #tpu.memory_space<vmem>>[vector<16xi32>, vector<16xi32>], vector<16xf32>,
        tpu.vector_store_idx %arg10[%add3A_1058, %add3A_921], %gather3A_1064 : memref<64x128xf32, #tpu.memory_space<vmem>>[vector<16xi32>, vector<16xi32>], vector<16xf32>,
        tpu.vector_store_idx %arg10[%add3A_1061, %add3A_921], %gather3A_1065 : memref<64x128xf32, #tpu.memory_space<vmem>>[vector<16xi32>, vector<16xi32>], vector<16xf32>,
        %add3A_1066 = arith.constant 32 : i32
        %add3A_1067 = vector.broadcast %add3A_1066 : i32 to vector<16xi32>
        %add3A_1068 = arith.addi %and3A_143, %add3A_1067 : vector<16xi32>
        %add3A_1069 = arith.constant 32 : i32
        %add3A_1070 = vector.broadcast %add3A_1069 : i32 to vector<16xi32>
        %add3A_1071 = arith.addi %and3A_149, %add3A_1070 : vector<16xi32>
        %add3A_1072 = arith.constant 32 : i32
        %add3A_1073 = vector.broadcast %add3A_1072 : i32 to vector<16xi32>
        %add3A_1074 = arith.addi %and3A_155, %add3A_1073 : vector<16xi32>
        %add3A_1075 = arith.constant 32 : i32
        %add3A_1076 = vector.broadcast %add3A_1075 : i32 to vector<16xi32>
        %add3A_1077 = arith.addi %and3A_161, %add3A_1076 : vector<16xi32>
        %gather3A_1078 = tpu.vector_load_idx %arg8[%add3A_921, %add3A_1068] : memref<128x64xf32, #tpu.memory_space<vmem>>[vector<16xi32>, vector<16xi32>], vector<16xf32>,
        %gather3A_1079 = tpu.vector_load_idx %arg8[%add3A_921, %add3A_1071] : memref<128x64xf32, #tpu.memory_space<vmem>>[vector<16xi32>, vector<16xi32>], vector<16xf32>,
        %gather3A_1080 = tpu.vector_load_idx %arg8[%add3A_921, %add3A_1074] : memref<128x64xf32, #tpu.memory_space<vmem>>[vector<16xi32>, vector<16xi32>], vector<16xf32>,
        %gather3A_1081 = tpu.vector_load_idx %arg8[%add3A_921, %add3A_1077] : memref<128x64xf32, #tpu.memory_space<vmem>>[vector<16xi32>, vector<16xi32>], vector<16xf32>,
        tpu.vector_store_idx %arg10[%add3A_1068, %add3A_921], %gather3A_1078 : memref<64x128xf32, #tpu.memory_space<vmem>>[vector<16xi32>, vector<16xi32>], vector<16xf32>,
        tpu.vector_store_idx %arg10[%add3A_1071, %add3A_921], %gather3A_1079 : memref<64x128xf32, #tpu.memory_space<vmem>>[vector<16xi32>, vector<16xi32>], vector<16xf32>,
        tpu.vector_store_idx %arg10[%add3A_1074, %add3A_921], %gather3A_1080 : memref<64x128xf32, #tpu.memory_space<vmem>>[vector<16xi32>, vector<16xi32>], vector<16xf32>,
        tpu.vector_store_idx %arg10[%add3A_1077, %add3A_921], %gather3A_1081 : memref<64x128xf32, #tpu.memory_space<vmem>>[vector<16xi32>, vector<16xi32>], vector<16xf32>,
        %add3A_1082 = arith.constant 32 : i32
        %add3A_1083 = vector.broadcast %add3A_1082 : i32 to vector<16xi32>
        %add3A_1084 = arith.addi %and3A_167, %add3A_1083 : vector<16xi32>
        %add3A_1085 = arith.constant 32 : i32
        %add3A_1086 = vector.broadcast %add3A_1085 : i32 to vector<16xi32>
        %add3A_1087 = arith.addi %and3A_173, %add3A_1086 : vector<16xi32>
        %add3A_1088 = arith.constant 32 : i32
        %add3A_1089 = vector.broadcast %add3A_1088 : i32 to vector<16xi32>
        %add3A_1090 = arith.addi %and3A_179, %add3A_1089 : vector<16xi32>
        %add3A_1091 = arith.constant 32 : i32
        %add3A_1092 = vector.broadcast %add3A_1091 : i32 to vector<16xi32>
        %add3A_1093 = arith.addi %and3A_185, %add3A_1092 : vector<16xi32>
        %gather3A_1094 = tpu.vector_load_idx %arg8[%add3A_921, %add3A_1084] : memref<128x64xf32, #tpu.memory_space<vmem>>[vector<16xi32>, vector<16xi32>], vector<16xf32>,
        %gather3A_1095 = tpu.vector_load_idx %arg8[%add3A_921, %add3A_1087] : memref<128x64xf32, #tpu.memory_space<vmem>>[vector<16xi32>, vector<16xi32>], vector<16xf32>,
        %gather3A_1096 = tpu.vector_load_idx %arg8[%add3A_921, %add3A_1090] : memref<128x64xf32, #tpu.memory_space<vmem>>[vector<16xi32>, vector<16xi32>], vector<16xf32>,
        %gather3A_1097 = tpu.vector_load_idx %arg8[%add3A_921, %add3A_1093] : memref<128x64xf32, #tpu.memory_space<vmem>>[vector<16xi32>, vector<16xi32>], vector<16xf32>,
        tpu.vector_store_idx %arg10[%add3A_1084, %add3A_921], %gather3A_1094 : memref<64x128xf32, #tpu.memory_space<vmem>>[vector<16xi32>, vector<16xi32>], vector<16xf32>,
        tpu.vector_store_idx %arg10[%add3A_1087, %add3A_921], %gather3A_1095 : memref<64x128xf32, #tpu.memory_space<vmem>>[vector<16xi32>, vector<16xi32>], vector<16xf32>,
        tpu.vector_store_idx %arg10[%add3A_1090, %add3A_921], %gather3A_1096 : memref<64x128xf32, #tpu.memory_space<vmem>>[vector<16xi32>, vector<16xi32>], vector<16xf32>,
        tpu.vector_store_idx %arg10[%add3A_1093, %add3A_921], %gather3A_1097 : memref<64x128xf32, #tpu.memory_space<vmem>>[vector<16xi32>, vector<16xi32>], vector<16xf32>,
        %add3A_1098 = arith.constant 32 : i32
        %add3A_1099 = vector.broadcast %add3A_1098 : i32 to vector<16xi32>
        %add3A_1100 = arith.addi %and3A_191, %add3A_1099 : vector<16xi32>
        %add3A_1101 = arith.constant 32 : i32
        %add3A_1102 = vector.broadcast %add3A_1101 : i32 to vector<16xi32>
        %add3A_1103 = arith.addi %and3A_197, %add3A_1102 : vector<16xi32>
        %add3A_1104 = arith.constant 32 : i32
        %add3A_1105 = vector.broadcast %add3A_1104 : i32 to vector<16xi32>
        %add3A_1106 = arith.addi %and3A_203, %add3A_1105 : vector<16xi32>
        %add3A_1107 = arith.constant 32 : i32
        %add3A_1108 = vector.broadcast %add3A_1107 : i32 to vector<16xi32>
        %add3A_1109 = arith.addi %and3A_209, %add3A_1108 : vector<16xi32>
        %gather3A_1110 = tpu.vector_load_idx %arg8[%add3A_921, %add3A_1100] : memref<128x64xf32, #tpu.memory_space<vmem>>[vector<16xi32>, vector<16xi32>], vector<16xf32>,
        %gather3A_1111 = tpu.vector_load_idx %arg8[%add3A_921, %add3A_1103] : memref<128x64xf32, #tpu.memory_space<vmem>>[vector<16xi32>, vector<16xi32>], vector<16xf32>,
        %gather3A_1112 = tpu.vector_load_idx %arg8[%add3A_921, %add3A_1106] : memref<128x64xf32, #tpu.memory_space<vmem>>[vector<16xi32>, vector<16xi32>], vector<16xf32>,
        %gather3A_1113 = tpu.vector_load_idx %arg8[%add3A_921, %add3A_1109] : memref<128x64xf32, #tpu.memory_space<vmem>>[vector<16xi32>, vector<16xi32>], vector<16xf32>,
        tpu.vector_store_idx %arg10[%add3A_1100, %add3A_921], %gather3A_1110 : memref<64x128xf32, #tpu.memory_space<vmem>>[vector<16xi32>, vector<16xi32>], vector<16xf32>,
        tpu.vector_store_idx %arg10[%add3A_1103, %add3A_921], %gather3A_1111 : memref<64x128xf32, #tpu.memory_space<vmem>>[vector<16xi32>, vector<16xi32>], vector<16xf32>,
        tpu.vector_store_idx %arg10[%add3A_1106, %add3A_921], %gather3A_1112 : memref<64x128xf32, #tpu.memory_space<vmem>>[vector<16xi32>, vector<16xi32>], vector<16xf32>,
        tpu.vector_store_idx %arg10[%add3A_1109, %add3A_921], %gather3A_1113 : memref<64x128xf32, #tpu.memory_space<vmem>>[vector<16xi32>, vector<16xi32>], vector<16xf32>,
        %add3A_1114 = arith.constant 48 : i32
        %add3A_1115 = vector.broadcast %add3A_1114 : i32 to vector<16xi32>
        %add3A_1116 = arith.addi %and3A_119, %add3A_1115 : vector<16xi32>
        %add3A_1117 = arith.constant 48 : i32
        %add3A_1118 = vector.broadcast %add3A_1117 : i32 to vector<16xi32>
        %add3A_1119 = arith.addi %and3A_125, %add3A_1118 : vector<16xi32>
        %add3A_1120 = arith.constant 48 : i32
        %add3A_1121 = vector.broadcast %add3A_1120 : i32 to vector<16xi32>
        %add3A_1122 = arith.addi %and3A_131, %add3A_1121 : vector<16xi32>
        %add3A_1123 = arith.constant 48 : i32
        %add3A_1124 = vector.broadcast %add3A_1123 : i32 to vector<16xi32>
        %add3A_1125 = arith.addi %and3A_137, %add3A_1124 : vector<16xi32>
        %gather3A_1126 = tpu.vector_load_idx %arg8[%add3A_921, %add3A_1116] : memref<128x64xf32, #tpu.memory_space<vmem>>[vector<16xi32>, vector<16xi32>], vector<16xf32>,
        %gather3A_1127 = tpu.vector_load_idx %arg8[%add3A_921, %add3A_1119] : memref<128x64xf32, #tpu.memory_space<vmem>>[vector<16xi32>, vector<16xi32>], vector<16xf32>,
        %gather3A_1128 = tpu.vector_load_idx %arg8[%add3A_921, %add3A_1122] : memref<128x64xf32, #tpu.memory_space<vmem>>[vector<16xi32>, vector<16xi32>], vector<16xf32>,
        %gather3A_1129 = tpu.vector_load_idx %arg8[%add3A_921, %add3A_1125] : memref<128x64xf32, #tpu.memory_space<vmem>>[vector<16xi32>, vector<16xi32>], vector<16xf32>,
        tpu.vector_store_idx %arg10[%add3A_1116, %add3A_921], %gather3A_1126 : memref<64x128xf32, #tpu.memory_space<vmem>>[vector<16xi32>, vector<16xi32>], vector<16xf32>,
        tpu.vector_store_idx %arg10[%add3A_1119, %add3A_921], %gather3A_1127 : memref<64x128xf32, #tpu.memory_space<vmem>>[vector<16xi32>, vector<16xi32>], vector<16xf32>,
        tpu.vector_store_idx %arg10[%add3A_1122, %add3A_921], %gather3A_1128 : memref<64x128xf32, #tpu.memory_space<vmem>>[vector<16xi32>, vector<16xi32>], vector<16xf32>,
        tpu.vector_store_idx %arg10[%add3A_1125, %add3A_921], %gather3A_1129 : memref<64x128xf32, #tpu.memory_space<vmem>>[vector<16xi32>, vector<16xi32>], vector<16xf32>,
        %add3A_1130 = arith.constant 48 : i32
        %add3A_1131 = vector.broadcast %add3A_1130 : i32 to vector<16xi32>
        %add3A_1132 = arith.addi %and3A_143, %add3A_1131 : vector<16xi32>
        %add3A_1133 = arith.constant 48 : i32
        %add3A_1134 = vector.broadcast %add3A_1133 : i32 to vector<16xi32>
        %add3A_1135 = arith.addi %and3A_149, %add3A_1134 : vector<16xi32>
        %add3A_1136 = arith.constant 48 : i32
        %add3A_1137 = vector.broadcast %add3A_1136 : i32 to vector<16xi32>
        %add3A_1138 = arith.addi %and3A_155, %add3A_1137 : vector<16xi32>
        %add3A_1139 = arith.constant 48 : i32
        %add3A_1140 = vector.broadcast %add3A_1139 : i32 to vector<16xi32>
        %add3A_1141 = arith.addi %and3A_161, %add3A_1140 : vector<16xi32>
        %gather3A_1142 = tpu.vector_load_idx %arg8[%add3A_921, %add3A_1132] : memref<128x64xf32, #tpu.memory_space<vmem>>[vector<16xi32>, vector<16xi32>], vector<16xf32>,
        %gather3A_1143 = tpu.vector_load_idx %arg8[%add3A_921, %add3A_1135] : memref<128x64xf32, #tpu.memory_space<vmem>>[vector<16xi32>, vector<16xi32>], vector<16xf32>,
        %gather3A_1144 = tpu.vector_load_idx %arg8[%add3A_921, %add3A_1138] : memref<128x64xf32, #tpu.memory_space<vmem>>[vector<16xi32>, vector<16xi32>], vector<16xf32>,
        %gather3A_1145 = tpu.vector_load_idx %arg8[%add3A_921, %add3A_1141] : memref<128x64xf32, #tpu.memory_space<vmem>>[vector<16xi32>, vector<16xi32>], vector<16xf32>,
        tpu.vector_store_idx %arg10[%add3A_1132, %add3A_921], %gather3A_1142 : memref<64x128xf32, #tpu.memory_space<vmem>>[vector<16xi32>, vector<16xi32>], vector<16xf32>,
        tpu.vector_store_idx %arg10[%add3A_1135, %add3A_921], %gather3A_1143 : memref<64x128xf32, #tpu.memory_space<vmem>>[vector<16xi32>, vector<16xi32>], vector<16xf32>,
        tpu.vector_store_idx %arg10[%add3A_1138, %add3A_921], %gather3A_1144 : memref<64x128xf32, #tpu.memory_space<vmem>>[vector<16xi32>, vector<16xi32>], vector<16xf32>,
        tpu.vector_store_idx %arg10[%add3A_1141, %add3A_921], %gather3A_1145 : memref<64x128xf32, #tpu.memory_space<vmem>>[vector<16xi32>, vector<16xi32>], vector<16xf32>,
        %add3A_1146 = arith.constant 48 : i32
        %add3A_1147 = vector.broadcast %add3A_1146 : i32 to vector<16xi32>
        %add3A_1148 = arith.addi %and3A_167, %add3A_1147 : vector<16xi32>
        %add3A_1149 = arith.constant 48 : i32
        %add3A_1150 = vector.broadcast %add3A_1149 : i32 to vector<16xi32>
        %add3A_1151 = arith.addi %and3A_173, %add3A_1150 : vector<16xi32>
        %add3A_1152 = arith.constant 48 : i32
        %add3A_1153 = vector.broadcast %add3A_1152 : i32 to vector<16xi32>
        %add3A_1154 = arith.addi %and3A_179, %add3A_1153 : vector<16xi32>
        %add3A_1155 = arith.constant 48 : i32
        %add3A_1156 = vector.broadcast %add3A_1155 : i32 to vector<16xi32>
        %add3A_1157 = arith.addi %and3A_185, %add3A_1156 : vector<16xi32>
        %gather3A_1158 = tpu.vector_load_idx %arg8[%add3A_921, %add3A_1148] : memref<128x64xf32, #tpu.memory_space<vmem>>[vector<16xi32>, vector<16xi32>], vector<16xf32>,
        %gather3A_1159 = tpu.vector_load_idx %arg8[%add3A_921, %add3A_1151] : memref<128x64xf32, #tpu.memory_space<vmem>>[vector<16xi32>, vector<16xi32>], vector<16xf32>,
        %gather3A_1160 = tpu.vector_load_idx %arg8[%add3A_921, %add3A_1154] : memref<128x64xf32, #tpu.memory_space<vmem>>[vector<16xi32>, vector<16xi32>], vector<16xf32>,
        %gather3A_1161 = tpu.vector_load_idx %arg8[%add3A_921, %add3A_1157] : memref<128x64xf32, #tpu.memory_space<vmem>>[vector<16xi32>, vector<16xi32>], vector<16xf32>,
        tpu.vector_store_idx %arg10[%add3A_1148, %add3A_921], %gather3A_1158 : memref<64x128xf32, #tpu.memory_space<vmem>>[vector<16xi32>, vector<16xi32>], vector<16xf32>,
        tpu.vector_store_idx %arg10[%add3A_1151, %add3A_921], %gather3A_1159 : memref<64x128xf32, #tpu.memory_space<vmem>>[vector<16xi32>, vector<16xi32>], vector<16xf32>,
        tpu.vector_store_idx %arg10[%add3A_1154, %add3A_921], %gather3A_1160 : memref<64x128xf32, #tpu.memory_space<vmem>>[vector<16xi32>, vector<16xi32>], vector<16xf32>,
        tpu.vector_store_idx %arg10[%add3A_1157, %add3A_921], %gather3A_1161 : memref<64x128xf32, #tpu.memory_space<vmem>>[vector<16xi32>, vector<16xi32>], vector<16xf32>,
        %add3A_1162 = arith.constant 48 : i32
        %add3A_1163 = vector.broadcast %add3A_1162 : i32 to vector<16xi32>
        %add3A_1164 = arith.addi %and3A_191, %add3A_1163 : vector<16xi32>
        %add3A_1165 = arith.constant 48 : i32
        %add3A_1166 = vector.broadcast %add3A_1165 : i32 to vector<16xi32>
        %add3A_1167 = arith.addi %and3A_197, %add3A_1166 : vector<16xi32>
        %add3A_1168 = arith.constant 48 : i32
        %add3A_1169 = vector.broadcast %add3A_1168 : i32 to vector<16xi32>
        %add3A_1170 = arith.addi %and3A_203, %add3A_1169 : vector<16xi32>
        %add3A_1171 = arith.constant 48 : i32
        %add3A_1172 = vector.broadcast %add3A_1171 : i32 to vector<16xi32>
        %add3A_1173 = arith.addi %and3A_209, %add3A_1172 : vector<16xi32>
        %gather3A_1174 = tpu.vector_load_idx %arg8[%add3A_921, %add3A_1164] : memref<128x64xf32, #tpu.memory_space<vmem>>[vector<16xi32>, vector<16xi32>], vector<16xf32>,
        %gather3A_1175 = tpu.vector_load_idx %arg8[%add3A_921, %add3A_1167] : memref<128x64xf32, #tpu.memory_space<vmem>>[vector<16xi32>, vector<16xi32>], vector<16xf32>,
        %gather3A_1176 = tpu.vector_load_idx %arg8[%add3A_921, %add3A_1170] : memref<128x64xf32, #tpu.memory_space<vmem>>[vector<16xi32>, vector<16xi32>], vector<16xf32>,
        %gather3A_1177 = tpu.vector_load_idx %arg8[%add3A_921, %add3A_1173] : memref<128x64xf32, #tpu.memory_space<vmem>>[vector<16xi32>, vector<16xi32>], vector<16xf32>,
        tpu.vector_store_idx %arg10[%add3A_1164, %add3A_921], %gather3A_1174 : memref<64x128xf32, #tpu.memory_space<vmem>>[vector<16xi32>, vector<16xi32>], vector<16xf32>,
        tpu.vector_store_idx %arg10[%add3A_1167, %add3A_921], %gather3A_1175 : memref<64x128xf32, #tpu.memory_space<vmem>>[vector<16xi32>, vector<16xi32>], vector<16xf32>,
        tpu.vector_store_idx %arg10[%add3A_1170, %add3A_921], %gather3A_1176 : memref<64x128xf32, #tpu.memory_space<vmem>>[vector<16xi32>, vector<16xi32>], vector<16xf32>,
        tpu.vector_store_idx %arg10[%add3A_1173, %add3A_921], %gather3A_1177 : memref<64x128xf32, #tpu.memory_space<vmem>>[vector<16xi32>, vector<16xi32>], vector<16xf32>,
        %scan3A_1178 = arith.constant 0 : i32
        scf.yield %scan3A_1178 : i32
      }
      %scan3A_746 = arith.constant 8 : i32
      %mul3A_747 = arith.constant 8 : i32
      %mul3A_748 = arith.muli %add3A_718, %mul3A_747 : i32
      %add3A_749 = arith.constant 0 : i32
      %add3A_750 = arith.addi %mul3A_748, %add3A_749 : i32
      %mul3A_751 = arith.constant 8 : i32
      %mul3A_752 = arith.muli %add3A_718, %mul3A_751 : i32
      %add3A_753 = arith.constant 1 : i32
      %add3A_754 = arith.addi %mul3A_752, %add3A_753 : i32
      %mul3A_755 = arith.constant 8 : i32
      %mul3A_756 = arith.muli %add3A_718, %mul3A_755 : i32
      %add3A_757 = arith.constant 2 : i32
      %add3A_758 = arith.addi %mul3A_756, %add3A_757 : i32
      %mul3A_759 = arith.constant 8 : i32
      %mul3A_760 = arith.muli %add3A_718, %mul3A_759 : i32
      %add3A_761 = arith.constant 3 : i32
      %add3A_762 = arith.addi %mul3A_760, %add3A_761 : i32
      %mul3A_763 = arith.constant 8 : i32
      %mul3A_764 = arith.muli %add3A_718, %mul3A_763 : i32
      %add3A_765 = arith.constant 4 : i32
      %add3A_766 = arith.addi %mul3A_764, %add3A_765 : i32
      %mul3A_767 = arith.constant 8 : i32
      %mul3A_768 = arith.muli %add3A_718, %mul3A_767 : i32
      %add3A_769 = arith.constant 5 : i32
      %add3A_770 = arith.addi %mul3A_768, %add3A_769 : i32
      %mul3A_771 = arith.constant 8 : i32
      %mul3A_772 = arith.muli %add3A_718, %mul3A_771 : i32
      %add3A_773 = arith.constant 6 : i32
      %add3A_774 = arith.addi %mul3A_772, %add3A_773 : i32
      %mul3A_775 = arith.constant 8 : i32
      %mul3A_776 = arith.muli %add3A_718, %mul3A_775 : i32
      %add3A_777 = arith.constant 7 : i32
      %add3A_778 = arith.addi %mul3A_776, %add3A_777 : i32
      %dma_start3A_779 = arith.constant 1 : i32
      %dma_start3A_780 = arith.constant 0 : i32
      %dma_start3A_781 = arith.constant 0 : i32
      %dma_start3A_782 = tpu.memref_slice %arg10[%dma_start3A_780, %dma_start3A_781] : memref<64x128xf32, #tpu.memory_space<vmem>> -> memref<8x128xf32, #tpu.memory_space<vmem>>
      %dma_start3A_783 = arith.constant 0 : i32
      %dma_start3A_784 = arith.constant 0 : i32
      %dma_start3A_785 = tpu.memref_slice %arg4[%add3A_750, %add3A, %dma_start3A_783, %dma_start3A_784] : memref<400x32x8x128xf32, #tpu.memory_space<hbm>> -> memref<1x1x8x128xf32, #tpu.memory_space<hbm>>
      %dma_start3A_786 = tpu.memref_squeeze %dma_start3A_785 : memref<1x1x8x128xf32, #tpu.memory_space<hbm>> -> memref<8x128xf32, #tpu.memory_space<hbm>>
      %dma_start3A_787 = tpu.memref_slice %arg12[%dma_start3A_779] : memref<2x!tpu.dma_semaphore, #tpu.memory_space<semaphore_mem>> -> memref<1x!tpu.dma_semaphore, #tpu.memory_space<semaphore_mem>>
      %dma_start3A_788 = tpu.memref_squeeze %dma_start3A_787 : memref<1x!tpu.dma_semaphore, #tpu.memory_space<semaphore_mem>> -> memref<!tpu.dma_semaphore, #tpu.memory_space<semaphore_mem>>
      %dma_start3A_789 = arith.constant 0 : i32
      %dma_start3A_790 = arith.constant 0 : i32
      %dma_start3A_791 = tpu.memref_slice %arg4[%add3A_750, %add3A, %dma_start3A_789, %dma_start3A_790] : memref<400x32x8x128xf32, #tpu.memory_space<hbm>> -> memref<1x1x8x128xf32, #tpu.memory_space<hbm>>
      %dma_start3A_792 = tpu.memref_squeeze %dma_start3A_791 : memref<1x1x8x128xf32, #tpu.memory_space<hbm>> -> memref<8x128xf32, #tpu.memory_space<hbm>>
      %dma_start3A_793 = arith.constant 0 : i32
      %dma_start3A_794 = arith.constant 0 : i32
      %dma_start3A_795 = tpu.memref_slice %arg10[%dma_start3A_793, %dma_start3A_794] : memref<64x128xf32, #tpu.memory_space<vmem>> -> memref<8x128xf32, #tpu.memory_space<vmem>>
      tpu.enqueue_dma source(%dma_start3A_795 : memref<8x128xf32, #tpu.memory_space<vmem>>) target(%dma_start3A_792 : memref<8x128xf32, #tpu.memory_space<hbm>>) target_semaphore(%dma_start3A_788 : memref<!tpu.dma_semaphore, #tpu.memory_space<semaphore_mem>>)
      %dma_start3A_796 = arith.constant 1 : i32
      %dma_start3A_797 = arith.constant 8 : i32
      %dma_start3A_798 = arith.constant 0 : i32
      %dma_start3A_799 = tpu.memref_slice %arg10[%dma_start3A_797, %dma_start3A_798] : memref<64x128xf32, #tpu.memory_space<vmem>> -> memref<8x128xf32, #tpu.memory_space<vmem>>
      %dma_start3A_800 = arith.constant 0 : i32
      %dma_start3A_801 = arith.constant 0 : i32
      %dma_start3A_802 = tpu.memref_slice %arg4[%add3A_754, %add3A, %dma_start3A_800, %dma_start3A_801] : memref<400x32x8x128xf32, #tpu.memory_space<hbm>> -> memref<1x1x8x128xf32, #tpu.memory_space<hbm>>
      %dma_start3A_803 = tpu.memref_squeeze %dma_start3A_802 : memref<1x1x8x128xf32, #tpu.memory_space<hbm>> -> memref<8x128xf32, #tpu.memory_space<hbm>>
      %dma_start3A_804 = tpu.memref_slice %arg12[%dma_start3A_796] : memref<2x!tpu.dma_semaphore, #tpu.memory_space<semaphore_mem>> -> memref<1x!tpu.dma_semaphore, #tpu.memory_space<semaphore_mem>>
      %dma_start3A_805 = tpu.memref_squeeze %dma_start3A_804 : memref<1x!tpu.dma_semaphore, #tpu.memory_space<semaphore_mem>> -> memref<!tpu.dma_semaphore, #tpu.memory_space<semaphore_mem>>
      %dma_start3A_806 = arith.constant 0 : i32
      %dma_start3A_807 = arith.constant 0 : i32
      %dma_start3A_808 = tpu.memref_slice %arg4[%add3A_754, %add3A, %dma_start3A_806, %dma_start3A_807] : memref<400x32x8x128xf32, #tpu.memory_space<hbm>> -> memref<1x1x8x128xf32, #tpu.memory_space<hbm>>
      %dma_start3A_809 = tpu.memref_squeeze %dma_start3A_808 : memref<1x1x8x128xf32, #tpu.memory_space<hbm>> -> memref<8x128xf32, #tpu.memory_space<hbm>>
      %dma_start3A_810 = arith.constant 8 : i32
      %dma_start3A_811 = arith.constant 0 : i32
      %dma_start3A_812 = tpu.memref_slice %arg10[%dma_start3A_810, %dma_start3A_811] : memref<64x128xf32, #tpu.memory_space<vmem>> -> memref<8x128xf32, #tpu.memory_space<vmem>>
      tpu.enqueue_dma source(%dma_start3A_812 : memref<8x128xf32, #tpu.memory_space<vmem>>) target(%dma_start3A_809 : memref<8x128xf32, #tpu.memory_space<hbm>>) target_semaphore(%dma_start3A_805 : memref<!tpu.dma_semaphore, #tpu.memory_space<semaphore_mem>>)
      %dma_start3A_813 = arith.constant 1 : i32
      %dma_start3A_814 = arith.constant 16 : i32
      %dma_start3A_815 = arith.constant 0 : i32
      %dma_start3A_816 = tpu.memref_slice %arg10[%dma_start3A_814, %dma_start3A_815] : memref<64x128xf32, #tpu.memory_space<vmem>> -> memref<8x128xf32, #tpu.memory_space<vmem>>
      %dma_start3A_817 = arith.constant 0 : i32
      %dma_start3A_818 = arith.constant 0 : i32
      %dma_start3A_819 = tpu.memref_slice %arg4[%add3A_758, %add3A, %dma_start3A_817, %dma_start3A_818] : memref<400x32x8x128xf32, #tpu.memory_space<hbm>> -> memref<1x1x8x128xf32, #tpu.memory_space<hbm>>
      %dma_start3A_820 = tpu.memref_squeeze %dma_start3A_819 : memref<1x1x8x128xf32, #tpu.memory_space<hbm>> -> memref<8x128xf32, #tpu.memory_space<hbm>>
      %dma_start3A_821 = tpu.memref_slice %arg12[%dma_start3A_813] : memref<2x!tpu.dma_semaphore, #tpu.memory_space<semaphore_mem>> -> memref<1x!tpu.dma_semaphore, #tpu.memory_space<semaphore_mem>>
      %dma_start3A_822 = tpu.memref_squeeze %dma_start3A_821 : memref<1x!tpu.dma_semaphore, #tpu.memory_space<semaphore_mem>> -> memref<!tpu.dma_semaphore, #tpu.memory_space<semaphore_mem>>
      %dma_start3A_823 = arith.constant 0 : i32
      %dma_start3A_824 = arith.constant 0 : i32
      %dma_start3A_825 = tpu.memref_slice %arg4[%add3A_758, %add3A, %dma_start3A_823, %dma_start3A_824] : memref<400x32x8x128xf32, #tpu.memory_space<hbm>> -> memref<1x1x8x128xf32, #tpu.memory_space<hbm>>
      %dma_start3A_826 = tpu.memref_squeeze %dma_start3A_825 : memref<1x1x8x128xf32, #tpu.memory_space<hbm>> -> memref<8x128xf32, #tpu.memory_space<hbm>>
      %dma_start3A_827 = arith.constant 16 : i32
      %dma_start3A_828 = arith.constant 0 : i32
      %dma_start3A_829 = tpu.memref_slice %arg10[%dma_start3A_827, %dma_start3A_828] : memref<64x128xf32, #tpu.memory_space<vmem>> -> memref<8x128xf32, #tpu.memory_space<vmem>>
      tpu.enqueue_dma source(%dma_start3A_829 : memref<8x128xf32, #tpu.memory_space<vmem>>) target(%dma_start3A_826 : memref<8x128xf32, #tpu.memory_space<hbm>>) target_semaphore(%dma_start3A_822 : memref<!tpu.dma_semaphore, #tpu.memory_space<semaphore_mem>>)
      %dma_start3A_830 = arith.constant 1 : i32
      %dma_start3A_831 = arith.constant 24 : i32
      %dma_start3A_832 = arith.constant 0 : i32
      %dma_start3A_833 = tpu.memref_slice %arg10[%dma_start3A_831, %dma_start3A_832] : memref<64x128xf32, #tpu.memory_space<vmem>> -> memref<8x128xf32, #tpu.memory_space<vmem>>
      %dma_start3A_834 = arith.constant 0 : i32
      %dma_start3A_835 = arith.constant 0 : i32
      %dma_start3A_836 = tpu.memref_slice %arg4[%add3A_762, %add3A, %dma_start3A_834, %dma_start3A_835] : memref<400x32x8x128xf32, #tpu.memory_space<hbm>> -> memref<1x1x8x128xf32, #tpu.memory_space<hbm>>
      %dma_start3A_837 = tpu.memref_squeeze %dma_start3A_836 : memref<1x1x8x128xf32, #tpu.memory_space<hbm>> -> memref<8x128xf32, #tpu.memory_space<hbm>>
      %dma_start3A_838 = tpu.memref_slice %arg12[%dma_start3A_830] : memref<2x!tpu.dma_semaphore, #tpu.memory_space<semaphore_mem>> -> memref<1x!tpu.dma_semaphore, #tpu.memory_space<semaphore_mem>>
      %dma_start3A_839 = tpu.memref_squeeze %dma_start3A_838 : memref<1x!tpu.dma_semaphore, #tpu.memory_space<semaphore_mem>> -> memref<!tpu.dma_semaphore, #tpu.memory_space<semaphore_mem>>
      %dma_start3A_840 = arith.constant 0 : i32
      %dma_start3A_841 = arith.constant 0 : i32
      %dma_start3A_842 = tpu.memref_slice %arg4[%add3A_762, %add3A, %dma_start3A_840, %dma_start3A_841] : memref<400x32x8x128xf32, #tpu.memory_space<hbm>> -> memref<1x1x8x128xf32, #tpu.memory_space<hbm>>
      %dma_start3A_843 = tpu.memref_squeeze %dma_start3A_842 : memref<1x1x8x128xf32, #tpu.memory_space<hbm>> -> memref<8x128xf32, #tpu.memory_space<hbm>>
      %dma_start3A_844 = arith.constant 24 : i32
      %dma_start3A_845 = arith.constant 0 : i32
      %dma_start3A_846 = tpu.memref_slice %arg10[%dma_start3A_844, %dma_start3A_845] : memref<64x128xf32, #tpu.memory_space<vmem>> -> memref<8x128xf32, #tpu.memory_space<vmem>>
      tpu.enqueue_dma source(%dma_start3A_846 : memref<8x128xf32, #tpu.memory_space<vmem>>) target(%dma_start3A_843 : memref<8x128xf32, #tpu.memory_space<hbm>>) target_semaphore(%dma_start3A_839 : memref<!tpu.dma_semaphore, #tpu.memory_space<semaphore_mem>>)
      %dma_start3A_847 = arith.constant 1 : i32
      %dma_start3A_848 = arith.constant 32 : i32
      %dma_start3A_849 = arith.constant 0 : i32
      %dma_start3A_850 = tpu.memref_slice %arg10[%dma_start3A_848, %dma_start3A_849] : memref<64x128xf32, #tpu.memory_space<vmem>> -> memref<8x128xf32, #tpu.memory_space<vmem>>
      %dma_start3A_851 = arith.constant 0 : i32
      %dma_start3A_852 = arith.constant 0 : i32
      %dma_start3A_853 = tpu.memref_slice %arg4[%add3A_766, %add3A, %dma_start3A_851, %dma_start3A_852] : memref<400x32x8x128xf32, #tpu.memory_space<hbm>> -> memref<1x1x8x128xf32, #tpu.memory_space<hbm>>
      %dma_start3A_854 = tpu.memref_squeeze %dma_start3A_853 : memref<1x1x8x128xf32, #tpu.memory_space<hbm>> -> memref<8x128xf32, #tpu.memory_space<hbm>>
      %dma_start3A_855 = tpu.memref_slice %arg12[%dma_start3A_847] : memref<2x!tpu.dma_semaphore, #tpu.memory_space<semaphore_mem>> -> memref<1x!tpu.dma_semaphore, #tpu.memory_space<semaphore_mem>>
      %dma_start3A_856 = tpu.memref_squeeze %dma_start3A_855 : memref<1x!tpu.dma_semaphore, #tpu.memory_space<semaphore_mem>> -> memref<!tpu.dma_semaphore, #tpu.memory_space<semaphore_mem>>
      %dma_start3A_857 = arith.constant 0 : i32
      %dma_start3A_858 = arith.constant 0 : i32
      %dma_start3A_859 = tpu.memref_slice %arg4[%add3A_766, %add3A, %dma_start3A_857, %dma_start3A_858] : memref<400x32x8x128xf32, #tpu.memory_space<hbm>> -> memref<1x1x8x128xf32, #tpu.memory_space<hbm>>
      %dma_start3A_860 = tpu.memref_squeeze %dma_start3A_859 : memref<1x1x8x128xf32, #tpu.memory_space<hbm>> -> memref<8x128xf32, #tpu.memory_space<hbm>>
      %dma_start3A_861 = arith.constant 32 : i32
      %dma_start3A_862 = arith.constant 0 : i32
      %dma_start3A_863 = tpu.memref_slice %arg10[%dma_start3A_861, %dma_start3A_862] : memref<64x128xf32, #tpu.memory_space<vmem>> -> memref<8x128xf32, #tpu.memory_space<vmem>>
      tpu.enqueue_dma source(%dma_start3A_863 : memref<8x128xf32, #tpu.memory_space<vmem>>) target(%dma_start3A_860 : memref<8x128xf32, #tpu.memory_space<hbm>>) target_semaphore(%dma_start3A_856 : memref<!tpu.dma_semaphore, #tpu.memory_space<semaphore_mem>>)
      %dma_start3A_864 = arith.constant 1 : i32
      %dma_start3A_865 = arith.constant 40 : i32
      %dma_start3A_866 = arith.constant 0 : i32
      %dma_start3A_867 = tpu.memref_slice %arg10[%dma_start3A_865, %dma_start3A_866] : memref<64x128xf32, #tpu.memory_space<vmem>> -> memref<8x128xf32, #tpu.memory_space<vmem>>
      %dma_start3A_868 = arith.constant 0 : i32
      %dma_start3A_869 = arith.constant 0 : i32
      %dma_start3A_870 = tpu.memref_slice %arg4[%add3A_770, %add3A, %dma_start3A_868, %dma_start3A_869] : memref<400x32x8x128xf32, #tpu.memory_space<hbm>> -> memref<1x1x8x128xf32, #tpu.memory_space<hbm>>
      %dma_start3A_871 = tpu.memref_squeeze %dma_start3A_870 : memref<1x1x8x128xf32, #tpu.memory_space<hbm>> -> memref<8x128xf32, #tpu.memory_space<hbm>>
      %dma_start3A_872 = tpu.memref_slice %arg12[%dma_start3A_864] : memref<2x!tpu.dma_semaphore, #tpu.memory_space<semaphore_mem>> -> memref<1x!tpu.dma_semaphore, #tpu.memory_space<semaphore_mem>>
      %dma_start3A_873 = tpu.memref_squeeze %dma_start3A_872 : memref<1x!tpu.dma_semaphore, #tpu.memory_space<semaphore_mem>> -> memref<!tpu.dma_semaphore, #tpu.memory_space<semaphore_mem>>
      %dma_start3A_874 = arith.constant 0 : i32
      %dma_start3A_875 = arith.constant 0 : i32
      %dma_start3A_876 = tpu.memref_slice %arg4[%add3A_770, %add3A, %dma_start3A_874, %dma_start3A_875] : memref<400x32x8x128xf32, #tpu.memory_space<hbm>> -> memref<1x1x8x128xf32, #tpu.memory_space<hbm>>
      %dma_start3A_877 = tpu.memref_squeeze %dma_start3A_876 : memref<1x1x8x128xf32, #tpu.memory_space<hbm>> -> memref<8x128xf32, #tpu.memory_space<hbm>>
      %dma_start3A_878 = arith.constant 40 : i32
      %dma_start3A_879 = arith.constant 0 : i32
      %dma_start3A_880 = tpu.memref_slice %arg10[%dma_start3A_878, %dma_start3A_879] : memref<64x128xf32, #tpu.memory_space<vmem>> -> memref<8x128xf32, #tpu.memory_space<vmem>>
      tpu.enqueue_dma source(%dma_start3A_880 : memref<8x128xf32, #tpu.memory_space<vmem>>) target(%dma_start3A_877 : memref<8x128xf32, #tpu.memory_space<hbm>>) target_semaphore(%dma_start3A_873 : memref<!tpu.dma_semaphore, #tpu.memory_space<semaphore_mem>>)
      %dma_start3A_881 = arith.constant 1 : i32
      %dma_start3A_882 = arith.constant 48 : i32
      %dma_start3A_883 = arith.constant 0 : i32
      %dma_start3A_884 = tpu.memref_slice %arg10[%dma_start3A_882, %dma_start3A_883] : memref<64x128xf32, #tpu.memory_space<vmem>> -> memref<8x128xf32, #tpu.memory_space<vmem>>
      %dma_start3A_885 = arith.constant 0 : i32
      %dma_start3A_886 = arith.constant 0 : i32
      %dma_start3A_887 = tpu.memref_slice %arg4[%add3A_774, %add3A, %dma_start3A_885, %dma_start3A_886] : memref<400x32x8x128xf32, #tpu.memory_space<hbm>> -> memref<1x1x8x128xf32, #tpu.memory_space<hbm>>
      %dma_start3A_888 = tpu.memref_squeeze %dma_start3A_887 : memref<1x1x8x128xf32, #tpu.memory_space<hbm>> -> memref<8x128xf32, #tpu.memory_space<hbm>>
      %dma_start3A_889 = tpu.memref_slice %arg12[%dma_start3A_881] : memref<2x!tpu.dma_semaphore, #tpu.memory_space<semaphore_mem>> -> memref<1x!tpu.dma_semaphore, #tpu.memory_space<semaphore_mem>>
      %dma_start3A_890 = tpu.memref_squeeze %dma_start3A_889 : memref<1x!tpu.dma_semaphore, #tpu.memory_space<semaphore_mem>> -> memref<!tpu.dma_semaphore, #tpu.memory_space<semaphore_mem>>
      %dma_start3A_891 = arith.constant 0 : i32
      %dma_start3A_892 = arith.constant 0 : i32
      %dma_start3A_893 = tpu.memref_slice %arg4[%add3A_774, %add3A, %dma_start3A_891, %dma_start3A_892] : memref<400x32x8x128xf32, #tpu.memory_space<hbm>> -> memref<1x1x8x128xf32, #tpu.memory_space<hbm>>
      %dma_start3A_894 = tpu.memref_squeeze %dma_start3A_893 : memref<1x1x8x128xf32, #tpu.memory_space<hbm>> -> memref<8x128xf32, #tpu.memory_space<hbm>>
      %dma_start3A_895 = arith.constant 48 : i32
      %dma_start3A_896 = arith.constant 0 : i32
      %dma_start3A_897 = tpu.memref_slice %arg10[%dma_start3A_895, %dma_start3A_896] : memref<64x128xf32, #tpu.memory_space<vmem>> -> memref<8x128xf32, #tpu.memory_space<vmem>>
      tpu.enqueue_dma source(%dma_start3A_897 : memref<8x128xf32, #tpu.memory_space<vmem>>) target(%dma_start3A_894 : memref<8x128xf32, #tpu.memory_space<hbm>>) target_semaphore(%dma_start3A_890 : memref<!tpu.dma_semaphore, #tpu.memory_space<semaphore_mem>>)
      %dma_start3A_898 = arith.constant 1 : i32
      %dma_start3A_899 = arith.constant 56 : i32
      %dma_start3A_900 = arith.constant 0 : i32
      %dma_start3A_901 = tpu.memref_slice %arg10[%dma_start3A_899, %dma_start3A_900] : memref<64x128xf32, #tpu.memory_space<vmem>> -> memref<8x128xf32, #tpu.memory_space<vmem>>
      %dma_start3A_902 = arith.constant 0 : i32
      %dma_start3A_903 = arith.constant 0 : i32
      %dma_start3A_904 = tpu.memref_slice %arg4[%add3A_778, %add3A, %dma_start3A_902, %dma_start3A_903] : memref<400x32x8x128xf32, #tpu.memory_space<hbm>> -> memref<1x1x8x128xf32, #tpu.memory_space<hbm>>
      %dma_start3A_905 = tpu.memref_squeeze %dma_start3A_904 : memref<1x1x8x128xf32, #tpu.memory_space<hbm>> -> memref<8x128xf32, #tpu.memory_space<hbm>>
      %dma_start3A_906 = tpu.memref_slice %arg12[%dma_start3A_898] : memref<2x!tpu.dma_semaphore, #tpu.memory_space<semaphore_mem>> -> memref<1x!tpu.dma_semaphore, #tpu.memory_space<semaphore_mem>>
      %dma_start3A_907 = tpu.memref_squeeze %dma_start3A_906 : memref<1x!tpu.dma_semaphore, #tpu.memory_space<semaphore_mem>> -> memref<!tpu.dma_semaphore, #tpu.memory_space<semaphore_mem>>
      %dma_start3A_908 = arith.constant 0 : i32
      %dma_start3A_909 = arith.constant 0 : i32
      %dma_start3A_910 = tpu.memref_slice %arg4[%add3A_778, %add3A, %dma_start3A_908, %dma_start3A_909] : memref<400x32x8x128xf32, #tpu.memory_space<hbm>> -> memref<1x1x8x128xf32, #tpu.memory_space<hbm>>
      %dma_start3A_911 = tpu.memref_squeeze %dma_start3A_910 : memref<1x1x8x128xf32, #tpu.memory_space<hbm>> -> memref<8x128xf32, #tpu.memory_space<hbm>>
      %dma_start3A_912 = arith.constant 56 : i32
      %dma_start3A_913 = arith.constant 0 : i32
      %dma_start3A_914 = tpu.memref_slice %arg10[%dma_start3A_912, %dma_start3A_913] : memref<64x128xf32, #tpu.memory_space<vmem>> -> memref<8x128xf32, #tpu.memory_space<vmem>>
      tpu.enqueue_dma source(%dma_start3A_914 : memref<8x128xf32, #tpu.memory_space<vmem>>) target(%dma_start3A_911 : memref<8x128xf32, #tpu.memory_space<hbm>>) target_semaphore(%dma_start3A_907 : memref<!tpu.dma_semaphore, #tpu.memory_space<semaphore_mem>>)
      %scan3A_915 = arith.constant 0 : i32
      scf.yield %scan3A_915 : i32
    }
    %scan3A_231 = arith.constant 25 : i32
    %dma_wait3A = arith.constant 384 : i32
    %dma_wait3A_232 = arith.constant 0 : i32
    %dma_wait3A_233 = arith.constant 0 : i32
    %dma_wait3A_234 = arith.constant 0 : i32
    %dma_wait3A_235 = tpu.memref_slice %arg9[%dma_wait3A_233, %dma_wait3A_234] : memref<64x128xf32, #tpu.memory_space<vmem>> -> memref<8x128xf32, #tpu.memory_space<vmem>>
    %dma_wait3A_236 = arith.constant 0 : i32
    %dma_wait3A_237 = arith.constant 0 : i32
    %dma_wait3A_238 = tpu.memref_slice %arg4[%dma_wait3A, %add3A, %dma_wait3A_236, %dma_wait3A_237] : memref<400x32x8x128xf32, #tpu.memory_space<hbm>> -> memref<1x1x8x128xf32, #tpu.memory_space<hbm>>
    %dma_wait3A_239 = tpu.memref_squeeze %dma_wait3A_238 : memref<1x1x8x128xf32, #tpu.memory_space<hbm>> -> memref<8x128xf32, #tpu.memory_space<hbm>>
    %dma_wait3A_240 = tpu.memref_slice %arg12[%dma_wait3A_232] : memref<2x!tpu.dma_semaphore, #tpu.memory_space<semaphore_mem>> -> memref<1x!tpu.dma_semaphore, #tpu.memory_space<semaphore_mem>>
    %dma_wait3A_241 = tpu.memref_squeeze %dma_wait3A_240 : memref<1x!tpu.dma_semaphore, #tpu.memory_space<semaphore_mem>> -> memref<!tpu.dma_semaphore, #tpu.memory_space<semaphore_mem>>
    %dma_wait3A_242 = arith.constant 0 : i32
    %dma_wait3A_243 = arith.constant 0 : i32
    %dma_wait3A_244 = tpu.memref_slice %arg4[%dma_wait3A, %add3A, %dma_wait3A_242, %dma_wait3A_243] : memref<400x32x8x128xf32, #tpu.memory_space<hbm>> -> memref<1x1x8x128xf32, #tpu.memory_space<hbm>>
    %dma_wait3A_245 = tpu.memref_squeeze %dma_wait3A_244 : memref<1x1x8x128xf32, #tpu.memory_space<hbm>> -> memref<8x128xf32, #tpu.memory_space<hbm>>
    %dma_wait3A_246 = arith.constant 0 : i32
    %dma_wait3A_247 = arith.constant 0 : i32
    %dma_wait3A_248 = tpu.memref_slice %arg9[%dma_wait3A_246, %dma_wait3A_247] : memref<64x128xf32, #tpu.memory_space<vmem>> -> memref<8x128xf32, #tpu.memory_space<vmem>>
    tpu.wait_dma2 semaphore(%dma_wait3A_241 : memref<!tpu.dma_semaphore, #tpu.memory_space<semaphore_mem>>) src(%dma_wait3A_248 : memref<8x128xf32, #tpu.memory_space<vmem>>) dst(%dma_wait3A_245 : memref<8x128xf32, #tpu.memory_space<hbm>>)
    %dma_wait3A_249 = arith.constant 385 : i32
    %dma_wait3A_250 = arith.constant 0 : i32
    %dma_wait3A_251 = arith.constant 8 : i32
    %dma_wait3A_252 = arith.constant 0 : i32
    %dma_wait3A_253 = tpu.memref_slice %arg9[%dma_wait3A_251, %dma_wait3A_252] : memref<64x128xf32, #tpu.memory_space<vmem>> -> memref<8x128xf32, #tpu.memory_space<vmem>>
    %dma_wait3A_254 = arith.constant 0 : i32
    %dma_wait3A_255 = arith.constant 0 : i32
    %dma_wait3A_256 = tpu.memref_slice %arg4[%dma_wait3A_249, %add3A, %dma_wait3A_254, %dma_wait3A_255] : memref<400x32x8x128xf32, #tpu.memory_space<hbm>> -> memref<1x1x8x128xf32, #tpu.memory_space<hbm>>
    %dma_wait3A_257 = tpu.memref_squeeze %dma_wait3A_256 : memref<1x1x8x128xf32, #tpu.memory_space<hbm>> -> memref<8x128xf32, #tpu.memory_space<hbm>>
    %dma_wait3A_258 = tpu.memref_slice %arg12[%dma_wait3A_250] : memref<2x!tpu.dma_semaphore, #tpu.memory_space<semaphore_mem>> -> memref<1x!tpu.dma_semaphore, #tpu.memory_space<semaphore_mem>>
    %dma_wait3A_259 = tpu.memref_squeeze %dma_wait3A_258 : memref<1x!tpu.dma_semaphore, #tpu.memory_space<semaphore_mem>> -> memref<!tpu.dma_semaphore, #tpu.memory_space<semaphore_mem>>
    %dma_wait3A_260 = arith.constant 0 : i32
    %dma_wait3A_261 = arith.constant 0 : i32
    %dma_wait3A_262 = tpu.memref_slice %arg4[%dma_wait3A_249, %add3A, %dma_wait3A_260, %dma_wait3A_261] : memref<400x32x8x128xf32, #tpu.memory_space<hbm>> -> memref<1x1x8x128xf32, #tpu.memory_space<hbm>>
    %dma_wait3A_263 = tpu.memref_squeeze %dma_wait3A_262 : memref<1x1x8x128xf32, #tpu.memory_space<hbm>> -> memref<8x128xf32, #tpu.memory_space<hbm>>
    %dma_wait3A_264 = arith.constant 8 : i32
    %dma_wait3A_265 = arith.constant 0 : i32
    %dma_wait3A_266 = tpu.memref_slice %arg9[%dma_wait3A_264, %dma_wait3A_265] : memref<64x128xf32, #tpu.memory_space<vmem>> -> memref<8x128xf32, #tpu.memory_space<vmem>>
    tpu.wait_dma2 semaphore(%dma_wait3A_259 : memref<!tpu.dma_semaphore, #tpu.memory_space<semaphore_mem>>) src(%dma_wait3A_266 : memref<8x128xf32, #tpu.memory_space<vmem>>) dst(%dma_wait3A_263 : memref<8x128xf32, #tpu.memory_space<hbm>>)
    %dma_wait3A_267 = arith.constant 386 : i32
    %dma_wait3A_268 = arith.constant 0 : i32
    %dma_wait3A_269 = arith.constant 16 : i32
    %dma_wait3A_270 = arith.constant 0 : i32
    %dma_wait3A_271 = tpu.memref_slice %arg9[%dma_wait3A_269, %dma_wait3A_270] : memref<64x128xf32, #tpu.memory_space<vmem>> -> memref<8x128xf32, #tpu.memory_space<vmem>>
    %dma_wait3A_272 = arith.constant 0 : i32
    %dma_wait3A_273 = arith.constant 0 : i32
    %dma_wait3A_274 = tpu.memref_slice %arg4[%dma_wait3A_267, %add3A, %dma_wait3A_272, %dma_wait3A_273] : memref<400x32x8x128xf32, #tpu.memory_space<hbm>> -> memref<1x1x8x128xf32, #tpu.memory_space<hbm>>
    %dma_wait3A_275 = tpu.memref_squeeze %dma_wait3A_274 : memref<1x1x8x128xf32, #tpu.memory_space<hbm>> -> memref<8x128xf32, #tpu.memory_space<hbm>>
    %dma_wait3A_276 = tpu.memref_slice %arg12[%dma_wait3A_268] : memref<2x!tpu.dma_semaphore, #tpu.memory_space<semaphore_mem>> -> memref<1x!tpu.dma_semaphore, #tpu.memory_space<semaphore_mem>>
    %dma_wait3A_277 = tpu.memref_squeeze %dma_wait3A_276 : memref<1x!tpu.dma_semaphore, #tpu.memory_space<semaphore_mem>> -> memref<!tpu.dma_semaphore, #tpu.memory_space<semaphore_mem>>
    %dma_wait3A_278 = arith.constant 0 : i32
    %dma_wait3A_279 = arith.constant 0 : i32
    %dma_wait3A_280 = tpu.memref_slice %arg4[%dma_wait3A_267, %add3A, %dma_wait3A_278, %dma_wait3A_279] : memref<400x32x8x128xf32, #tpu.memory_space<hbm>> -> memref<1x1x8x128xf32, #tpu.memory_space<hbm>>
    %dma_wait3A_281 = tpu.memref_squeeze %dma_wait3A_280 : memref<1x1x8x128xf32, #tpu.memory_space<hbm>> -> memref<8x128xf32, #tpu.memory_space<hbm>>
    %dma_wait3A_282 = arith.constant 16 : i32
    %dma_wait3A_283 = arith.constant 0 : i32
    %dma_wait3A_284 = tpu.memref_slice %arg9[%dma_wait3A_282, %dma_wait3A_283] : memref<64x128xf32, #tpu.memory_space<vmem>> -> memref<8x128xf32, #tpu.memory_space<vmem>>
    tpu.wait_dma2 semaphore(%dma_wait3A_277 : memref<!tpu.dma_semaphore, #tpu.memory_space<semaphore_mem>>) src(%dma_wait3A_284 : memref<8x128xf32, #tpu.memory_space<vmem>>) dst(%dma_wait3A_281 : memref<8x128xf32, #tpu.memory_space<hbm>>)
    %dma_wait3A_285 = arith.constant 387 : i32
    %dma_wait3A_286 = arith.constant 0 : i32
    %dma_wait3A_287 = arith.constant 24 : i32
    %dma_wait3A_288 = arith.constant 0 : i32
    %dma_wait3A_289 = tpu.memref_slice %arg9[%dma_wait3A_287, %dma_wait3A_288] : memref<64x128xf32, #tpu.memory_space<vmem>> -> memref<8x128xf32, #tpu.memory_space<vmem>>
    %dma_wait3A_290 = arith.constant 0 : i32
    %dma_wait3A_291 = arith.constant 0 : i32
    %dma_wait3A_292 = tpu.memref_slice %arg4[%dma_wait3A_285, %add3A, %dma_wait3A_290, %dma_wait3A_291] : memref<400x32x8x128xf32, #tpu.memory_space<hbm>> -> memref<1x1x8x128xf32, #tpu.memory_space<hbm>>
    %dma_wait3A_293 = tpu.memref_squeeze %dma_wait3A_292 : memref<1x1x8x128xf32, #tpu.memory_space<hbm>> -> memref<8x128xf32, #tpu.memory_space<hbm>>
    %dma_wait3A_294 = tpu.memref_slice %arg12[%dma_wait3A_286] : memref<2x!tpu.dma_semaphore, #tpu.memory_space<semaphore_mem>> -> memref<1x!tpu.dma_semaphore, #tpu.memory_space<semaphore_mem>>
    %dma_wait3A_295 = tpu.memref_squeeze %dma_wait3A_294 : memref<1x!tpu.dma_semaphore, #tpu.memory_space<semaphore_mem>> -> memref<!tpu.dma_semaphore, #tpu.memory_space<semaphore_mem>>
    %dma_wait3A_296 = arith.constant 0 : i32
    %dma_wait3A_297 = arith.constant 0 : i32
    %dma_wait3A_298 = tpu.memref_slice %arg4[%dma_wait3A_285, %add3A, %dma_wait3A_296, %dma_wait3A_297] : memref<400x32x8x128xf32, #tpu.memory_space<hbm>> -> memref<1x1x8x128xf32, #tpu.memory_space<hbm>>
    %dma_wait3A_299 = tpu.memref_squeeze %dma_wait3A_298 : memref<1x1x8x128xf32, #tpu.memory_space<hbm>> -> memref<8x128xf32, #tpu.memory_space<hbm>>
    %dma_wait3A_300 = arith.constant 24 : i32
    %dma_wait3A_301 = arith.constant 0 : i32
    %dma_wait3A_302 = tpu.memref_slice %arg9[%dma_wait3A_300, %dma_wait3A_301] : memref<64x128xf32, #tpu.memory_space<vmem>> -> memref<8x128xf32, #tpu.memory_space<vmem>>
    tpu.wait_dma2 semaphore(%dma_wait3A_295 : memref<!tpu.dma_semaphore, #tpu.memory_space<semaphore_mem>>) src(%dma_wait3A_302 : memref<8x128xf32, #tpu.memory_space<vmem>>) dst(%dma_wait3A_299 : memref<8x128xf32, #tpu.memory_space<hbm>>)
    %dma_wait3A_303 = arith.constant 388 : i32
    %dma_wait3A_304 = arith.constant 0 : i32
    %dma_wait3A_305 = arith.constant 32 : i32
    %dma_wait3A_306 = arith.constant 0 : i32
    %dma_wait3A_307 = tpu.memref_slice %arg9[%dma_wait3A_305, %dma_wait3A_306] : memref<64x128xf32, #tpu.memory_space<vmem>> -> memref<8x128xf32, #tpu.memory_space<vmem>>
    %dma_wait3A_308 = arith.constant 0 : i32
    %dma_wait3A_309 = arith.constant 0 : i32
    %dma_wait3A_310 = tpu.memref_slice %arg4[%dma_wait3A_303, %add3A, %dma_wait3A_308, %dma_wait3A_309] : memref<400x32x8x128xf32, #tpu.memory_space<hbm>> -> memref<1x1x8x128xf32, #tpu.memory_space<hbm>>
    %dma_wait3A_311 = tpu.memref_squeeze %dma_wait3A_310 : memref<1x1x8x128xf32, #tpu.memory_space<hbm>> -> memref<8x128xf32, #tpu.memory_space<hbm>>
    %dma_wait3A_312 = tpu.memref_slice %arg12[%dma_wait3A_304] : memref<2x!tpu.dma_semaphore, #tpu.memory_space<semaphore_mem>> -> memref<1x!tpu.dma_semaphore, #tpu.memory_space<semaphore_mem>>
    %dma_wait3A_313 = tpu.memref_squeeze %dma_wait3A_312 : memref<1x!tpu.dma_semaphore, #tpu.memory_space<semaphore_mem>> -> memref<!tpu.dma_semaphore, #tpu.memory_space<semaphore_mem>>
    %dma_wait3A_314 = arith.constant 0 : i32
    %dma_wait3A_315 = arith.constant 0 : i32
    %dma_wait3A_316 = tpu.memref_slice %arg4[%dma_wait3A_303, %add3A, %dma_wait3A_314, %dma_wait3A_315] : memref<400x32x8x128xf32, #tpu.memory_space<hbm>> -> memref<1x1x8x128xf32, #tpu.memory_space<hbm>>
    %dma_wait3A_317 = tpu.memref_squeeze %dma_wait3A_316 : memref<1x1x8x128xf32, #tpu.memory_space<hbm>> -> memref<8x128xf32, #tpu.memory_space<hbm>>
    %dma_wait3A_318 = arith.constant 32 : i32
    %dma_wait3A_319 = arith.constant 0 : i32
    %dma_wait3A_320 = tpu.memref_slice %arg9[%dma_wait3A_318, %dma_wait3A_319] : memref<64x128xf32, #tpu.memory_space<vmem>> -> memref<8x128xf32, #tpu.memory_space<vmem>>
    tpu.wait_dma2 semaphore(%dma_wait3A_313 : memref<!tpu.dma_semaphore, #tpu.memory_space<semaphore_mem>>) src(%dma_wait3A_320 : memref<8x128xf32, #tpu.memory_space<vmem>>) dst(%dma_wait3A_317 : memref<8x128xf32, #tpu.memory_space<hbm>>)
    %dma_wait3A_321 = arith.constant 389 : i32
    %dma_wait3A_322 = arith.constant 0 : i32
    %dma_wait3A_323 = arith.constant 40 : i32
    %dma_wait3A_324 = arith.constant 0 : i32
    %dma_wait3A_325 = tpu.memref_slice %arg9[%dma_wait3A_323, %dma_wait3A_324] : memref<64x128xf32, #tpu.memory_space<vmem>> -> memref<8x128xf32, #tpu.memory_space<vmem>>
    %dma_wait3A_326 = arith.constant 0 : i32
    %dma_wait3A_327 = arith.constant 0 : i32
    %dma_wait3A_328 = tpu.memref_slice %arg4[%dma_wait3A_321, %add3A, %dma_wait3A_326, %dma_wait3A_327] : memref<400x32x8x128xf32, #tpu.memory_space<hbm>> -> memref<1x1x8x128xf32, #tpu.memory_space<hbm>>
    %dma_wait3A_329 = tpu.memref_squeeze %dma_wait3A_328 : memref<1x1x8x128xf32, #tpu.memory_space<hbm>> -> memref<8x128xf32, #tpu.memory_space<hbm>>
    %dma_wait3A_330 = tpu.memref_slice %arg12[%dma_wait3A_322] : memref<2x!tpu.dma_semaphore, #tpu.memory_space<semaphore_mem>> -> memref<1x!tpu.dma_semaphore, #tpu.memory_space<semaphore_mem>>
    %dma_wait3A_331 = tpu.memref_squeeze %dma_wait3A_330 : memref<1x!tpu.dma_semaphore, #tpu.memory_space<semaphore_mem>> -> memref<!tpu.dma_semaphore, #tpu.memory_space<semaphore_mem>>
    %dma_wait3A_332 = arith.constant 0 : i32
    %dma_wait3A_333 = arith.constant 0 : i32
    %dma_wait3A_334 = tpu.memref_slice %arg4[%dma_wait3A_321, %add3A, %dma_wait3A_332, %dma_wait3A_333] : memref<400x32x8x128xf32, #tpu.memory_space<hbm>> -> memref<1x1x8x128xf32, #tpu.memory_space<hbm>>
    %dma_wait3A_335 = tpu.memref_squeeze %dma_wait3A_334 : memref<1x1x8x128xf32, #tpu.memory_space<hbm>> -> memref<8x128xf32, #tpu.memory_space<hbm>>
    %dma_wait3A_336 = arith.constant 40 : i32
    %dma_wait3A_337 = arith.constant 0 : i32
    %dma_wait3A_338 = tpu.memref_slice %arg9[%dma_wait3A_336, %dma_wait3A_337] : memref<64x128xf32, #tpu.memory_space<vmem>> -> memref<8x128xf32, #tpu.memory_space<vmem>>
    tpu.wait_dma2 semaphore(%dma_wait3A_331 : memref<!tpu.dma_semaphore, #tpu.memory_space<semaphore_mem>>) src(%dma_wait3A_338 : memref<8x128xf32, #tpu.memory_space<vmem>>) dst(%dma_wait3A_335 : memref<8x128xf32, #tpu.memory_space<hbm>>)
    %dma_wait3A_339 = arith.constant 390 : i32
    %dma_wait3A_340 = arith.constant 0 : i32
    %dma_wait3A_341 = arith.constant 48 : i32
    %dma_wait3A_342 = arith.constant 0 : i32
    %dma_wait3A_343 = tpu.memref_slice %arg9[%dma_wait3A_341, %dma_wait3A_342] : memref<64x128xf32, #tpu.memory_space<vmem>> -> memref<8x128xf32, #tpu.memory_space<vmem>>
    %dma_wait3A_344 = arith.constant 0 : i32
    %dma_wait3A_345 = arith.constant 0 : i32
    %dma_wait3A_346 = tpu.memref_slice %arg4[%dma_wait3A_339, %add3A, %dma_wait3A_344, %dma_wait3A_345] : memref<400x32x8x128xf32, #tpu.memory_space<hbm>> -> memref<1x1x8x128xf32, #tpu.memory_space<hbm>>
    %dma_wait3A_347 = tpu.memref_squeeze %dma_wait3A_346 : memref<1x1x8x128xf32, #tpu.memory_space<hbm>> -> memref<8x128xf32, #tpu.memory_space<hbm>>
    %dma_wait3A_348 = tpu.memref_slice %arg12[%dma_wait3A_340] : memref<2x!tpu.dma_semaphore, #tpu.memory_space<semaphore_mem>> -> memref<1x!tpu.dma_semaphore, #tpu.memory_space<semaphore_mem>>
    %dma_wait3A_349 = tpu.memref_squeeze %dma_wait3A_348 : memref<1x!tpu.dma_semaphore, #tpu.memory_space<semaphore_mem>> -> memref<!tpu.dma_semaphore, #tpu.memory_space<semaphore_mem>>
    %dma_wait3A_350 = arith.constant 0 : i32
    %dma_wait3A_351 = arith.constant 0 : i32
    %dma_wait3A_352 = tpu.memref_slice %arg4[%dma_wait3A_339, %add3A, %dma_wait3A_350, %dma_wait3A_351] : memref<400x32x8x128xf32, #tpu.memory_space<hbm>> -> memref<1x1x8x128xf32, #tpu.memory_space<hbm>>
    %dma_wait3A_353 = tpu.memref_squeeze %dma_wait3A_352 : memref<1x1x8x128xf32, #tpu.memory_space<hbm>> -> memref<8x128xf32, #tpu.memory_space<hbm>>
    %dma_wait3A_354 = arith.constant 48 : i32
    %dma_wait3A_355 = arith.constant 0 : i32
    %dma_wait3A_356 = tpu.memref_slice %arg9[%dma_wait3A_354, %dma_wait3A_355] : memref<64x128xf32, #tpu.memory_space<vmem>> -> memref<8x128xf32, #tpu.memory_space<vmem>>
    tpu.wait_dma2 semaphore(%dma_wait3A_349 : memref<!tpu.dma_semaphore, #tpu.memory_space<semaphore_mem>>) src(%dma_wait3A_356 : memref<8x128xf32, #tpu.memory_space<vmem>>) dst(%dma_wait3A_353 : memref<8x128xf32, #tpu.memory_space<hbm>>)
    %dma_wait3A_357 = arith.constant 391 : i32
    %dma_wait3A_358 = arith.constant 0 : i32
    %dma_wait3A_359 = arith.constant 56 : i32
    %dma_wait3A_360 = arith.constant 0 : i32
    %dma_wait3A_361 = tpu.memref_slice %arg9[%dma_wait3A_359, %dma_wait3A_360] : memref<64x128xf32, #tpu.memory_space<vmem>> -> memref<8x128xf32, #tpu.memory_space<vmem>>
    %dma_wait3A_362 = arith.constant 0 : i32
    %dma_wait3A_363 = arith.constant 0 : i32
    %dma_wait3A_364 = tpu.memref_slice %arg4[%dma_wait3A_357, %add3A, %dma_wait3A_362, %dma_wait3A_363] : memref<400x32x8x128xf32, #tpu.memory_space<hbm>> -> memref<1x1x8x128xf32, #tpu.memory_space<hbm>>
    %dma_wait3A_365 = tpu.memref_squeeze %dma_wait3A_364 : memref<1x1x8x128xf32, #tpu.memory_space<hbm>> -> memref<8x128xf32, #tpu.memory_space<hbm>>
    %dma_wait3A_366 = tpu.memref_slice %arg12[%dma_wait3A_358] : memref<2x!tpu.dma_semaphore, #tpu.memory_space<semaphore_mem>> -> memref<1x!tpu.dma_semaphore, #tpu.memory_space<semaphore_mem>>
    %dma_wait3A_367 = tpu.memref_squeeze %dma_wait3A_366 : memref<1x!tpu.dma_semaphore, #tpu.memory_space<semaphore_mem>> -> memref<!tpu.dma_semaphore, #tpu.memory_space<semaphore_mem>>
    %dma_wait3A_368 = arith.constant 0 : i32
    %dma_wait3A_369 = arith.constant 0 : i32
    %dma_wait3A_370 = tpu.memref_slice %arg4[%dma_wait3A_357, %add3A, %dma_wait3A_368, %dma_wait3A_369] : memref<400x32x8x128xf32, #tpu.memory_space<hbm>> -> memref<1x1x8x128xf32, #tpu.memory_space<hbm>>
    %dma_wait3A_371 = tpu.memref_squeeze %dma_wait3A_370 : memref<1x1x8x128xf32, #tpu.memory_space<hbm>> -> memref<8x128xf32, #tpu.memory_space<hbm>>
    %dma_wait3A_372 = arith.constant 56 : i32
    %dma_wait3A_373 = arith.constant 0 : i32
    %dma_wait3A_374 = tpu.memref_slice %arg9[%dma_wait3A_372, %dma_wait3A_373] : memref<64x128xf32, #tpu.memory_space<vmem>> -> memref<8x128xf32, #tpu.memory_space<vmem>>
    tpu.wait_dma2 semaphore(%dma_wait3A_367 : memref<!tpu.dma_semaphore, #tpu.memory_space<semaphore_mem>>) src(%dma_wait3A_374 : memref<8x128xf32, #tpu.memory_space<vmem>>) dst(%dma_wait3A_371 : memref<8x128xf32, #tpu.memory_space<hbm>>)
    %dma_wait3A_375 = arith.constant 392 : i32
    %dma_wait3A_376 = arith.constant 1 : i32
    %dma_wait3A_377 = arith.constant 0 : i32
    %dma_wait3A_378 = arith.constant 0 : i32
    %dma_wait3A_379 = tpu.memref_slice %arg10[%dma_wait3A_377, %dma_wait3A_378] : memref<64x128xf32, #tpu.memory_space<vmem>> -> memref<8x128xf32, #tpu.memory_space<vmem>>
    %dma_wait3A_380 = arith.constant 0 : i32
    %dma_wait3A_381 = arith.constant 0 : i32
    %dma_wait3A_382 = tpu.memref_slice %arg4[%dma_wait3A_375, %add3A, %dma_wait3A_380, %dma_wait3A_381] : memref<400x32x8x128xf32, #tpu.memory_space<hbm>> -> memref<1x1x8x128xf32, #tpu.memory_space<hbm>>
    %dma_wait3A_383 = tpu.memref_squeeze %dma_wait3A_382 : memref<1x1x8x128xf32, #tpu.memory_space<hbm>> -> memref<8x128xf32, #tpu.memory_space<hbm>>
    %dma_wait3A_384 = tpu.memref_slice %arg12[%dma_wait3A_376] : memref<2x!tpu.dma_semaphore, #tpu.memory_space<semaphore_mem>> -> memref<1x!tpu.dma_semaphore, #tpu.memory_space<semaphore_mem>>
    %dma_wait3A_385 = tpu.memref_squeeze %dma_wait3A_384 : memref<1x!tpu.dma_semaphore, #tpu.memory_space<semaphore_mem>> -> memref<!tpu.dma_semaphore, #tpu.memory_space<semaphore_mem>>
    %dma_wait3A_386 = arith.constant 0 : i32
    %dma_wait3A_387 = arith.constant 0 : i32
    %dma_wait3A_388 = tpu.memref_slice %arg4[%dma_wait3A_375, %add3A, %dma_wait3A_386, %dma_wait3A_387] : memref<400x32x8x128xf32, #tpu.memory_space<hbm>> -> memref<1x1x8x128xf32, #tpu.memory_space<hbm>>
    %dma_wait3A_389 = tpu.memref_squeeze %dma_wait3A_388 : memref<1x1x8x128xf32, #tpu.memory_space<hbm>> -> memref<8x128xf32, #tpu.memory_space<hbm>>
    %dma_wait3A_390 = arith.constant 0 : i32
    %dma_wait3A_391 = arith.constant 0 : i32
    %dma_wait3A_392 = tpu.memref_slice %arg10[%dma_wait3A_390, %dma_wait3A_391] : memref<64x128xf32, #tpu.memory_space<vmem>> -> memref<8x128xf32, #tpu.memory_space<vmem>>
    tpu.wait_dma2 semaphore(%dma_wait3A_385 : memref<!tpu.dma_semaphore, #tpu.memory_space<semaphore_mem>>) src(%dma_wait3A_392 : memref<8x128xf32, #tpu.memory_space<vmem>>) dst(%dma_wait3A_389 : memref<8x128xf32, #tpu.memory_space<hbm>>)
    %dma_wait3A_393 = arith.constant 393 : i32
    %dma_wait3A_394 = arith.constant 1 : i32
    %dma_wait3A_395 = arith.constant 8 : i32
    %dma_wait3A_396 = arith.constant 0 : i32
    %dma_wait3A_397 = tpu.memref_slice %arg10[%dma_wait3A_395, %dma_wait3A_396] : memref<64x128xf32, #tpu.memory_space<vmem>> -> memref<8x128xf32, #tpu.memory_space<vmem>>
    %dma_wait3A_398 = arith.constant 0 : i32
    %dma_wait3A_399 = arith.constant 0 : i32
    %dma_wait3A_400 = tpu.memref_slice %arg4[%dma_wait3A_393, %add3A, %dma_wait3A_398, %dma_wait3A_399] : memref<400x32x8x128xf32, #tpu.memory_space<hbm>> -> memref<1x1x8x128xf32, #tpu.memory_space<hbm>>
    %dma_wait3A_401 = tpu.memref_squeeze %dma_wait3A_400 : memref<1x1x8x128xf32, #tpu.memory_space<hbm>> -> memref<8x128xf32, #tpu.memory_space<hbm>>
    %dma_wait3A_402 = tpu.memref_slice %arg12[%dma_wait3A_394] : memref<2x!tpu.dma_semaphore, #tpu.memory_space<semaphore_mem>> -> memref<1x!tpu.dma_semaphore, #tpu.memory_space<semaphore_mem>>
    %dma_wait3A_403 = tpu.memref_squeeze %dma_wait3A_402 : memref<1x!tpu.dma_semaphore, #tpu.memory_space<semaphore_mem>> -> memref<!tpu.dma_semaphore, #tpu.memory_space<semaphore_mem>>
    %dma_wait3A_404 = arith.constant 0 : i32
    %dma_wait3A_405 = arith.constant 0 : i32
    %dma_wait3A_406 = tpu.memref_slice %arg4[%dma_wait3A_393, %add3A, %dma_wait3A_404, %dma_wait3A_405] : memref<400x32x8x128xf32, #tpu.memory_space<hbm>> -> memref<1x1x8x128xf32, #tpu.memory_space<hbm>>
    %dma_wait3A_407 = tpu.memref_squeeze %dma_wait3A_406 : memref<1x1x8x128xf32, #tpu.memory_space<hbm>> -> memref<8x128xf32, #tpu.memory_space<hbm>>
    %dma_wait3A_408 = arith.constant 8 : i32
    %dma_wait3A_409 = arith.constant 0 : i32
    %dma_wait3A_410 = tpu.memref_slice %arg10[%dma_wait3A_408, %dma_wait3A_409] : memref<64x128xf32, #tpu.memory_space<vmem>> -> memref<8x128xf32, #tpu.memory_space<vmem>>
    tpu.wait_dma2 semaphore(%dma_wait3A_403 : memref<!tpu.dma_semaphore, #tpu.memory_space<semaphore_mem>>) src(%dma_wait3A_410 : memref<8x128xf32, #tpu.memory_space<vmem>>) dst(%dma_wait3A_407 : memref<8x128xf32, #tpu.memory_space<hbm>>)
    %dma_wait3A_411 = arith.constant 394 : i32
    %dma_wait3A_412 = arith.constant 1 : i32
    %dma_wait3A_413 = arith.constant 16 : i32
    %dma_wait3A_414 = arith.constant 0 : i32
    %dma_wait3A_415 = tpu.memref_slice %arg10[%dma_wait3A_413, %dma_wait3A_414] : memref<64x128xf32, #tpu.memory_space<vmem>> -> memref<8x128xf32, #tpu.memory_space<vmem>>
    %dma_wait3A_416 = arith.constant 0 : i32
    %dma_wait3A_417 = arith.constant 0 : i32
    %dma_wait3A_418 = tpu.memref_slice %arg4[%dma_wait3A_411, %add3A, %dma_wait3A_416, %dma_wait3A_417] : memref<400x32x8x128xf32, #tpu.memory_space<hbm>> -> memref<1x1x8x128xf32, #tpu.memory_space<hbm>>
    %dma_wait3A_419 = tpu.memref_squeeze %dma_wait3A_418 : memref<1x1x8x128xf32, #tpu.memory_space<hbm>> -> memref<8x128xf32, #tpu.memory_space<hbm>>
    %dma_wait3A_420 = tpu.memref_slice %arg12[%dma_wait3A_412] : memref<2x!tpu.dma_semaphore, #tpu.memory_space<semaphore_mem>> -> memref<1x!tpu.dma_semaphore, #tpu.memory_space<semaphore_mem>>
    %dma_wait3A_421 = tpu.memref_squeeze %dma_wait3A_420 : memref<1x!tpu.dma_semaphore, #tpu.memory_space<semaphore_mem>> -> memref<!tpu.dma_semaphore, #tpu.memory_space<semaphore_mem>>
    %dma_wait3A_422 = arith.constant 0 : i32
    %dma_wait3A_423 = arith.constant 0 : i32
    %dma_wait3A_424 = tpu.memref_slice %arg4[%dma_wait3A_411, %add3A, %dma_wait3A_422, %dma_wait3A_423] : memref<400x32x8x128xf32, #tpu.memory_space<hbm>> -> memref<1x1x8x128xf32, #tpu.memory_space<hbm>>
    %dma_wait3A_425 = tpu.memref_squeeze %dma_wait3A_424 : memref<1x1x8x128xf32, #tpu.memory_space<hbm>> -> memref<8x128xf32, #tpu.memory_space<hbm>>
    %dma_wait3A_426 = arith.constant 16 : i32
    %dma_wait3A_427 = arith.constant 0 : i32
    %dma_wait3A_428 = tpu.memref_slice %arg10[%dma_wait3A_426, %dma_wait3A_427] : memref<64x128xf32, #tpu.memory_space<vmem>> -> memref<8x128xf32, #tpu.memory_space<vmem>>
    tpu.wait_dma2 semaphore(%dma_wait3A_421 : memref<!tpu.dma_semaphore, #tpu.memory_space<semaphore_mem>>) src(%dma_wait3A_428 : memref<8x128xf32, #tpu.memory_space<vmem>>) dst(%dma_wait3A_425 : memref<8x128xf32, #tpu.memory_space<hbm>>)
    %dma_wait3A_429 = arith.constant 395 : i32
    %dma_wait3A_430 = arith.constant 1 : i32
    %dma_wait3A_431 = arith.constant 24 : i32
    %dma_wait3A_432 = arith.constant 0 : i32
    %dma_wait3A_433 = tpu.memref_slice %arg10[%dma_wait3A_431, %dma_wait3A_432] : memref<64x128xf32, #tpu.memory_space<vmem>> -> memref<8x128xf32, #tpu.memory_space<vmem>>
    %dma_wait3A_434 = arith.constant 0 : i32
    %dma_wait3A_435 = arith.constant 0 : i32
    %dma_wait3A_436 = tpu.memref_slice %arg4[%dma_wait3A_429, %add3A, %dma_wait3A_434, %dma_wait3A_435] : memref<400x32x8x128xf32, #tpu.memory_space<hbm>> -> memref<1x1x8x128xf32, #tpu.memory_space<hbm>>
    %dma_wait3A_437 = tpu.memref_squeeze %dma_wait3A_436 : memref<1x1x8x128xf32, #tpu.memory_space<hbm>> -> memref<8x128xf32, #tpu.memory_space<hbm>>
    %dma_wait3A_438 = tpu.memref_slice %arg12[%dma_wait3A_430] : memref<2x!tpu.dma_semaphore, #tpu.memory_space<semaphore_mem>> -> memref<1x!tpu.dma_semaphore, #tpu.memory_space<semaphore_mem>>
    %dma_wait3A_439 = tpu.memref_squeeze %dma_wait3A_438 : memref<1x!tpu.dma_semaphore, #tpu.memory_space<semaphore_mem>> -> memref<!tpu.dma_semaphore, #tpu.memory_space<semaphore_mem>>
    %dma_wait3A_440 = arith.constant 0 : i32
    %dma_wait3A_441 = arith.constant 0 : i32
    %dma_wait3A_442 = tpu.memref_slice %arg4[%dma_wait3A_429, %add3A, %dma_wait3A_440, %dma_wait3A_441] : memref<400x32x8x128xf32, #tpu.memory_space<hbm>> -> memref<1x1x8x128xf32, #tpu.memory_space<hbm>>
    %dma_wait3A_443 = tpu.memref_squeeze %dma_wait3A_442 : memref<1x1x8x128xf32, #tpu.memory_space<hbm>> -> memref<8x128xf32, #tpu.memory_space<hbm>>
    %dma_wait3A_444 = arith.constant 24 : i32
    %dma_wait3A_445 = arith.constant 0 : i32
    %dma_wait3A_446 = tpu.memref_slice %arg10[%dma_wait3A_444, %dma_wait3A_445] : memref<64x128xf32, #tpu.memory_space<vmem>> -> memref<8x128xf32, #tpu.memory_space<vmem>>
    tpu.wait_dma2 semaphore(%dma_wait3A_439 : memref<!tpu.dma_semaphore, #tpu.memory_space<semaphore_mem>>) src(%dma_wait3A_446 : memref<8x128xf32, #tpu.memory_space<vmem>>) dst(%dma_wait3A_443 : memref<8x128xf32, #tpu.memory_space<hbm>>)
    %dma_wait3A_447 = arith.constant 396 : i32
    %dma_wait3A_448 = arith.constant 1 : i32
    %dma_wait3A_449 = arith.constant 32 : i32
    %dma_wait3A_450 = arith.constant 0 : i32
    %dma_wait3A_451 = tpu.memref_slice %arg10[%dma_wait3A_449, %dma_wait3A_450] : memref<64x128xf32, #tpu.memory_space<vmem>> -> memref<8x128xf32, #tpu.memory_space<vmem>>
    %dma_wait3A_452 = arith.constant 0 : i32
    %dma_wait3A_453 = arith.constant 0 : i32
    %dma_wait3A_454 = tpu.memref_slice %arg4[%dma_wait3A_447, %add3A, %dma_wait3A_452, %dma_wait3A_453] : memref<400x32x8x128xf32, #tpu.memory_space<hbm>> -> memref<1x1x8x128xf32, #tpu.memory_space<hbm>>
    %dma_wait3A_455 = tpu.memref_squeeze %dma_wait3A_454 : memref<1x1x8x128xf32, #tpu.memory_space<hbm>> -> memref<8x128xf32, #tpu.memory_space<hbm>>
    %dma_wait3A_456 = tpu.memref_slice %arg12[%dma_wait3A_448] : memref<2x!tpu.dma_semaphore, #tpu.memory_space<semaphore_mem>> -> memref<1x!tpu.dma_semaphore, #tpu.memory_space<semaphore_mem>>
    %dma_wait3A_457 = tpu.memref_squeeze %dma_wait3A_456 : memref<1x!tpu.dma_semaphore, #tpu.memory_space<semaphore_mem>> -> memref<!tpu.dma_semaphore, #tpu.memory_space<semaphore_mem>>
    %dma_wait3A_458 = arith.constant 0 : i32
    %dma_wait3A_459 = arith.constant 0 : i32
    %dma_wait3A_460 = tpu.memref_slice %arg4[%dma_wait3A_447, %add3A, %dma_wait3A_458, %dma_wait3A_459] : memref<400x32x8x128xf32, #tpu.memory_space<hbm>> -> memref<1x1x8x128xf32, #tpu.memory_space<hbm>>
    %dma_wait3A_461 = tpu.memref_squeeze %dma_wait3A_460 : memref<1x1x8x128xf32, #tpu.memory_space<hbm>> -> memref<8x128xf32, #tpu.memory_space<hbm>>
    %dma_wait3A_462 = arith.constant 32 : i32
    %dma_wait3A_463 = arith.constant 0 : i32
    %dma_wait3A_464 = tpu.memref_slice %arg10[%dma_wait3A_462, %dma_wait3A_463] : memref<64x128xf32, #tpu.memory_space<vmem>> -> memref<8x128xf32, #tpu.memory_space<vmem>>
    tpu.wait_dma2 semaphore(%dma_wait3A_457 : memref<!tpu.dma_semaphore, #tpu.memory_space<semaphore_mem>>) src(%dma_wait3A_464 : memref<8x128xf32, #tpu.memory_space<vmem>>) dst(%dma_wait3A_461 : memref<8x128xf32, #tpu.memory_space<hbm>>)
    %dma_wait3A_465 = arith.constant 397 : i32
    %dma_wait3A_466 = arith.constant 1 : i32
    %dma_wait3A_467 = arith.constant 40 : i32
    %dma_wait3A_468 = arith.constant 0 : i32
    %dma_wait3A_469 = tpu.memref_slice %arg10[%dma_wait3A_467, %dma_wait3A_468] : memref<64x128xf32, #tpu.memory_space<vmem>> -> memref<8x128xf32, #tpu.memory_space<vmem>>
    %dma_wait3A_470 = arith.constant 0 : i32
    %dma_wait3A_471 = arith.constant 0 : i32
    %dma_wait3A_472 = tpu.memref_slice %arg4[%dma_wait3A_465, %add3A, %dma_wait3A_470, %dma_wait3A_471] : memref<400x32x8x128xf32, #tpu.memory_space<hbm>> -> memref<1x1x8x128xf32, #tpu.memory_space<hbm>>
    %dma_wait3A_473 = tpu.memref_squeeze %dma_wait3A_472 : memref<1x1x8x128xf32, #tpu.memory_space<hbm>> -> memref<8x128xf32, #tpu.memory_space<hbm>>
    %dma_wait3A_474 = tpu.memref_slice %arg12[%dma_wait3A_466] : memref<2x!tpu.dma_semaphore, #tpu.memory_space<semaphore_mem>> -> memref<1x!tpu.dma_semaphore, #tpu.memory_space<semaphore_mem>>
    %dma_wait3A_475 = tpu.memref_squeeze %dma_wait3A_474 : memref<1x!tpu.dma_semaphore, #tpu.memory_space<semaphore_mem>> -> memref<!tpu.dma_semaphore, #tpu.memory_space<semaphore_mem>>
    %dma_wait3A_476 = arith.constant 0 : i32
    %dma_wait3A_477 = arith.constant 0 : i32
    %dma_wait3A_478 = tpu.memref_slice %arg4[%dma_wait3A_465, %add3A, %dma_wait3A_476, %dma_wait3A_477] : memref<400x32x8x128xf32, #tpu.memory_space<hbm>> -> memref<1x1x8x128xf32, #tpu.memory_space<hbm>>
    %dma_wait3A_479 = tpu.memref_squeeze %dma_wait3A_478 : memref<1x1x8x128xf32, #tpu.memory_space<hbm>> -> memref<8x128xf32, #tpu.memory_space<hbm>>
    %dma_wait3A_480 = arith.constant 40 : i32
    %dma_wait3A_481 = arith.constant 0 : i32
    %dma_wait3A_482 = tpu.memref_slice %arg10[%dma_wait3A_480, %dma_wait3A_481] : memref<64x128xf32, #tpu.memory_space<vmem>> -> memref<8x128xf32, #tpu.memory_space<vmem>>
    tpu.wait_dma2 semaphore(%dma_wait3A_475 : memref<!tpu.dma_semaphore, #tpu.memory_space<semaphore_mem>>) src(%dma_wait3A_482 : memref<8x128xf32, #tpu.memory_space<vmem>>) dst(%dma_wait3A_479 : memref<8x128xf32, #tpu.memory_space<hbm>>)
    %dma_wait3A_483 = arith.constant 398 : i32
    %dma_wait3A_484 = arith.constant 1 : i32
    %dma_wait3A_485 = arith.constant 48 : i32
    %dma_wait3A_486 = arith.constant 0 : i32
    %dma_wait3A_487 = tpu.memref_slice %arg10[%dma_wait3A_485, %dma_wait3A_486] : memref<64x128xf32, #tpu.memory_space<vmem>> -> memref<8x128xf32, #tpu.memory_space<vmem>>
    %dma_wait3A_488 = arith.constant 0 : i32
    %dma_wait3A_489 = arith.constant 0 : i32
    %dma_wait3A_490 = tpu.memref_slice %arg4[%dma_wait3A_483, %add3A, %dma_wait3A_488, %dma_wait3A_489] : memref<400x32x8x128xf32, #tpu.memory_space<hbm>> -> memref<1x1x8x128xf32, #tpu.memory_space<hbm>>
    %dma_wait3A_491 = tpu.memref_squeeze %dma_wait3A_490 : memref<1x1x8x128xf32, #tpu.memory_space<hbm>> -> memref<8x128xf32, #tpu.memory_space<hbm>>
    %dma_wait3A_492 = tpu.memref_slice %arg12[%dma_wait3A_484] : memref<2x!tpu.dma_semaphore, #tpu.memory_space<semaphore_mem>> -> memref<1x!tpu.dma_semaphore, #tpu.memory_space<semaphore_mem>>
    %dma_wait3A_493 = tpu.memref_squeeze %dma_wait3A_492 : memref<1x!tpu.dma_semaphore, #tpu.memory_space<semaphore_mem>> -> memref<!tpu.dma_semaphore, #tpu.memory_space<semaphore_mem>>
    %dma_wait3A_494 = arith.constant 0 : i32
    %dma_wait3A_495 = arith.constant 0 : i32
    %dma_wait3A_496 = tpu.memref_slice %arg4[%dma_wait3A_483, %add3A, %dma_wait3A_494, %dma_wait3A_495] : memref<400x32x8x128xf32, #tpu.memory_space<hbm>> -> memref<1x1x8x128xf32, #tpu.memory_space<hbm>>
    %dma_wait3A_497 = tpu.memref_squeeze %dma_wait3A_496 : memref<1x1x8x128xf32, #tpu.memory_space<hbm>> -> memref<8x128xf32, #tpu.memory_space<hbm>>
    %dma_wait3A_498 = arith.constant 48 : i32
    %dma_wait3A_499 = arith.constant 0 : i32
    %dma_wait3A_500 = tpu.memref_slice %arg10[%dma_wait3A_498, %dma_wait3A_499] : memref<64x128xf32, #tpu.memory_space<vmem>> -> memref<8x128xf32, #tpu.memory_space<vmem>>
    tpu.wait_dma2 semaphore(%dma_wait3A_493 : memref<!tpu.dma_semaphore, #tpu.memory_space<semaphore_mem>>) src(%dma_wait3A_500 : memref<8x128xf32, #tpu.memory_space<vmem>>) dst(%dma_wait3A_497 : memref<8x128xf32, #tpu.memory_space<hbm>>)
    %dma_wait3A_501 = arith.constant 399 : i32
    %dma_wait3A_502 = arith.constant 1 : i32
    %dma_wait3A_503 = arith.constant 56 : i32
    %dma_wait3A_504 = arith.constant 0 : i32
    %dma_wait3A_505 = tpu.memref_slice %arg10[%dma_wait3A_503, %dma_wait3A_504] : memref<64x128xf32, #tpu.memory_space<vmem>> -> memref<8x128xf32, #tpu.memory_space<vmem>>
    %dma_wait3A_506 = arith.constant 0 : i32
    %dma_wait3A_507 = arith.constant 0 : i32
    %dma_wait3A_508 = tpu.memref_slice %arg4[%dma_wait3A_501, %add3A, %dma_wait3A_506, %dma_wait3A_507] : memref<400x32x8x128xf32, #tpu.memory_space<hbm>> -> memref<1x1x8x128xf32, #tpu.memory_space<hbm>>
    %dma_wait3A_509 = tpu.memref_squeeze %dma_wait3A_508 : memref<1x1x8x128xf32, #tpu.memory_space<hbm>> -> memref<8x128xf32, #tpu.memory_space<hbm>>
    %dma_wait3A_510 = tpu.memref_slice %arg12[%dma_wait3A_502] : memref<2x!tpu.dma_semaphore, #tpu.memory_space<semaphore_mem>> -> memref<1x!tpu.dma_semaphore, #tpu.memory_space<semaphore_mem>>
    %dma_wait3A_511 = tpu.memref_squeeze %dma_wait3A_510 : memref<1x!tpu.dma_semaphore, #tpu.memory_space<semaphore_mem>> -> memref<!tpu.dma_semaphore, #tpu.memory_space<semaphore_mem>>
    %dma_wait3A_512 = arith.constant 0 : i32
    %dma_wait3A_513 = arith.constant 0 : i32
    %dma_wait3A_514 = tpu.memref_slice %arg4[%dma_wait3A_501, %add3A, %dma_wait3A_512, %dma_wait3A_513] : memref<400x32x8x128xf32, #tpu.memory_space<hbm>> -> memref<1x1x8x128xf32, #tpu.memory_space<hbm>>
    %dma_wait3A_515 = tpu.memref_squeeze %dma_wait3A_514 : memref<1x1x8x128xf32, #tpu.memory_space<hbm>> -> memref<8x128xf32, #tpu.memory_space<hbm>>
    %dma_wait3A_516 = arith.constant 56 : i32
    %dma_wait3A_517 = arith.constant 0 : i32
    %dma_wait3A_518 = tpu.memref_slice %arg10[%dma_wait3A_516, %dma_wait3A_517] : memref<64x128xf32, #tpu.memory_space<vmem>> -> memref<8x128xf32, #tpu.memory_space<vmem>>
    tpu.wait_dma2 semaphore(%dma_wait3A_511 : memref<!tpu.dma_semaphore, #tpu.memory_space<semaphore_mem>>) src(%dma_wait3A_518 : memref<8x128xf32, #tpu.memory_space<vmem>>) dst(%dma_wait3A_515 : memref<8x128xf32, #tpu.memory_space<hbm>>)
    return
  }
}

</mosaic_0001>

<sc_bundles>
// kernel: kernel.3.cloned.1.call-start
scs
__scs_entry_jumppad:
0x0: {  	(pc) =	sbr.rel $0x88, $3  }
0x1: {  	(tag) =	ssettag $0x0;
	lr =	simm.s32 $0x1  }
0x2: {  	[smem:$0x3F9F] =	sst lr;
	_ =	strace $0xD0000000  }
0x3: {  	_ = 	snop  }
0x4: {  	_ = 	snop  }
0x5: {  	_ = 	snop  }
0x6: {  	_ = 	snop  }
0x7: {  	_ = 	snop  }
__scs_overlays_trampoline_lowered:
0x8: {  	[smem:$0x3FAE] =	sst s0  }
0x9: {  	[smem:$0x3FAF] =	sst s1  }
0xa: {  	[smem:$0x3FB0] =	sst s2  }
0xb: {  	[smem:$0x3FB1] =	sst s3  }
0xc: {  	[smem:$0x3FB2] =	sst s4  }
0xd: {  	[smem:$0x3FB3] =	sst s5  }
0xe: {  	[smem:$0x3FB4] =	sst s6  }
0xf: {  	[smem:$0x3FB5] =	sst s7  }
0x10: {  	[smem:$0x3FB6] =	sst s8  }
0x11: {  	[smem:$0x3FB7] =	sst s9;
	s0 =	simm.s32 @!p0 $0x0  }
0x12: {  	s1 =	sld [smem:$0x3F9D];
	s0 =	simm.s32 @p0 $0x1  }
0x13: {  	[smem:$0x3FB8] =	sst s0;
	s0 =	simm.s32 @!p1 $0x0  }
0x14: {  	s2 =	sld [smem:$0x3F9C];
	s0 =	simm.s32 @p1 $0x1  }
0x15: {  	[smem:$0x3FB9] =	sst s0;
	s0 =	simm.s32 @!p2 $0x0  }
0x16: {  	s3 =	sld [smem:$0x3FDB];
	s0 =	simm.s32 @p2 $0x1  }
0x17: {  	s4 =	simm.s32 $0x1BF5;
	[smem:$0x3FBB] =	sst s0  }
0x18: {  	s0 =	sld [smem:$0x3F9E];
	_ =	swait.ge [sflag:s4], $0x0  }
0x19: {  	s7 =	sld [smem:$0x3F9F]  }
0x1a: {  	s8 =	sadd.s32 $0xFFFFE003, lr  }
0x1b: {  	s9 =	sadd.s32 $0xFFFFFEF7, lr;
	s5 =	simm.s32 $0xFFFFFFFF;
	p2 =	slt.u32 s8, $0xFFFFF086  }
0x1c: {  	p1 =	slt.u32 s9, $0xF7A;
	s5 =	simm.s32 @!p2 $0x0  }
0x1d: {  	s5 =	simm.s32 @p1 $0x1;
	p0 =	seq.s32 s7, s2  }
0x1e: {  	s7 =	smul.u32 @!p0 $0xF7A, s2;
	p2 =	seq.s32 @!p0 s5, $0x0  }
0x1f: {  	s9 =	smul.u32 $0xF7A, s1;
	s8 =	simm.s32 @!p0 $0x1BF5;
	p2 =	por !p2, p0  }
0x20: {  	[sflag:s8] =	ssyncset.s32 @!p0 $0xFFFFF086;
	s6 =	sadd.s32 @!p0 s3, s7;
	s7 =	simm.s32 @!p0 $0x108  }
0x21: {  	s3 =	sadd.s32 s3, s9;
	s6 =	sadd.s32 @!p0 $0x88, s6;
	s7 =	simm.s32 @p2 $0x1082  }
0x22: {  	[simem:s7], [sflag:s8] =	dma.local @!p0 [hbm:s6], $0xF7A  }
0x23: {  	s9 =	sor.u32 $0xD0000000, s2;
	s6 =	simm.s32 $0x108;
	_ =	swait.ge @!p0 [sflag:s8], $0x0  }
0x24: {  	s3 =	sadd.s32 $0x88, s3;
	s6 =	simm.s32 @!p1 $0x1082;
	[sflag:s4] =	ssyncset.s32 $0xFFFFF086  }
0x25: {  	[simem:s6], [sflag:s4] =	dma.local [hbm:s3], $0xF7A  }
0x26: {  	[smem:$0x3F9F] =	sst s1;
	(tag) =	ssettag s2;
	_ =	strace s9  }
0x27: {  	s1 =	sld [smem:$0x3FAF]  }
0x28: {  	s2 =	sld [smem:$0x3FB0]  }
0x29: {  	s4 =	sld [smem:$0x3FB2]  }
0x2a: {  	p0 =	seq.s32 s5, $0x0;
	s5 =	sld [smem:$0x3FB3]  }
0x2b: {  	s6 =	sld [smem:$0x3FB4]  }
0x2c: {  	s7 =	sld [smem:$0x3FB5]  }
0x2d: {  	s3 =	simm.s32 $0x108;
	s8 =	sld [smem:$0x3FB6]  }
0x2e: {  	s3 =	simm.s32 @!p0 $0x1082;
	s9 =	sld [smem:$0x3FB7]  }
0x2f: {  	lr =	sadd.s32 s0, s3;
	s0 =	sld [smem:$0x3FAE]  }
0x30: {  	s3 =	sld [smem:$0x3FB1]  }
0x31: {  	[smem:$0x3FBA] =	sst s10  }
0x32: {  	s10 =	sld [smem:$0x3FB8];
	_ =	sdelay $0x3  }
0x33: {  	p0 =	seq.s32 s10, $0x1;
	s10 =	sld [smem:$0x3FBA];
	_ =	sdelay $0x3  }
0x34: {  	[smem:$0x3FBA] =	sst s10  }
0x35: {  	s10 =	sld [smem:$0x3FB9];
	_ =	sdelay $0x3  }
0x36: {  	p1 =	seq.s32 s10, $0x1;
	s10 =	sld [smem:$0x3FBA];
	_ =	sdelay $0x3  }
0x37: {  	[smem:$0x3FBA] =	sst s10  }
0x38: {  	s10 =	sld [smem:$0x3FBB]  }
0x39: {  	_ = 	snop;
	(pc) =	sbr.ind lr, $3  }
0x3a: {  	_ = 	snop  }
0x3b: {  	_ = 	snop  }
0x3c: {  	p2 =	seq.s32 s10, $0x1;
	s10 =	sld [smem:$0x3FBA]  }
0x3d: {  	_ =	shalt  }
0x3e: {  	_ =	shalt  }
0x3f: {  	_ =	shalt  }
0x40: {  	_ =	shalt  }
0x41: {  	_ =	shalt  }
0x42: {  	_ =	shalt  }
0x43: {  	_ =	shalt  }
0x44: {  	_ =	shalt  }
0x45: {  	_ =	shalt  }
0x46: {  	_ =	shalt  }
0x47: {  	_ =	shalt  }
0x48: {  	_ =	shalt  }
0x49: {  	_ =	shalt  }
0x4a: {  	_ =	shalt  }
0x4b: {  	_ =	shalt  }
0x4c: {  	_ =	shalt  }
0x4d: {  	_ =	shalt  }
0x4e: {  	_ =	shalt  }
0x4f: {  	_ =	shalt  }
0x50: {  	_ =	shalt  }
0x51: {  	_ =	shalt  }
0x52: {  	_ =	shalt  }
0x53: {  	_ =	shalt  }
0x54: {  	_ =	shalt  }
0x55: {  	_ =	shalt  }
0x56: {  	_ =	shalt  }
0x57: {  	_ =	shalt  }
0x58: {  	_ =	shalt  }
0x59: {  	_ =	shalt  }
0x5a: {  	_ =	shalt  }
0x5b: {  	_ =	shalt  }
0x5c: {  	_ =	shalt  }
0x5d: {  	_ =	shalt  }
0x5e: {  	_ =	shalt  }
0x5f: {  	_ =	shalt  }
0x60: {  	_ =	shalt  }
0x61: {  	_ =	shalt  }
0x62: {  	_ =	shalt  }
0x63: {  	_ =	shalt  }
0x64: {  	_ =	shalt  }
0x65: {  	_ =	shalt  }
0x66: {  	_ =	shalt  }
0x67: {  	_ =	shalt  }
0x68: {  	_ =	shalt  }
0x69: {  	_ =	shalt  }
0x6a: {  	_ =	shalt  }
0x6b: {  	_ =	shalt  }
0x6c: {  	_ =	shalt  }
0x6d: {  	_ =	shalt  }
0x6e: {  	_ =	shalt  }
0x6f: {  	_ =	shalt  }
0x70: {  	_ =	shalt  }
0x71: {  	_ =	shalt  }
0x72: {  	_ =	shalt  }
0x73: {  	_ =	shalt  }
0x74: {  	_ =	shalt  }
0x75: {  	_ =	shalt  }
0x76: {  	_ =	shalt  }
0x77: {  	_ =	shalt  }
0x78: {  	_ =	shalt  }
0x79: {  	_ =	shalt  }
0x7a: {  	_ =	shalt  }
0x7b: {  	_ =	shalt  }
0x7c: {  	_ =	shalt  }
0x7d: {  	_ =	shalt  }
0x7e: {  	_ =	shalt  }
0x7f: {  	_ =	shalt  }
0x80: {  	_ =	shalt  }
0x81: {  	_ =	shalt  }
0x82: {  	_ =	shalt  }
0x83: {  	_ =	shalt  }
0x84: {  	_ =	shalt  }
0x85: {  	_ =	shalt  }
0x86: {  	_ =	shalt  }
0x87: {  	_ =	shalt  }
.Lfunc_end0:
.L_simem_size_0:
called_computation_lowered:
.L_overlay_start_0:
0x88: {  	s2 =	sld [smem:$0x3FD9]  }
0x89: {  	s3 =	sld [smem:$0x3FFE];
	_ =	sdelay $0x1  }
0x8a: {  	s1 =	srdreg.scid  }
0x8b: {  	s0 =	sand.u32 $0x1, s1  }
0x8c: {  	s17 =	sshll.u32 s0, $0xA;
	s2 =	sadd.s32 s3, s2  }
0x8d: {  	s2 =	sadd.s32 s2, s17  }
0x8e: {  	[smem:$0x3FC6] =	sst s2  }
0x8f: {  	_ = 	snop  }
0x90: {  	s2 =	sld [smem:$0x3FD0];
	(tm) =	ssettm $0x1  }
0x91: {  	s18 =	sld [smem:$0x3FFB];
	_ =	sdelay $0x3  }
0x92: {  	_ =	strace s18  }
0x93: {  	s3 =	sld [smem:$0x3FFC];
	_ =	sdelay $0x3  }
0x94: {  	_ =	strace s3  }
0x95: {  	s3 =	sld [smem:$0x3FFD];
	_ =	sdelay $0x3  }
0x96: {  	_ =	strace s3  }
0x97: {  	_ =	strace $0x8FFFFFFF  }
0x98: {  	s19 =	sld [smem:$0x3FDB];
	_ =	sdelay $0x1  }
0x99: {  	s4 =	simm.s32 $_scs_section_size  }
0x9a: {  	s5 =	simm.s32 $_size__tile_overlayer_lowered;
	s6 =	simm.s32 $_tile_overlayer_lowered  }
0x9b: {  	s22 =	simm.s32 $0x1BFF;
	s21 =	sshll.u32 s6, $0x1;
	s3 =	sadd.s32 s4, s19  }
0x9c: {  	s7 =	simm.s32 $0x0;
	s20 =	sshll.u32 s5, $0x1;
	s5 =	sadd.s32 s21, s3  }
0x9d: {  	[timem:s7], [sflag:s22] =	dma.local [hbm:s5], s20  }
0x9e: {  	_ =	swait.ge [sflag:s22], s20  }
0x9f: {  	s4 =	ssub.s32 $0x0, s20;
	[sflag:s22] =	ssyncset.done $0x0  }
0xa0: {  	[sflag:s22] =	ssyncadd.s32 s4;
	_ =	sdelay $0x1  }
0xa1: {  	s23 =	simm.s32 $0x1B8B  }
0xa2: {  	_ =	swait.ge [sflag:s23], $0x1  }
0xa3: {  	[sflag:s23] =	ssyncset.done $0x0  }
0xa4: {  	s25 =	simm.s32 $0x1B8E;
	s24 =	sld [smem:$0x3FFE];
	[sflag:s23] =	ssyncadd.s32 $0xFFFFFFFF  }
0xa5: {  	s26 =	simm.s32 $execute0_lowered;
	[smem:$0x3FD2] =	sst s25  }
0xa6: {  	s5 =	sshll.u32 s26, $0x1;
	_ =	strace $0x80000046;
	[dreg:$0x1] =	wrdreg $0xFFFFFFFF  }
0xa7: {  	s28 =	simm.s32 $_size_execute0_lowered;
	s3 =	sadd.s32 s3, s5;
	[dreg:$0x0] =	wrdreg $0x0  }
0xa8: {  	s5 =	sshll.u32 s28, $0x1;
	[dreg:$0x2] =	wrdreg s3  }
0xa9: {  	[dreg:$0x3] =	wrdreg s5  }
0xaa: {  	[dreg:$0x4] =	wrdreg $0xC0  }
0xab: {  	_ =	task [dreg:s7], $0x5FFFF  }
0xac: {  	[dreg:$0x1] =	wrdreg $0xFFFFFFFF  }
0xad: {  	[dreg:$0x0] =	wrdreg $0x60  }
0xae: {  	[dreg:$0x2] =	wrdreg s24  }
0xaf: {  	[dreg:$0x3] =	wrdreg s2  }
0xb0: {  	[dreg:$0x4] =	wrdreg $0x9  }
0xb1: {  	_ =	task.clear_ibuf [dreg:s7], $0x5FFFF;
	_ =	strace $0x90000046  }
0xb2: {  	s29 =	simm.s32 $0x9;
	_ =	strace $0x80000048  }
0xb3: {  	_ =	swait.ge [sflag:s29], $0x1  }
0xb4: {  	[sflag:s29] =	ssyncadd.s32 $0xFFFFFFFF  }
0xb5: {  	_ =	strace $0x90000048  }
0xb6: {  	_ =	sfence  }
0xb7: {  	s30 =	sld [smem:$0x0];
	_ =	sdelay $0x2  }
0xb8: {  	s31 =	sshll.u32 s1, $0xD;
	s1 =	sshrl.u32 s1, $0x2  }
0xb9: {  	s3 =	sand.u32 $0x4000, s31;
	s1 =	sadd.s32 s1, s30  }
0xba: {  	s0 =	sor.u32 s3, s0;
	s1 =	sshll.u32 s1, $0x11  }
0xbb: {  	s0 =	sor.u32 s1, s0  }
0xbc: {  	s0 =	sadd.s32 $0x8F2B, s0  }
0xbd: {  	[sflag:s0] =	ssyncadd.remote.s32 $0x1  }
0xbe: {  	_ =	sfence.sel $0xFFFF  }
0xbf: {  	[dreg:$0x0] =	wrdreg $0xFFFFFFFF;
	(pc) =	sbr.abs _section_cstart, $3  }
0xc0: {  	[dreg:$0x1] =	wrdreg $0xFFFFFFFF  }
0xc1: {  	_ =	task.clear_ibuf [dreg:s7], $0x2FFFF;
	_ =	strace $0x9FFFFFFF  }
0xc2: {  	(tm) =	ssettm $0x7FFFFFFF  }
0xc3: {  	_ =	shalt  }
tec
execute0_lowered:
.L_overlay_start_1:
0x0: {  	(tag) =	ssettag $0x1  }
0x1: {  	v0 =	vimm.s32 $0xFEDCBA9;
	v1 =	vimm.s32 $0x87654321  }
0x2: {  	v62 =	vimm.s32 $0x10FEDCBA;
	v3 =	vimm.s32 $0x98765432;
	vm14 =	vcmask $0x300  }
0x3: {  	v5 =	vimm.s32 $0x787;
	vm13 =	vcmask $0x704;
	vm11 =	vcmask $0xB08  }
0x4: {  	vm12 =	vcmask $0xF0C;
	vm10 =	vcmask $0x1310;
	v32 =	vimm.s32 $0x210FEDCB  }
0x5: {  	vm8 =	vcmask $0x1714;
	vm9 =	vcmask $0x1B18;
	v7 =	vimm.s32 $0xA9876543  }
0x6: {  	vm7 =	vcmask $0x1F1C;
	vm5 =	vcmask $0x2320;
	vm6 =	vcmask $0x2724  }
0x7: {  	vm4 =	vcmask $0x2B28;
	vm2 =	vcmask $0x2F2C;
	vm3 =	vcmask $0x3330  }
0x8: {  	vm1 =	vcmask $0x3734;
	vm0 =	vcmask $0x3B38;
	v44 =	vimm.s32 $0x3210FEDC  }
0x9: {  	v9 =	vimm.s32 $0x43210FED;
	v11 =	vimm.s32 $0xCBA98765;
	v13 =	vimm.s32 $0x187  }
0xa: {  	v16 =	vimm.s32 $0xEDCBA987;
	v54 =	vimm.s32 $0x487;
	v55 =	vimm.s32 $0x507  }
0xb: {  	v60 =	vimm.s32 $0x587;
	v18 =	vimm.s32 $0x1087;
	v19 =	vimm.s32 $0x1107  }
0xc: {  	v20 =	vimm.s32 $0x1187;
	v21 =	vimm.s32 $0x1207;
	v22 =	vimm.s32 $0x1287  }
0xd: {  	v23 =	vimm.s32 $0x1307;
	v24 =	vimm.s32 $0x1387;
	v25 =	vimm.s32 $0x1407  }
0xe: {  	v26 =	vimm.s32 $0x1487;
	v27 =	vimm.s32 $0x1507;
	v28 =	vimm.s32 $0x1587  }
0xf: {  	v29 =	vimm.s32 $0x1607;
	v30 =	vimm.s32 $0x1687;
	v31 =	vimm.s32 $0x1707  }
0x10: {  	v0 =	vunpack.c.l.s4.s8 v0;
	v1 =	vunpack.c.l.s4.s8 v1;
	v3 =	vunpack.c.l.s4.s8 v3  }
0x11: {  	v5 =	vsel vm14, $0x0, v5;
	v7 =	vunpack.c.l.s4.s8 v7;
	v9 =	vunpack.c.l.s4.s8 v9  }
0x12: {  	v11 =	vunpack.c.l.s4.s8 v11;
	v16 =	vunpack.c.l.s4.s8 v16;
	v18 =	vsel vm14, $0x1100, v18  }
0x13: {  	v19 =	vsel vm14, $0x1180, v19;
	v20 =	vsel vm14, $0x1200, v20;
	v21 =	vsel vm14, $0x1280, v21  }
0x14: {  	v22 =	vsel vm14, $0x1300, v22;
	v23 =	vsel vm14, $0x1380, v23;
	v24 =	vsel vm14, $0x1400, v24  }
0x15: {  	v25 =	vsel vm14, $0x1480, v25;
	v26 =	vsel vm14, $0x1500, v26;
	v27 =	vsel vm14, $0x1580, v27  }
0x16: {  	v28 =	vsel vm14, $0x1600, v28;
	v29 =	vsel vm14, $0x1680, v29;
	v30 =	vsel vm14, $0x1700, v30  }
0x17: {  	v31 =	vsel vm14, $0x1780, v31;
	v5 =	vsel vm13, $0x81, v5;
	v18 =	vsel vm13, $0x1181, v18  }
0x18: {  	v19 =	vsel vm13, $0x1201, v19;
	v20 =	vsel vm13, $0x1281, v20;
	v21 =	vsel vm13, $0x1301, v21  }
0x19: {  	v22 =	vsel vm13, $0x1381, v22;
	v23 =	vsel vm13, $0x1401, v23;
	v24 =	vsel vm13, $0x1481, v24  }
0x1a: {  	v25 =	vsel vm13, $0x1501, v25;
	v26 =	vsel vm13, $0x1581, v26;
	v27 =	vsel vm13, $0x1601, v27  }
0x1b: {  	v28 =	vsel vm13, $0x1681, v28;
	v29 =	vsel vm13, $0x1701, v29;
	v30 =	vsel vm13, $0x1781, v30  }
0x1c: {  	v31 =	vsel vm13, $0x1001, v31;
	v0 =	vunpack.c.0.s8.s32 v0;
	v2 =	vunpack.c.0.s8.s32 v1  }
0x1d: {  	v1 =	vunpack.c.l.s4.s8 v62;
	v3 =	vunpack.c.0.s8.s32 v3;
	v63 =	vsel vm11, $0x102, v5  }
0x1e: {  	v5 =	vunpack.c.l.s4.s8 v32;
	v34 =	vunpack.c.0.s8.s32 v7;
	v18 =	vsel vm11, $0x1202, v18  }
0x1f: {  	v19 =	vsel vm11, $0x1282, v19;
	v20 =	vsel vm11, $0x1302, v20;
	v21 =	vsel vm11, $0x1382, v21  }
0x20: {  	v22 =	vsel vm11, $0x1402, v22;
	v23 =	vsel vm11, $0x1482, v23;
	v24 =	vsel vm11, $0x1502, v24  }
0x21: {  	v25 =	vsel vm11, $0x1582, v25;
	v26 =	vsel vm11, $0x1602, v26;
	v27 =	vsel vm11, $0x1682, v27  }
0x22: {  	v28 =	vsel vm11, $0x1702, v28;
	v29 =	vsel vm11, $0x1782, v29;
	v30 =	vsel vm11, $0x1002, v30  }
0x23: {  	v31 =	vsel vm11, $0x1082, v31;
	v18 =	vsel vm12, $0x1283, v18;
	v19 =	vsel vm12, $0x1303, v19  }
0x24: {  	v20 =	vsel vm12, $0x1383, v20;
	v21 =	vsel vm12, $0x1403, v21;
	v22 =	vsel vm12, $0x1483, v22  }
0x25: {  	v23 =	vsel vm12, $0x1503, v23;
	v24 =	vsel vm12, $0x1583, v24;
	v25 =	vsel vm12, $0x1603, v25  }
0x26: {  	v26 =	vsel vm12, $0x1683, v26;
	v27 =	vsel vm12, $0x1703, v27;
	v28 =	vsel vm12, $0x1783, v28  }
0x27: {  	v29 =	vsel vm12, $0x1003, v29;
	v30 =	vsel vm12, $0x1083, v30;
	v31 =	vsel vm12, $0x1103, v31  }
0x28: {  	v4 =	vcombine.low v2, v0;
	v1 =	vunpack.c.0.s8.s32 v1;
	v33 =	vunpack.c.0.s8.s32 v5  }
0x29: {  	v0 =	vcombine.low v0, v2;
	v18 =	vsel vm10, $0x1304, v18;
	v19 =	vsel vm10, $0x1384, v19  }
0x2a: {  	v20 =	vsel vm10, $0x1404, v20;
	v21 =	vsel vm10, $0x1484, v21;
	v22 =	vsel vm10, $0x1504, v22  }
0x2b: {  	v23 =	vsel vm10, $0x1584, v23;
	v24 =	vsel vm10, $0x1604, v24;
	v25 =	vsel vm10, $0x1684, v25  }
0x2c: {  	v26 =	vsel vm10, $0x1704, v26;
	v27 =	vsel vm10, $0x1784, v27;
	v28 =	vsel vm10, $0x1004, v28  }
0x2d: {  	v29 =	vsel vm10, $0x1084, v29;
	v30 =	vsel vm10, $0x1104, v30;
	v31 =	vsel vm10, $0x1184, v31  }
0x2e: {  	v18 =	vsel vm8, $0x1385, v18;
	v19 =	vsel vm8, $0x1405, v19;
	v20 =	vsel vm8, $0x1485, v20  }
0x2f: {  	v21 =	vsel vm8, $0x1505, v21;
	v22 =	vsel vm8, $0x1585, v22;
	v23 =	vsel vm8, $0x1605, v23  }
0x30: {  	v24 =	vsel vm8, $0x1685, v24;
	v25 =	vsel vm8, $0x1705, v25;
	v26 =	vsel vm8, $0x1785, v26  }
0x31: {  	v27 =	vsel vm8, $0x1005, v27;
	v28 =	vsel vm8, $0x1085, v28;
	v29 =	vsel vm8, $0x1105, v29  }
0x32: {  	v30 =	vsel vm8, $0x1185, v30;
	v31 =	vsel vm8, $0x1205, v31;
	v4 =	vand.u32 $0xF, v4  }
0x33: {  	v6 =	vcombine.low v3, v1;
	v37 =	vcombine.low v34, v33;
	v62 =	vand.u32 $0xF, v0  }
0x34: {  	v1 =	vcombine.low v1, v3;
	v50 =	vcombine.low v33, v34;
	v18 =	vsel vm9, $0x1406, v18  }
0x35: {  	v19 =	vsel vm9, $0x1486, v19;
	v20 =	vsel vm9, $0x1506, v20;
	v21 =	vsel vm9, $0x1586, v21  }
0x36: {  	v22 =	vsel vm9, $0x1606, v22;
	v23 =	vsel vm9, $0x1686, v23;
	v24 =	vsel vm9, $0x1706, v24  }
0x37: {  	v25 =	vsel vm9, $0x1786, v25;
	v26 =	vsel vm9, $0x1006, v26;
	v27 =	vsel vm9, $0x1086, v27  }
0x38: {  	v28 =	vsel vm9, $0x1106, v28;
	v29 =	vsel vm9, $0x1186, v29;
	v30 =	vsel vm9, $0x1206, v30  }
0x39: {  	v31 =	vsel vm9, $0x1286, v31;
	[tilespmem:$0x1F740] =	vst v4;
	v4 =	vsel vm12, $0x183, v63;
	v18 =	vsel vm7, $0x1487, v18  }
0x3a: {  	v19 =	vsel vm7, $0x1507, v19;
	v20 =	vsel vm7, $0x1587, v20;
	v21 =	vsel vm7, $0x1607, v21  }
0x3b: {  	v22 =	vsel vm7, $0x1687, v22;
	v23 =	vsel vm7, $0x1707, v23;
	v24 =	vsel vm7, $0x1787, v24  }
0x3c: {  	v25 =	vsel vm7, $0x1007, v25;
	v26 =	vsel vm7, $0x1087, v26;
	v27 =	vsel vm7, $0x1107, v27  }
0x3d: {  	v28 =	vsel vm7, $0x1187, v28;
	v29 =	vsel vm7, $0x1207, v29;
	v30 =	vsel vm7, $0x1287, v30  }
0x3e: {  	v31 =	vsel vm7, $0x1307, v31;
	v4 =	vsel vm10, $0x204, v4;
	v6 =	vand.u32 $0xF, v6  }
0x3f: {  	v7 =	vand.u32 $0xF, v37;
	v63 =	vand.u32 $0xF, v1;
	v52 =	vand.u32 $0xF, v50  }
0x40: {  	v18 =	vsel vm5, $0x1500, v18;
	v19 =	vsel vm5, $0x1580, v19;
	v20 =	vsel vm5, $0x1600, v20  }
0x41: {  	v21 =	vsel vm5, $0x1680, v21;
	v22 =	vsel vm5, $0x1700, v22;
	v23 =	vsel vm5, $0x1780, v23  }
0x42: {  	v24 =	vsel vm5, $0x1000, v24;
	v25 =	vsel vm5, $0x1080, v25;
	v26 =	vsel vm5, $0x1100, v26  }
0x43: {  	v27 =	vsel vm5, $0x1180, v27;
	v28 =	vsel vm5, $0x1200, v28;
	v29 =	vsel vm5, $0x1280, v29  }
0x44: {  	v30 =	vsel vm5, $0x1300, v30;
	v31 =	vsel vm5, $0x1380, v31;
	v4 =	vsel vm8, $0x285, v4  }
0x45: {  	v18 =	vsel vm6, $0x1581, v18;
	v19 =	vsel vm6, $0x1601, v19;
	v20 =	vsel vm6, $0x1681, v20  }
0x46: {  	v21 =	vsel vm6, $0x1701, v21;
	v22 =	vsel vm6, $0x1781, v22;
	v23 =	vsel vm6, $0x1001, v23  }
0x47: {  	v24 =	vsel vm6, $0x1081, v24;
	v25 =	vsel vm6, $0x1101, v25;
	v4 =	vsel vm9, $0x306, v4  }
0x48: {  	v26 =	vsel vm6, $0x1181, v26;
	v27 =	vsel vm6, $0x1201, v27;
	v8 =	vsel vm7, $0x387, v4  }
0x49: {  	v28 =	vsel vm6, $0x1281, v28;
	v29 =	vsel vm6, $0x1301, v29;
	v8 =	vsel vm5, $0x400, v8  }
0x4a: {  	v30 =	vsel vm6, $0x1381, v30;
	v35 =	vsel vm6, $0x481, v8;
	v8 =	vimm.s32 $0x7  }
0x4b: {  	[tilespmem:$0x1F750] =	vst v6;
	v31 =	vsel vm6, $0x1401, v31;
	v36 =	vsel vm4, $0x502, v35;
	v38 =	vsel vm14, $0x80, v8  }
0x4c: {  	[tilespmem:$0x1F760] =	vst v7;
	v8 =	vimm.s32 $0x87;
	v6 =	vsel vm2, $0x583, v36;
	v7 =	vsel vm13, $0x101, v38  }
0x4d: {  	v40 =	vsel vm14, $0x100, v8;
	v8 =	vimm.s32 $0x107;
	v36 =	vimm.s32 $0x607  }
0x4e: {  	v38 =	vimm.s32 $0x687;
	v6 =	vsel vm3, $0x604, v6;
	v39 =	vsel vm11, $0x182, v7  }
0x4f: {  	v7 =	vsel vm13, $0x181, v40;
	v8 =	vsel vm14, $0x180, v8;
	v37 =	vsel vm14, $0x680, v36  }
0x50: {  	v36 =	vimm.s32 $0x1987;
	v6 =	vsel vm1, $0x685, v6;
	v7 =	vsel vm11, $0x202, v7  }
0x51: {  	v8 =	vsel vm13, $0x201, v8;
	v36 =	vsel vm14, $0x1A00, v36;
	v6 =	vsel vm0, $0x706, v6  }
0x52: {  	v7 =	vsel vm12, $0x283, v7;
	v8 =	vsel vm11, $0x282, v8;
	v36 =	vsel vm13, $0x1A81, v36  }
0x53: {  	[tilespmem:$0x1F960] =	vst v6;
	v6 =	vsel vm12, $0x203, v39;
	v7 =	vsel vm10, $0x304, v7;
	v8 =	vsel vm12, $0x303, v8  }
0x54: {  	v39 =	vimm.s32 $0x707;
	v36 =	vsel vm11, $0x1B02, v36;
	v6 =	vsel vm10, $0x284, v6  }
0x55: {  	v7 =	vsel vm8, $0x385, v7;
	v8 =	vsel vm10, $0x384, v8;
	v36 =	vsel vm12, $0x1B83, v36  }
0x56: {  	v6 =	vsel vm8, $0x305, v6;
	v7 =	vsel vm9, $0x406, v7;
	v8 =	vsel vm8, $0x405, v8  }
0x57: {  	v36 =	vsel vm10, $0x1C04, v36;
	v6 =	vsel vm9, $0x386, v6;
	v7 =	vsel vm7, $0x487, v7  }
0x58: {  	v8 =	vsel vm9, $0x486, v8;
	v36 =	vsel vm8, $0x1C85, v36;
	v6 =	vsel vm7, $0x407, v6  }
0x59: {  	v7 =	vsel vm5, $0x500, v7;
	v8 =	vsel vm7, $0x507, v8;
	v36 =	vsel vm9, $0x1D06, v36  }
0x5a: {  	v6 =	vsel vm5, $0x480, v6;
	v7 =	vsel vm6, $0x581, v7;
	v8 =	vsel vm5, $0x580, v8  }
0x5b: {  	v36 =	vsel vm7, $0x1D87, v36;
	v6 =	vsel vm6, $0x501, v6;
	v7 =	vsel vm4, $0x602, v7  }
0x5c: {  	v8 =	vsel vm6, $0x601, v8;
	v36 =	vsel vm5, $0x1E00, v36;
	v6 =	vsel vm4, $0x582, v6  }
0x5d: {  	v7 =	vsel vm2, $0x683, v7;
	v42 =	vsel vm4, $0x682, v8;
	v8 =	vimm.s32 $0xBA987654  }
0x5e: {  	v36 =	vsel vm6, $0x1E81, v36;
	v6 =	vsel vm2, $0x603, v6;
	v41 =	vsel vm3, $0x704, v7  }
0x5f: {  	v43 =	vsel vm2, $0x703, v42;
	v7 =	vunpack.c.l.s4.s8 v44;
	v8 =	vunpack.c.l.s4.s8 v8  }
0x60: {  	v44 =	vimm.s32 $0x1C1B1A19;
	v6 =	vsel vm3, $0x684, v6;
	v10 =	vsel vm1, $0x785, v41  }
0x61: {  	v6 =	vsel vm1, $0x705, v6;
	v45 =	vunpack.c.0.s8.s32 v7;
	v46 =	vunpack.c.0.s8.s32 v8  }
0x62: {  	v8 =	vunpack.c.0.s8.s32 v9;
	v9 =	vunpack.c.0.s8.s32 v11;
	v11 =	vsel vm14, $0x200, v13  }
0x63: {  	v10 =	vsel vm0, $0x6, v10;
	v13 =	vimm.s32 $0x6543210F;
	v6 =	vsel vm0, $0x786, v6  }
0x64: {  	v13 =	vunpack.c.l.s4.s8 v13;
	v14 =	vcombine.low v46, v45;
	v15 =	vcombine.low v9, v8  }
0x65: {  	[tilespmem:$0x1F980] =	vst v6;
	v6 =	vsel vm3, $0x784, v43;
	v7 =	vcombine.low v45, v46;
	v32 =	vcombine.low v8, v9  }
0x66: {  	v43 =	vimm.s32 $0xF87;
	v46 =	vimm.s32 $0x807;
	v8 =	vimm.s32 $0xB87  }
0x67: {  	v9 =	vimm.s32 $0xC07;
	v12 =	vsel vm1, $0x5, v6;
	v8 =	vsel vm14, $0xC00, v8  }
0x68: {  	[tilespmem:$0x1F9A0] =	vst v10;
	v9 =	vsel vm14, $0xC80, v9;
	v10 =	vsel vm0, $0x86, v12;
	v12 =	vimm.s32 $0xDCBA9876  }
0x69: {  	v14 =	vand.u32 $0xF, v14;
	v15 =	vand.u32 $0xF, v15;
	v50 =	vand.u32 $0xF, v7  }
0x6a: {  	v8 =	vsel vm13, $0xC81, v8;
	v9 =	vsel vm13, $0xD01, v9;
	[tilespmem:$0x1F770] =	vst v10;
	v10 =	vsel vm13, $0x281, v11  }
0x6b: {  	v11 =	vimm.s32 $0x543210FE;
	v12 =	vunpack.c.l.s4.s8 v12;
	v8 =	vsel vm11, $0xD02, v8  }
0x6c: {  	v9 =	vsel vm11, $0xD82, v9;
	v10 =	vsel vm11, $0x302, v10;
	v11 =	vunpack.c.l.s4.s8 v11  }
0x6d: {  	v8 =	vsel vm12, $0xD83, v8;
	v9 =	vsel vm12, $0xE03, v9;
	v10 =	vsel vm12, $0x383, v10  }
0x6e: {  	v12 =	vunpack.c.0.s8.s32 v12;
	v8 =	vsel vm10, $0xE04, v8;
	v9 =	vsel vm10, $0xE84, v9  }
0x6f: {  	v10 =	vsel vm10, $0x404, v10;
	v8 =	vsel vm8, $0xE85, v8;
	v9 =	vsel vm8, $0xF05, v9  }
0x70: {  	v10 =	vsel vm8, $0x485, v10;
	v8 =	vsel vm9, $0xF06, v8;
	v9 =	vsel vm9, $0xF86, v9  }
0x71: {  	v17 =	vsel vm9, $0x506, v10;
	v10 =	vunpack.c.0.s8.s32 v11;
	v11 =	vunpack.c.0.s8.s32 v13  }
0x72: {  	v13 =	vunpack.c.0.s8.s32 v16;
	v8 =	vsel vm7, $0xF87, v8;
	v9 =	vsel vm7, $0x807, v9  }
0x73: {  	[tilespmem:$0x1FA70] =	vst v14;
	v17 =	vsel vm7, $0x587, v17;
	v8 =	vsel vm5, $0x800, v8;
	v9 =	vsel vm5, $0x880, v9  }
0x74: {  	[tilespmem:$0x1FCD0] =	vst v15;
	v16 =	vsel vm5, $0x600, v17;
	v14 =	vcombine.low v12, v10;
	v15 =	vcombine.low v13, v11  }
0x75: {  	v17 =	vimm.s32 $0x76543210;
	v33 =	vcombine.low v10, v12;
	v34 =	vcombine.low v11, v13  }
0x76: {  	v10 =	vimm.s32 $0xC87;
	v11 =	vimm.s32 $0xD07;
	v12 =	vimm.s32 $0xD87  }
0x77: {  	v13 =	vimm.s32 $0xE07;
	v8 =	vsel vm6, $0x881, v8;
	v9 =	vsel vm6, $0x901, v9  }
0x78: {  	v16 =	vsel vm6, $0x681, v16;
	v10 =	vsel vm14, $0xD00, v10;
	v11 =	vsel vm14, $0xD80, v11  }
0x79: {  	v12 =	vsel vm14, $0xE00, v12;
	v13 =	vsel vm14, $0xE80, v13;
	v16 =	vsel vm4, $0x702, v16  }
0x7a: {  	v14 =	vand.u32 $0xF, v14;
	v15 =	vand.u32 $0xF, v15;
	v10 =	vsel vm13, $0xD81, v10  }
0x7b: {  	v11 =	vsel vm13, $0xE01, v11;
	v12 =	vsel vm13, $0xE81, v12;
	v13 =	vsel vm13, $0xF01, v13  }
0x7c: {  	[tilespmem:$0x1FA40] =	vst v14;
	v14 =	vsel vm2, $0x783, v16;
	v16 =	vimm.s32 $0x207;
	v10 =	vsel vm11, $0xE02, v10  }
0x7d: {  	v11 =	vsel vm11, $0xE82, v11;
	v12 =	vsel vm11, $0xF02, v12;
	v13 =	vsel vm11, $0xF82, v13  }
0x7e: {  	[tilespmem:$0x1FA30] =	vst v15;
	v14 =	vsel vm3, $0x4, v14;
	v15 =	vsel vm14, $0x280, v16;
	v16 =	vimm.s32 $0x287  }
0x7f: {  	v10 =	vsel vm12, $0xE83, v10;
	v11 =	vsel vm12, $0xF03, v11;
	v12 =	vsel vm12, $0xF83, v12  }
0x80: {  	v13 =	vsel vm12, $0x803, v13;
	v14 =	vsel vm1, $0x85, v14;
	v15 =	vsel vm13, $0x301, v15  }
0x81: {  	v10 =	vsel vm10, $0xF04, v10;
	v11 =	vsel vm10, $0xF84, v11;
	v12 =	vsel vm10, $0x804, v12  }
0x82: {  	v13 =	vsel vm10, $0x884, v13;
	v14 =	vsel vm0, $0x106, v14;
	v10 =	vsel vm8, $0xF85, v10  }
0x83: {  	v11 =	vsel vm8, $0x805, v11;
	v12 =	vsel vm8, $0x885, v12;
	v13 =	vsel vm8, $0x905, v13  }
0x84: {  	[tilespmem:$0x1FA20] =	vst v14;
	v14 =	vsel vm11, $0x382, v15;
	v15 =	vsel vm14, $0x300, v16;
	v16 =	vimm.s32 $0x307  }
0x85: {  	v10 =	vsel vm9, $0x806, v10;
	v11 =	vsel vm9, $0x886, v11;
	v12 =	vsel vm9, $0x906, v12  }
0x86: {  	v13 =	vsel vm9, $0x986, v13;
	v14 =	vsel vm12, $0x403, v14;
	v15 =	vsel vm13, $0x381, v15  }
0x87: {  	v16 =	vsel vm14, $0x380, v16;
	v10 =	vsel vm7, $0x887, v10;
	v11 =	vsel vm7, $0x907, v11  }
0x88: {  	v12 =	vsel vm7, $0x987, v12;
	v13 =	vsel vm7, $0xA07, v13;
	v14 =	vsel vm10, $0x484, v14  }
0x89: {  	v15 =	vsel vm11, $0x402, v15;
	v16 =	vsel vm13, $0x401, v16;
	v14 =	vsel vm8, $0x505, v14  }
0x8a: {  	v10 =	vsel vm5, $0x900, v10;
	v15 =	vsel vm12, $0x483, v15;
	v14 =	vsel vm9, $0x586, v14  }
0x8b: {  	v11 =	vsel vm5, $0x980, v11;
	v15 =	vsel vm10, $0x504, v15;
	v14 =	vsel vm7, $0x607, v14  }
0x8c: {  	v16 =	vsel vm11, $0x482, v16;
	v15 =	vsel vm8, $0x585, v15;
	v14 =	vsel vm5, $0x680, v14  }
0x8d: {  	v16 =	vsel vm12, $0x503, v16;
	v15 =	vsel vm9, $0x606, v15;
	v14 =	vsel vm6, $0x701, v14  }
0x8e: {  	v16 =	vsel vm10, $0x584, v16;
	v15 =	vsel vm7, $0x687, v15;
	v14 =	vsel vm4, $0x782, v14  }
0x8f: {  	v16 =	vsel vm8, $0x605, v16;
	v15 =	vsel vm5, $0x700, v15;
	v14 =	vsel vm2, $0x3, v14  }
0x90: {  	v16 =	vsel vm9, $0x686, v16;
	v15 =	vsel vm6, $0x781, v15;
	v14 =	vsel vm3, $0x84, v14  }
0x91: {  	v16 =	vsel vm7, $0x707, v16;
	v15 =	vsel vm4, $0x2, v15;
	v14 =	vsel vm1, $0x105, v14  }
0x92: {  	v16 =	vsel vm5, $0x780, v16;
	v15 =	vsel vm2, $0x83, v15;
	v14 =	vsel vm0, $0x186, v14  }
0x93: {  	v12 =	vsel vm5, $0xA00, v12;
	v16 =	vsel vm6, $0x1, v16;
	[tilespmem:$0x1FA10] =	vst v14;
	v14 =	vsel vm3, $0x104, v15  }
0x94: {  	v13 =	vsel vm5, $0xA80, v13;
	v15 =	vsel vm4, $0x82, v16;
	v14 =	vsel vm1, $0x185, v14  }
0x95: {  	v16 =	vimm.s32 $0x387;
	v15 =	vsel vm2, $0x103, v15;
	v14 =	vsel vm0, $0x206, v14  }
0x96: {  	v10 =	vsel vm6, $0x981, v10;
	[tilespmem:$0x1FA00] =	vst v14;
	v14 =	vsel vm3, $0x184, v15;
	v15 =	vsel vm14, $0x400, v16  }
0x97: {  	v11 =	vsel vm6, $0xA01, v11;
	v12 =	vsel vm6, $0xA81, v12;
	v15 =	vsel vm13, $0x481, v15  }
0x98: {  	v16 =	vimm.s32 $0xFEDCBA98;
	v14 =	vsel vm1, $0x205, v14;
	v15 =	vsel vm11, $0x502, v15  }
0x99: {  	v16 =	vunpack.c.l.s4.s8 v16;
	v14 =	vsel vm0, $0x286, v14;
	v15 =	vsel vm12, $0x583, v15  }
0x9a: {  	v13 =	vsel vm6, $0xB01, v13;
	[tilespmem:$0x1F9F0] =	vst v14;
	v14 =	vunpack.c.l.s4.s8 v17;
	v15 =	vsel vm10, $0x604, v15  }
0x9b: {  	v16 =	vunpack.c.0.s8.s32 v16;
	v17 =	vimm.s32 $0x407;
	v15 =	vsel vm8, $0x685, v15  }
0x9c: {  	v17 =	vsel vm14, $0x480, v17;
	v14 =	vunpack.c.0.s8.s32 v14;
	v15 =	vsel vm9, $0x706, v15  }
0x9d: {  	v16 =	vand.u32 $0xF, v16;
	v17 =	vsel vm13, $0x501, v17;
	v47 =	vsel vm7, $0x787, v15  }
0x9e: {  	v15 =	vsel vm11, $0x582, v17;
	v61 =	vcombine.low v16, v14;
	v16 =	vimm.s32 $0x1787  }
0x9f: {  	v17 =	vimm.s32 $0x1007;
	v2 =	vsel vm5, $0x0, v47;
	v14 =	vsel vm12, $0x603, v15  }
0xa0: {  	v47 =	vimm.s32 $0x887;
	v15 =	vimm.s32 $0xF07;
	v16 =	vsel vm14, $0x1000, v16  }
0xa1: {  	v17 =	vsel vm14, $0x1080, v17;
	v48 =	vsel vm6, $0x81, v2;
	v49 =	vsel vm10, $0x684, v14  }
0xa2: {  	v14 =	vimm.s32 $0xE87;
	v15 =	vsel vm14, $0xF80, v15;
	v16 =	vsel vm13, $0x1081, v16  }
0xa3: {  	v17 =	vsel vm13, $0x1101, v17;
	v0 =	vsel vm4, $0x102, v48;
	v2 =	vsel vm8, $0x705, v49  }
0xa4: {  	v48 =	vimm.s32 $0x907;
	v49 =	vimm.s32 $0x987;
	v14 =	vsel vm14, $0xF00, v14  }
0xa5: {  	v15 =	vsel vm13, $0x801, v15;
	v16 =	vsel vm11, $0x1102, v16;
	v17 =	vsel vm11, $0x1182, v17  }
0xa6: {  	v0 =	vsel vm2, $0x183, v0;
	v2 =	vsel vm9, $0x786, v2;
	v3 =	vsel vm14, $0x980, v48  }
0xa7: {  	v48 =	vimm.s32 $0x101F1E1D;
	v14 =	vsel vm13, $0xF81, v14;
	v15 =	vsel vm11, $0x882, v15  }
0xa8: {  	v16 =	vsel vm12, $0x1183, v16;
	v17 =	vsel vm12, $0x1203, v17;
	v0 =	vsel vm3, $0x204, v0  }
0xa9: {  	v51 =	vsel vm7, $0x7, v2;
	v2 =	vsel vm14, $0x580, v55;
	v55 =	vimm.s32 $0xB07  }
0xaa: {  	v48 =	vunpack.c.0.s8.s32 v48;
	v3 =	vsel vm13, $0xA01, v3;
	v14 =	vsel vm11, $0x802, v14  }
0xab: {  	v15 =	vsel vm12, $0x903, v15;
	v16 =	vsel vm10, $0x1204, v16;
	v17 =	vsel vm10, $0x1284, v17  }
0xac: {  	v0 =	vsel vm1, $0x285, v0;
	v1 =	vsel vm5, $0x80, v51;
	v2 =	vsel vm13, $0x601, v2  }
0xad: {  	v51 =	vimm.s32 $0xA07;
	v7 =	vsel vm14, $0xB80, v55;
	v3 =	vsel vm11, $0xA82, v3  }
0xae: {  	v14 =	vsel vm12, $0x883, v14;
	v15 =	vsel vm10, $0x984, v15;
	v55 =	vimm.s32 $0x15141312  }
0xaf: {  	v16 =	vsel vm8, $0x1285, v16;
	v17 =	vsel vm8, $0x1305, v17;
	v59 =	vsel vm0, $0x306, v0  }
0xb0: {  	v53 =	vsel vm6, $0x101, v1;
	v1 =	vsel vm14, $0x500, v54;
	v2 =	vsel vm11, $0x682, v2  }
0xb1: {  	v54 =	vand.u32 $0xF, v33;
	v33 =	vimm.s32 $0x1807;
	v7 =	vsel vm13, $0xC01, v7  }
0xb2: {  	v3 =	vsel vm12, $0xB03, v3;
	v14 =	vsel vm10, $0x904, v14;
	v15 =	vsel vm8, $0xA05, v15  }
0xb3: {  	v16 =	vsel vm9, $0x1306, v16;
	v17 =	vsel vm9, $0x1386, v17;
	v0 =	vsel vm4, $0x182, v53  }
0xb4: {  	v1 =	vsel vm13, $0x581, v1;
	v57 =	vsel vm12, $0x703, v2;
	v2 =	vsel vm14, $0x600, v60  }
0xb5: {  	v53 =	vimm.s32 $0xA87;
	v33 =	vsel vm14, $0x1880, v33;
	v7 =	vsel vm11, $0xC82, v7  }
0xb6: {  	v60 =	vimm.s32 $0x1D1C1B1A;
	v3 =	vsel vm10, $0xB84, v3;
	v14 =	vsel vm8, $0x985, v14  }
0xb7: {  	v15 =	vsel vm9, $0xA86, v15;
	v16 =	vsel vm7, $0x1387, v16;
	v17 =	vsel vm7, $0x1407, v17  }
0xb8: {  	v0 =	vsel vm2, $0x203, v0;
	v1 =	vsel vm11, $0x602, v1;
	v2 =	vsel vm13, $0x681, v2  }
0xb9: {  	v6 =	vsel vm14, $0xB00, v53;
	v33 =	vsel vm13, $0x1901, v33;
	v7 =	vsel vm12, $0xD03, v7  }
0xba: {  	v53 =	vimm.s32 $0x11101F1E;
	v3 =	vsel vm8, $0xC05, v3;
	v14 =	vsel vm9, $0xA06, v14  }
0xbb: {  	v15 =	vsel vm7, $0xB07, v15;
	v16 =	vsel vm5, $0x1400, v16;
	v17 =	vsel vm5, $0x1480, v17  }
0xbc: {  	v0 =	vsel vm3, $0x284, v0;
	v1 =	vsel vm12, $0x683, v1;
	v2 =	vsel vm11, $0x702, v2  }
0xbd: {  	v6 =	vsel vm13, $0xB81, v6;
	v33 =	vsel vm11, $0x1982, v33;
	v7 =	vsel vm10, $0xD84, v7  }
0xbe: {  	v3 =	vsel vm9, $0xC86, v3;
	v14 =	vsel vm7, $0xA87, v14;
	v15 =	vsel vm5, $0xB80, v15  }
0xbf: {  	v16 =	vsel vm6, $0x1481, v16;
	v17 =	vsel vm6, $0x1501, v17;
	v0 =	vsel vm1, $0x305, v0  }
0xc0: {  	v56 =	vsel vm10, $0x704, v1;
	v1 =	vsel vm10, $0x784, v57;
	v2 =	vsel vm12, $0x783, v2  }
0xc1: {  	v57 =	vimm.s32 $0x18171615;
	v6 =	vsel vm11, $0xC02, v6;
	v33 =	vsel vm12, $0x1A03, v33  }
0xc2: {  	v7 =	vsel vm8, $0xE05, v7;
	v3 =	vsel vm7, $0xD07, v3;
	v14 =	vsel vm5, $0xB00, v14  }
0xc3: {  	v15 =	vsel vm6, $0xC01, v15;
	v58 =	vsel vm0, $0x386, v0;
	v0 =	vsel vm8, $0x785, v56  }
0xc4: {  	[tilespmem:$0x1FC90] =	vst v48;
	v1 =	vsel vm8, $0x5, v1;
	v2 =	vsel vm10, $0x4, v2;
	v48 =	vunpack.c.0.s8.s32 v57  }
0xc5: {  	v6 =	vsel vm12, $0xC83, v6;
	v57 =	vunpack.c.0.s8.s32 v53;
	v33 =	vsel vm10, $0x1A84, v33  }
0xc6: {  	v7 =	vsel vm9, $0xE86, v7;
	v53 =	vimm.s32 $0x1E1D1C1B;
	v3 =	vsel vm5, $0xD80, v3  }
0xc7: {  	v14 =	vsel vm6, $0xB81, v14;
	v0 =	vsel vm9, $0x6, v0;
	v1 =	vsel vm9, $0x86, v1  }
0xc8: {  	v2 =	vsel vm8, $0x85, v2;
	v6 =	vsel vm10, $0xD04, v6;
	v33 =	vsel vm8, $0x1B05, v33  }
0xc9: {  	v7 =	vsel vm7, $0xF07, v7;
	v3 =	vsel vm6, $0xE01, v3;
	v0 =	vsel vm7, $0x87, v0  }
0xca: {  	v1 =	vsel vm7, $0x107, v1;
	v2 =	vsel vm9, $0x106, v2;
	[tilespmem:$0x1FCB0] =	vst v48;
	v48 =	vunpack.c.0.s8.s32 v55  }
0xcb: {  	v6 =	vsel vm8, $0xD85, v6;
	v33 =	vsel vm9, $0x1B86, v33;
	v55 =	vunpack.c.0.s8.s32 v53  }
0xcc: {  	v7 =	vsel vm5, $0xF80, v7;
	v53 =	vimm.s32 $0x16151413;
	v0 =	vsel vm5, $0x100, v0  }
0xcd: {  	v1 =	vsel vm5, $0x180, v1;
	v2 =	vsel vm7, $0x187, v2;
	v6 =	vsel vm9, $0xE06, v6  }
0xce: {  	v33 =	vsel vm7, $0x1C07, v33;
	v7 =	vsel vm6, $0x801, v7;
	v0 =	vsel vm6, $0x181, v0  }
0xcf: {  	v1 =	vsel vm6, $0x201, v1;
	v5 =	vsel vm5, $0x200, v2;
	v2 =	vand.u32 $0xF, v32  }
0xd0: {  	v32 =	vimm.s32 $0x1F87;
	v6 =	vsel vm7, $0xE87, v6;
	v33 =	vsel vm5, $0x1C80, v33  }
0xd1: {  	[tilespmem:$0x1F820] =	vst v55;
	v55 =	vimm.s32 $0x1A191817;
	v0 =	vsel vm4, $0x202, v0;
	v1 =	vsel vm4, $0x282, v1  }
0xd2: {  	[tilespmem:$0x1F7A0] =	vst v2;
	v2 =	vsel vm14, $0x780, v39;
	v32 =	vsel vm14, $0x1800, v32;
	v39 =	vimm.s32 $0x1B07  }
0xd3: {  	v6 =	vsel vm5, $0xF00, v6;
	v33 =	vsel vm6, $0x1D01, v33;
	v0 =	vsel vm2, $0x283, v0  }
0xd4: {  	v1 =	vsel vm2, $0x303, v1;
	v2 =	vsel vm13, $0x1, v2;
	v39 =	vsel vm14, $0x1B80, v39  }
0xd5: {  	v32 =	vsel vm13, $0x1881, v32;
	v6 =	vsel vm6, $0xF81, v6;
	v0 =	vsel vm3, $0x304, v0  }
0xd6: {  	v1 =	vsel vm3, $0x384, v1;
	v2 =	vsel vm11, $0x82, v2;
	v39 =	vsel vm13, $0x1C01, v39  }
0xd7: {  	v32 =	vsel vm11, $0x1902, v32;
	v0 =	vsel vm1, $0x385, v0;
	v4 =	vsel vm1, $0x405, v1  }
0xd8: {  	v1 =	vsel vm6, $0x281, v5;
	v2 =	vsel vm12, $0x103, v2;
	v5 =	vsel vm14, $0xA80, v51  }
0xd9: {  	v32 =	vsel vm12, $0x1983, v32;
	v39 =	vsel vm11, $0x1C82, v39;
	v0 =	vsel vm0, $0x406, v0  }
0xda: {  	[tilespmem:$0x1F780] =	vst v52;
	v52 =	vsel vm0, $0x486, v4;
	v1 =	vsel vm4, $0x302, v1;
	v2 =	vsel vm10, $0x184, v2  }
0xdb: {  	v4 =	vsel vm14, $0xA00, v49;
	v49 =	vimm.s32 $0x14131211;
	v5 =	vsel vm13, $0xB01, v5  }
0xdc: {  	v39 =	vsel vm12, $0x1D03, v39;
	v32 =	vsel vm10, $0x1A04, v32;
	v1 =	vsel vm2, $0x383, v1  }
0xdd: {  	[tilespmem:$0x1F790] =	vst v0;
	v0 =	vand.u32 $0xF, v34;
	v2 =	vsel vm8, $0x205, v2;
	v34 =	vimm.s32 $0x1887  }
0xde: {  	v56 =	vunpack.c.0.s8.s32 v49;
	v4 =	vsel vm13, $0xA81, v4;
	v5 =	vsel vm11, $0xB82, v5  }
0xdf: {  	v39 =	vsel vm10, $0x1D84, v39;
	v32 =	vsel vm8, $0x1A85, v32;
	v1 =	vsel vm3, $0x404, v1  }
0xe0: {  	v2 =	vsel vm9, $0x286, v2;
	v34 =	vsel vm14, $0x1900, v34;
	v4 =	vsel vm11, $0xB02, v4  }
0xe1: {  	v5 =	vsel vm12, $0xC03, v5;
	v32 =	vsel vm9, $0x1B06, v32;
	v39 =	vsel vm8, $0x1E05, v39  }
0xe2: {  	v35 =	vsel vm1, $0x485, v1;
	v1 =	vsel vm14, $0x700, v38;
	v2 =	vsel vm7, $0x307, v2  }
0xe3: {  	v38 =	vimm.s32 $0x1A87;
	v34 =	vsel vm13, $0x1981, v34;
	v4 =	vsel vm12, $0xB83, v4  }
0xe4: {  	[tilespmem:$0x1FCA0] =	vst v56;
	v56 =	vunpack.c.0.s8.s32 v60;
	v5 =	vsel vm10, $0xC84, v5;
	v39 =	vsel vm9, $0x1E86, v39  }
0xe5: {  	[tilespmem:$0x1F7B0] =	vst v0;
	v60 =	vimm.s32 $0x19181716;
	v32 =	vsel vm7, $0x1B87, v32;
	v0 =	vsel vm0, $0x506, v35  }
0xe6: {  	v1 =	vsel vm13, $0x781, v1;
	v2 =	vsel vm5, $0x380, v2;
	v35 =	vimm.s32 $0x1907  }
0xe7: {  	v38 =	vsel vm14, $0x1B00, v38;
	v34 =	vsel vm11, $0x1A02, v34;
	v4 =	vsel vm10, $0xC04, v4  }
0xe8: {  	[tilespmem:$0x1F800] =	vst v48;
	v5 =	vsel vm8, $0xD05, v5;
	v48 =	vunpack.c.0.s8.s32 v60;
	v39 =	vsel vm7, $0x1F07, v39  }
0xe9: {  	v60 =	vimm.s32 $0x1211101F;
	v32 =	vsel vm5, $0x1C00, v32;
	[tilespmem:$0x1F7C0] =	vst v0;
	v0 =	vsel vm13, $0x701, v37  }
0xea: {  	v1 =	vsel vm11, $0x2, v1;
	v2 =	vsel vm6, $0x401, v2;
	v35 =	vsel vm14, $0x1980, v35  }
0xeb: {  	v37 =	vimm.s32 $0x1A07;
	v38 =	vsel vm13, $0x1B81, v38;
	v34 =	vsel vm12, $0x1A83, v34  }
0xec: {  	v4 =	vsel vm8, $0xC85, v4;
	v5 =	vsel vm9, $0xD86, v5;
	v32 =	vsel vm6, $0x1C81, v32  }
0xed: {  	v39 =	vsel vm5, $0x1F80, v39;
	v0 =	vsel vm11, $0x782, v0;
	v1 =	vsel vm12, $0x83, v1  }
0xee: {  	v2 =	vsel vm4, $0x482, v2;
	v37 =	vsel vm14, $0x1A80, v37;
	v35 =	vsel vm13, $0x1A01, v35  }
0xef: {  	v38 =	vsel vm11, $0x1C02, v38;
	v34 =	vsel vm10, $0x1B04, v34;
	v4 =	vsel vm9, $0xD06, v4  }
0xf0: {  	[tilespmem:$0x1F810] =	vst v48;
	v5 =	vsel vm7, $0xE07, v5;
	v48 =	vunpack.c.0.s8.s32 v60;
	v39 =	vsel vm6, $0x1801, v39  }
0xf1: {  	v60 =	vunpack.c.0.s8.s32 v55;
	v0 =	vsel vm12, $0x3, v0;
	v1 =	vsel vm10, $0x104, v1  }
0xf2: {  	v2 =	vsel vm2, $0x503, v2;
	v37 =	vsel vm13, $0x1B01, v37;
	v35 =	vsel vm11, $0x1A82, v35  }
0xf3: {  	v38 =	vsel vm12, $0x1C83, v38;
	v34 =	vsel vm8, $0x1B85, v34;
	v4 =	vsel vm7, $0xD87, v4  }
0xf4: {  	v5 =	vsel vm5, $0xE80, v5;
	v0 =	vsel vm10, $0x84, v0;
	v1 =	vsel vm8, $0x185, v1  }
0xf5: {  	v41 =	vsel vm3, $0x584, v2;
	v2 =	vsel vm14, $0x900, v47;
	v47 =	vimm.s32 $0x1F07  }
0xf6: {  	v35 =	vsel vm12, $0x1B03, v35;
	v37 =	vsel vm11, $0x1B82, v37;
	v38 =	vsel vm10, $0x1D04, v38  }
0xf7: {  	v34 =	vsel vm9, $0x1C06, v34;
	v4 =	vsel vm5, $0xE00, v4;
	v5 =	vsel vm6, $0xF01, v5  }
0xf8: {  	[tilespmem:$0x1F830] =	vst v48;
	v48 =	vunpack.c.0.s8.s32 v53;
	v53 =	vsel vm4, $0xE82, v3;
	v3 =	vsel vm4, $0x882, v7  }
0xf9: {  	v0 =	vsel vm8, $0x105, v0;
	v1 =	vsel vm9, $0x206, v1;
	v42 =	vsel vm1, $0x605, v41  }
0xfa: {  	v41 =	vimm.s32 $0x1C07;
	v47 =	vsel vm14, $0x1F80, v47;
	v2 =	vsel vm13, $0x981, v2  }
0xfb: {  	v37 =	vsel vm12, $0x1C03, v37;
	v35 =	vsel vm10, $0x1B84, v35;
	v38 =	vsel vm8, $0x1D85, v38  }
0xfc: {  	v34 =	vsel vm7, $0x1C87, v34;
	v4 =	vsel vm6, $0xE81, v4;
	v3 =	vsel vm2, $0x903, v3  }
0xfd: {  	v0 =	vsel vm9, $0x186, v0;
	v1 =	vsel vm7, $0x287, v1;
	v41 =	vsel vm14, $0x1C80, v41  }
0xfe: {  	v47 =	vsel vm13, $0x1801, v47;
	v2 =	vsel vm11, $0xA02, v2;
	v37 =	vsel vm10, $0x1C84, v37  }
0xff: {  	v35 =	vsel vm8, $0x1C05, v35;
	v38 =	vsel vm9, $0x1E06, v38;
	v34 =	vsel vm5, $0x1D00, v34  }
0x100: {  	v4 =	vsel vm4, $0xF02, v4;
	v3 =	vsel vm3, $0x984, v3;
	v0 =	vsel vm7, $0x207, v0  }
0x101: {  	v1 =	vsel vm5, $0x300, v1;
	v41 =	vsel vm13, $0x1D01, v41;
	v2 =	vsel vm12, $0xA83, v2  }
0x102: {  	v47 =	vsel vm11, $0x1882, v47;
	v35 =	vsel vm9, $0x1C86, v35;
	v37 =	vsel vm8, $0x1D05, v37  }
0x103: {  	v38 =	vsel vm7, $0x1E87, v38;
	v34 =	vsel vm6, $0x1D81, v34;
	v3 =	vsel vm1, $0xA05, v3  }
0x104: {  	v0 =	vsel vm5, $0x280, v0;
	v1 =	vsel vm6, $0x381, v1;
	v41 =	vsel vm11, $0x1D82, v41  }
0x105: {  	v47 =	vsel vm12, $0x1903, v47;
	v2 =	vsel vm10, $0xB04, v2;
	v37 =	vsel vm9, $0x1D86, v37  }
0x106: {  	v35 =	vsel vm7, $0x1D07, v35;
	v38 =	vsel vm5, $0x1F00, v38;
	v0 =	vsel vm6, $0x301, v0  }
0x107: {  	v1 =	vsel vm4, $0x402, v1;
	v41 =	vsel vm12, $0x1E03, v41;
	v47 =	vsel vm10, $0x1984, v47  }
0x108: {  	v2 =	vsel vm8, $0xB85, v2;
	v37 =	vsel vm7, $0x1E07, v37;
	v35 =	vsel vm5, $0x1D80, v35  }
0x109: {  	v38 =	vsel vm6, $0x1F81, v38;
	v0 =	vsel vm4, $0x382, v0;
	v1 =	vsel vm2, $0x483, v1  }
0x10a: {  	v41 =	vsel vm10, $0x1E84, v41;
	v2 =	vsel vm9, $0xC06, v2;
	v47 =	vsel vm8, $0x1A05, v47  }
0x10b: {  	v35 =	vsel vm6, $0x1E01, v35;
	v37 =	vsel vm5, $0x1E80, v37;
	v0 =	vsel vm2, $0x403, v0  }
0x10c: {  	v1 =	vsel vm3, $0x504, v1;
	v41 =	vsel vm8, $0x1F05, v41;
	v47 =	vsel vm9, $0x1A86, v47  }
0x10d: {  	v2 =	vsel vm7, $0xC87, v2;
	v37 =	vsel vm6, $0x1F01, v37;
	v0 =	vsel vm3, $0x484, v0  }
0x10e: {  	v40 =	vsel vm1, $0x585, v1;
	v1 =	vsel vm14, $0x800, v43;
	v43 =	vimm.s32 $0x1D07  }
0x10f: {  	v41 =	vsel vm9, $0x1F86, v41;
	v47 =	vsel vm7, $0x1B07, v47;
	v2 =	vsel vm5, $0xD00, v2  }
0x110: {  	v0 =	vsel vm1, $0x505, v0;
	v45 =	vsel vm13, $0x881, v1;
	v1 =	vsel vm14, $0x880, v46  }
0x111: {  	v43 =	vsel vm14, $0x1D80, v43;
	v46 =	vimm.s32 $0x1E87;
	v41 =	vsel vm7, $0x1807, v41  }
0x112: {  	v2 =	vsel vm6, $0xD81, v2;
	v47 =	vsel vm5, $0x1B80, v47;
	v0 =	vsel vm0, $0x586, v0  }
0x113: {  	v46 =	vsel vm14, $0x1F00, v46;
	v1 =	vsel vm13, $0x901, v1;
	v43 =	vsel vm13, $0x1E01, v43  }
0x114: {  	v41 =	vsel vm5, $0x1880, v41;
	v47 =	vsel vm6, $0x1C01, v47;
	v2 =	vsel vm4, $0xE02, v2  }
0x115: {  	[tilespmem:$0x1F7D0] =	vst v0;
	v0 =	vsel vm0, $0x606, v40;
	v40 =	vimm.s32 $0x1B87;
	v46 =	vsel vm13, $0x1F81, v46  }
0x116: {  	v1 =	vsel vm11, $0x982, v1;
	v43 =	vsel vm11, $0x1E82, v43;
	v41 =	vsel vm6, $0x1901, v41  }
0x117: {  	v51 =	vsel vm2, $0xE83, v2;
	v2 =	vsel vm2, $0xF03, v53;
	[tilespmem:$0x1F7E0] =	vst v0;
	v0 =	vsel vm0, $0x686, v42  }
0x118: {  	v40 =	vsel vm14, $0x1C00, v40;
	v42 =	vimm.s32 $0x1C87;
	v1 =	vsel vm12, $0xA03, v1  }
0x119: {  	[tilespmem:$0x1F850] =	vst v60;
	v43 =	vsel vm12, $0x1F03, v43;
	v46 =	vsel vm11, $0x1802, v46;
	v60 =	vsel vm3, $0xF84, v2  }
0x11a: {  	v2 =	vsel vm4, $0x802, v6;
	v6 =	vsel vm4, $0xA02, v10;
	v10 =	vsel vm4, $0xC02, v14  }
0x11b: {  	v14 =	vsel vm4, $0x1602, v18;
	v18 =	vsel vm4, $0x1002, v22;
	v22 =	vsel vm4, $0x1202, v26  }
0x11c: {  	v26 =	vsel vm4, $0x1402, v30;
	v30 =	vsel vm4, $0x1E02, v34;
	v34 =	vsel vm4, $0x1802, v38  }
0x11d: {  	[tilespmem:$0x1F7F0] =	vst v0;
	v0 =	vunpack.c.0.s8.s32 v44;
	v42 =	vsel vm14, $0x1D00, v42;
	v44 =	vimm.s32 $0x1D87  }
0x11e: {  	v40 =	vsel vm13, $0x1C81, v40;
	v46 =	vsel vm12, $0x1883, v46;
	v1 =	vsel vm10, $0xA84, v1  }
0x11f: {  	v43 =	vsel vm10, $0x1F84, v43;
	v2 =	vsel vm2, $0x883, v2;
	v6 =	vsel vm2, $0xA83, v6  }
0x120: {  	v10 =	vsel vm2, $0xC83, v10;
	v14 =	vsel vm2, $0x1683, v14;
	v18 =	vsel vm2, $0x1083, v18  }
0x121: {  	v26 =	vsel vm2, $0x1483, v26;
	v34 =	vsel vm2, $0x1883, v34;
	v44 =	vsel vm14, $0x1E00, v44  }
0x122: {  	v42 =	vsel vm13, $0x1D81, v42;
	v40 =	vsel vm11, $0x1D02, v40;
	v46 =	vsel vm10, $0x1904, v46  }
0x123: {  	v1 =	vsel vm8, $0xB05, v1;
	v43 =	vsel vm8, $0x1805, v43;
	v2 =	vsel vm3, $0x904, v2  }
0x124: {  	v6 =	vsel vm3, $0xB04, v6;
	v10 =	vsel vm3, $0xD04, v10;
	v14 =	vsel vm3, $0x1704, v14  }
0x125: {  	v18 =	vsel vm3, $0x1104, v18;
	v26 =	vsel vm3, $0x1504, v26;
	v34 =	vsel vm3, $0x1904, v34  }
0x126: {  	[tilespmem:$0x1FC80] =	vst v0;
	v0 =	vsel vm11, $0x902, v45;
	v45 =	vimm.s32 $0x1E07;
	v44 =	vsel vm13, $0x1E81, v44  }
0x127: {  	v40 =	vsel vm12, $0x1D83, v40;
	v42 =	vsel vm11, $0x1E02, v42;
	v1 =	vsel vm9, $0xB86, v1  }
0x128: {  	v43 =	vsel vm9, $0x1886, v43;
	v46 =	vsel vm8, $0x1985, v46;
	v2 =	vsel vm1, $0x985, v2  }
0x129: {  	v6 =	vsel vm1, $0xB85, v6;
	v10 =	vsel vm1, $0xD85, v10;
	v14 =	vsel vm1, $0x1785, v14  }
0x12a: {  	v18 =	vsel vm1, $0x1185, v18;
	v26 =	vsel vm1, $0x1585, v26;
	v34 =	vsel vm1, $0x1985, v34  }
0x12b: {  	v45 =	vsel vm14, $0x1E80, v45;
	v0 =	vsel vm12, $0x983, v0;
	v42 =	vsel vm12, $0x1E83, v42  }
0x12c: {  	v44 =	vsel vm11, $0x1F02, v44;
	v40 =	vsel vm10, $0x1E04, v40;
	v46 =	vsel vm9, $0x1A06, v46  }
0x12d: {  	v1 =	vsel vm7, $0xC07, v1;
	v43 =	vsel vm7, $0x1907, v43;
	v45 =	vsel vm13, $0x1F01, v45  }
0x12e: {  	v0 =	vsel vm10, $0xA04, v0;
	v44 =	vsel vm12, $0x1F83, v44;
	v42 =	vsel vm10, $0x1F04, v42  }
0x12f: {  	v40 =	vsel vm8, $0x1E85, v40;
	v46 =	vsel vm7, $0x1A87, v46;
	v1 =	vsel vm5, $0xC80, v1  }
0x130: {  	v43 =	vsel vm5, $0x1980, v43;
	v0 =	vsel vm8, $0xA85, v0;
	v45 =	vsel vm11, $0x1F82, v45  }
0x131: {  	v44 =	vsel vm10, $0x1804, v44;
	v40 =	vsel vm9, $0x1F06, v40;
	v42 =	vsel vm8, $0x1F85, v42  }
0x132: {  	v1 =	vsel vm6, $0xD01, v1;
	v43 =	vsel vm6, $0x1A01, v43;
	v46 =	vsel vm5, $0x1B00, v46  }
0x133: {  	v45 =	vsel vm12, $0x1803, v45;
	v0 =	vsel vm9, $0xB06, v0;
	v42 =	vsel vm9, $0x1806, v42  }
0x134: {  	v44 =	vsel vm8, $0x1885, v44;
	v40 =	vsel vm7, $0x1F87, v40;
	v46 =	vsel vm6, $0x1B81, v46  }
0x135: {  	v1 =	vsel vm4, $0xD82, v1;
	v45 =	vsel vm10, $0x1884, v45;
	v0 =	vsel vm7, $0xB87, v0  }
0x136: {  	v44 =	vsel vm9, $0x1906, v44;
	v42 =	vsel vm7, $0x1887, v42;
	v40 =	vsel vm5, $0x1800, v40  }
0x137: {  	v49 =	vsel vm2, $0xE03, v1;
	v1 =	vsel vm3, $0xF04, v51;
	v51 =	vsel vm2, $0xF83, v4  }
0x138: {  	v4 =	vsel vm4, $0x902, v8;
	v8 =	vsel vm4, $0xB02, v12;
	v12 =	vsel vm4, $0x1502, v16  }
0x139: {  	v16 =	vsel vm4, $0x1702, v20;
	v20 =	vsel vm4, $0x1102, v24;
	v24 =	vsel vm4, $0x1302, v28  }
0x13a: {  	v28 =	vsel vm4, $0x1D02, v32;
	v32 =	vsel vm4, $0x1F02, v36;
	v0 =	vsel vm5, $0xC00, v0  }
0x13b: {  	v45 =	vsel vm8, $0x1905, v45;
	v44 =	vsel vm7, $0x1987, v44;
	v40 =	vsel vm6, $0x1881, v40  }
0x13c: {  	v42 =	vsel vm5, $0x1900, v42;
	v1 =	vsel vm1, $0xF85, v1;
	v4 =	vsel vm2, $0x983, v4  }
0x13d: {  	v8 =	vsel vm2, $0xB83, v8;
	v12 =	vsel vm2, $0x1583, v12;
	v16 =	vsel vm2, $0x1783, v16  }
0x13e: {  	v20 =	vsel vm2, $0x1183, v20;
	v32 =	vsel vm2, $0x1F83, v32;
	v45 =	vsel vm9, $0x1986, v45  }
0x13f: {  	v0 =	vsel vm6, $0xC81, v0;
	v42 =	vsel vm6, $0x1981, v42;
	v44 =	vsel vm5, $0x1A00, v44  }
0x140: {  	v55 =	vsel vm0, $0x806, v1;
	v36 =	vsel vm4, $0x1902, v40;
	v4 =	vsel vm3, $0xA04, v4  }
0x141: {  	v8 =	vsel vm3, $0xC04, v8;
	v12 =	vsel vm3, $0x1604, v12;
	v16 =	vsel vm3, $0x1004, v16  }
0x142: {  	v20 =	vsel vm3, $0x1204, v20;
	v32 =	vsel vm3, $0x1804, v32;
	v45 =	vsel vm7, $0x1A07, v45  }
0x143: {  	v0 =	vsel vm4, $0xD02, v0;
	v44 =	vsel vm6, $0x1A81, v44;
	[tilespmem:$0x1F870] =	vst v55;
	v55 =	vsel vm4, $0xA82, v11  }
0x144: {  	v11 =	vsel vm4, $0xC82, v15;
	v15 =	vsel vm4, $0x1682, v19;
	v19 =	vsel vm4, $0x1082, v23  }
0x145: {  	v23 =	vsel vm4, $0x1282, v27;
	v27 =	vsel vm4, $0x1482, v31;
	v31 =	vsel vm4, $0x1E82, v35  }
0x146: {  	v35 =	vsel vm4, $0x1882, v39;
	v38 =	vsel vm4, $0x1A02, v42;
	v39 =	vsel vm4, $0x1A82, v43  }
0x147: {  	v42 =	vsel vm4, $0x1C02, v46;
	v43 =	vsel vm4, $0x1C82, v47;
	v4 =	vsel vm1, $0xA85, v4  }
0x148: {  	v8 =	vsel vm1, $0xC85, v8;
	v12 =	vsel vm1, $0x1685, v12;
	v16 =	vsel vm1, $0x1085, v16  }
0x149: {  	v20 =	vsel vm1, $0x1285, v20;
	v36 =	vsel vm2, $0x1983, v36;
	v47 =	vsel vm0, $0xC06, v6  }
0x14a: {  	v0 =	vsel vm2, $0xD83, v0;
	v45 =	vsel vm5, $0x1A80, v45;
	v40 =	vsel vm4, $0x1B02, v44  }
0x14b: {  	v7 =	vsel vm2, $0xB03, v55;
	v11 =	vsel vm2, $0xD03, v11;
	v15 =	vsel vm2, $0x1703, v15  }
0x14c: {  	v19 =	vsel vm2, $0x1103, v19;
	v31 =	vsel vm2, $0x1F03, v31;
	v35 =	vsel vm2, $0x1903, v35  }
0x14d: {  	v36 =	vsel vm3, $0x1A04, v36;
	v39 =	vsel vm2, $0x1B03, v39;
	v42 =	vsel vm2, $0x1C83, v42  }
0x14e: {  	v43 =	vsel vm2, $0x1D03, v43;
	v55 =	vimm.s32 $0x17161514;
	v4 =	vsel vm0, $0xB06, v4  }
0x14f: {  	v45 =	vsel vm6, $0x1B01, v45;
	v0 =	vsel vm3, $0xE04, v0;
	v7 =	vsel vm3, $0xB84, v7  }
0x150: {  	v11 =	vsel vm3, $0xD84, v11;
	v15 =	vsel vm3, $0x1784, v15;
	v19 =	vsel vm3, $0x1184, v19  }
0x151: {  	v31 =	vsel vm3, $0x1F84, v31;
	v35 =	vsel vm3, $0x1984, v35;
	v36 =	vsel vm1, $0x1A85, v36  }
0x152: {  	v40 =	vsel vm2, $0x1B83, v40;
	v39 =	vsel vm3, $0x1B84, v39;
	v42 =	vsel vm3, $0x1D04, v42  }
0x153: {  	v43 =	vsel vm3, $0x1D84, v43;
	v0 =	vsel vm1, $0xE85, v0;
	v7 =	vsel vm1, $0xC05, v7  }
0x154: {  	v11 =	vsel vm1, $0xE05, v11;
	v15 =	vsel vm1, $0x1005, v15;
	v19 =	vsel vm1, $0x1205, v19  }
0x155: {  	v35 =	vsel vm1, $0x1A05, v35;
	v40 =	vsel vm3, $0x1C04, v40;
	v39 =	vsel vm1, $0x1C05, v39  }
0x156: {  	[tilespmem:$0x1F840] =	vst v48;
	v42 =	vsel vm1, $0x1D85, v42;
	v43 =	vsel vm1, $0x1E05, v43;
	v48 =	vsel vm0, $0xF06, v0  }
0x157: {  	v0 =	vsel vm3, $0xE84, v49;
	v49 =	vsel vm4, $0xF82, v5;
	v5 =	vsel vm4, $0x982, v9  }
0x158: {  	v9 =	vsel vm4, $0xB82, v13;
	v13 =	vsel vm4, $0x1582, v17;
	v17 =	vsel vm4, $0x1782, v21  }
0x159: {  	v21 =	vsel vm4, $0x1182, v25;
	v25 =	vsel vm4, $0x1382, v29;
	v29 =	vsel vm4, $0x1D82, v33  }
0x15a: {  	v33 =	vsel vm4, $0x1F82, v37;
	v37 =	vsel vm4, $0x1982, v41;
	v41 =	vsel vm4, $0x1B82, v45  }
0x15b: {  	v6 =	vsel vm0, $0xC86, v7;
	v7 =	vsel vm0, $0xD06, v8;
	v46 =	vsel vm0, $0xE86, v11  }
0x15c: {  	[tilespmem:$0x1F900] =	vst v4;
	v4 =	vsel vm0, $0x1086, v15;
	v0 =	vsel vm1, $0xF05, v0;
	v53 =	vsel vm2, $0x803, v49  }
0x15d: {  	v5 =	vsel vm2, $0xA03, v5;
	v9 =	vsel vm2, $0xC03, v9;
	v13 =	vsel vm2, $0x1603, v13  }
0x15e: {  	v17 =	vsel vm2, $0x1003, v17;
	v21 =	vsel vm2, $0x1203, v21;
	v25 =	vsel vm2, $0x1403, v25  }
0x15f: {  	v33 =	vsel vm2, $0x1803, v33;
	v37 =	vsel vm2, $0x1A03, v37;
	v41 =	vsel vm2, $0x1C03, v41;
	[tilespmem:$0x1F920] =	vst v7  }
0x160: {  	v49 =	vimm.s32 $0x13121110;
	[tilespmem:$0x1F9C0] =	vst v4;
	v7 =	vsel vm0, $0x1206, v18;
	v4 =	vsel vm0, $0x1606, v26  }
0x161: {  	v26 =	vsel vm0, $0x1E06, v42;
	v42 =	vimm.s32 $0x2D2C2B2A;
	v0 =	vsel vm0, $0xF86, v0  }
0x162: {  	[tilespmem:$0x1F910] =	vst v6;
	v1 =	vsel vm3, $0x884, v53;
	v5 =	vsel vm3, $0xA84, v5;
	v9 =	vsel vm3, $0xC84, v9  }
0x163: {  	[tilespmem:$0x1F950] =	vst v46;
	v13 =	vsel vm3, $0x1684, v13;
	v17 =	vsel vm3, $0x1084, v17;
	v21 =	vsel vm3, $0x1284, v21  }
0x164: {  	v25 =	vsel vm3, $0x1484, v25;
	v53 =	vsel vm1, $0x1805, v31;
	[tilespmem:$0x1F860] =	vst v0;
	v0 =	vsel vm1, $0x805, v60  }
0x165: {  	[tilespmem:$0x1FA50] =	vst v7;
	v60 =	vimm.s32 $0x1F1E1D1C;
	v17 =	vsel vm1, $0x1105, v17;
	v0 =	vsel vm0, $0x886, v0  }
0x166: {  	v33 =	vsel vm3, $0x1884, v33;
	v44 =	vunpack.c.0.s8.s32 v60;
	v6 =	vsel vm0, $0x1186, v17;
	[tilespmem:$0x1F880] =	vst v0  }
0x167: {  	v37 =	vsel vm3, $0x1A84, v37;
	v0 =	vsel vm3, $0x804, v51;
	v51 =	vsel vm1, $0x905, v1;
	[tilespmem:$0x1F9E0] =	vst v6  }
0x168: {  	v1 =	vsel vm1, $0x1885, v32;
	v32 =	vunpack.c.0.s8.s32 v55;
	v55 =	vsel vm0, $0xA06, v2;
	[tilespmem:$0x1F890] =	vst v44  }
0x169: {  	v41 =	vsel vm3, $0x1C84, v41;
	v5 =	vsel vm1, $0xB05, v5;
	v9 =	vsel vm1, $0xD05, v9;
	[tilespmem:$0x1F8E0] =	vst v55  }
0x16a: {  	v45 =	vmovc v50;
	v50 =	vmovc v52;
	v13 =	vsel vm1, $0x1705, v13;
	v60 =	vimm.s32 $0x1B1A1918;
	v52 =	vsel vm0, $0x986, v51;
	[tilespmem:$0x1F8B0] =	vst v32  }
0x16b: {  	v44 =	vunpack.c.0.s8.s32 v49;
	v49 =	vunpack.c.0.s8.s32 v60;
	v60 =	vsel vm0, $0xA86, v3;
	[tilespmem:$0x1F8D0] =	vst v52  }
0x16c: {  	v21 =	vsel vm1, $0x1305, v21;
	v25 =	vsel vm1, $0x1505, v25;
	v55 =	vsel vm0, $0x1786, v13;
	[tilespmem:$0x1F8F0] =	vst v60  }
0x16d: {  	v2 =	vsel vm0, $0x1306, v20;
	v51 =	vsel vm0, $0xB86, v5;
	v5 =	vsel vm0, $0x1106, v16;
	[tilespmem:$0x1F990] =	vst v55  }
0x16e: {  	v20 =	vsel vm0, $0x1B06, v36;
	v36 =	vimm.s32 $0x2C2B2A29;
	v0 =	vsel vm1, $0x885, v0;
	[tilespmem:$0x1F9D0] =	vst v5  }
0x16f: {  	v37 =	vsel vm1, $0x1B05, v37;
	[tilespmem:$0x1F8C0] =	vst v49;
	v49 =	vsel vm0, $0x906, v0;
	v0 =	vunpack.c.0.s8.s32 v36  }
0x170: {  	v60 =	vsel vm0, $0x1006, v14;
	v14 =	vmovc v59;
	v59 =	vsel vm0, $0x1B86, v37;
	v37 =	vimm.s32 $0x202F2E2D;
	[tilespmem:$0x1F8A0] =	vst v44  }
0x171: {  	v41 =	vsel vm1, $0x1D05, v41;
	v32 =	vsel vm0, $0xD86, v9;
	[tilespmem:$0x1FA80] =	vst v0;
	v0 =	vunpack.c.0.s8.s32 v37  }
0x172: {  	v33 =	vsel vm1, $0x1905, v33;
	v46 =	vsel vm0, $0x1D86, v41;
	v41 =	vimm.s32 $0x28272625;
	[tilespmem:$0x1F930] =	vst v32  }
0x173: {  	v31 =	vsel vm0, $0x1386, v21;
	v52 =	vsel vm0, $0x1706, v12;
	[tilespmem:$0x1FA90] =	vst v0;
	v0 =	vunpack.c.0.s8.s32 v41  }
0x174: {  	v21 =	vsel vm0, $0x1E86, v43;
	v43 =	vimm.s32 $0x21202F2E;
	v3 =	vsel vm0, $0x1586, v25;
	[tilespmem:$0x1F970] =	vst v52  }
0x175: {  	v25 =	vsel vm0, $0x1986, v33;
	v33 =	vunpack.c.0.s8.s32 v43;
	[tilespmem:$0x1FAB0] =	vst v0;
	v0 =	vunpack.c.0.s8.s32 v42  }
0x176: {  	[tilespmem:$0x1F9B0] =	vst v60;
	v32 =	vsel vm0, $0x1286, v19;
	v19 =	vsel vm0, $0x1A06, v34;
	v34 =	vimm.s32 $0x25242322  }
0x177: {  	v40 =	vsel vm1, $0x1C85, v40;
	v8 =	vsel vm0, $0x1886, v53;
	[tilespmem:$0x1FAC0] =	vst v0;
	v0 =	vunpack.c.0.s8.s32 v34  }
0x178: {  	v53 =	vsel vm0, $0x1A86, v35;
	v35 =	vimm.s32 $0x29282726;
	v16 =	vmovc v63;
	v63 =	vsel vm0, $0x1C86, v39;
	[tilespmem:$0x1FAD0] =	vst v33  }
0x179: {  	v39 =	vimm.s32 $0x24232221;
	v44 =	vsel vm0, $0xE06, v10;
	[tilespmem:$0x1FAE0] =	vst v0;
	v0 =	vunpack.c.0.s8.s32 v35  }
0x17a: {  	[tilespmem:$0x1F940] =	vst v44;
	v44 =	vsel vm0, $0x1D06, v40;
	v40 =	vunpack.c.0.s8.s32 v39;
	v39 =	vimm.s32 $0x2221202F  }
0x17b: {  	[tilespmem:$0x1FAF0] =	vst v0;
	v0 =	vunpack.c.0.s8.s32 v39  }
0x17c: {  	[tilespmem:$0x1FAA0] =	vst v40;
	v40 =	vimm.s32 $0x26252423  }
0x17d: {  	v11 =	vld [tilespmem:$0x1F960];
	v36 =	vimm.s32 $0x2E2D2C2B;
	[tilespmem:$0x1FB10] =	vst v0;
	v0 =	vunpack.c.0.s8.s32 v40  }
0x17e: {  	v22 =	vsel vm2, $0x1283, v22;
	v15 =	vld [tilespmem:$0x1F9F0];
	v43 =	vimm.s32 $0x2F2E2D2C;
	[tilespmem:$0x1FA60] =	vst v32;
	v37 =	vunpack.c.0.s8.s32 v36  }
0x17f: {  	v22 =	vsel vm3, $0x1304, v22;
	v17 =	vld [tilespmem:$0x1FA30];
	v41 =	vimm.s32 $0x2A292827;
	[tilespmem:$0x1FB20] =	vst v0;
	v0 =	vunpack.c.0.s8.s32 v43  }
0x180: {  	v22 =	vsel vm1, $0x1385, v22;
	v13 =	vld [tilespmem:$0x1F9A0];
	v33 =	vimm.s32 $0x23222120;
	[tilespmem:$0x1FB00] =	vst v37;
	v42 =	vunpack.c.0.s8.s32 v41  }
0x181: {  	v27 =	vsel vm2, $0x1503, v27;
	v12 =	vld [tilespmem:$0x1F980];
	v34 =	vimm.s32 $0x27262524;
	[tilespmem:$0x1FB40] =	vst v0;
	v0 =	vunpack.c.0.s8.s32 v33  }
0x182: {  	v38 =	vsel vm2, $0x1A83, v38;
	v9 =	vld [tilespmem:$0x1FA00];
	v36 =	vimm.s32 $0x2B2A2928;
	[tilespmem:$0x1FB30] =	vst v42;
	v35 =	vunpack.c.0.s8.s32 v34  }
0x183: {  	s3 =	stileid.u32;
	v38 =	vsel vm3, $0x1B04, v38;
	v55 =	vld [tilespmem:$0x1FA40];
	v39 =	vimm.s32 $0x303F3E3D;
	[tilespmem:$0x1FB50] =	vst v0;
	v0 =	vunpack.c.0.s8.s32 v36  }
0x184: {  	s0 =	rddreg [dreg:$0x0];
	s4 =	sshll.u32 s3, $0x1;
	s3 =	simm.s32 $0x0;
	v38 =	vsel vm1, $0x1B85, v38;
	v10 =	vld [tilespmem:$0x1FA20];
	[tilespmem:$0x1FB60] =	vst v35;
	v40 =	vunpack.c.0.s8.s32 v39;
	v43 =	vimm.s32 $0x3D3C3B3A  }
0x185: {  	[smem:$0x7FF] =	sst s3;
	v27 =	vsel vm3, $0x1584, v27;
	v60 =	vsel vm0, $0x1C06, v38;
	v38 =	vld [tilespmem:$0x1FA70];
	v33 =	vunpack.c.0.s8.s32 v43;
	[tilespmem:$0x1FB70] =	vst v0  }
0x186: {  	s2 =	rddreg [dreg:$0x1];
	v27 =	vsel vm1, $0x1605, v27;
	v32 =	vsel vm0, $0x1406, v22;
	v22 =	vlaneseq.u32;
	v52 =	vmovc v54;
	v54 =	vld [tilespmem:$0x1FA10];
	_ =	strace $0x80000047;
	[tilespmem:$0x1FB90] =	vst v40  }
0x187: {  	v5 =	vsel vm0, $0x1686, v27;
	v27 =	vmul.u32 $0x32, v22;
	v22 =	vor.u32 $0x10, v22;
	[tilespmem:$0x1FBC0] =	vst v33  }
0x188: {  	[tilespmem:$0x1FCC0] =	vst v22  }
0x189: {  	[tilespmem:$0x1FD10] =	vst v56  }
0x18a: {  	[tilespmem:$0x1FD20] =	vst v57  }
0x18b: {  	[tilespmem:$0x1FD40] =	vst v51  }
0x18c: {  	[tilespmem:$0x1FD50] =	vst v47  }
0x18d: {  	[tilespmem:$0x1FD60] =	vst v61  }
0x18e: {  	[tilespmem:$0x1FD70] =	vst v16  }
0x18f: {  	v23 =	vsel vm2, $0x1303, v23;
	[tilespmem:$0x1FD80] =	vst v52  }
0x190: {  	v24 =	vsel vm2, $0x1383, v24;
	v23 =	vsel vm3, $0x1384, v23;
	[tilespmem:$0x1FD90] =	vst v2  }
0x191: {  	v24 =	vsel vm3, $0x1404, v24;
	v23 =	vsel vm1, $0x1405, v23;
	[tilespmem:$0x1FDA0] =	vst v31  }
0x192: {  	v24 =	vsel vm1, $0x1485, v24;
	v23 =	vsel vm0, $0x1486, v23;
	[tilespmem:$0x1FDB0] =	vst v32  }
0x193: {  	v24 =	vsel vm0, $0x1506, v24;
	[tilespmem:$0x1FDC0] =	vst v23  }
0x194: {  	v28 =	vsel vm2, $0x1D83, v28;
	[tilespmem:$0x1FDD0] =	vst v24  }
0x195: {  	v28 =	vsel vm3, $0x1E04, v28;
	v29 =	vsel vm2, $0x1E03, v29;
	[tilespmem:$0x1FDE0] =	vst v3  }
0x196: {  	v30 =	vsel vm2, $0x1E83, v30;
	v28 =	vsel vm1, $0x1E85, v28;
	v29 =	vsel vm3, $0x1E84, v29;
	[tilespmem:$0x1FDF0] =	vst v4  }
0x197: {  	v30 =	vsel vm3, $0x1F04, v30;
	v28 =	vsel vm0, $0x1F06, v28;
	v29 =	vsel vm1, $0x1F05, v29;
	[tilespmem:$0x1FE00] =	vst v5  }
0x198: {  	v30 =	vsel vm1, $0x1F85, v30;
	v6 =	vsel vm0, $0x1F86, v29;
	[tilespmem:$0x1FE10] =	vst v28  }
0x199: {  	v7 =	vsel vm0, $0x1806, v30;
	[tilespmem:$0x1FE20] =	vst v6  }
0x19a: {  	[tilespmem:$0x1FE30] =	vst v7  }
0x19b: {  	v18 =	vsel vm0, $0x1906, v1;
	[tilespmem:$0x1FE40] =	vst v8  }
0x19c: {  	[tilespmem:$0x1FE50] =	vst v18  }
0x19d: {  	[tilespmem:$0x1FE60] =	vst v25  }
0x19e: {  	[tilespmem:$0x1FE70] =	vst v19  }
0x19f: {  	[tilespmem:$0x1FE80] =	vst v53  }
0x1a0: {  	[tilespmem:$0x1FE90] =	vst v20  }
0x1a1: {  	[tilespmem:$0x1FEA0] =	vst v59  }
0x1a2: {  	[tilespmem:$0x1FEB0] =	vst v60  }
0x1a3: {  	[tilespmem:$0x1FEC0] =	vst v63  }
0x1a4: {  	[tilespmem:$0x1FED0] =	vst v44  }
0x1a5: {  	[tilespmem:$0x1FEE0] =	vst v46  }
0x1a6: {  	[tilespmem:$0x1FEF0] =	vst v26  }
0x1a7: {  	[tilespmem:$0x1FF00] =	vst v21  }
0x1a8: {  	v29 =	vadd.s32 $0x320, v27;
	[tilespmem:$0x1FF10] =	vst v27  }
0x1a9: {  	v30 =	vadd.s32 $0x640, v27;
	[tilespmem:$0x1FF20] =	vst v29  }
0x1aa: {  	[tilespmem:$0x1FF30] =	vst v30  }
0x1ab: {  	[tilespmem:$0x1FF90] =	vst v58  }
0x1ac: {  	[tilespmem:$0x1FFA0] =	vst v50  }
0x1ad: {  	[tilespmem:$0x1FFB0] =	vst v48  }
0x1ae: {  	[tilespmem:$0x1FFC0] =	vst v49  }
0x1af: {  	v37 =	vimm.s32 $0x3C3B3A39;
	[tilespmem:$0x1FFD0] =	vst v45  }
0x1b0: {  	v36 =	vimm.s32 $0x39383736;
	v0 =	vunpack.c.0.s8.s32 v37;
	[tilespmem:$0x1FFE0] =	vst v62  }
0x1b1: {  	v41 =	vimm.s32 $0x34333231;
	v37 =	vunpack.c.0.s8.s32 v36;
	[tilespmem:$0x1FFF0] =	vst v14  }
0x1b2: {  	[tilespmem:$0x1FB80] =	vst v0;
	v0 =	vunpack.c.0.s8.s32 v41  }
0x1b3: {  	vm0 =	vcmask $0x1F10;
	v42 =	vimm.s32 $0x38373635;
	[tilespmem:$0x1FBF0] =	vst v37  }
0x1b4: {  	v57 =	vsel vm0, v57, v56;
	v41 =	vimm.s32 $0x36353433;
	[tilespmem:$0x1FBA0] =	vst v0;
	v0 =	vunpack.c.0.s8.s32 v42  }
0x1b5: {  	v34 =	vimm.s32 $0x31303F3E;
	[tilespmem:$0x1FD30] =	vst v57;
	v42 =	vunpack.c.0.s8.s32 v41  }
0x1b6: {  	[tilespmem:$0x1FBB0] =	vst v0;
	v0 =	vunpack.c.0.s8.s32 v34  }
0x1b7: {  	v35 =	vimm.s32 $0x35343332;
	[tilespmem:$0x1FC20] =	vst v42;
	v34 =	vimm.s32 $0x33323130  }
0x1b8: {  	[tilespmem:$0x1FBD0] =	vst v0;
	v0 =	vunpack.c.0.s8.s32 v35;
	v35 =	vunpack.c.0.s8.s32 v34;
	v34 =	vadd.s32 $0xC80, v27  }
0x1b9: {  	[tilespmem:$0x1FF50] =	vst v34  }
0x1ba: {  	v39 =	vimm.s32 $0x3E3D3C3B;
	[tilespmem:$0x1FBE0] =	vst v0  }
0x1bb: {  	v0 =	vunpack.c.0.s8.s32 v39;
	[tilespmem:$0x1FC50] =	vst v35;
	v35 =	vadd.s32 $0xFA0, v27  }
0x1bc: {  	s1 =	srdreg.scid;
	v40 =	vimm.s32 $0x3231303F;
	v37 =	vimm.s32 $0x3B3A3938;
	[tilespmem:$0x1FF60] =	vst v35  }
0x1bd: {  	s16 =	simm.s32 $0x3200;
	s18 =	simm.s32 $0x5200;
	s19 =	simm.s32 $0x7200;
	v41 =	vld [tilespmem:$0x1FC90];
	v39 =	vunpack.c.0.s8.s32 v37;
	v37 =	vadd.s32 $0x15E0, v27;
	[tilespmem:$0x1FC00] =	vst v0;
	v0 =	vunpack.c.0.s8.s32 v40  }
0x1be: {  	s23 =	simm.s32 $0x80;
	s24 =	simm.s32 $0x1;
	s30 =	simm.s32 $0x2;
	v43 =	vimm.s32 $0x3A393837;
	v42 =	vld [tilespmem:$0x1FCA0];
	[tilespmem:$0x1FF80] =	vst v37  }
0x1bf: {  	s31 =	simm.s32 $0x9200;
	s15 =	simm.s32 $0x9E00;
	s14 =	simm.s32 $0xA600;
	v40 =	vld [tilespmem:$0x1FC80];
	[tilespmem:$0x1FC10] =	vst v0;
	v0 =	vunpack.c.0.s8.s32 v43  }
0x1c0: {  	s17 =	simm.s32 $0xAA00;
	s20 =	simm.s32 $0xAE00;
	s21 =	simm.s32 $0x4;
	v33 =	vimm.s32 $0x3F3E3D3C;
	[tilespmem:$0x1FC70] =	vst v39;
	v43 =	vld [tilespmem:$0x1FCB0]  }
0x1c1: {  	s22 =	simm.s32 $0x0;
	s1 =	sand.u32 $0x1, s1;
	s7 =	sadd.s32 $0x1000, s2;
	[tilespmem:$0x1FC30] =	vst v0;
	v0 =	vunpack.c.0.s8.s32 v33;
	v33 =	vadd.s32 $0x960, v27  }
0x1c2: {  	s8 =	sadd.s32 $0x2000, s2;
	s9 =	sadd.s32 $0x3000, s2;
	s5 =	sor.u32 s1, s4;
	v36 =	vimm.s32 $0x37363534;
	[tilespmem:$0x1FF40] =	vst v33  }
0x1c3: {  	s10 =	sadd.s32 $0x4000, s2;
	s11 =	sadd.s32 $0x5000, s2;
	s4 =	smul.u32 $0x320, s5;
	[tilespmem:$0x1FC40] =	vst v0;
	v0 =	vunpack.c.0.s8.s32 v36;
	v36 =	vadd.s32 $0x12C0, v27  }
.Ltmp0:
0x1c4: {  	s12 =	sadd.s32 $0x6000, s2;
	s26 =	ssub.s32 $0x2, s1;
	[tilespmem:$0x1FF70] =	vst v36;
	(pc) =	sbr.rel .LBB2_1-.Ltmp0, $4  }
0x1c5: {  	s13 =	sadd.s32 $0x7000, s2;
	s29 =	sshrl.u32 s26, $0x1;
	s6 =	sadd.s32 s4, s0;
	v1 =	vsel vm0, v43, v42;
	[tilespmem:$0x1FC60] =	vst v0;
	v0 =	vsel vm0, v41, v40  }
0x1c6: {  	s4 =	sadd.s32 $0x6800, s0;
	s0 =	ssub.s32 s26, s29;
	s28 =	sadd.s32 $0x400, s6;
	[tilespmem:$0x1FCE0] =	vst v0;
	v0 =	vcombine.low v1, v0  }
0x1c7: {  	s6 =	sshll.u32 s5, $0xA;
	s0 =	smax.u32 s0, $0x1;
	[dreg:$0x3] =	wrdreg s28;
	[tilespmem:$0x1FCF0] =	vst v1  }
0x1c8: {  	s5 =	simm.s32 $0xA200;
	[dreg:$0x4] =	wrdreg s0;
	s0 =	simm.s32 $0x9A00;
	v22 =	vld [tilespmem:$0x1FCD0];
	v39 =	vmov v47;
	[tilespmem:$0x1FD00] =	vst v0  }
.LBB2_13:
0x1c9: {  	s1 =	simm.s32 $0x3  }
0x1ca: {  	_ =	swait.ge [sflag:s1], $0x400  }
0x1cb: {  	[sflag:s1] =	ssyncset.done $0x0  }
0x1cc: {  	[sflag:s1] =	ssyncadd.s32 $0xFFFFFC00  }
0x1cd: {  	_ =	swait.ge [sflag:s1], $0x400  }
0x1ce: {  	[sflag:s1] =	ssyncset.done $0x0  }
0x1cf: {  	[sflag:s1] =	ssyncadd.s32 $0xFFFFFC00  }
0x1d0: {  	_ =	swait.ge [sflag:s1], $0x400  }
0x1d1: {  	[sflag:s1] =	ssyncset.done $0x0  }
0x1d2: {  	[sflag:s1] =	ssyncadd.s32 $0xFFFFFC00  }
0x1d3: {  	_ =	swait.ge [sflag:s1], $0x400  }
0x1d4: {  	[sflag:s1] =	ssyncset.done $0x0  }
0x1d5: {  	[sflag:s1] =	ssyncadd.s32 $0xFFFFFC00  }
0x1d6: {  	_ =	swait.ge [sflag:s1], $0x400  }
0x1d7: {  	[sflag:s1] =	ssyncset.done $0x0  }
0x1d8: {  	[sflag:s1] =	ssyncadd.s32 $0xFFFFFC00  }
0x1d9: {  	_ =	swait.ge [sflag:s1], $0x400  }
0x1da: {  	[sflag:s1] =	ssyncset.done $0x0  }
0x1db: {  	[sflag:s1] =	ssyncadd.s32 $0xFFFFFC00  }
0x1dc: {  	_ =	swait.ge [sflag:s1], $0x400  }
0x1dd: {  	[sflag:s1] =	ssyncset.done $0x0  }
0x1de: {  	[sflag:s1] =	ssyncadd.s32 $0xFFFFFC00  }
0x1df: {  	_ =	swait.ge [sflag:s1], $0x400  }
0x1e0: {  	[sflag:s1] =	ssyncset.done $0x0  }
0x1e1: {  	[sflag:s1] =	ssyncadd.s32 $0xFFFFFC00  }
0x1e2: {  	_ =	swait.ge [sflag:s21], $0x400  }
0x1e3: {  	[sflag:s21] =	ssyncset.done $0x0  }
0x1e4: {  	[sflag:s21] =	ssyncadd.s32 $0xFFFFFC00  }
0x1e5: {  	_ =	swait.ge [sflag:s21], $0x400  }
0x1e6: {  	[sflag:s21] =	ssyncset.done $0x0  }
0x1e7: {  	[sflag:s21] =	ssyncadd.s32 $0xFFFFFC00  }
0x1e8: {  	_ =	swait.ge [sflag:s21], $0x400  }
0x1e9: {  	[sflag:s21] =	ssyncset.done $0x0  }
0x1ea: {  	[sflag:s21] =	ssyncadd.s32 $0xFFFFFC00  }
0x1eb: {  	_ =	swait.ge [sflag:s21], $0x400  }
0x1ec: {  	[sflag:s21] =	ssyncset.done $0x0  }
0x1ed: {  	[sflag:s21] =	ssyncadd.s32 $0xFFFFFC00  }
0x1ee: {  	_ =	swait.ge [sflag:s21], $0x400  }
0x1ef: {  	[sflag:s21] =	ssyncset.done $0x0  }
0x1f0: {  	[sflag:s21] =	ssyncadd.s32 $0xFFFFFC00  }
0x1f1: {  	_ =	swait.ge [sflag:s21], $0x400  }
0x1f2: {  	[sflag:s21] =	ssyncset.done $0x0  }
0x1f3: {  	[sflag:s21] =	ssyncadd.s32 $0xFFFFFC00  }
0x1f4: {  	_ =	swait.ge [sflag:s21], $0x400  }
0x1f5: {  	[sflag:s21] =	ssyncset.done $0x0  }
0x1f6: {  	[sflag:s21] =	ssyncadd.s32 $0xFFFFFC00  }
0x1f7: {  	_ =	swait.ge [sflag:s21], $0x400  }
0x1f8: {  	s22 =	rddreg [dreg:$0x5];
	v27 =	vld [tilespmem:$0x1FF10]  }
0x1f9: {  	v39 =	vmov v58;
	v58 =	vmov v29;
	s29 =	rddreg [dreg:$0x4];
	v29 =	vld [tilespmem:$0x1FF20];
	s22 =	sadd.s32 $0x1, s22  }
0x1fa: {  	v30 =	vld [tilespmem:$0x1FF30];
	p0 =	sne.s32 s22, s29  }
.Ltmp1:
0x1fb: {  	v48 =	vmov v33;
	v33 =	vld [tilespmem:$0x1FF40];
	(pc) =	sbr.rel @!p0 .LBB2_14-.Ltmp1, $4  }
0x1fc: {  	v34 =	vld [tilespmem:$0x1FF50]  }
0x1fd: {  	v35 =	vld [tilespmem:$0x1FF60]  }
0x1fe: {  	[sflag:s21] =	ssyncset.done $0x0;
	v36 =	vld [tilespmem:$0x1FF70]  }
0x1ff: {  	v37 =	vld [tilespmem:$0x1FF80];
	[sflag:s21] =	ssyncadd.s32 $0xFFFFFC00  }
.LBB2_1:
0x200: {  	[dreg:$0x5] =	wrdreg s22  }
0x201: {  	s1 =	rddreg [dreg:$0x3];
	s26 =	simm.s32 $0x5  }
0x202: {  	[tilespmem:s3], [sflag:$0x5] =	stream.linear.gather [hbm4b:s1+s3], $0x1900, $0x38;
	[tilespmem:$0xB200] =	vst v63  }
0x203: {  	_ =	swait.ge [sflag:s26], $0x1900  }
0x204: {  	[sflag:s26] =	ssyncset.done $0x0  }
0x205: {  	[sflag:s26] =	ssyncadd.s32 $0xFFFFE700  }
0x206: {  	v0 =	vld.idx.msk [tilespmem:v27+s3+$0x0], $0xffff;
	_ =	sdelay $0x4  }
0x207: {  	[tilespmem:$0x1900] =	vst v0  }
0x208: {  	v0 =	vld.idx.msk [tilespmem:v29+s3+$0x0], $0xffff;
	_ =	sdelay $0x4  }
0x209: {  	[tilespmem:$0x1910] =	vst v0  }
0x20a: {  	v0 =	vld.idx.msk [tilespmem:v30+s3+$0x0], $0xffff;
	_ =	sdelay $0x4  }
0x20b: {  	[tilespmem:$0x1920] =	vst v0  }
0x20c: {  	v0 =	vld.idx.msk [tilespmem:v33+s3+$0x0], $0xffff;
	_ =	sdelay $0x4  }
0x20d: {  	[tilespmem:$0x1930] =	vst v0  }
0x20e: {  	v0 =	vld.idx.msk [tilespmem:v34+s3+$0x0], $0xffff;
	_ =	sdelay $0x4  }
0x20f: {  	[tilespmem:$0x1940] =	vst v0  }
0x210: {  	v0 =	vld.idx.msk [tilespmem:v35+s3+$0x0], $0xffff;
	_ =	sdelay $0x4  }
0x211: {  	[tilespmem:$0x1950] =	vst v0  }
0x212: {  	v0 =	vld.idx.msk [tilespmem:v36+s3+$0x0], $0xffff;
	_ =	sdelay $0x4  }
0x213: {  	[tilespmem:$0x1960] =	vst v0  }
0x214: {  	v0 =	vld.idx.msk [tilespmem:v37+s3+$0x0], $0xffff;
	_ =	sdelay $0x1  }
0x215: {  	v1 =	vadd.s32 s24, v27;
	_ =	sdelay $0x2  }
0x216: {  	s29 =	simm.s32 $0x1900;
	[tilespmem:$0x1970] =	vst v0  }
0x217: {  	[tilespmem:s16], [sflag:$0x1] =	stream.indirect.gather [hbm4b:s4+s23], $0x40, s29, s23, $0xb8;
	[tilespmem:$0xB200] =	vst v63  }
0x218: {  	v0 =	vld.idx.msk [tilespmem:v1+s3+$0x0], $0xffff  }
0x219: {  	v1 =	vadd.s32 s24, v29;
	_ =	sdelay $0x2  }
0x21a: {  	s25 =	simm.s32 $0x19F0  }
0x21b: {  	[tilespmem:s25+$0xFFFFFF90] =	vst v0  }
0x21c: {  	v0 =	vld.idx.msk [tilespmem:v1+s3+$0x0], $0xffff  }
0x21d: {  	v1 =	vadd.s32 s24, v30;
	_ =	sdelay $0x3  }
0x21e: {  	[tilespmem:s25+$0xFFFFFFA0] =	vst v0  }
0x21f: {  	v0 =	vld.idx.msk [tilespmem:v1+s3+$0x0], $0xffff  }
0x220: {  	v1 =	vadd.s32 s24, v33;
	_ =	sdelay $0x3  }
0x221: {  	[tilespmem:s25+$0xFFFFFFB0] =	vst v0  }
0x222: {  	v0 =	vld.idx.msk [tilespmem:v1+s3+$0x0], $0xffff  }
0x223: {  	v1 =	vadd.s32 s24, v34;
	_ =	sdelay $0x3  }
0x224: {  	[tilespmem:s25+$0xFFFFFFC0] =	vst v0  }
0x225: {  	v0 =	vld.idx.msk [tilespmem:v1+s3+$0x0], $0xffff  }
0x226: {  	v1 =	vadd.s32 s24, v35;
	_ =	sdelay $0x3  }
0x227: {  	[tilespmem:s25+$0xFFFFFFD0] =	vst v0  }
0x228: {  	v0 =	vld.idx.msk [tilespmem:v1+s3+$0x0], $0xffff  }
0x229: {  	v1 =	vadd.s32 s24, v36;
	_ =	sdelay $0x3  }
0x22a: {  	[tilespmem:s25+$0xFFFFFFE0] =	vst v0  }
0x22b: {  	v0 =	vld.idx.msk [tilespmem:v1+s3+$0x0], $0xffff  }
0x22c: {  	v1 =	vadd.s32 s24, v37;
	_ =	sdelay $0x3  }
0x22d: {  	[tilespmem:s25+$0xFFFFFFF0] =	vst v0  }
0x22e: {  	s26 =	simm.s32 $0x2;
	v0 =	vld.idx.msk [tilespmem:v1+s3+$0x0], $0xffff  }
0x22f: {  	s28 =	simm.s32 $0x3;
	v1 =	vadd.s32 s26, v27  }
.LBB2_2:
0x230: {  	p0 =	sne.s32 s28, $0x31;
	_ =	sdelay $0x2  }
0x231: {  	s22 =	simm.s32 $0x0;
	[tilespmem:s25+$0x0] =	vst v0  }
0x232: {  	v0 =	vld.idx.msk [tilespmem:v1+s22+$0x0], $0xffff;
	_ =	sdelay $0x1  }
0x233: {  	v1 =	vadd.s32 s26, v29;
	_ =	sdelay $0x2  }
0x234: {  	s25 =	sadd.s32 $0x80, s25  }
0x235: {  	[tilespmem:s25+$0xFFFFFF90] =	vst v0  }
0x236: {  	v0 =	vld.idx.msk [tilespmem:v1+s22+$0x0], $0xffff;
	_ =	sdelay $0x1  }
0x237: {  	v1 =	vadd.s32 s26, v30;
	_ =	sdelay $0x3  }
0x238: {  	[tilespmem:s25+$0xFFFFFFA0] =	vst v0  }
0x239: {  	v0 =	vld.idx.msk [tilespmem:v1+s22+$0x0], $0xffff;
	_ =	sdelay $0x1  }
0x23a: {  	v1 =	vadd.s32 s26, v33;
	_ =	sdelay $0x3  }
0x23b: {  	[tilespmem:s25+$0xFFFFFFB0] =	vst v0  }
0x23c: {  	v0 =	vld.idx.msk [tilespmem:v1+s22+$0x0], $0xffff;
	_ =	sdelay $0x1  }
0x23d: {  	v1 =	vadd.s32 s26, v34;
	_ =	sdelay $0x3  }
0x23e: {  	[tilespmem:s25+$0xFFFFFFC0] =	vst v0  }
0x23f: {  	v0 =	vld.idx.msk [tilespmem:v1+s22+$0x0], $0xffff;
	_ =	sdelay $0x1  }
0x240: {  	v1 =	vadd.s32 s26, v35;
	_ =	sdelay $0x3  }
0x241: {  	[tilespmem:s25+$0xFFFFFFD0] =	vst v0  }
0x242: {  	v0 =	vld.idx.msk [tilespmem:v1+s22+$0x0], $0xffff;
	_ =	sdelay $0x1  }
0x243: {  	v1 =	vadd.s32 s26, v36;
	_ =	sdelay $0x3  }
0x244: {  	[tilespmem:s25+$0xFFFFFFE0] =	vst v0  }
0x245: {  	v0 =	vld.idx.msk [tilespmem:v1+s22+$0x0], $0xffff;
	_ =	sdelay $0x1  }
0x246: {  	v1 =	vadd.s32 s26, v37;
	s26 =	smov.u32 s28;
	_ =	sdelay $0x2  }
.Ltmp2:
0x247: {  	(pc) =	sbr.rel @p0 .LBB2_2-.Ltmp2, $3  }
0x248: {  	[tilespmem:s25+$0xFFFFFFF0] =	vst v0  }
0x249: {  	v0 =	vld.idx.msk [tilespmem:v1+s22+$0x0], $0xffff;
	_ =	sdelay $0x1  }
0x24a: {  	s28 =	sadd.s32 $0x1, s28;
	v1 =	vadd.s32 s26, v27  }
0x24b: {  	_ =	sdelay $0x2  }
0x24c: {  	[tilespmem:s25+$0x0] =	vst v0  }
0x24d: {  	v0 =	vld.idx.msk [tilespmem:v1+s22+$0x0], $0xffff  }
0x24e: {  	v51 =	vadd.s32 s26, v29;
	_ =	sdelay $0x2  }
0x24f: {  	s29 =	sadd.s32 $0x80, s25  }
0x250: {  	[tilespmem:s29+$0xFFFFFF90] =	vst v0  }
0x251: {  	v0 =	vld.idx.msk [tilespmem:v51+s22+$0x0], $0xffff  }
0x252: {  	v53 =	vadd.s32 s26, v30;
	_ =	sdelay $0x3  }
0x253: {  	[tilespmem:s29+$0xFFFFFFA0] =	vst v0  }
0x254: {  	v0 =	vld.idx.msk [tilespmem:v53+s22+$0x0], $0xffff  }
0x255: {  	v56 =	vadd.s32 s26, v33;
	_ =	sdelay $0x3  }
0x256: {  	[tilespmem:s29+$0xFFFFFFB0] =	vst v0  }
0x257: {  	v0 =	vld.idx.msk [tilespmem:v56+s22+$0x0], $0xffff  }
0x258: {  	v57 =	vadd.s32 s26, v34;
	_ =	sdelay $0x3  }
0x259: {  	[tilespmem:s29+$0xFFFFFFC0] =	vst v0  }
0x25a: {  	v0 =	vld.idx.msk [tilespmem:v57+s22+$0x0], $0xffff  }
0x25b: {  	v59 =	vadd.s32 s26, v35;
	_ =	sdelay $0x3  }
0x25c: {  	[tilespmem:s29+$0xFFFFFFD0] =	vst v0  }
0x25d: {  	v0 =	vld.idx.msk [tilespmem:v59+s22+$0x0], $0xffff  }
0x25e: {  	v60 =	vadd.s32 s26, v36;
	_ =	sdelay $0x3  }
0x25f: {  	[tilespmem:s29+$0xFFFFFFE0] =	vst v0  }
0x260: {  	v0 =	vld.idx.msk [tilespmem:v60+s22+$0x0], $0xffff  }
0x261: {  	v63 =	vadd.s32 s26, v37;
	_ =	sdelay $0x3  }
0x262: {  	[tilespmem:s29+$0xFFFFFFF0] =	vst v0  }
0x263: {  	v0 =	vld.idx.msk [tilespmem:v63+s22+$0x0], $0xffff;
	_ =	sdelay $0x4  }
0x264: {  	v33 =	vmov v48;
	v29 =	vmov v58;
	v58 =	vmov v39;
	s25 =	simm.s32 $0x0;
	[tilespmem:s29+$0x0] =	vst v0  }
.LBB2_4:
0x265: {  	s26 =	sshllo.u32 s25, $0x1  }
0x266: {  	_ =	swait.ge [sflag:s24], $0x2000;
	s28 =	sshll.u32 s26, $0x7  }
0x267: {  	[sflag:s24] =	ssyncset.done $0x0;
	s28 =	sand.u32 $0x3FFFFF80, s28  }
0x268: {  	p0 =	seq.s32 s25, $0x0;
	[sflag:s24] =	ssyncadd.s32 $0xFFFFE000;
	s28 =	sadd.s32 $0x1900, s28  }
0x269: {  	[tilespmem:s18], [sflag:$0x2] =	stream.indirect.gather [hbm4b:s4+s23], $0x40, s28, s23, $0xb8;
	[tilespmem:$0xB200] =	vst v63  }
0x26a: {  	s28 =	simm.s32 @!p0 $0x3  }
0x26b: {  	_ =	swait.ge @!p0 [sflag:s28], $0x400  }
0x26c: {  	[sflag:s28] =	ssyncset.done @!p0 $0x0  }
0x26d: {  	[sflag:s28] =	ssyncadd.s32 @!p0 $0xFFFFFC00  }
0x26e: {  	_ =	swait.ge @!p0 [sflag:s28], $0x400  }
0x26f: {  	[sflag:s28] =	ssyncset.done @!p0 $0x0  }
0x270: {  	[sflag:s28] =	ssyncadd.s32 @!p0 $0xFFFFFC00  }
0x271: {  	_ =	swait.ge @!p0 [sflag:s28], $0x400  }
0x272: {  	[sflag:s28] =	ssyncset.done @!p0 $0x0  }
0x273: {  	[sflag:s28] =	ssyncadd.s32 @!p0 $0xFFFFFC00  }
0x274: {  	_ =	swait.ge @!p0 [sflag:s28], $0x400  }
0x275: {  	[sflag:s28] =	ssyncset.done @!p0 $0x0  }
0x276: {  	[sflag:s28] =	ssyncadd.s32 @!p0 $0xFFFFFC00  }
0x277: {  	_ =	swait.ge @!p0 [sflag:s28], $0x400  }
0x278: {  	[sflag:s28] =	ssyncset.done @!p0 $0x0  }
0x279: {  	[sflag:s28] =	ssyncadd.s32 @!p0 $0xFFFFFC00  }
0x27a: {  	_ =	swait.ge @!p0 [sflag:s28], $0x400  }
0x27b: {  	[sflag:s28] =	ssyncset.done @!p0 $0x0  }
0x27c: {  	[sflag:s28] =	ssyncadd.s32 @!p0 $0xFFFFFC00  }
0x27d: {  	_ =	swait.ge @!p0 [sflag:s28], $0x400  }
0x27e: {  	[sflag:s28] =	ssyncset.done @!p0 $0x0  }
0x27f: {  	v53 =	vlaneseq.u32;
	[sflag:s28] =	ssyncadd.s32 @!p0 $0xFFFFFC00  }
0x280: {  	v0 =	vor.u32 s22, v53;
	_ =	swait.ge @!p0 [sflag:s28], $0x400  }
0x281: {  	v18 =	vshll.u32 v0, $0x6;
	v56 =	vand.u32 $0x78, v0;
	v0 =	vld [tilespmem:$0x1F740]  }
0x282: {  	v1 =	vld [tilespmem:$0x1F750]  }
0x283: {  	v6 =	vld [tilespmem:$0x1F760]  }
0x284: {  	v8 =	vld [tilespmem:$0x1F770]  }
0x285: {  	v20 =	vld [tilespmem:$0x1F790]  }
0x286: {  	v25 =	vld [tilespmem:$0x1F7A0]  }
0x287: {  	v26 =	vld [tilespmem:$0x1F7C0]  }
0x288: {  	v27 =	vld [tilespmem:$0x1F7D0]  }
0x289: {  	v31 =	vld [tilespmem:$0x1F7E0]  }
0x28a: {  	v30 =	vld [tilespmem:$0x1F7F0]  }
0x28b: {  	v32 =	vld [tilespmem:$0x1F870]  }
0x28c: {  	v34 =	vld [tilespmem:$0x1F880]  }
0x28d: {  	v39 =	vld [tilespmem:$0x1F8D0]  }
0x28e: {  	v40 =	vld [tilespmem:$0x1F8E0]  }
0x28f: {  	v41 =	vld [tilespmem:$0x1F8F0]  }
0x290: {  	p1 =	por $0x1, $0x1;
	v42 =	vld [tilespmem:$0x1F900]  }
.Ltmp3:
0x291: {  	v43 =	vld [tilespmem:$0x1F910];
	(pc) =	sbr.rel @!p1 .LBB2_5-.Ltmp3, $4  }
0x292: {  	v51 =	vld [tilespmem:$0x1F920]  }
0x293: {  	v59 =	vld [tilespmem:$0x1F930]  }
0x294: {  	v5 =	vor.u32 v53, v18;
	[sflag:s28] =	ssyncset.done @!p0 $0x0;
	v60 =	vld [tilespmem:$0x1F940]  }
0x295: {  	v63 =	vld [tilespmem:$0x1F950];
	[sflag:s28] =	ssyncadd.s32 @!p0 $0xFFFFFC00;
	s28 =	simm.s32 $0x10;
	p0 =	por $0x0, $0x0;
	v4 =	vor.u32 v0, v18;
	v3 =	vor.u32 v1, v18;
	v2 =	vor.u32 v6, v18  }
0x296: {  	_ =	sdelay $0x3  }
0x297: {  	v0 =	vld.idx.msk [tilespmem:v5+s16+$0x0], $0xffff;
	v1 =	vor.u32 v11, v56  }
0x298: {  	v4 =	vld.idx.msk [tilespmem:v4+s16+$0x0], $0xffff;
	v5 =	vor.u32 v12, v56  }
0x299: {  	v3 =	vld.idx.msk [tilespmem:v3+s16+$0x0], $0xffff;
	v6 =	vor.u32 v13, v56  }
0x29a: {  	v2 =	vld.idx.msk [tilespmem:v2+s16+$0x0], $0xffff;
	v7 =	vor.u32 v8, v56  }
0x29b: {  	v19 =	vor.u32 v38, v18  }
0x29c: {  	[tilespmem:v1+s19+$0x0] =	vst.idx.msk $0xffff, v0;
	v0 =	vor.u32 v22, v18  }
0x29d: {  	v1 =	vor.u32 v55, v18;
	[tilespmem:v5+s19+$0x0] =	vst.idx.msk $0xffff, v4  }
0x29e: {  	[tilespmem:v6+s19+$0x0] =	vst.idx.msk $0xffff, v3  }
0x29f: {  	[tilespmem:v7+s19+$0x0] =	vst.idx.msk $0xffff, v2  }
0x2a0: {  	v4 =	vor.u32 v10, v56;
	v3 =	vor.u32 v17, v18;
	v2 =	vld.idx.msk [tilespmem:v19+s16+$0x0], $0xffff  }
0x2a1: {  	v5 =	vor.u32 v54, v56;
	v0 =	vld.idx.msk [tilespmem:v0+s16+$0x0], $0xffff  }
0x2a2: {  	v6 =	vor.u32 v9, v56;
	v1 =	vld.idx.msk [tilespmem:v1+s16+$0x0], $0xffff;
	_ =	sdelay $0x2  }
0x2a3: {  	v3 =	vld.idx.msk [tilespmem:v3+s16+$0x0], $0xffff;
	[tilespmem:v4+s19+$0x0] =	vst.idx.msk $0xffff, v2  }
0x2a4: {  	v7 =	vor.u32 v15, v56;
	[tilespmem:v5+s19+$0x0] =	vst.idx.msk $0xffff, v0  }
0x2a5: {  	v19 =	vor.u32 v61, v18;
	[tilespmem:v6+s19+$0x0] =	vst.idx.msk $0xffff, v1;
	v1 =	vld [tilespmem:$0x1F780]  }
0x2a6: {  	v2 =	vor.u32 v62, v18  }
0x2a7: {  	v0 =	vor.u32 v16, v18;
	_ =	sdelay $0x1  }
0x2a8: {  	v21 =	vmov v14;
	[tilespmem:v7+s19+$0x0] =	vst.idx.msk $0xffff, v3  }
0x2a9: {  	v4 =	vor.u32 v21, v56;
	v3 =	vld.idx.msk [tilespmem:v19+s16+$0x0], $0xffff;
	v1 =	vor.u32 v1, v18  }
0x2aa: {  	v5 =	vor.u32 v29, v56;
	v2 =	vld.idx.msk [tilespmem:v2+s16+$0x0], $0xffff  }
0x2ab: {  	v6 =	vor.u32 v20, v56;
	v0 =	vld.idx.msk [tilespmem:v0+s16+$0x0], $0xffff;
	_ =	sdelay $0x2  }
0x2ac: {  	v1 =	vld.idx.msk [tilespmem:v1+s16+$0x0], $0xffff;
	[tilespmem:v4+s19+$0x0] =	vst.idx.msk $0xffff, v3  }
0x2ad: {  	[tilespmem:v5+s19+$0x0] =	vst.idx.msk $0xffff, v2  }
0x2ae: {  	[tilespmem:v6+s19+$0x0] =	vst.idx.msk $0xffff, v0;
	v0 =	vld [tilespmem:$0x1F7B0];
	_ =	sdelay $0x1  }
0x2af: {  	v7 =	vor.u32 v50, v56  }
0x2b0: {  	v19 =	vor.u32 v45, v18;
	_ =	sdelay $0x1  }
0x2b1: {  	v37 =	vld [tilespmem:$0x1F840];
	v0 =	vor.u32 v0, v18  }
0x2b2: {  	v44 =	vld [tilespmem:$0x1FD30]  }
0x2b3: {  	v22 =	vld [tilespmem:$0x1F800];
	v3 =	vor.u32 v25, v18;
	[tilespmem:v7+s19+$0x0] =	vst.idx.msk $0xffff, v1  }
0x2b4: {  	v1 =	vld.idx.msk [tilespmem:v19+s16+$0x0], $0xffff  }
0x2b5: {  	v19 =	vld [tilespmem:$0x1F810]  }
0x2b6: {  	v7 =	vld.idx.msk [tilespmem:v0+s16+$0x0], $0xffff  }
0x2b7: {  	v4 =	vor.u32 v26, v56;
	v2 =	vor.u32 v52, v18;
	v0 =	vld [tilespmem:$0x1FCC0]  }
0x2b8: {  	v5 =	vor.u32 v27, v56;
	v3 =	vld.idx.msk [tilespmem:v3+s16+$0x0], $0xffff  }
0x2b9: {  	v24 =	vld [tilespmem:$0x1F850]  }
0x2ba: {  	v23 =	vld [tilespmem:$0x1F820]  }
0x2bb: {  	v36 =	vld [tilespmem:$0x1F830];
	v26 =	vsel vm0, v19, v22  }
0x2bc: {  	v2 =	vld.idx.msk [tilespmem:v2+s16+$0x0], $0xffff;
	[tilespmem:v4+s19+$0x0] =	vst.idx.msk $0xffff, v1;
	v21 =	vor.u32 v0, v18;
	v0 =	vcombine.low v26, v44  }
0x2bd: {  	v6 =	vor.u32 v31, v56;
	[tilespmem:v5+s19+$0x0] =	vst.idx.msk $0xffff, v3  }
0x2be: {  	[tilespmem:$0x1F580] =	vst v0;
	v3 =	vor.u32 v0, v18;
	v0 =	vld [tilespmem:$0x1FD10];
	_ =	sdelay $0x1  }
0x2bf: {  	v28 =	vsel vm0, v36, v23;
	v27 =	vsel vm0, v24, v37  }
0x2c0: {  	v4 =	vcombine.low v27, v28  }
0x2c1: {  	[tilespmem:v6+s19+$0x0] =	vst.idx.msk $0xffff, v2  }
0x2c2: {  	[tilespmem:$0x1F590] =	vst v4;
	v2 =	vor.u32 v4, v18;
	v4 =	vsel vm0, v0, v19;
	v0 =	vld [tilespmem:$0x1FC80]  }
0x2c3: {  	v19 =	vld [tilespmem:$0x1FCB0]  }
0x2c4: {  	v20 =	vor.u32 v30, v56  }
0x2c5: {  	v45 =	vld [tilespmem:$0x1F8C0]  }
0x2c6: {  	v1 =	vld [tilespmem:$0x1FD00]  }
0x2c7: {  	v6 =	vsel vm0, v23, v24;
	v23 =	vld [tilespmem:$0x1F8B0]  }
0x2c8: {  	v29 =	vsel vm0, v0, v19;
	v0 =	vld [tilespmem:$0x1F860]  }
0x2c9: {  	[tilespmem:v20+s19+$0x0] =	vst.idx.msk $0xffff, v7;
	v20 =	vld [tilespmem:$0x1F890]  }
0x2ca: {  	v5 =	vld.idx.msk [tilespmem:v21+s16+$0x0], $0xffff  }
0x2cb: {  	v1 =	vor.u32 v1, v18;
	v21 =	vld [tilespmem:$0x1F8A0]  }
0x2cc: {  	v19 =	vld [tilespmem:$0x1FCA0]  }
0x2cd: {  	v24 =	vor.u32 v0, v56;
	v0 =	vld [tilespmem:$0x1FC90];
	_ =	sdelay $0x1  }
0x2ce: {  	v7 =	vor.u32 v33, v56  }
0x2cf: {  	v1 =	vld.idx.msk [tilespmem:v1+s16+$0x0], $0xffff  }
0x2d0: {  	v25 =	vor.u32 v32, v56;
	v3 =	vld.idx.msk [tilespmem:v3+s16+$0x0], $0xffff  }
0x2d1: {  	v31 =	vsel vm0, v45, v23;
	v30 =	vsel vm0, v21, v20;
	v46 =	vsel vm0, v19, v0;
	v0 =	vld [tilespmem:$0x1FD20]  }
0x2d2: {  	v34 =	vor.u32 v34, v56;
	v2 =	vld.idx.msk [tilespmem:v2+s16+$0x0], $0xffff;
	v35 =	vcombine.low v31, v30  }
0x2d3: {  	[tilespmem:v7+s19+$0x0] =	vst.idx.msk $0xffff, v5  }
0x2d4: {  	[tilespmem:$0x1F5A0] =	vst v35  }
0x2d5: {  	v35 =	vor.u32 v35, v18;
	[tilespmem:v24+s19+$0x0] =	vst.idx.msk $0xffff, v1  }
0x2d6: {  	[tilespmem:v25+s19+$0x0] =	vst.idx.msk $0xffff, v3;
	v47 =	vsel vm0, v22, v0;
	v0 =	vcombine.low v29, v46  }
0x2d7: {  	v36 =	vsel vm0, v37, v36;
	[tilespmem:v34+s19+$0x0] =	vst.idx.msk $0xffff, v2;
	v19 =	vcombine.low v4, v47  }
0x2d8: {  	[tilespmem:$0x1F5B0] =	vst v0;
	v5 =	vor.u32 v0, v18;
	v0 =	vcombine.low v6, v36  }
0x2d9: {  	[tilespmem:$0x1F5C0] =	vst v19;
	v1 =	vor.u32 v19, v18;
	v19 =	vld [tilespmem:$0x1FCF0]  }
0x2da: {  	[tilespmem:$0x1F5D0] =	vst v0;
	v3 =	vor.u32 v0, v18;
	v0 =	vld [tilespmem:$0x1FCE0]  }
0x2db: {  	v7 =	vor.u32 v49, v56;
	v2 =	vld.idx.msk [tilespmem:v35+s16+$0x0], $0xffff  }
0x2dc: {  	v24 =	vsel vm0, v23, v21;
	v25 =	vsel vm0, v20, v45  }
0x2dd: {  	v48 =	vor.u32 v39, v56;
	v20 =	vcombine.low v25, v24;
	v25 =	vor.u32 $0x20, v53;
	v5 =	vld.idx.msk [tilespmem:v5+s16+$0x0], $0xffff  }
0x2de: {  	v49 =	vor.u32 v40, v56;
	[tilespmem:$0x1F660] =	vst v25;
	v1 =	vld.idx.msk [tilespmem:v1+s16+$0x0], $0xffff  }
0x2df: {  	v50 =	vor.u32 v41, v56;
	[tilespmem:$0x1F5E0] =	vst v20;
	v3 =	vld.idx.msk [tilespmem:v3+s16+$0x0], $0xffff;
	v0 =	vcombine.low v0, v19  }
0x2e0: {  	v21 =	vld [tilespmem:$0x1FAC0];
	v52 =	vor.u32 v20, v18;
	v19 =	vcombine.low v44, v26;
	[tilespmem:v7+s19+$0x0] =	vst.idx.msk $0xffff, v2  }
0x2e1: {  	v20 =	vcombine.low v28, v27;
	v26 =	vld [tilespmem:$0x1FD40];
	[tilespmem:$0x1F5F0] =	vst v0;
	v2 =	vor.u32 v0, v18  }
0x2e2: {  	v23 =	vld [tilespmem:$0x1FAE0];
	[tilespmem:v48+s19+$0x0] =	vst.idx.msk $0xffff, v5;
	v5 =	vor.u32 v19, v18  }
0x2e3: {  	v33 =	vor.u32 v25, v18;
	v25 =	vld [tilespmem:$0x1FB00];
	v7 =	vor.u32 v20, v18;
	[tilespmem:v49+s19+$0x0] =	vst.idx.msk $0xffff, v1  }
0x2e4: {  	v54 =	vor.u32 v42, v56;
	v27 =	vld [tilespmem:$0x1FB20];
	v0 =	vcombine.low v30, v31;
	[tilespmem:v50+s19+$0x0] =	vst.idx.msk $0xffff, v3  }
0x2e5: {  	[tilespmem:$0x1F600] =	vst v19;
	v31 =	vor.u32 v58, v56;
	v19 =	vcombine.low v47, v4;
	v3 =	vld.idx.msk [tilespmem:v52+s16+$0x0], $0xffff  }
0x2e6: {  	v1 =	vcombine.low v46, v29;
	[tilespmem:$0x1F620] =	vst v0;
	v55 =	vor.u32 v26, v56;
	v2 =	vld.idx.msk [tilespmem:v2+s16+$0x0], $0xffff  }
0x2e7: {  	v4 =	vor.u32 v0, v18;
	v0 =	vcombine.low v36, v6;
	[tilespmem:$0x1F640] =	vst v19;
	v5 =	vld.idx.msk [tilespmem:v5+s16+$0x0], $0xffff  }
0x2e8: {  	v57 =	vor.u32 v43, v56;
	v7 =	vld.idx.msk [tilespmem:v7+s16+$0x0], $0xffff;
	[tilespmem:$0x1F630] =	vst v1  }
0x2e9: {  	v28 =	vld [tilespmem:$0x1FB30];
	[tilespmem:$0x1F650] =	vst v0  }
0x2ea: {  	v26 =	vld [tilespmem:$0x1FB10];
	[tilespmem:v54+s19+$0x0] =	vst.idx.msk $0xffff, v3;
	v3 =	vor.u32 v1, v18  }
0x2eb: {  	v1 =	vld [tilespmem:$0x1FA90];
	[tilespmem:v55+s19+$0x0] =	vst.idx.msk $0xffff, v2;
	v2 =	vor.u32 v19, v18  }
0x2ec: {  	v19 =	vld [tilespmem:$0x1FAA0];
	[tilespmem:v31+s19+$0x0] =	vst.idx.msk $0xffff, v5;
	v5 =	vor.u32 v0, v18  }
0x2ed: {  	v0 =	vld [tilespmem:$0x1FA80];
	[tilespmem:v57+s19+$0x0] =	vst.idx.msk $0xffff, v7  }
0x2ee: {  	v6 =	vor.u32 v51, v56;
	v4 =	vld.idx.msk [tilespmem:v4+s16+$0x0], $0xffff  }
0x2ef: {  	v58 =	vor.u32 v59, v56;
	v3 =	vld.idx.msk [tilespmem:v3+s16+$0x0], $0xffff  }
0x2f0: {  	v61 =	vor.u32 v60, v56;
	v2 =	vld.idx.msk [tilespmem:v2+s16+$0x0], $0xffff  }
0x2f1: {  	v62 =	vor.u32 v63, v56;
	v5 =	vld.idx.msk [tilespmem:v5+s16+$0x0], $0xffff  }
0x2f2: {  	v22 =	vld [tilespmem:$0x1FAD0];
	[tilespmem:$0x1F610] =	vst v20  }
0x2f3: {  	v20 =	vld [tilespmem:$0x1FAB0];
	[tilespmem:v6+s19+$0x0] =	vst.idx.msk $0xffff, v4  }
0x2f4: {  	[tilespmem:v58+s19+$0x0] =	vst.idx.msk $0xffff, v3  }
0x2f5: {  	v24 =	vld [tilespmem:$0x1FAF0];
	v44 =	vsel vm0, v26, v25;
	v40 =	vsel vm0, v1, v0;
	[tilespmem:v61+s19+$0x0] =	vst.idx.msk $0xffff, v2  }
0x2f6: {  	[tilespmem:v62+s19+$0x0] =	vst.idx.msk $0xffff, v5;
	v5 =	vsel vm0, v25, v28;
	v25 =	vsel vm0, v19, v1;
	v1 =	vld [tilespmem:$0x1F990]  }
0x2f7: {  	v41 =	vsel vm0, v22, v21;
	v7 =	vsel vm0, v28, v27;
	v28 =	vsel vm0, v23, v22;
	v22 =	vld [tilespmem:$0x1F970]  }
0x2f8: {  	v43 =	vsel vm0, v20, v19  }
0x2f9: {  	v29 =	vcombine.low v43, v40;
	v19 =	vld [tilespmem:$0x1FB50]  }
0x2fa: {  	v42 =	vsel vm0, v24, v23;
	v23 =	vld [tilespmem:$0x1FB70]  }
0x2fb: {  	v30 =	vcombine.low v42, v41;
	v4 =	vor.u32 v29, v18;
	v35 =	vor.u32 v1, v56;
	v1 =	vld [tilespmem:$0x1FB40]  }
0x2fc: {  	v6 =	vcombine.low v7, v44;
	v34 =	vor.u32 v22, v56;
	v22 =	vld [tilespmem:$0x1FB60]  }
0x2fd: {  	v49 =	vsel vm0, v0, v20;
	v0 =	vld [tilespmem:$0x1F9B0];
	v3 =	vor.u32 v30, v18  }
0x2fe: {  	[tilespmem:$0x1F690] =	vst v6;
	v2 =	vor.u32 v6, v18;
	v6 =	vld.idx.msk [tilespmem:v33+s16+$0x0], $0xffff;
	_ =	sdelay $0x1  }
0x2ff: {  	v4 =	vld.idx.msk [tilespmem:v4+s16+$0x0], $0xffff  }
0x300: {  	v47 =	vsel vm0, v19, v1;
	v48 =	vsel vm0, v23, v22  }
0x301: {  	v37 =	vor.u32 v0, v56;
	v3 =	vld.idx.msk [tilespmem:v3+s16+$0x0], $0xffff;
	v0 =	vcombine.low v48, v47  }
0x302: {  	v45 =	vsel vm0, v21, v24;
	v2 =	vld.idx.msk [tilespmem:v2+s16+$0x0], $0xffff;
	[tilespmem:v34+s19+$0x0] =	vst.idx.msk $0xffff, v6  }
0x303: {  	[tilespmem:$0x1F6A0] =	vst v0;
	v58 =	vor.u32 v0, v18;
	v0 =	vcombine.low v45, v28  }
0x304: {  	v20 =	vld [tilespmem:$0x1F9C0];
	[tilespmem:v35+s19+$0x0] =	vst.idx.msk $0xffff, v4  }
0x305: {  	[tilespmem:$0x1F6C0] =	vst v0;
	v4 =	vor.u32 v0, v18;
	v0 =	vld [tilespmem:$0x1F9D0];
	_ =	sdelay $0x4  }
0x306: {  	v46 =	vor.u32 v20, v56;
	v61 =	vor.u32 v0, v56;
	v0 =	vld [tilespmem:$0x1F9E0]  }
0x307: {  	v21 =	vcombine.low v49, v25;
	_ =	sdelay $0x1  }
0x308: {  	v57 =	vsel vm0, v27, v26;
	v6 =	vor.u32 v21, v18  }
0x309: {  	v17 =	vld [tilespmem:$0x1FE00];
	v9 =	vcombine.low v5, v57;
	[tilespmem:v37+s19+$0x0] =	vst.idx.msk $0xffff, v3  }
0x30a: {  	[tilespmem:v46+s19+$0x0] =	vst.idx.msk $0xffff, v2;
	v62 =	vor.u32 v0, v56;
	v0 =	vld [tilespmem:$0x1FA50]  }
0x30b: {  	v3 =	vor.u32 v9, v18;
	v2 =	vld.idx.msk [tilespmem:v58+s16+$0x0], $0xffff  }
0x30c: {  	v16 =	vld [tilespmem:$0x1FBF0]  }
0x30d: {  	v6 =	vld.idx.msk [tilespmem:v6+s16+$0x0], $0xffff  }
0x30e: {  	[tilespmem:$0x1F680] =	vst v30;
	v26 =	vld [tilespmem:$0x1FDD0];
	v32 =	vsel vm0, v22, v19;
	v33 =	vsel vm0, v1, v23  }
0x30f: {  	[tilespmem:$0x1F6D0] =	vst v9;
	v4 =	vld.idx.msk [tilespmem:v4+s16+$0x0], $0xffff;
	v34 =	vor.u32 v0, v56;
	v0 =	vcombine.low v33, v32  }
0x310: {  	v3 =	vld.idx.msk [tilespmem:v3+s16+$0x0], $0xffff;
	[tilespmem:v61+s19+$0x0] =	vst.idx.msk $0xffff, v2  }
0x311: {  	v9 =	vld [tilespmem:$0x1FA60];
	[tilespmem:$0x1F6E0] =	vst v0;
	v54 =	vor.u32 v0, v18;
	v0 =	vcombine.low v44, v7  }
0x312: {  	v27 =	vld [tilespmem:$0x1FDE0];
	[tilespmem:v62+s19+$0x0] =	vst.idx.msk $0xffff, v6  }
0x313: {  	v30 =	vld [tilespmem:$0x1FC20];
	[tilespmem:$0x1F710] =	vst v0  }
0x314: {  	v20 =	vlaneseq.u32;
	[tilespmem:v34+s19+$0x0] =	vst.idx.msk $0xffff, v4;
	v4 =	vor.u32 v0, v18;
	v0 =	vld [tilespmem:$0x1FD90]  }
0x315: {  	[tilespmem:$0x1F670] =	vst v29;
	v29 =	vld [tilespmem:$0x1FC10];
	v19 =	vor.u32 $0x30, v20  }
0x316: {  	v1 =	vcombine.low v40, v43;
	v24 =	vmovc v19;
	v43 =	vor.u32 v19, v18;
	v19 =	vld [tilespmem:$0x1FC00];
	v35 =	vor.u32 v9, v56  }
0x317: {  	v15 =	vcombine.low v28, v45;
	v28 =	vld [tilespmem:$0x1FDF0]  }
0x318: {  	[tilespmem:$0x1F6F0] =	vst v1;
	v9 =	vcombine.low v41, v42;
	v2 =	vor.u32 v1, v18;
	v1 =	vld [tilespmem:$0x1FDB0]  }
0x319: {  	v23 =	vmov v0;
	v7 =	vor.u32 v0, v56;
	v0 =	vld [tilespmem:$0x1FDA0]  }
0x31a: {  	[tilespmem:$0x1F700] =	vst v9;
	v6 =	vor.u32 v9, v18;
	v9 =	vcombine.low v25, v49;
	v25 =	vld [tilespmem:$0x1FDC0]  }
0x31b: {  	v33 =	vld [tilespmem:$0x1FC30];
	[tilespmem:v35+s19+$0x0] =	vst.idx.msk $0xffff, v3  }
0x31c: {  	v3 =	vld.idx.msk [tilespmem:v54+s16+$0x0], $0xffff  }
0x31d: {  	v34 =	vld [tilespmem:$0x1FBD0]  }
0x31e: {  	v2 =	vld.idx.msk [tilespmem:v2+s16+$0x0], $0xffff;
	v36 =	vor.u32 v0, v56  }
0x31f: {  	[tilespmem:$0x1F6B0] =	vst v21;
	v6 =	vld.idx.msk [tilespmem:v6+s16+$0x0], $0xffff  }
0x320: {  	v21 =	vmovc v1;
	v1 =	vor.u32 v1, v56;
	v4 =	vld.idx.msk [tilespmem:v4+s16+$0x0], $0xffff;
	v22 =	vmov v0;
	v0 =	vcombine.low v47, v48  }
0x321: {  	v10 =	vor.u32 v25, v56;
	[tilespmem:v7+s19+$0x0] =	vst.idx.msk $0xffff, v3;
	v48 =	vmov v9;
	v3 =	vor.u32 v9, v18;
	v9 =	vld [tilespmem:$0x1FBA0]  }
0x322: {  	v7 =	vld [tilespmem:$0x1FBB0];
	v47 =	vmov v0;
	v0 =	vor.u32 v0, v18  }
0x323: {  	v46 =	vmov v15;
	[tilespmem:v36+s19+$0x0] =	vst.idx.msk $0xffff, v2;
	v2 =	vor.u32 v15, v18;
	v15 =	vld [tilespmem:$0x1FBE0]  }
0x324: {  	v5 =	vcombine.low v57, v5;
	v36 =	vld [tilespmem:$0x1FC70]  }
0x325: {  	[tilespmem:v1+s19+$0x0] =	vst.idx.msk $0xffff, v6;
	v1 =	vld [tilespmem:$0x1FB90]  }
0x326: {  	v49 =	vmov v5;
	v5 =	vor.u32 v5, v18;
	[tilespmem:v10+s19+$0x0] =	vst.idx.msk $0xffff, v4;
	v10 =	vld [tilespmem:$0x1FBC0]  }
0x327: {  	v4 =	vld.idx.msk [tilespmem:v0+s16+$0x0], $0xffff  }
0x328: {  	v6 =	vor.u32 v26, v56;
	v3 =	vld.idx.msk [tilespmem:v3+s16+$0x0], $0xffff  }
0x329: {  	v37 =	vor.u32 v27, v56;
	v0 =	vld [tilespmem:$0x1FB80]  }
0x32a: {  	v38 =	vor.u32 v28, v56;
	v2 =	vld.idx.msk [tilespmem:v2+s16+$0x0], $0xffff  }
0x32b: {  	v39 =	vor.u32 v17, v56;
	v5 =	vld.idx.msk [tilespmem:v5+s16+$0x0], $0xffff  }
0x32c: {  	v62 =	vsel vm0, v29, v19;
	v42 =	vsel vm0, v34, v10;
	v35 =	vsel vm0, v10, v16;
	v10 =	vld [tilespmem:$0x1FC50]  }
0x32d: {  	v41 =	vsel vm0, v33, v30;
	v44 =	vsel vm0, v16, v15;
	v16 =	vld [tilespmem:$0x1FC60];
	[tilespmem:v6+s19+$0x0] =	vst.idx.msk $0xffff, v4  }
0x32e: {  	v57 =	vsel vm0, v7, v9;
	v40 =	vsel vm0, v1, v0;
	[tilespmem:v37+s19+$0x0] =	vst.idx.msk $0xffff, v3;
	v37 =	vld [tilespmem:$0x1FE10]  }
0x32f: {  	v14 =	vmov v56;
	v56 =	vcombine.low v44, v42;
	v31 =	vcombine.low v57, v40;
	[tilespmem:v38+s19+$0x0] =	vst.idx.msk $0xffff, v2;
	v38 =	vld [tilespmem:$0x1FE20]  }
0x330: {  	v50 =	vcombine.low v41, v62;
	v2 =	vsel vm0, v0, v7;
	v0 =	vld [tilespmem:$0x1FC40];
	[tilespmem:v39+s19+$0x0] =	vst.idx.msk $0xffff, v5  }
0x331: {  	v20 =	vmov v56;
	v3 =	vor.u32 v56, v18;
	v4 =	vor.u32 v31, v18;
	v56 =	vld.idx.msk [tilespmem:v43+s16+$0x0], $0xffff  }
0x332: {  	v43 =	vsel vm0, v30, v29;
	v29 =	vld [tilespmem:$0x1FE30]  }
0x333: {  	v52 =	vor.u32 v50, v18;
	v45 =	vmov v31;
	v31 =	vld [tilespmem:$0x1FE40];
	_ =	sdelay $0x1  }
0x334: {  	v32 =	vmov v63;
	v58 =	vor.u32 v37, v14  }
0x335: {  	v63 =	vsel vm0, v36, v16;
	v55 =	vor.u32 v38, v14;
	v5 =	vsel vm0, v10, v0;
	v7 =	vld.idx.msk [tilespmem:v4+s16+$0x0], $0xffff  }
0x336: {  	v1 =	vsel vm0, v9, v1;
	v6 =	vld.idx.msk [tilespmem:v3+s16+$0x0], $0xffff;
	v51 =	vcombine.low v63, v5;
	v4 =	vor.u32 v29, v14  }
0x337: {  	[tilespmem:$0x1F720] =	vst v5;
	v5 =	vld.idx.msk [tilespmem:v52+s16+$0x0], $0xffff;
	v3 =	vor.u32 v31, v14;
	v52 =	vcombine.low v2, v1  }
0x338: {  	[tilespmem:$0x1F730] =	vst v1;
	v9 =	vmov v2;
	v2 =	vor.u32 v51, v18  }
0x339: {  	v61 =	vsel vm0, v15, v34;
	v39 =	vor.u32 v52, v18;
	[tilespmem:v58+s19+$0x0] =	vst.idx.msk $0xffff, v56  }
0x33a: {  	v53 =	vcombine.low v35, v61;
	v1 =	vmov v35;
	v35 =	vld [tilespmem:$0x1FE50];
	[tilespmem:v55+s19+$0x0] =	vst.idx.msk $0xffff, v7  }
0x33b: {  	v34 =	vld [tilespmem:$0x1FE60];
	[tilespmem:v4+s19+$0x0] =	vst.idx.msk $0xffff, v6  }
0x33c: {  	v15 =	vsel vm0, v19, v33;
	v56 =	vcombine.low v40, v57;
	v40 =	vld [tilespmem:$0x1FE80];
	[tilespmem:v3+s19+$0x0] =	vst.idx.msk $0xffff, v5  }
0x33d: {  	v30 =	vmov v60;
	v54 =	vcombine.low v15, v43;
	v58 =	vld.idx.msk [tilespmem:v2+s16+$0x0], $0xffff  }
0x33e: {  	v7 =	vor.u32 v53, v18;
	v55 =	vsel vm0, v16, v10;
	v60 =	vld.idx.msk [tilespmem:v39+s16+$0x0], $0xffff;
	v39 =	vsel vm0, v0, v36  }
0x33f: {  	v4 =	vor.u32 v54, v18;
	v6 =	vor.u32 v35, v14;
	v55 =	vcombine.low v39, v55;
	v39 =	vld [tilespmem:$0x1FE70]  }
0x340: {  	v33 =	vmov v59;
	v59 =	vor.u32 v34, v14;
	v0 =	vld [tilespmem:$0x1F720];
	_ =	sdelay $0x2  }
0x341: {  	v7 =	vld.idx.msk [tilespmem:v7+s16+$0x0], $0xffff  }
0x342: {  	v4 =	vld.idx.msk [tilespmem:v4+s16+$0x0], $0xffff;
	[tilespmem:v6+s19+$0x0] =	vst.idx.msk $0xffff, v58;
	v5 =	vor.u32 v39, v14  }
0x343: {  	v3 =	vor.u32 v40, v14;
	[tilespmem:v59+s19+$0x0] =	vst.idx.msk $0xffff, v60;
	v59 =	vcombine.low v0, v63;
	v0 =	vld [tilespmem:$0x1F730]  }
0x344: {  	v57 =	vcombine.low v42, v44;
	v36 =	vld [tilespmem:$0x1FE90];
	v2 =	vor.u32 v55, v18  }
0x345: {  	v58 =	vcombine.low v62, v41;
	v6 =	vor.u32 v56, v18;
	v41 =	vld [tilespmem:$0x1FEA0]  }
0x346: {  	v42 =	vld [tilespmem:$0x1FEB0];
	v44 =	vor.u32 v57, v18  }
0x347: {  	[tilespmem:v5+s19+$0x0] =	vst.idx.msk $0xffff, v7  }
0x348: {  	v5 =	vor.u32 v58, v18;
	v60 =	vcombine.low v0, v9;
	v0 =	vld [tilespmem:$0x1FEC0];
	[tilespmem:v3+s19+$0x0] =	vst.idx.msk $0xffff, v4  }
0x349: {  	v4 =	vor.u32 v36, v14;
	v62 =	vld.idx.msk [tilespmem:v2+s16+$0x0], $0xffff  }
0x34a: {  	v10 =	vld.idx.msk [tilespmem:v6+s16+$0x0], $0xffff;
	v6 =	vor.u32 v41, v14  }
0x34b: {  	v7 =	vld.idx.msk [tilespmem:v44+s16+$0x0], $0xffff;
	v44 =	vor.u32 v42, v14;
	_ =	sdelay $0x1  }
0x34c: {  	v61 =	vcombine.low v61, v1;
	v5 =	vld.idx.msk [tilespmem:v5+s16+$0x0], $0xffff;
	v3 =	vor.u32 v0, v14  }
0x34d: {  	v2 =	vor.u32 v59, v18;
	[tilespmem:v4+s19+$0x0] =	vst.idx.msk $0xffff, v62;
	v62 =	vcombine.low v43, v15;
	v43 =	vld [tilespmem:$0x1FED0]  }
0x34e: {  	v1 =	vld [tilespmem:$0x1FEE0];
	v4 =	vor.u32 v60, v18;
	[tilespmem:v6+s19+$0x0] =	vst.idx.msk $0xffff, v10  }
0x34f: {  	v6 =	vor.u32 v61, v18;
	[tilespmem:v44+s19+$0x0] =	vst.idx.msk $0xffff, v7;
	v44 =	vld [tilespmem:$0x1FEF0];
	_ =	sdelay $0x1  }
0x350: {  	v19 =	vld [tilespmem:$0x1FF00];
	[tilespmem:v3+s19+$0x0] =	vst.idx.msk $0xffff, v5  }
0x351: {  	v7 =	vor.u32 v62, v18;
	v2 =	vld.idx.msk [tilespmem:v2+s16+$0x0], $0xffff;
	v3 =	vor.u32 v43, v14  }
0x352: {  	v5 =	vor.u32 v1, v14;
	v4 =	vld.idx.msk [tilespmem:v4+s16+$0x0], $0xffff  }
0x353: {  	v10 =	vld.idx.msk [tilespmem:v6+s16+$0x0], $0xffff;
	v15 =	vor.u32 v44, v14;
	_ =	sdelay $0x1  }
0x354: {  	v16 =	vld [tilespmem:$0x1F760]  }
0x355: {  	v6 =	vld.idx.msk [tilespmem:v7+s16+$0x0], $0xffff;
	[tilespmem:v3+s19+$0x0] =	vst.idx.msk $0xffff, v2  }
0x356: {  	v7 =	vor.u32 v19, v14;
	v14 =	vld [tilespmem:$0x1F740];
	[tilespmem:v5+s19+$0x0] =	vst.idx.msk $0xffff, v4  }
0x357: {  	p1 =	por $0x1, $0x1;
	[tilespmem:v15+s19+$0x0] =	vst.idx.msk $0xffff, v10;
	v15 =	vld [tilespmem:$0x1F750]  }
.Ltmp4:
0x358: {  	v9 =	vlaneseq.u32;
	(pc) =	sbr.rel @!p1 .LBB2_7-.Ltmp4, $4  }
0x359: {  	v63 =	vor.u32 s28, v9  }
0x35a: {  	v18 =	vshll.u32 v63, $0x6  }
0x35b: {  	v63 =	vand.u32 $0x78, v63;
	v2 =	vor.u32 v16, v18  }
0x35c: {  	p0 =	por $0x1, $0x1;
	s28 =	simm.s32 $0x20;
	v5 =	vor.u32 v9, v18;
	v4 =	vor.u32 v14, v18;
	v3 =	vor.u32 v15, v18  }
.LBB2_8:
0x35d: {  	_ =	sdelay $0x2  }
0x35e: {  	v9 =	vld [tilespmem:$0x1F770];
	[tilespmem:v7+s19+$0x0] =	vst.idx.msk $0xffff, v6  }
0x35f: {  	v5 =	vld.idx.msk [tilespmem:v5+s16+$0x0], $0xffff;
	v6 =	vor.u32 v11, v63  }
0x360: {  	v4 =	vld.idx.msk [tilespmem:v4+s16+$0x0], $0xffff;
	v7 =	vor.u32 v12, v63  }
0x361: {  	v3 =	vld.idx.msk [tilespmem:v3+s16+$0x0], $0xffff;
	v8 =	vor.u32 v13, v63  }
0x362: {  	v10 =	vld [tilespmem:$0x1FA70]  }
0x363: {  	v2 =	vld.idx.msk [tilespmem:v2+s16+$0x0], $0xffff  }
0x364: {  	[tilespmem:v6+s19+$0x0] =	vst.idx.msk $0xffff, v5;
	v5 =	vld [tilespmem:$0x1FCD0]  }
0x365: {  	[tilespmem:v7+s19+$0x0] =	vst.idx.msk $0xffff, v4;
	v4 =	vld [tilespmem:$0x1FA40]  }
0x366: {  	v9 =	vor.u32 v9, v63;
	[tilespmem:v8+s19+$0x0] =	vst.idx.msk $0xffff, v3;
	v3 =	vld [tilespmem:$0x1FA30]  }
0x367: {  	v10 =	vor.u32 v10, v18;
	v6 =	vld [tilespmem:$0x1FA20];
	_ =	sdelay $0x1  }
0x368: {  	v7 =	vld [tilespmem:$0x1FA10];
	v5 =	vor.u32 v5, v18  }
0x369: {  	v8 =	vld [tilespmem:$0x1FA00];
	v4 =	vor.u32 v4, v18  }
0x36a: {  	[tilespmem:v9+s19+$0x0] =	vst.idx.msk $0xffff, v2;
	v9 =	vld [tilespmem:$0x1F9F0];
	v3 =	vor.u32 v3, v18  }
0x36b: {  	v2 =	vld.idx.msk [tilespmem:v10+s16+$0x0], $0xffff;
	v6 =	vor.u32 v6, v63  }
0x36c: {  	v10 =	vld [tilespmem:$0x1FD60]  }
0x36d: {  	v7 =	vor.u32 v7, v63;
	v5 =	vld.idx.msk [tilespmem:v5+s16+$0x0], $0xffff  }
0x36e: {  	v8 =	vor.u32 v8, v63;
	v4 =	vld.idx.msk [tilespmem:v4+s16+$0x0], $0xffff  }
0x36f: {  	v3 =	vld.idx.msk [tilespmem:v3+s16+$0x0], $0xffff  }
0x370: {  	[tilespmem:v6+s19+$0x0] =	vst.idx.msk $0xffff, v2;
	v2 =	vld [tilespmem:$0x1FFE0];
	_ =	sdelay $0x1  }
0x371: {  	[tilespmem:v7+s19+$0x0] =	vst.idx.msk $0xffff, v5;
	v5 =	vld [tilespmem:$0x1FD70]  }
0x372: {  	v9 =	vor.u32 v9, v63;
	[tilespmem:v8+s19+$0x0] =	vst.idx.msk $0xffff, v4;
	v4 =	vld [tilespmem:$0x1F780]  }
0x373: {  	v10 =	vor.u32 v10, v18;
	v6 =	vld [tilespmem:$0x1FFF0]  }
0x374: {  	v7 =	vld [tilespmem:$0x1FF90];
	v2 =	vor.u32 v2, v18;
	_ =	sdelay $0x1  }
0x375: {  	v8 =	vld [tilespmem:$0x1F790];
	v5 =	vor.u32 v5, v18  }
0x376: {  	[tilespmem:v9+s19+$0x0] =	vst.idx.msk $0xffff, v3;
	v9 =	vld [tilespmem:$0x1FFA0];
	v4 =	vor.u32 v4, v18  }
0x377: {  	v6 =	vor.u32 v6, v63;
	v3 =	vld.idx.msk [tilespmem:v10+s16+$0x0], $0xffff  }
0x378: {  	v7 =	vor.u32 v7, v63;
	v2 =	vld.idx.msk [tilespmem:v2+s16+$0x0], $0xffff  }
0x379: {  	v10 =	vld [tilespmem:$0x1FFD0]  }
0x37a: {  	v8 =	vor.u32 v8, v63;
	v5 =	vld.idx.msk [tilespmem:v5+s16+$0x0], $0xffff  }
0x37b: {  	v4 =	vld.idx.msk [tilespmem:v4+s16+$0x0], $0xffff  }
0x37c: {  	[tilespmem:v6+s19+$0x0] =	vst.idx.msk $0xffff, v3;
	v3 =	vld [tilespmem:$0x1F7A0]  }
0x37d: {  	[tilespmem:v7+s19+$0x0] =	vst.idx.msk $0xffff, v2;
	v2 =	vld [tilespmem:$0x1FD80];
	_ =	sdelay $0x1  }
0x37e: {  	v9 =	vor.u32 v9, v63;
	[tilespmem:v8+s19+$0x0] =	vst.idx.msk $0xffff, v5;
	v5 =	vld [tilespmem:$0x1F7B0]  }
0x37f: {  	v10 =	vor.u32 v10, v18;
	v6 =	vld [tilespmem:$0x1F7C0]  }
0x380: {  	v7 =	vld [tilespmem:$0x1F7D0];
	v3 =	vor.u32 v3, v18  }
0x381: {  	v8 =	vld [tilespmem:$0x1F7E0];
	v2 =	vor.u32 v2, v18;
	_ =	sdelay $0x1  }
0x382: {  	[tilespmem:v9+s19+$0x0] =	vst.idx.msk $0xffff, v4;
	v9 =	vld [tilespmem:$0x1F7F0];
	v5 =	vor.u32 v5, v18  }
0x383: {  	v6 =	vor.u32 v6, v63;
	v4 =	vld.idx.msk [tilespmem:v10+s16+$0x0], $0xffff  }
0x384: {  	v7 =	vor.u32 v7, v63;
	v3 =	vld.idx.msk [tilespmem:v3+s16+$0x0], $0xffff  }
0x385: {  	v8 =	vor.u32 v8, v63;
	v2 =	vld.idx.msk [tilespmem:v2+s16+$0x0], $0xffff  }
0x386: {  	v10 =	vld [tilespmem:$0x1FCC0]  }
0x387: {  	v5 =	vld.idx.msk [tilespmem:v5+s16+$0x0], $0xffff  }
0x388: {  	[tilespmem:v6+s19+$0x0] =	vst.idx.msk $0xffff, v4;
	v4 =	vld [tilespmem:$0x1FD00]  }
0x389: {  	[tilespmem:v7+s19+$0x0] =	vst.idx.msk $0xffff, v3;
	v3 =	vld [tilespmem:$0x1F580]  }
0x38a: {  	v9 =	vor.u32 v9, v63;
	[tilespmem:v8+s19+$0x0] =	vst.idx.msk $0xffff, v2;
	v2 =	vld [tilespmem:$0x1F590]  }
0x38b: {  	v10 =	vor.u32 v10, v18;
	v6 =	vld [tilespmem:$0x1FFB0];
	_ =	sdelay $0x1  }
0x38c: {  	v7 =	vld [tilespmem:$0x1F860];
	v4 =	vor.u32 v4, v18  }
0x38d: {  	v8 =	vld [tilespmem:$0x1F870];
	v3 =	vor.u32 v3, v18  }
0x38e: {  	[tilespmem:v9+s19+$0x0] =	vst.idx.msk $0xffff, v5;
	v9 =	vld [tilespmem:$0x1F880];
	v2 =	vor.u32 v2, v18  }
0x38f: {  	v6 =	vor.u32 v6, v63;
	v5 =	vld.idx.msk [tilespmem:v10+s16+$0x0], $0xffff  }
0x390: {  	v10 =	vld [tilespmem:$0x1F5A0]  }
0x391: {  	v7 =	vor.u32 v7, v63;
	v4 =	vld.idx.msk [tilespmem:v4+s16+$0x0], $0xffff  }
0x392: {  	v8 =	vor.u32 v8, v63;
	v3 =	vld.idx.msk [tilespmem:v3+s16+$0x0], $0xffff  }
0x393: {  	v2 =	vld.idx.msk [tilespmem:v2+s16+$0x0], $0xffff  }
0x394: {  	[tilespmem:v6+s19+$0x0] =	vst.idx.msk $0xffff, v5;
	v5 =	vld [tilespmem:$0x1F5B0];
	_ =	sdelay $0x1  }
0x395: {  	[tilespmem:v7+s19+$0x0] =	vst.idx.msk $0xffff, v4;
	v4 =	vld [tilespmem:$0x1F5C0]  }
0x396: {  	v9 =	vor.u32 v9, v63;
	[tilespmem:v8+s19+$0x0] =	vst.idx.msk $0xffff, v3;
	v3 =	vld [tilespmem:$0x1F5D0]  }
0x397: {  	v10 =	vor.u32 v10, v18;
	v6 =	vld [tilespmem:$0x1FFC0]  }
0x398: {  	v7 =	vld [tilespmem:$0x1F8D0];
	v5 =	vor.u32 v5, v18;
	_ =	sdelay $0x1  }
0x399: {  	v8 =	vld [tilespmem:$0x1F8E0];
	v4 =	vor.u32 v4, v18  }
0x39a: {  	[tilespmem:v9+s19+$0x0] =	vst.idx.msk $0xffff, v2;
	v9 =	vld [tilespmem:$0x1F8F0];
	v3 =	vor.u32 v3, v18  }
0x39b: {  	v6 =	vor.u32 v6, v63;
	v2 =	vld.idx.msk [tilespmem:v10+s16+$0x0], $0xffff  }
0x39c: {  	v7 =	vor.u32 v7, v63;
	v5 =	vld.idx.msk [tilespmem:v5+s16+$0x0], $0xffff  }
0x39d: {  	v10 =	vld [tilespmem:$0x1F5E0]  }
0x39e: {  	v8 =	vor.u32 v8, v63;
	v4 =	vld.idx.msk [tilespmem:v4+s16+$0x0], $0xffff  }
0x39f: {  	v3 =	vld.idx.msk [tilespmem:v3+s16+$0x0], $0xffff  }
0x3a0: {  	[tilespmem:v6+s19+$0x0] =	vst.idx.msk $0xffff, v2;
	v2 =	vld [tilespmem:$0x1F5F0]  }
0x3a1: {  	[tilespmem:v7+s19+$0x0] =	vst.idx.msk $0xffff, v5;
	v5 =	vld [tilespmem:$0x1F600];
	_ =	sdelay $0x1  }
0x3a2: {  	v9 =	vor.u32 v9, v63;
	[tilespmem:v8+s19+$0x0] =	vst.idx.msk $0xffff, v4;
	v4 =	vld [tilespmem:$0x1F610]  }
0x3a3: {  	v10 =	vor.u32 v10, v18;
	v6 =	vld [tilespmem:$0x1F900]  }
0x3a4: {  	v7 =	vld [tilespmem:$0x1FD40];
	v2 =	vor.u32 v2, v18  }
0x3a5: {  	v8 =	vld [tilespmem:$0x1FD50];
	v5 =	vor.u32 v5, v18;
	_ =	sdelay $0x1  }
0x3a6: {  	[tilespmem:v9+s19+$0x0] =	vst.idx.msk $0xffff, v3;
	v9 =	vld [tilespmem:$0x1F910];
	v4 =	vor.u32 v4, v18  }
0x3a7: {  	v6 =	vor.u32 v6, v63;
	v3 =	vld.idx.msk [tilespmem:v10+s16+$0x0], $0xffff  }
0x3a8: {  	v7 =	vor.u32 v7, v63;
	v2 =	vld.idx.msk [tilespmem:v2+s16+$0x0], $0xffff  }
0x3a9: {  	v8 =	vor.u32 v8, v63;
	v5 =	vld.idx.msk [tilespmem:v5+s16+$0x0], $0xffff  }
0x3aa: {  	v10 =	vld [tilespmem:$0x1F620]  }
0x3ab: {  	v4 =	vld.idx.msk [tilespmem:v4+s16+$0x0], $0xffff  }
0x3ac: {  	[tilespmem:v6+s19+$0x0] =	vst.idx.msk $0xffff, v3;
	v3 =	vld [tilespmem:$0x1F630]  }
0x3ad: {  	[tilespmem:v7+s19+$0x0] =	vst.idx.msk $0xffff, v2;
	v2 =	vld [tilespmem:$0x1F640]  }
0x3ae: {  	v9 =	vor.u32 v9, v63;
	[tilespmem:v8+s19+$0x0] =	vst.idx.msk $0xffff, v5;
	v5 =	vld [tilespmem:$0x1F650]  }
0x3af: {  	v10 =	vor.u32 v10, v18;
	v6 =	vld [tilespmem:$0x1F920];
	_ =	sdelay $0x1  }
0x3b0: {  	v3 =	vor.u32 v3, v18  }
0x3b1: {  	v2 =	vor.u32 v2, v18  }
0x3b2: {  	[tilespmem:v9+s19+$0x0] =	vst.idx.msk $0xffff, v4;
	v5 =	vor.u32 v5, v18  }
0x3b3: {  	v6 =	vor.u32 v6, v63;
	v4 =	vld.idx.msk [tilespmem:v10+s16+$0x0], $0xffff  }
0x3b4: {  	v10 =	vld [tilespmem:$0x1F660]  }
0x3b5: {  	v7 =	vor.u32 v33, v63;
	v3 =	vld.idx.msk [tilespmem:v3+s16+$0x0], $0xffff  }
0x3b6: {  	v8 =	vor.u32 v30, v63;
	v2 =	vld.idx.msk [tilespmem:v2+s16+$0x0], $0xffff  }
0x3b7: {  	v5 =	vld.idx.msk [tilespmem:v5+s16+$0x0], $0xffff  }
0x3b8: {  	[tilespmem:v6+s19+$0x0] =	vst.idx.msk $0xffff, v4;
	v4 =	vld [tilespmem:$0x1F670];
	_ =	sdelay $0x1  }
0x3b9: {  	[tilespmem:v7+s19+$0x0] =	vst.idx.msk $0xffff, v3;
	v3 =	vld [tilespmem:$0x1F680]  }
0x3ba: {  	v9 =	vor.u32 v32, v63;
	[tilespmem:v8+s19+$0x0] =	vst.idx.msk $0xffff, v2;
	v2 =	vld [tilespmem:$0x1F690]  }
0x3bb: {  	v10 =	vor.u32 v10, v18;
	v6 =	vld [tilespmem:$0x1F970]  }
0x3bc: {  	v7 =	vld [tilespmem:$0x1F990];
	v4 =	vor.u32 v4, v18;
	_ =	sdelay $0x1  }
0x3bd: {  	v8 =	vld [tilespmem:$0x1F9B0];
	v3 =	vor.u32 v3, v18  }
0x3be: {  	[tilespmem:v9+s19+$0x0] =	vst.idx.msk $0xffff, v5;
	v9 =	vld [tilespmem:$0x1F9C0];
	v2 =	vor.u32 v2, v18  }
0x3bf: {  	v6 =	vor.u32 v6, v63;
	v5 =	vld.idx.msk [tilespmem:v10+s16+$0x0], $0xffff  }
0x3c0: {  	v7 =	vor.u32 v7, v63;
	v4 =	vld.idx.msk [tilespmem:v4+s16+$0x0], $0xffff  }
0x3c1: {  	v10 =	vld [tilespmem:$0x1F6A0]  }
0x3c2: {  	v8 =	vor.u32 v8, v63;
	v3 =	vld.idx.msk [tilespmem:v3+s16+$0x0], $0xffff  }
0x3c3: {  	v2 =	vld.idx.msk [tilespmem:v2+s16+$0x0], $0xffff  }
0x3c4: {  	[tilespmem:v6+s19+$0x0] =	vst.idx.msk $0xffff, v5;
	v5 =	vld [tilespmem:$0x1F6B0]  }
0x3c5: {  	[tilespmem:v7+s19+$0x0] =	vst.idx.msk $0xffff, v4;
	v4 =	vld [tilespmem:$0x1F6C0];
	_ =	sdelay $0x1  }
0x3c6: {  	v9 =	vor.u32 v9, v63;
	[tilespmem:v8+s19+$0x0] =	vst.idx.msk $0xffff, v3;
	v3 =	vld [tilespmem:$0x1F6D0]  }
0x3c7: {  	v10 =	vor.u32 v10, v18;
	v6 =	vld [tilespmem:$0x1F9D0]  }
0x3c8: {  	v7 =	vld [tilespmem:$0x1F9E0];
	v5 =	vor.u32 v5, v18  }
0x3c9: {  	v8 =	vld [tilespmem:$0x1FA50];
	v4 =	vor.u32 v4, v18;
	_ =	sdelay $0x1  }
0x3ca: {  	[tilespmem:v9+s19+$0x0] =	vst.idx.msk $0xffff, v2;
	v9 =	vld [tilespmem:$0x1FA60];
	v3 =	vor.u32 v3, v18  }
0x3cb: {  	v6 =	vor.u32 v6, v63;
	v2 =	vld.idx.msk [tilespmem:v10+s16+$0x0], $0xffff  }
0x3cc: {  	v7 =	vor.u32 v7, v63;
	v5 =	vld.idx.msk [tilespmem:v5+s16+$0x0], $0xffff  }
0x3cd: {  	v8 =	vor.u32 v8, v63;
	v4 =	vld.idx.msk [tilespmem:v4+s16+$0x0], $0xffff  }
0x3ce: {  	v10 =	vld [tilespmem:$0x1F6E0]  }
0x3cf: {  	v3 =	vld.idx.msk [tilespmem:v3+s16+$0x0], $0xffff  }
0x3d0: {  	[tilespmem:v6+s19+$0x0] =	vst.idx.msk $0xffff, v2;
	v2 =	vld [tilespmem:$0x1F6F0]  }
0x3d1: {  	[tilespmem:v7+s19+$0x0] =	vst.idx.msk $0xffff, v5;
	v5 =	vld [tilespmem:$0x1F700]  }
0x3d2: {  	[tilespmem:v8+s19+$0x0] =	vst.idx.msk $0xffff, v4;
	v4 =	vld [tilespmem:$0x1F710]  }
0x3d3: {  	v9 =	vor.u32 v9, v63  }
0x3d4: {  	v10 =	vor.u32 v10, v18  }
0x3d5: {  	v2 =	vor.u32 v2, v18  }
0x3d6: {  	v5 =	vor.u32 v5, v18  }
0x3d7: {  	v4 =	vor.u32 v4, v18  }
0x3d8: {  	[tilespmem:v9+s19+$0x0] =	vst.idx.msk $0xffff, v3  }
0x3d9: {  	v6 =	vor.u32 v23, v63;
	v3 =	vld.idx.msk [tilespmem:v10+s16+$0x0], $0xffff  }
0x3da: {  	v7 =	vor.u32 v22, v63;
	v2 =	vld.idx.msk [tilespmem:v2+s16+$0x0], $0xffff  }
0x3db: {  	v8 =	vor.u32 v21, v63;
	v5 =	vld.idx.msk [tilespmem:v5+s16+$0x0], $0xffff  }
0x3dc: {  	v9 =	vor.u32 v25, v63;
	v4 =	vld.idx.msk [tilespmem:v4+s16+$0x0], $0xffff  }
0x3dd: {  	v10 =	vor.u32 v47, v18  }
0x3de: {  	[tilespmem:v6+s19+$0x0] =	vst.idx.msk $0xffff, v3;
	v3 =	vor.u32 v48, v18  }
0x3df: {  	[tilespmem:v7+s19+$0x0] =	vst.idx.msk $0xffff, v2;
	v2 =	vor.u32 v46, v18  }
0x3e0: {  	[tilespmem:v8+s19+$0x0] =	vst.idx.msk $0xffff, v5;
	v5 =	vor.u32 v49, v18  }
0x3e1: {  	[tilespmem:v9+s19+$0x0] =	vst.idx.msk $0xffff, v4  }
0x3e2: {  	v6 =	vor.u32 v26, v63;
	v4 =	vld.idx.msk [tilespmem:v10+s16+$0x0], $0xffff  }
0x3e3: {  	v7 =	vor.u32 v27, v63;
	v3 =	vld.idx.msk [tilespmem:v3+s16+$0x0], $0xffff  }
0x3e4: {  	v8 =	vor.u32 v28, v63;
	v2 =	vld.idx.msk [tilespmem:v2+s16+$0x0], $0xffff  }
0x3e5: {  	v9 =	vor.u32 v17, v63;
	v5 =	vld.idx.msk [tilespmem:v5+s16+$0x0], $0xffff  }
0x3e6: {  	v10 =	vor.u32 v24, v18  }
0x3e7: {  	[tilespmem:v6+s19+$0x0] =	vst.idx.msk $0xffff, v4;
	v4 =	vor.u32 v45, v18  }
0x3e8: {  	[tilespmem:v7+s19+$0x0] =	vst.idx.msk $0xffff, v3;
	v3 =	vor.u32 v20, v18  }
0x3e9: {  	[tilespmem:v8+s19+$0x0] =	vst.idx.msk $0xffff, v2;
	v2 =	vor.u32 v50, v18  }
0x3ea: {  	[tilespmem:v9+s19+$0x0] =	vst.idx.msk $0xffff, v5  }
0x3eb: {  	v6 =	vor.u32 v37, v63;
	v5 =	vld.idx.msk [tilespmem:v10+s16+$0x0], $0xffff  }
0x3ec: {  	v7 =	vor.u32 v38, v63;
	v4 =	vld.idx.msk [tilespmem:v4+s16+$0x0], $0xffff  }
0x3ed: {  	v8 =	vor.u32 v29, v63;
	v3 =	vld.idx.msk [tilespmem:v3+s16+$0x0], $0xffff  }
0x3ee: {  	v9 =	vor.u32 v31, v63;
	v2 =	vld.idx.msk [tilespmem:v2+s16+$0x0], $0xffff  }
0x3ef: {  	v10 =	vor.u32 v51, v18  }
0x3f0: {  	[tilespmem:v6+s19+$0x0] =	vst.idx.msk $0xffff, v5;
	v5 =	vor.u32 v52, v18  }
0x3f1: {  	[tilespmem:v7+s19+$0x0] =	vst.idx.msk $0xffff, v4;
	v4 =	vor.u32 v53, v18  }
0x3f2: {  	[tilespmem:v8+s19+$0x0] =	vst.idx.msk $0xffff, v3;
	v3 =	vor.u32 v54, v18  }
0x3f3: {  	[tilespmem:v9+s19+$0x0] =	vst.idx.msk $0xffff, v2  }
0x3f4: {  	v6 =	vor.u32 v35, v63;
	v2 =	vld.idx.msk [tilespmem:v10+s16+$0x0], $0xffff  }
0x3f5: {  	v7 =	vor.u32 v34, v63;
	v5 =	vld.idx.msk [tilespmem:v5+s16+$0x0], $0xffff  }
0x3f6: {  	v8 =	vor.u32 v39, v63;
	v4 =	vld.idx.msk [tilespmem:v4+s16+$0x0], $0xffff  }
0x3f7: {  	v9 =	vor.u32 v40, v63;
	v3 =	vld.idx.msk [tilespmem:v3+s16+$0x0], $0xffff  }
0x3f8: {  	v10 =	vor.u32 v55, v18  }
0x3f9: {  	[tilespmem:v6+s19+$0x0] =	vst.idx.msk $0xffff, v2;
	v2 =	vor.u32 v56, v18  }
0x3fa: {  	[tilespmem:v7+s19+$0x0] =	vst.idx.msk $0xffff, v5;
	v5 =	vor.u32 v57, v18  }
0x3fb: {  	[tilespmem:v8+s19+$0x0] =	vst.idx.msk $0xffff, v4;
	v4 =	vor.u32 v58, v18  }
0x3fc: {  	[tilespmem:v9+s19+$0x0] =	vst.idx.msk $0xffff, v3  }
0x3fd: {  	v6 =	vor.u32 v36, v63;
	v3 =	vld.idx.msk [tilespmem:v10+s16+$0x0], $0xffff  }
0x3fe: {  	v7 =	vor.u32 v41, v63;
	v2 =	vld.idx.msk [tilespmem:v2+s16+$0x0], $0xffff  }
0x3ff: {  	v8 =	vor.u32 v42, v63;
	v5 =	vld.idx.msk [tilespmem:v5+s16+$0x0], $0xffff  }
0x400: {  	v9 =	vor.u32 v0, v63;
	v4 =	vld.idx.msk [tilespmem:v4+s16+$0x0], $0xffff  }
0x401: {  	v10 =	vor.u32 v59, v18  }
0x402: {  	[tilespmem:v6+s19+$0x0] =	vst.idx.msk $0xffff, v3;
	v3 =	vor.u32 v60, v18  }
0x403: {  	[tilespmem:v7+s19+$0x0] =	vst.idx.msk $0xffff, v2;
	v2 =	vor.u32 v61, v18  }
0x404: {  	[tilespmem:v8+s19+$0x0] =	vst.idx.msk $0xffff, v5  }
0x405: {  	v5 =	vor.u32 v62, v18;
	[tilespmem:v9+s19+$0x0] =	vst.idx.msk $0xffff, v4  }
0x406: {  	v8 =	vld.idx.msk [tilespmem:v10+s16+$0x0], $0xffff;
	v10 =	vor.u32 v43, v63  }
0x407: {  	v12 =	vor.u32 v1, v63;
	v9 =	vld.idx.msk [tilespmem:v3+s16+$0x0], $0xffff  }
0x408: {  	v13 =	vor.u32 v44, v63;
	v11 =	vld.idx.msk [tilespmem:v2+s16+$0x0], $0xffff  }
0x409: {  	p1 =	sne.s32 s28, $0x70  }
.Ltmp5:
0x40a: {  	s29 =	smov.u32 s28;
	v3 =	vlaneseq.u32;
	v6 =	vld.idx.msk [tilespmem:v5+s16+$0x0], $0xffff;
	(pc) =	sbr.rel @p1 .LBB2_8-.Ltmp5, $4  }
0x40b: {  	v2 =	vor.u32 s29, v3;
	[tilespmem:v10+s19+$0x0] =	vst.idx.msk $0xffff, v8;
	v8 =	vld [tilespmem:$0x1F770]  }
0x40c: {  	v18 =	vshll.u32 v2, $0x6;
	[tilespmem:v12+s19+$0x0] =	vst.idx.msk $0xffff, v9;
	v12 =	vld [tilespmem:$0x1F980]  }
0x40d: {  	v7 =	vor.u32 v19, v63;
	v63 =	vand.u32 $0x78, v2;
	v5 =	vor.u32 v3, v18;
	[tilespmem:v13+s19+$0x0] =	vst.idx.msk $0xffff, v11;
	v13 =	vld [tilespmem:$0x1F9A0]  }
0x40e: {  	s28 =	sadd.s32 $0x10, s28;
	v4 =	vor.u32 v14, v18;
	v3 =	vor.u32 v15, v18;
	v2 =	vor.u32 v16, v18;
	v11 =	vld [tilespmem:$0x1F960]  }
0x40f: {  	v22 =	vld [tilespmem:$0x1FCD0]  }
0x410: {  	v55 =	vld [tilespmem:$0x1FA40]  }
0x411: {  	v17 =	vld [tilespmem:$0x1FA30]  }
0x412: {  	v10 =	vld [tilespmem:$0x1FA20]  }
0x413: {  	v54 =	vld [tilespmem:$0x1FA10]  }
0x414: {  	v9 =	vld [tilespmem:$0x1FA00]  }
0x415: {  	v15 =	vld [tilespmem:$0x1F9F0]  }
0x416: {  	v61 =	vld [tilespmem:$0x1FD60]  }
0x417: {  	v62 =	vld [tilespmem:$0x1FFE0]  }
0x418: {  	v16 =	vld [tilespmem:$0x1FD70]  }
0x419: {  	v21 =	vld [tilespmem:$0x1F780]  }
0x41a: {  	v14 =	vld [tilespmem:$0x1FFF0]  }
0x41b: {  	v29 =	vld [tilespmem:$0x1FF90]  }
0x41c: {  	v20 =	vld [tilespmem:$0x1F790]  }
0x41d: {  	v50 =	vld [tilespmem:$0x1FFA0]  }
0x41e: {  	v45 =	vld [tilespmem:$0x1FFD0]  }
0x41f: {  	v25 =	vld [tilespmem:$0x1F7A0]  }
0x420: {  	v52 =	vld [tilespmem:$0x1FD80]  }
0x421: {  	v23 =	vld [tilespmem:$0x1F7B0]  }
0x422: {  	v26 =	vld [tilespmem:$0x1F7C0]  }
0x423: {  	v27 =	vld [tilespmem:$0x1F7D0]  }
0x424: {  	v31 =	vld [tilespmem:$0x1F7E0]  }
0x425: {  	v30 =	vld [tilespmem:$0x1F7F0]  }
0x426: {  	v33 =	vld [tilespmem:$0x1FFB0]  }
0x427: {  	v19 =	vld [tilespmem:$0x1F860]  }
0x428: {  	v32 =	vld [tilespmem:$0x1F870]  }
0x429: {  	v34 =	vld [tilespmem:$0x1F880]  }
0x42a: {  	v49 =	vld [tilespmem:$0x1FFC0]  }
0x42b: {  	v39 =	vld [tilespmem:$0x1F8D0]  }
0x42c: {  	v40 =	vld [tilespmem:$0x1F8E0]  }
0x42d: {  	v41 =	vld [tilespmem:$0x1F8F0]  }
0x42e: {  	v42 =	vld [tilespmem:$0x1F900]  }
0x42f: {  	v56 =	vmov v63;
	v53 =	vlaneseq.u32;
	v38 =	vld [tilespmem:$0x1FA70]  }
.LBB2_10:
0x430: {  	_ =	sdelay $0x3  }
0x431: {  	[tilespmem:v7+s19+$0x0] =	vst.idx.msk @p0 $0xffff, v6  }
0x432: {  	v1 =	vor.u32 v11, v56;
	v0 =	vld.idx.msk [tilespmem:v5+s16+$0x0], $0xffff  }
0x433: {  	v4 =	vld.idx.msk [tilespmem:v4+s16+$0x0], $0xffff;
	v5 =	vor.u32 v12, v56  }
0x434: {  	v6 =	vor.u32 v13, v56;
	v3 =	vld.idx.msk [tilespmem:v3+s16+$0x0], $0xffff  }
0x435: {  	v7 =	vor.u32 v8, v56;
	v2 =	vld.idx.msk [tilespmem:v2+s16+$0x0], $0xffff  }
0x436: {  	v8 =	vor.u32 v38, v18  }
0x437: {  	[tilespmem:v1+s19+$0x0] =	vst.idx.msk $0xffff, v0;
	v0 =	vor.u32 v22, v18  }
0x438: {  	v1 =	vor.u32 v55, v18;
	[tilespmem:v5+s19+$0x0] =	vst.idx.msk $0xffff, v4  }
0x439: {  	[tilespmem:v6+s19+$0x0] =	vst.idx.msk $0xffff, v3;
	v3 =	vor.u32 v17, v18  }
0x43a: {  	[tilespmem:v7+s19+$0x0] =	vst.idx.msk $0xffff, v2  }
0x43b: {  	v4 =	vor.u32 v10, v56;
	v2 =	vld.idx.msk [tilespmem:v8+s16+$0x0], $0xffff  }
0x43c: {  	v5 =	vor.u32 v54, v56;
	v0 =	vld.idx.msk [tilespmem:v0+s16+$0x0], $0xffff  }
0x43d: {  	v6 =	vor.u32 v9, v56;
	v1 =	vld.idx.msk [tilespmem:v1+s16+$0x0], $0xffff  }
0x43e: {  	v7 =	vor.u32 v15, v56;
	v3 =	vld.idx.msk [tilespmem:v3+s16+$0x0], $0xffff  }
0x43f: {  	v8 =	vor.u32 v61, v18  }
0x440: {  	[tilespmem:v4+s19+$0x0] =	vst.idx.msk $0xffff, v2;
	v2 =	vor.u32 v62, v18  }
0x441: {  	[tilespmem:v5+s19+$0x0] =	vst.idx.msk $0xffff, v0;
	v0 =	vor.u32 v16, v18  }
0x442: {  	[tilespmem:v6+s19+$0x0] =	vst.idx.msk $0xffff, v1;
	v1 =	vor.u32 v21, v18  }
0x443: {  	[tilespmem:v7+s19+$0x0] =	vst.idx.msk $0xffff, v3  }
0x444: {  	v4 =	vor.u32 v14, v56;
	v3 =	vld.idx.msk [tilespmem:v8+s16+$0x0], $0xffff  }
0x445: {  	v5 =	vor.u32 v29, v56;
	v2 =	vld.idx.msk [tilespmem:v2+s16+$0x0], $0xffff  }
0x446: {  	v6 =	vor.u32 v20, v56;
	v0 =	vld.idx.msk [tilespmem:v0+s16+$0x0], $0xffff  }
0x447: {  	v7 =	vor.u32 v50, v56;
	v1 =	vld.idx.msk [tilespmem:v1+s16+$0x0], $0xffff  }
0x448: {  	v8 =	vor.u32 v45, v18  }
0x449: {  	[tilespmem:v4+s19+$0x0] =	vst.idx.msk $0xffff, v3;
	v3 =	vor.u32 v25, v18  }
0x44a: {  	[tilespmem:v5+s19+$0x0] =	vst.idx.msk $0xffff, v2;
	v2 =	vor.u32 v52, v18  }
0x44b: {  	[tilespmem:v6+s19+$0x0] =	vst.idx.msk $0xffff, v0;
	v0 =	vor.u32 v23, v18  }
0x44c: {  	[tilespmem:v7+s19+$0x0] =	vst.idx.msk $0xffff, v1  }
0x44d: {  	v1 =	vld.idx.msk [tilespmem:v8+s16+$0x0], $0xffff  }
0x44e: {  	v3 =	vld.idx.msk [tilespmem:v3+s16+$0x0], $0xffff  }
0x44f: {  	v2 =	vld.idx.msk [tilespmem:v2+s16+$0x0], $0xffff  }
0x450: {  	v0 =	vld.idx.msk [tilespmem:v0+s16+$0x0], $0xffff  }
0x451: {  	v16 =	vld [tilespmem:$0x1F800]  }
0x452: {  	v12 =	vld [tilespmem:$0x1F810]  }
0x453: {  	v29 =	vld [tilespmem:$0x1F840]  }
0x454: {  	v57 =	vmov v14;
	v14 =	vld [tilespmem:$0x1F850]  }
0x455: {  	v54 =	vld [tilespmem:$0x1FCC0]  }
0x456: {  	v51 =	vld [tilespmem:$0x1FD30]  }
0x457: {  	v4 =	vor.u32 v26, v56;
	v13 =	vld [tilespmem:$0x1F820]  }
0x458: {  	v5 =	vor.u32 v27, v56;
	v17 =	vld [tilespmem:$0x1F830]  }
0x459: {  	v6 =	vor.u32 v31, v56;
	v61 =	vld [tilespmem:$0x1FD00]  }
0x45a: {  	v7 =	vor.u32 v30, v56;
	v52 =	vld [tilespmem:$0x1F890]  }
0x45b: {  	v35 =	vld [tilespmem:$0x1F8A0]  }
0x45c: {  	v36 =	vld [tilespmem:$0x1F8B0];
	[tilespmem:v4+s19+$0x0] =	vst.idx.msk $0xffff, v1  }
0x45d: {  	v37 =	vld [tilespmem:$0x1F8C0];
	[tilespmem:v5+s19+$0x0] =	vst.idx.msk $0xffff, v3;
	v10 =	vor.u32 v54, v18  }
0x45e: {  	v15 =	vld [tilespmem:$0x1FCA0];
	[tilespmem:v6+s19+$0x0] =	vst.idx.msk $0xffff, v2  }
0x45f: {  	v9 =	vsel vm0, v14, v29;
	v11 =	vsel vm0, v17, v13;
	[tilespmem:v7+s19+$0x0] =	vst.idx.msk $0xffff, v0;
	v0 =	vld [tilespmem:$0x1FD10]  }
0x460: {  	v5 =	vsel vm0, v13, v14;
	v14 =	vld [tilespmem:$0x1FC90];
	v4 =	vcombine.low v9, v11  }
0x461: {  	v7 =	vld [tilespmem:$0x1FC80]  }
0x462: {  	v8 =	vsel vm0, v12, v16;
	v22 =	vmov v4;
	v2 =	vor.u32 v4, v18;
	v4 =	vld.idx.msk [tilespmem:v10+s16+$0x0], $0xffff  }
0x463: {  	v55 =	vmov v62;
	v1 =	vor.u32 v61, v18;
	v62 =	vcombine.low v8, v51;
	v10 =	vld [tilespmem:$0x1FCB0];
	_ =	sdelay $0x1  }
0x464: {  	v3 =	vor.u32 v62, v18;
	v30 =	vsel vm0, v15, v14;
	v14 =	vld [tilespmem:$0x1FD20];
	_ =	sdelay $0x1  }
0x465: {  	v6 =	vor.u32 v33, v56;
	v13 =	vsel vm0, v37, v36;
	v0 =	vsel vm0, v0, v12  }
0x466: {  	v1 =	vld.idx.msk [tilespmem:v1+s16+$0x0], $0xffff;
	v12 =	vsel vm0, v35, v52;
	v7 =	vsel vm0, v7, v10;
	v10 =	vor.u32 v19, v56  }
0x467: {  	v27 =	vcombine.low v13, v12  }
0x468: {  	v25 =	vor.u32 v32, v56;
	v3 =	vld.idx.msk [tilespmem:v3+s16+$0x0], $0xffff;
	v31 =	vsel vm0, v16, v14;
	v14 =	vcombine.low v7, v30  }
0x469: {  	v26 =	vor.u32 v34, v56;
	v2 =	vld.idx.msk [tilespmem:v2+s16+$0x0], $0xffff;
	v28 =	vmov v27;
	v15 =	vcombine.low v0, v31  }
0x46a: {  	v27 =	vor.u32 v27, v18;
	[tilespmem:v6+s19+$0x0] =	vst.idx.msk $0xffff, v4;
	v59 =	vmov v14;
	v4 =	vor.u32 v14, v18;
	v14 =	vld [tilespmem:$0x1FCE0]  }
0x46b: {  	v60 =	vmov v15;
	[tilespmem:v10+s19+$0x0] =	vst.idx.msk $0xffff, v1;
	v1 =	vor.u32 v15, v18;
	v15 =	vld [tilespmem:$0x1FCF0]  }
0x46c: {  	v32 =	vsel vm0, v29, v17  }
0x46d: {  	v48 =	vld [tilespmem:$0x1FB10];
	v6 =	vcombine.low v5, v32;
	[tilespmem:v25+s19+$0x0] =	vst.idx.msk $0xffff, v3  }
0x46e: {  	v17 =	vld [tilespmem:$0x1FAB0];
	[tilespmem:v26+s19+$0x0] =	vst.idx.msk $0xffff, v2  }
0x46f: {  	v43 =	vmov v6;
	v3 =	vor.u32 v6, v18;
	v6 =	vor.u32 v49, v56;
	v2 =	vld.idx.msk [tilespmem:v27+s16+$0x0], $0xffff  }
0x470: {  	v10 =	vor.u32 v39, v56;
	v4 =	vld.idx.msk [tilespmem:v4+s16+$0x0], $0xffff;
	v14 =	vcombine.low v14, v15  }
0x471: {  	v29 =	vor.u32 v40, v56;
	v1 =	vld.idx.msk [tilespmem:v1+s16+$0x0], $0xffff;
	v15 =	vcombine.low v51, v8;
	v8 =	vcombine.low v11, v9  }
0x472: {  	v39 =	vld [tilespmem:$0x1FB20];
	v25 =	vsel vm0, v36, v35;
	v26 =	vsel vm0, v52, v37  }
0x473: {  	v52 =	vld [tilespmem:$0x1FB30];
	v16 =	vcombine.low v26, v25;
	[tilespmem:$0x1F380] =	vst v8  }
0x474: {  	v46 =	vor.u32 v41, v56;
	v3 =	vld.idx.msk [tilespmem:v3+s16+$0x0], $0xffff;
	[tilespmem:v6+s19+$0x0] =	vst.idx.msk $0xffff, v2  }
0x475: {  	v25 =	vld [tilespmem:$0x1FAC0];
	v47 =	vor.u32 v16, v18;
	[tilespmem:v10+s19+$0x0] =	vst.idx.msk $0xffff, v4  }
0x476: {  	v2 =	vor.u32 v14, v18;
	[tilespmem:v29+s19+$0x0] =	vst.idx.msk $0xffff, v1;
	v1 =	vor.u32 v8, v18;
	v8 =	vld [tilespmem:$0x1FD40]  }
0x477: {  	v9 =	vld [tilespmem:$0x1FD50];
	v4 =	vor.u32 v15, v18  }
0x478: {  	v11 =	vcombine.low v30, v7;
	v7 =	vld [tilespmem:$0x1F910]  }
0x479: {  	v26 =	vld [tilespmem:$0x1FAD0];
	[tilespmem:v46+s19+$0x0] =	vst.idx.msk $0xffff, v3  }
0x47a: {  	v6 =	vor.u32 v42, v56;
	v3 =	vld.idx.msk [tilespmem:v47+s16+$0x0], $0xffff  }
0x47b: {  	v2 =	vld.idx.msk [tilespmem:v2+s16+$0x0], $0xffff;
	v8 =	vor.u32 v8, v56  }
0x47c: {  	v9 =	vor.u32 v9, v56;
	v4 =	vld.idx.msk [tilespmem:v4+s16+$0x0], $0xffff  }
0x47d: {  	v7 =	vor.u32 v7, v56;
	v1 =	vld.idx.msk [tilespmem:v1+s16+$0x0], $0xffff  }
0x47e: {  	v27 =	vld [tilespmem:$0x1FAE0]  }
0x47f: {  	v63 =	vmov v16;
	v16 =	vld [tilespmem:$0x1FAA0];
	[tilespmem:v6+s19+$0x0] =	vst.idx.msk $0xffff, v3  }
0x480: {  	v30 =	vld [tilespmem:$0x1FB00];
	v10 =	vcombine.low v12, v13;
	[tilespmem:v8+s19+$0x0] =	vst.idx.msk $0xffff, v2  }
0x481: {  	v51 =	vmov v14;
	v14 =	vld [tilespmem:$0x1FA80];
	[tilespmem:v9+s19+$0x0] =	vst.idx.msk $0xffff, v4  }
0x482: {  	v12 =	vcombine.low v31, v0;
	v0 =	vor.u32 v10, v18;
	[tilespmem:v7+s19+$0x0] =	vst.idx.msk $0xffff, v1;
	v1 =	vld [tilespmem:$0x1F920]  }
0x483: {  	v3 =	vor.u32 v11, v18;
	v6 =	vld [tilespmem:$0x1F930]  }
0x484: {  	v5 =	vcombine.low v32, v5;
	[tilespmem:$0x1F370] =	vst v15;
	v15 =	vld [tilespmem:$0x1FA90]  }
0x485: {  	v2 =	vor.u32 v12, v18;
	v9 =	vld [tilespmem:$0x1F940]  }
0x486: {  	[tilespmem:$0x1F3B0] =	vst v12;
	v12 =	vld [tilespmem:$0x1F950];
	v4 =	vor.u32 v5, v18  }
0x487: {  	v0 =	vld.idx.msk [tilespmem:v0+s16+$0x0], $0xffff;
	v1 =	vor.u32 v1, v56  }
0x488: {  	v6 =	vor.u32 v6, v56;
	v3 =	vld.idx.msk [tilespmem:v3+s16+$0x0], $0xffff  }
0x489: {  	v13 =	vor.u32 $0x20, v53;
	v29 =	vld [tilespmem:$0x1FAF0]  }
0x48a: {  	[tilespmem:$0x1F3D0] =	vst v13;
	v2 =	vld.idx.msk [tilespmem:v2+s16+$0x0], $0xffff;
	v9 =	vor.u32 v9, v56  }
0x48b: {  	v13 =	vor.u32 v13, v18;
	[tilespmem:$0x1F390] =	vst v10;
	v12 =	vor.u32 v12, v56;
	v4 =	vld.idx.msk [tilespmem:v4+s16+$0x0], $0xffff  }
0x48c: {  	v34 =	vsel vm0, v14, v17;
	v10 =	vsel vm0, v15, v14;
	v14 =	vld [tilespmem:$0x1F9B0];
	[tilespmem:v1+s19+$0x0] =	vst.idx.msk $0xffff, v0  }
0x48d: {  	v7 =	vsel vm0, v26, v25;
	[tilespmem:v6+s19+$0x0] =	vst.idx.msk $0xffff, v3;
	v6 =	vsel vm0, v27, v26;
	v26 =	vld [tilespmem:$0x1FB60]  }
0x48e: {  	[tilespmem:$0x1F3A0] =	vst v11;
	v8 =	vsel vm0, v29, v27;
	v27 =	vld [tilespmem:$0x1FB70]  }
0x48f: {  	[tilespmem:v9+s19+$0x0] =	vst.idx.msk $0xffff, v2;
	v9 =	vld [tilespmem:$0x1F970]  }
0x490: {  	v11 =	vsel vm0, v17, v16;
	[tilespmem:v12+s19+$0x0] =	vst.idx.msk $0xffff, v4;
	v12 =	vsel vm0, v16, v15;
	v15 =	vld [tilespmem:$0x1FB40]  }
0x491: {  	v40 =	vcombine.low v11, v10;
	v16 =	vld [tilespmem:$0x1FB50]  }
0x492: {  	v4 =	vld.idx.msk [tilespmem:v13+s16+$0x0], $0xffff  }
0x493: {  	v41 =	vcombine.low v8, v7;
	v0 =	vor.u32 v40, v18;
	v13 =	vld [tilespmem:$0x1F990]  }
0x494: {  	[tilespmem:$0x1F3C0] =	vst v5;
	v31 =	vsel vm0, v48, v30;
	v5 =	vsel vm0, v52, v39  }
0x495: {  	v49 =	vcombine.low v5, v31;
	v1 =	vor.u32 v41, v18;
	_ =	sdelay $0x1  }
0x496: {  	v50 =	vor.u32 v14, v56;
	v14 =	vld [tilespmem:$0x1F9C0];
	v2 =	vor.u32 v49, v18;
	v9 =	vor.u32 v9, v56  }
0x497: {  	v0 =	vld.idx.msk [tilespmem:v0+s16+$0x0], $0xffff;
	v33 =	vsel vm0, v27, v26;
	v32 =	vsel vm0, v16, v15;
	v13 =	vor.u32 v13, v56  }
0x498: {  	v17 =	vcombine.low v33, v32  }
0x499: {  	v1 =	vld.idx.msk [tilespmem:v1+s16+$0x0], $0xffff  }
0x49a: {  	v38 =	vsel vm0, v39, v48;
	v3 =	vsel vm0, v30, v52;
	[tilespmem:$0x1F3E0] =	vst v17  }
0x49b: {  	v2 =	vld.idx.msk [tilespmem:v2+s16+$0x0], $0xffff;
	[tilespmem:v9+s19+$0x0] =	vst.idx.msk $0xffff, v4;
	v9 =	vcombine.low v3, v38  }
0x49c: {  	v42 =	vor.u32 v14, v56;
	[tilespmem:v13+s19+$0x0] =	vst.idx.msk $0xffff, v0  }
0x49d: {  	v52 =	vsel vm0, v25, v29;
	v14 =	vcombine.low v34, v12;
	v47 =	vor.u32 v17, v18;
	[tilespmem:$0x1F400] =	vst v9  }
0x49e: {  	v17 =	vcombine.low v52, v6;
	[tilespmem:v50+s19+$0x0] =	vst.idx.msk $0xffff, v1;
	v1 =	vor.u32 v9, v18;
	v9 =	vld [tilespmem:$0x1F9D0]  }
0x49f: {  	v4 =	vor.u32 v14, v18;
	v13 =	vld [tilespmem:$0x1F9E0]  }
0x4a0: {  	[tilespmem:$0x1F3F0] =	vst v14;
	v14 =	vld [tilespmem:$0x1FA50];
	v0 =	vor.u32 v17, v18  }
0x4a1: {  	v11 =	vcombine.low v10, v11;
	v10 =	vld [tilespmem:$0x1FA60]  }
0x4a2: {  	[tilespmem:v42+s19+$0x0] =	vst.idx.msk $0xffff, v2  }
0x4a3: {  	v21 =	vmov v49;
	v2 =	vld.idx.msk [tilespmem:v47+s16+$0x0], $0xffff;
	v9 =	vor.u32 v9, v56  }
0x4a4: {  	v48 =	vsel vm0, v26, v16;
	v49 =	vsel vm0, v15, v27;
	v4 =	vld.idx.msk [tilespmem:v4+s16+$0x0], $0xffff;
	v13 =	vor.u32 v13, v56  }
0x4a5: {  	v5 =	vcombine.low v31, v5;
	v50 =	vor.u32 v14, v56;
	v14 =	vcombine.low v49, v48;
	v0 =	vld.idx.msk [tilespmem:v0+s16+$0x0], $0xffff  }
0x4a6: {  	v10 =	vor.u32 v10, v56;
	v1 =	vld.idx.msk [tilespmem:v1+s16+$0x0], $0xffff  }
0x4a7: {  	v8 =	vcombine.low v7, v8;
	[tilespmem:$0x1F440] =	vst v5;
	v7 =	vor.u32 v14, v18  }
0x4a8: {  	[tilespmem:v9+s19+$0x0] =	vst.idx.msk $0xffff, v2  }
0x4a9: {  	[tilespmem:v13+s19+$0x0] =	vst.idx.msk $0xffff, v4  }
0x4aa: {  	[tilespmem:v50+s19+$0x0] =	vst.idx.msk $0xffff, v0  }
0x4ab: {  	v0 =	vor.u32 v5, v18;
	v5 =	vld [tilespmem:$0x1FD90];
	[tilespmem:v10+s19+$0x0] =	vst.idx.msk $0xffff, v1  }
0x4ac: {  	v1 =	vld.idx.msk [tilespmem:v7+s16+$0x0], $0xffff  }
0x4ad: {  	v2 =	vor.u32 v11, v18;
	v7 =	vld [tilespmem:$0x1FDA0]  }
0x4ae: {  	[tilespmem:$0x1F430] =	vst v8;
	v4 =	vor.u32 v8, v18;
	v8 =	vld [tilespmem:$0x1FDB0]  }
0x4af: {  	v9 =	vld [tilespmem:$0x1FDC0];
	_ =	sdelay $0x1  }
0x4b0: {  	v5 =	vor.u32 v5, v56  }
0x4b1: {  	v2 =	vld.idx.msk [tilespmem:v2+s16+$0x0], $0xffff;
	v7 =	vor.u32 v7, v56  }
0x4b2: {  	v10 =	vcombine.low v32, v33;
	v4 =	vld.idx.msk [tilespmem:v4+s16+$0x0], $0xffff;
	v8 =	vor.u32 v8, v56  }
0x4b3: {  	v9 =	vor.u32 v9, v56;
	v0 =	vld.idx.msk [tilespmem:v0+s16+$0x0], $0xffff  }
0x4b4: {  	[tilespmem:$0x1F420] =	vst v11;
	v11 =	vcombine.low v12, v34;
	v12 =	vcombine.low v6, v52;
	v6 =	vor.u32 v10, v18  }
0x4b5: {  	[tilespmem:v5+s19+$0x0] =	vst.idx.msk $0xffff, v1;
	v5 =	vld [tilespmem:$0x1FDE0]  }
0x4b6: {  	[tilespmem:v7+s19+$0x0] =	vst.idx.msk $0xffff, v2  }
0x4b7: {  	[tilespmem:v8+s19+$0x0] =	vst.idx.msk $0xffff, v4  }
0x4b8: {  	[tilespmem:v9+s19+$0x0] =	vst.idx.msk $0xffff, v0  }
0x4b9: {  	v0 =	vld.idx.msk [tilespmem:v6+s16+$0x0], $0xffff  }
0x4ba: {  	v6 =	vor.u32 v5, v56;
	v5 =	vld [tilespmem:$0x1FDF0];
	_ =	sdelay $0x1  }
0x4bb: {  	v4 =	vld [tilespmem:$0x1FDD0]  }
0x4bc: {  	v3 =	vcombine.low v38, v3;
	v1 =	vor.u32 v11, v18  }
0x4bd: {  	v2 =	vor.u32 v12, v18  }
0x4be: {  	[tilespmem:$0x1F480] =	vst v3;
	v3 =	vor.u32 v3, v18;
	v9 =	vor.u32 v5, v56;
	v5 =	vld [tilespmem:$0x1FE00]  }
0x4bf: {  	v29 =	vld [tilespmem:$0x1FC20]  }
0x4c0: {  	v30 =	vld [tilespmem:$0x1FC30];
	v4 =	vor.u32 v4, v56  }
0x4c1: {  	v1 =	vld.idx.msk [tilespmem:v1+s16+$0x0], $0xffff  }
0x4c2: {  	v2 =	vld.idx.msk [tilespmem:v2+s16+$0x0], $0xffff  }
0x4c3: {  	[tilespmem:$0x1F470] =	vst v12;
	v3 =	vld.idx.msk [tilespmem:v3+s16+$0x0], $0xffff;
	v12 =	vor.u32 v5, v56  }
0x4c4: {  	v25 =	vld [tilespmem:$0x1FBE0]  }
0x4c5: {  	v16 =	vld [tilespmem:$0x1FBC0];
	[tilespmem:v4+s19+$0x0] =	vst.idx.msk $0xffff, v0  }
0x4c6: {  	v26 =	vld [tilespmem:$0x1FBF0];
	[tilespmem:v6+s19+$0x0] =	vst.idx.msk $0xffff, v1  }
0x4c7: {  	v15 =	vld [tilespmem:$0x1FBA0];
	[tilespmem:v9+s19+$0x0] =	vst.idx.msk $0xffff, v2  }
0x4c8: {  	[tilespmem:v12+s19+$0x0] =	vst.idx.msk $0xffff, v3;
	v3 =	vld [tilespmem:$0x1FE10]  }
0x4c9: {  	v24 =	vmov v17;
	v17 =	vld [tilespmem:$0x1FBD0]  }
0x4ca: {  	v7 =	vld [tilespmem:$0x1FB80]  }
0x4cb: {  	v8 =	vld [tilespmem:$0x1FBB0];
	v5 =	vor.u32 $0x30, v53  }
0x4cc: {  	[tilespmem:$0x1F410] =	vst v14;
	v14 =	vld [tilespmem:$0x1FB90];
	v13 =	vor.u32 v5, v18  }
0x4cd: {  	v12 =	vor.u32 v3, v56;
	v3 =	vld [tilespmem:$0x1FE20]  }
0x4ce: {  	v27 =	vld [tilespmem:$0x1FC10]  }
0x4cf: {  	v20 =	vsel vm0, v17, v16;
	[tilespmem:$0x1F490] =	vst v5;
	v5 =	vld [tilespmem:$0x1FC00]  }
0x4d0: {  	[tilespmem:$0x1F460] =	vst v11;
	v11 =	vsel vm0, v8, v15;
	v6 =	vsel vm0, v7, v8;
	v8 =	vsel vm0, v16, v26;
	v16 =	vld [tilespmem:$0x1FC40]  }
0x4d1: {  	v33 =	vld.idx.msk [tilespmem:v13+s16+$0x0], $0xffff  }
0x4d2: {  	[tilespmem:$0x1F450] =	vst v10;
	v10 =	vsel vm0, v14, v7;
	v13 =	vor.u32 v3, v56;
	v3 =	vld [tilespmem:$0x1FE30]  }
0x4d3: {  	v19 =	vsel vm0, v30, v29;
	v42 =	vsel vm0, v26, v25;
	v31 =	vcombine.low v11, v10;
	v26 =	vld [tilespmem:$0x1FC50]  }
0x4d4: {  	v52 =	vcombine.low v42, v20;
	v9 =	vsel vm0, v29, v27;
	v29 =	vld [tilespmem:$0x1FC70];
	v47 =	vsel vm0, v27, v5  }
0x4d5: {  	v0 =	vor.u32 v31, v18;
	v27 =	vld [tilespmem:$0x1FC60];
	v4 =	vcombine.low v19, v47  }
0x4d6: {  	v1 =	vor.u32 v52, v18  }
0x4d7: {  	v2 =	vor.u32 v4, v18;
	v36 =	vor.u32 v3, v56;
	v3 =	vld [tilespmem:$0x1FE40];
	_ =	sdelay $0x2  }
0x4d8: {  	v48 =	vsel vm0, v26, v16;
	v0 =	vld.idx.msk [tilespmem:v0+s16+$0x0], $0xffff;
	v34 =	vsel vm0, v29, v27  }
0x4d9: {  	v1 =	vld.idx.msk [tilespmem:v1+s16+$0x0], $0xffff;
	[tilespmem:$0x1F4C0] =	vst v4;
	v4 =	vcombine.low v34, v48  }
0x4da: {  	v2 =	vld.idx.msk [tilespmem:v2+s16+$0x0], $0xffff;
	v37 =	vor.u32 v3, v56  }
0x4db: {  	[tilespmem:$0x1F4D0] =	vst v4  }
0x4dc: {  	[tilespmem:v12+s19+$0x0] =	vst.idx.msk $0xffff, v33  }
0x4dd: {  	[tilespmem:v13+s19+$0x0] =	vst.idx.msk $0xffff, v0  }
0x4de: {  	v4 =	vor.u32 v4, v18;
	[tilespmem:v36+s19+$0x0] =	vst.idx.msk $0xffff, v1  }
0x4df: {  	[tilespmem:v37+s19+$0x0] =	vst.idx.msk $0xffff, v2;
	v2 =	vld [tilespmem:$0x1FE50]  }
0x4e0: {  	v35 =	vsel vm0, v15, v14  }
0x4e1: {  	v7 =	vsel vm0, v25, v17;
	v3 =	vcombine.low v6, v35  }
0x4e2: {  	v15 =	vcombine.low v8, v7  }
0x4e3: {  	v58 =	vmovc v45;
	v45 =	vmov v23;
	v23 =	vmov v3;
	v12 =	vor.u32 v3, v18;
	v3 =	vld.idx.msk [tilespmem:v4+s16+$0x0], $0xffff  }
0x4e4: {  	v0 =	vor.u32 v15, v18;
	v4 =	vor.u32 v2, v56;
	v2 =	vld [tilespmem:$0x1FE60];
	_ =	sdelay $0x4  }
0x4e5: {  	v13 =	vor.u32 v2, v56;
	v2 =	vld.idx.msk [tilespmem:v0+s16+$0x0], $0xffff  }
0x4e6: {  	v5 =	vsel vm0, v5, v30;
	v0 =	vld [tilespmem:$0x1FE70]  }
0x4e7: {  	v14 =	vcombine.low v5, v9;
	_ =	sdelay $0x1  }
0x4e8: {  	[tilespmem:$0x1F4F0] =	vst v14;
	v1 =	vor.u32 v14, v18;
	v14 =	vcombine.low v10, v11;
	v10 =	vld [tilespmem:$0x1FE80]  }
0x4e9: {  	[tilespmem:$0x1F4B0] =	vst v52;
	v52 =	vsel vm0, v16, v29;
	v38 =	vsel vm0, v27, v26;
	v12 =	vld.idx.msk [tilespmem:v12+s16+$0x0], $0xffff  }
0x4ea: {  	[tilespmem:$0x1F4E0] =	vst v15;
	v15 =	vcombine.low v52, v38;
	v0 =	vor.u32 v0, v56;
	_ =	sdelay $0x1  }
0x4eb: {  	[tilespmem:$0x1F500] =	vst v15  }
0x4ec: {  	v11 =	vor.u32 v15, v18;
	v15 =	vcombine.low v47, v19;
	v1 =	vld.idx.msk [tilespmem:v1+s16+$0x0], $0xffff;
	[tilespmem:v4+s19+$0x0] =	vst.idx.msk $0xffff, v3  }
0x4ed: {  	v10 =	vor.u32 v10, v56;
	[tilespmem:v13+s19+$0x0] =	vst.idx.msk $0xffff, v12  }
0x4ee: {  	[tilespmem:v0+s19+$0x0] =	vst.idx.msk $0xffff, v2;
	v0 =	vor.u32 v15, v18;
	_ =	sdelay $0x1  }
0x4ef: {  	v2 =	vld [tilespmem:$0x1FE90];
	_ =	sdelay $0x1  }
0x4f0: {  	v16 =	vcombine.low v20, v42;
	[tilespmem:v10+s19+$0x0] =	vst.idx.msk $0xffff, v1  }
0x4f1: {  	[tilespmem:$0x1F510] =	vst v14;
	v3 =	vor.u32 v14, v18;
	v14 =	vcombine.low v35, v6;
	v6 =	vld.idx.msk [tilespmem:v0+s16+$0x0], $0xffff  }
0x4f2: {  	v4 =	vor.u32 v16, v18;
	v0 =	vld [tilespmem:$0x1FEC0]  }
0x4f3: {  	v1 =	vld.idx.msk [tilespmem:v11+s16+$0x0], $0xffff;
	v2 =	vor.u32 v2, v56  }
0x4f4: {  	v10 =	vld [tilespmem:$0x1FEA0];
	_ =	sdelay $0x1  }
0x4f5: {  	v3 =	vld.idx.msk [tilespmem:v3+s16+$0x0], $0xffff  }
0x4f6: {  	v4 =	vld.idx.msk [tilespmem:v4+s16+$0x0], $0xffff;
	v12 =	vor.u32 v0, v56;
	v0 =	vcombine.low v7, v8  }
0x4f7: {  	v11 =	vld [tilespmem:$0x1FEB0];
	[tilespmem:v2+s19+$0x0] =	vst.idx.msk $0xffff, v1  }
0x4f8: {  	v10 =	vor.u32 v10, v56;
	[tilespmem:$0x1F560] =	vst v0;
	v2 =	vor.u32 v0, v18;
	v0 =	vld [tilespmem:$0x1FED0];
	_ =	sdelay $0x1  }
0x4f9: {  	v5 =	vcombine.low v9, v5;
	_ =	sdelay $0x1  }
0x4fa: {  	[tilespmem:$0x1F570] =	vst v5;
	v11 =	vor.u32 v11, v56  }
0x4fb: {  	[tilespmem:v10+s19+$0x0] =	vst.idx.msk $0xffff, v3;
	v3 =	vor.u32 v5, v18;
	v5 =	vor.u32 v0, v56;
	v0 =	vld [tilespmem:$0x1FEE0];
	_ =	sdelay $0x1  }
0x4fc: {  	v13 =	vcombine.low v48, v34;
	_ =	sdelay $0x1  }
0x4fd: {  	v7 =	vor.u32 v13, v18;
	[tilespmem:v11+s19+$0x0] =	vst.idx.msk $0xffff, v4  }
0x4fe: {  	[tilespmem:v12+s19+$0x0] =	vst.idx.msk $0xffff, v6;
	v6 =	vor.u32 v0, v56;
	v0 =	vld [tilespmem:$0x1FEF0];
	_ =	sdelay $0x2  }
0x4ff: {  	v1 =	vor.u32 v14, v18  }
0x500: {  	v4 =	vld.idx.msk [tilespmem:v7+s16+$0x0], $0xffff  }
0x501: {  	v7 =	vor.u32 v0, v56;
	v0 =	vld [tilespmem:$0x1FF00];
	_ =	sdelay $0x2  }
0x502: {  	v1 =	vld.idx.msk [tilespmem:v1+s16+$0x0], $0xffff  }
0x503: {  	v2 =	vld.idx.msk [tilespmem:v2+s16+$0x0], $0xffff  }
0x504: {  	v3 =	vld.idx.msk [tilespmem:v3+s16+$0x0], $0xffff;
	v8 =	vor.u32 v0, v56;
	_ =	sdelay $0x1  }
0x505: {  	s28 =	sshll.u32 s25, $0x13;
	[tilespmem:v5+s19+$0x0] =	vst.idx.msk $0xffff, v4  }
0x506: {  	s28 =	sor.u32 s6, s28;
	[tilespmem:v6+s19+$0x0] =	vst.idx.msk $0xffff, v1  }
0x507: {  	s28 =	sshrl.u32 s28, $0x3;
	[tilespmem:v7+s19+$0x0] =	vst.idx.msk $0xffff, v2  }
0x508: {  	s29 =	sadd.s32 s2, s28;
	[tilespmem:v8+s19+$0x0] =	vst.idx.msk $0xffff, v3  }
0x509: {  	[hbm4b:s29+s3] =	stream.linear.scatter [tilespmem:s19], [sflag:$0x3], $0x400, $0x38;
	[tilespmem:$0xB200] =	vst v63  }
0x50a: {  	s1 =	simm.s32 $0x7600;
	s29 =	sadd.s32 s28, s7  }
0x50b: {  	[hbm4b:s29+s3] =	stream.linear.scatter [tilespmem:s1], [sflag:$0x3], $0x400, $0x38;
	[tilespmem:$0xB200] =	vst v63  }
0x50c: {  	s29 =	sadd.s32 s28, s8;
	s1 =	simm.s32 $0x7A00  }
0x50d: {  	[hbm4b:s29+s3] =	stream.linear.scatter [tilespmem:s1], [sflag:$0x3], $0x400, $0x38;
	[tilespmem:$0xB200] =	vst v63  }
0x50e: {  	[tilespmem:$0x1F4A0] =	vst v31;
	s29 =	sadd.s32 s28, s9;
	s1 =	simm.s32 $0x7E00  }
0x50f: {  	[hbm4b:s29+s3] =	stream.linear.scatter [tilespmem:s1], [sflag:$0x3], $0x400, $0x38;
	[tilespmem:$0xB200] =	vst v63  }
0x510: {  	[tilespmem:$0x1F520] =	vst v16;
	s29 =	sadd.s32 s28, s10;
	s1 =	simm.s32 $0x8200  }
0x511: {  	[hbm4b:s29+s3] =	stream.linear.scatter [tilespmem:s1], [sflag:$0x3], $0x400, $0x38;
	[tilespmem:$0xB200] =	vst v63  }
0x512: {  	[tilespmem:$0x1F530] =	vst v15;
	s29 =	sadd.s32 s28, s11;
	s1 =	simm.s32 $0x8600  }
0x513: {  	[hbm4b:s29+s3] =	stream.linear.scatter [tilespmem:s1], [sflag:$0x3], $0x400, $0x38;
	[tilespmem:$0xB200] =	vst v63  }
0x514: {  	[tilespmem:$0x1F550] =	vst v14;
	s29 =	sadd.s32 s28, s12;
	s1 =	simm.s32 $0x8A00  }
0x515: {  	[hbm4b:s29+s3] =	stream.linear.scatter [tilespmem:s1], [sflag:$0x3], $0x400, $0x38;
	[tilespmem:$0xB200] =	vst v63  }
0x516: {  	p0 =	seq.s32 s25, $0x18;
	[tilespmem:$0x1F540] =	vst v13;
	s28 =	sadd.s32 s28, s13;
	s29 =	simm.s32 $0x8E00  }
0x517: {  	[hbm4b:s28+s3] =	stream.linear.scatter [tilespmem:s29], [sflag:$0x3], $0x400, $0x38;
	[tilespmem:$0xB200] =	vst v63  }
0x518: {  	p1 =	seq.s32 @!p0 s25, $0x0;
	s28 =	sshll.u32 @!p0 s25, $0x8;
	_ =	swait.ge [sflag:s30], $0x2000  }
0x519: {  	s1 =	simm.s32 @!p0 $0x3200;
	s28 =	sand.u32 @!p0 $0x3FFFFF00, s28;
	[sflag:s30] =	ssyncset.done $0x0  }
0x51a: {  	s29 =	simm.s32 @!p0 $0x80;
	s28 =	sadd.s32 @!p0 $0x1A00, s28;
	[sflag:s30] =	ssyncadd.s32 $0xFFFFE000  }
0x51b: {  	[tilespmem:s1], [sflag:$0x1] =	stream.indirect.gather @!p0 [hbm4b:s4+s29], $0x40, s28, s29, $0xb8;
	[tilespmem:$0xB200] =	vst v63  }
0x51c: {  	p0 =	por p0, !p1  }
0x51d: {  	_ =	swait.ge @p0 [sflag:s21], $0x400  }
0x51e: {  	[sflag:s21] =	ssyncset.done @p0 $0x0  }
0x51f: {  	[sflag:s21] =	ssyncadd.s32 @p0 $0xFFFFFC00  }
0x520: {  	_ =	swait.ge @p0 [sflag:s21], $0x400  }
0x521: {  	[sflag:s21] =	ssyncset.done @p0 $0x0  }
0x522: {  	[sflag:s21] =	ssyncadd.s32 @p0 $0xFFFFFC00  }
0x523: {  	_ =	swait.ge @p0 [sflag:s21], $0x400  }
0x524: {  	[sflag:s21] =	ssyncset.done @p0 $0x0  }
0x525: {  	[sflag:s21] =	ssyncadd.s32 @p0 $0xFFFFFC00  }
0x526: {  	_ =	swait.ge @p0 [sflag:s21], $0x400  }
0x527: {  	[sflag:s21] =	ssyncset.done @p0 $0x0  }
0x528: {  	[sflag:s21] =	ssyncadd.s32 @p0 $0xFFFFFC00  }
0x529: {  	_ =	swait.ge @p0 [sflag:s21], $0x400  }
0x52a: {  	[sflag:s21] =	ssyncset.done @p0 $0x0  }
0x52b: {  	[sflag:s21] =	ssyncadd.s32 @p0 $0xFFFFFC00  }
0x52c: {  	_ =	swait.ge @p0 [sflag:s21], $0x400  }
0x52d: {  	[sflag:s21] =	ssyncset.done @p0 $0x0  }
0x52e: {  	[sflag:s21] =	ssyncadd.s32 @p0 $0xFFFFFC00  }
0x52f: {  	_ =	swait.ge @p0 [sflag:s21], $0x400  }
0x530: {  	[sflag:s21] =	ssyncset.done @p0 $0x0  }
0x531: {  	[sflag:s21] =	ssyncadd.s32 @p0 $0xFFFFFC00  }
0x532: {  	_ =	swait.ge @p0 [sflag:s21], $0x400  }
0x533: {  	s29 =	simm.s32 $0x0;
	v14 =	vld [tilespmem:$0x1F740]  }
0x534: {  	v2 =	vor.u32 s29, v53;
	v0 =	vld [tilespmem:$0x1F750]  }
0x535: {  	v1 =	vshll.u32 v2, $0x6;
	v16 =	vld [tilespmem:$0x1F760]  }
0x536: {  	v3 =	vor.u32 v53, v1;
	v11 =	vld [tilespmem:$0x1F960];
	_ =	sdelay $0x1  }
0x537: {  	v12 =	vld [tilespmem:$0x1F980];
	v4 =	vor.u32 v14, v1  }
0x538: {  	[sflag:s21] =	ssyncset.done @p0 $0x0;
	v13 =	vld [tilespmem:$0x1F9A0];
	v5 =	vor.u32 v0, v1  }
0x539: {  	v18 =	vand.u32 $0x78, v2;
	[sflag:s21] =	ssyncadd.s32 @p0 $0xFFFFFC00;
	v6 =	vor.u32 v16, v1;
	v0 =	vld [tilespmem:$0x1F770]  }
0x53a: {  	v2 =	vld.idx.msk [tilespmem:v3+s18+$0x0], $0xffff;
	v3 =	vor.u32 v11, v18  }
0x53b: {  	v10 =	vld [tilespmem:$0x1FA70]  }
0x53c: {  	v7 =	vor.u32 v12, v18;
	v4 =	vld.idx.msk [tilespmem:v4+s18+$0x0], $0xffff  }
0x53d: {  	v8 =	vor.u32 v13, v18;
	v5 =	vld.idx.msk [tilespmem:v5+s18+$0x0], $0xffff  }
0x53e: {  	v6 =	vld.idx.msk [tilespmem:v6+s18+$0x0], $0xffff;
	v9 =	vor.u32 v0, v18  }
0x53f: {  	[tilespmem:v3+s31+$0x0] =	vst.idx.msk $0xffff, v2;
	v2 =	vld [tilespmem:$0x1FCD0]  }
0x540: {  	v3 =	vld [tilespmem:$0x1FA40]  }
0x541: {  	[tilespmem:v7+s31+$0x0] =	vst.idx.msk $0xffff, v4  }
0x542: {  	v4 =	vld [tilespmem:$0x1FA30];
	[tilespmem:v8+s31+$0x0] =	vst.idx.msk $0xffff, v5  }
0x543: {  	v10 =	vor.u32 v10, v1;
	[tilespmem:v9+s31+$0x0] =	vst.idx.msk $0xffff, v6;
	v6 =	vld [tilespmem:$0x1FA20]  }
0x544: {  	v17 =	vmov v2;
	v2 =	vor.u32 v2, v1;
	v7 =	vld [tilespmem:$0x1FA10]  }
0x545: {  	v3 =	vor.u32 v3, v1;
	v8 =	vld [tilespmem:$0x1FA00];
	_ =	sdelay $0x1  }
0x546: {  	v9 =	vld [tilespmem:$0x1F9F0]  }
0x547: {  	v5 =	vld.idx.msk [tilespmem:v10+s18+$0x0], $0xffff;
	v15 =	vmovc v4;
	v4 =	vor.u32 v4, v1;
	v19 =	vmov v6;
	v6 =	vor.u32 v6, v18  }
0x548: {  	v2 =	vld.idx.msk [tilespmem:v2+s18+$0x0], $0xffff;
	v20 =	vmov v7;
	v7 =	vor.u32 v7, v18  }
0x549: {  	v3 =	vld.idx.msk [tilespmem:v3+s18+$0x0], $0xffff;
	v25 =	vmov v8;
	v8 =	vor.u32 v8, v18  }
0x54a: {  	v10 =	vld [tilespmem:$0x1FD60]  }
0x54b: {  	v0 =	vld [tilespmem:$0x1F790]  }
0x54c: {  	v4 =	vld.idx.msk [tilespmem:v4+s18+$0x0], $0xffff;
	[tilespmem:v6+s31+$0x0] =	vst.idx.msk $0xffff, v5  }
0x54d: {  	[tilespmem:v7+s31+$0x0] =	vst.idx.msk $0xffff, v2;
	v2 =	vld [tilespmem:$0x1FD70]  }
0x54e: {  	v26 =	vmov v9;
	v9 =	vor.u32 v9, v18;
	[tilespmem:v8+s31+$0x0] =	vst.idx.msk $0xffff, v3;
	v3 =	vld [tilespmem:$0x1F780]  }
0x54f: {  	v29 =	vmov v10;
	v10 =	vor.u32 v10, v1;
	_ =	sdelay $0x1  }
0x550: {  	v5 =	vor.u32 v55, v1  }
0x551: {  	v30 =	vmov v2;
	v2 =	vor.u32 v2, v1  }
0x552: {  	v8 =	vor.u32 v0, v18;
	v0 =	vld [tilespmem:$0x1F7A0];
	[tilespmem:v9+s31+$0x0] =	vst.idx.msk $0xffff, v4;
	v31 =	vmov v3;
	v3 =	vor.u32 v3, v1  }
0x553: {  	v6 =	vor.u32 v57, v18;
	v4 =	vld.idx.msk [tilespmem:v10+s18+$0x0], $0xffff  }
0x554: {  	v7 =	vld [tilespmem:$0x1FF90]  }
0x555: {  	v5 =	vld.idx.msk [tilespmem:v5+s18+$0x0], $0xffff  }
0x556: {  	v2 =	vld.idx.msk [tilespmem:v2+s18+$0x0], $0xffff  }
0x557: {  	v3 =	vld.idx.msk [tilespmem:v3+s18+$0x0], $0xffff  }
0x558: {  	[tilespmem:v6+s31+$0x0] =	vst.idx.msk $0xffff, v4;
	v4 =	vor.u32 v0, v1;
	v0 =	vld [tilespmem:$0x1F7C0];
	_ =	sdelay $0x3  }
0x559: {  	v32 =	vmov v7;
	v7 =	vor.u32 v7, v18  }
0x55a: {  	v6 =	vor.u32 v0, v18;
	v0 =	vld [tilespmem:$0x1F7D0]  }
0x55b: {  	v9 =	vld [tilespmem:$0x1FFA0];
	_ =	sdelay $0x2  }
0x55c: {  	[tilespmem:v7+s31+$0x0] =	vst.idx.msk $0xffff, v5;
	v5 =	vld [tilespmem:$0x1FD80]  }
0x55d: {  	v7 =	vor.u32 v0, v18;
	v0 =	vld [tilespmem:$0x1F7E0]  }
0x55e: {  	v33 =	vmov v9;
	v9 =	vor.u32 v9, v18  }
0x55f: {  	v10 =	vor.u32 v58, v1;
	_ =	sdelay $0x1  }
0x560: {  	v34 =	vmov v5;
	v5 =	vor.u32 v5, v1  }
0x561: {  	[tilespmem:v8+s31+$0x0] =	vst.idx.msk $0xffff, v2;
	v8 =	vor.u32 v0, v18;
	v0 =	vld [tilespmem:$0x1F7F0]  }
0x562: {  	[tilespmem:v9+s31+$0x0] =	vst.idx.msk $0xffff, v3  }
0x563: {  	v2 =	vor.u32 v45, v1;
	v3 =	vld.idx.msk [tilespmem:v10+s18+$0x0], $0xffff  }
0x564: {  	v4 =	vld.idx.msk [tilespmem:v4+s18+$0x0], $0xffff  }
0x565: {  	v5 =	vld.idx.msk [tilespmem:v5+s18+$0x0], $0xffff  }
0x566: {  	v9 =	vor.u32 v0, v18;
	v0 =	vld [tilespmem:$0x1F870];
	_ =	sdelay $0x1  }
0x567: {  	v2 =	vld.idx.msk [tilespmem:v2+s18+$0x0], $0xffff  }
0x568: {  	v10 =	vor.u32 v54, v1;
	[tilespmem:v6+s31+$0x0] =	vst.idx.msk $0xffff, v3;
	v6 =	vld [tilespmem:$0x1FFB0]  }
0x569: {  	v3 =	vor.u32 v61, v1;
	[tilespmem:v7+s31+$0x0] =	vst.idx.msk $0xffff, v4;
	v7 =	vld [tilespmem:$0x1F860]  }
0x56a: {  	[tilespmem:v8+s31+$0x0] =	vst.idx.msk $0xffff, v5;
	v8 =	vor.u32 v0, v18;
	v0 =	vld [tilespmem:$0x1F880];
	_ =	sdelay $0x1  }
0x56b: {  	[tilespmem:v9+s31+$0x0] =	vst.idx.msk $0xffff, v2  }
0x56c: {  	v4 =	vor.u32 v62, v1;
	v2 =	vld.idx.msk [tilespmem:v10+s18+$0x0], $0xffff  }
0x56d: {  	v35 =	vmov v6;
	v6 =	vor.u32 v6, v18;
	v5 =	vor.u32 v22, v1;
	v3 =	vld.idx.msk [tilespmem:v3+s18+$0x0], $0xffff  }
0x56e: {  	v36 =	vmov v7;
	v7 =	vor.u32 v7, v18;
	v9 =	vor.u32 v0, v18;
	v0 =	vld [tilespmem:$0x1F8D0];
	_ =	sdelay $0x2  }
0x56f: {  	v4 =	vld.idx.msk [tilespmem:v4+s18+$0x0], $0xffff  }
0x570: {  	v5 =	vld.idx.msk [tilespmem:v5+s18+$0x0], $0xffff;
	[tilespmem:v6+s31+$0x0] =	vst.idx.msk $0xffff, v2  }
0x571: {  	[tilespmem:v7+s31+$0x0] =	vst.idx.msk $0xffff, v3;
	v7 =	vor.u32 v0, v18;
	v0 =	vld [tilespmem:$0x1F8E0];
	_ =	sdelay $0x2  }
0x572: {  	v10 =	vor.u32 v28, v1  }
0x573: {  	v2 =	vor.u32 v59, v1;
	v6 =	vld [tilespmem:$0x1FFC0]  }
0x574: {  	[tilespmem:v8+s31+$0x0] =	vst.idx.msk $0xffff, v4;
	v8 =	vor.u32 v0, v18;
	v0 =	vld [tilespmem:$0x1F8F0];
	_ =	sdelay $0x1  }
0x575: {  	[tilespmem:v9+s31+$0x0] =	vst.idx.msk $0xffff, v5  }
0x576: {  	v3 =	vor.u32 v60, v1;
	v5 =	vld.idx.msk [tilespmem:v10+s18+$0x0], $0xffff  }
0x577: {  	[tilespmem:$0x1F2C0] =	vst v28;
	v4 =	vor.u32 v43, v1;
	v28 =	vmov v6;
	v6 =	vor.u32 v6, v18;
	v2 =	vld.idx.msk [tilespmem:v2+s18+$0x0], $0xffff  }
0x578: {  	v9 =	vor.u32 v0, v18;
	v0 =	vld [tilespmem:$0x1F370];
	_ =	sdelay $0x2  }
0x579: {  	v3 =	vld.idx.msk [tilespmem:v3+s18+$0x0], $0xffff  }
0x57a: {  	v4 =	vld.idx.msk [tilespmem:v4+s18+$0x0], $0xffff;
	[tilespmem:v6+s31+$0x0] =	vst.idx.msk $0xffff, v5  }
0x57b: {  	[tilespmem:v7+s31+$0x0] =	vst.idx.msk $0xffff, v2;
	v2 =	vor.u32 v0, v1;
	v0 =	vld [tilespmem:$0x1F380];
	_ =	sdelay $0x4  }
0x57c: {  	[tilespmem:v8+s31+$0x0] =	vst.idx.msk $0xffff, v3;
	v3 =	vor.u32 v0, v1;
	v0 =	vld [tilespmem:$0x1F900];
	_ =	sdelay $0x4  }
0x57d: {  	v6 =	vor.u32 v0, v18;
	v0 =	vld [tilespmem:$0x1F910];
	_ =	sdelay $0x3  }
0x57e: {  	v10 =	vor.u32 v63, v1  }
0x57f: {  	[tilespmem:v9+s31+$0x0] =	vst.idx.msk $0xffff, v4;
	v9 =	vor.u32 v0, v18;
	v0 =	vld [tilespmem:$0x1F390];
	_ =	sdelay $0x1  }
0x580: {  	v5 =	vor.u32 v51, v1  }
0x581: {  	v7 =	vld [tilespmem:$0x1FD40]  }
0x582: {  	v4 =	vld.idx.msk [tilespmem:v10+s18+$0x0], $0xffff  }
0x583: {  	v10 =	vor.u32 v0, v1;
	v0 =	vld [tilespmem:$0x1F3A0]  }
0x584: {  	v8 =	vld [tilespmem:$0x1FD50]  }
0x585: {  	v5 =	vld.idx.msk [tilespmem:v5+s18+$0x0], $0xffff  }
0x586: {  	v2 =	vld.idx.msk [tilespmem:v2+s18+$0x0], $0xffff  }
0x587: {  	v3 =	vld.idx.msk [tilespmem:v3+s18+$0x0], $0xffff  }
0x588: {  	v37 =	vmov v7;
	v7 =	vor.u32 v7, v18;
	[tilespmem:v6+s31+$0x0] =	vst.idx.msk $0xffff, v4;
	v4 =	vor.u32 v0, v1;
	v0 =	vld [tilespmem:$0x1F3B0];
	_ =	sdelay $0x4  }
0x589: {  	v38 =	vmov v8;
	v8 =	vor.u32 v8, v18;
	[tilespmem:v7+s31+$0x0] =	vst.idx.msk $0xffff, v5;
	v5 =	vor.u32 v0, v1;
	v0 =	vld [tilespmem:$0x1F3C0];
	_ =	sdelay $0x4  }
0x58a: {  	[tilespmem:v8+s31+$0x0] =	vst.idx.msk $0xffff, v2;
	v2 =	vor.u32 v0, v1;
	v0 =	vld [tilespmem:$0x1F920];
	_ =	sdelay $0x4  }
0x58b: {  	v6 =	vor.u32 v0, v18;
	v0 =	vld [tilespmem:$0x1F930];
	_ =	sdelay $0x4  }
0x58c: {  	v7 =	vor.u32 v0, v18;
	v0 =	vld [tilespmem:$0x1F940];
	_ =	sdelay $0x4  }
0x58d: {  	v8 =	vor.u32 v0, v18;
	v0 =	vld [tilespmem:$0x1F950];
	_ =	sdelay $0x4  }
0x58e: {  	[tilespmem:v9+s31+$0x0] =	vst.idx.msk $0xffff, v3;
	v9 =	vor.u32 v0, v18;
	v0 =	vld [tilespmem:$0x1F3D0];
	_ =	sdelay $0x3  }
0x58f: {  	v3 =	vld.idx.msk [tilespmem:v10+s18+$0x0], $0xffff  }
0x590: {  	v10 =	vor.u32 v0, v1;
	v0 =	vld [tilespmem:$0x1F970];
	_ =	sdelay $0x1  }
0x591: {  	v4 =	vld.idx.msk [tilespmem:v4+s18+$0x0], $0xffff  }
0x592: {  	v5 =	vld.idx.msk [tilespmem:v5+s18+$0x0], $0xffff  }
0x593: {  	v2 =	vld.idx.msk [tilespmem:v2+s18+$0x0], $0xffff  }
0x594: {  	[tilespmem:v6+s31+$0x0] =	vst.idx.msk $0xffff, v3;
	v6 =	vor.u32 v0, v18;
	v0 =	vld [tilespmem:$0x1F990];
	_ =	sdelay $0x4  }
0x595: {  	[tilespmem:v7+s31+$0x0] =	vst.idx.msk $0xffff, v4;
	v7 =	vor.u32 v0, v18;
	v0 =	vld [tilespmem:$0x1F9B0];
	_ =	sdelay $0x4  }
0x596: {  	[tilespmem:v8+s31+$0x0] =	vst.idx.msk $0xffff, v5;
	v8 =	vor.u32 v0, v18;
	v0 =	vld [tilespmem:$0x1F9C0];
	_ =	sdelay $0x4  }
0x597: {  	[tilespmem:v9+s31+$0x0] =	vst.idx.msk $0xffff, v2;
	v9 =	vor.u32 v0, v18;
	v0 =	vld [tilespmem:$0x1F3E0]  }
0x598: {  	v44 =	vmov v40  }
0x599: {  	v46 =	vmov v41;
	v3 =	vor.u32 v44, v1  }
0x59a: {  	v4 =	vor.u32 v46, v1  }
0x59b: {  	v5 =	vor.u32 v21, v1;
	v2 =	vld.idx.msk [tilespmem:v10+s18+$0x0], $0xffff  }
0x59c: {  	v10 =	vor.u32 v0, v1;
	v0 =	vld [tilespmem:$0x1F3F0];
	_ =	sdelay $0x1  }
0x59d: {  	v3 =	vld.idx.msk [tilespmem:v3+s18+$0x0], $0xffff  }
0x59e: {  	v4 =	vld.idx.msk [tilespmem:v4+s18+$0x0], $0xffff  }
0x59f: {  	v5 =	vld.idx.msk [tilespmem:v5+s18+$0x0], $0xffff  }
0x5a0: {  	[tilespmem:v6+s31+$0x0] =	vst.idx.msk $0xffff, v2;
	v2 =	vor.u32 v0, v1;
	v0 =	vld [tilespmem:$0x1F400];
	_ =	sdelay $0x3  }
0x5a1: {  	[tilespmem:v7+s31+$0x0] =	vst.idx.msk $0xffff, v3  }
0x5a2: {  	[tilespmem:v8+s31+$0x0] =	vst.idx.msk $0xffff, v4;
	v4 =	vor.u32 v0, v1;
	v0 =	vld [tilespmem:$0x1F9D0];
	_ =	sdelay $0x4  }
0x5a3: {  	v6 =	vor.u32 v0, v18;
	v0 =	vld [tilespmem:$0x1F9E0];
	_ =	sdelay $0x4  }
0x5a4: {  	v7 =	vor.u32 v0, v18;
	v0 =	vld [tilespmem:$0x1FA50];
	_ =	sdelay $0x4  }
0x5a5: {  	v8 =	vor.u32 v0, v18;
	v0 =	vld [tilespmem:$0x1FA60];
	_ =	sdelay $0x4  }
0x5a6: {  	[tilespmem:v9+s31+$0x0] =	vst.idx.msk $0xffff, v5;
	v9 =	vor.u32 v0, v18;
	v0 =	vld [tilespmem:$0x1F410];
	_ =	sdelay $0x1  }
0x5a7: {  	v3 =	vor.u32 v24, v1;
	_ =	sdelay $0x1  }
0x5a8: {  	v5 =	vld.idx.msk [tilespmem:v10+s18+$0x0], $0xffff  }
0x5a9: {  	v10 =	vor.u32 v0, v1;
	v0 =	vld [tilespmem:$0x1F420];
	_ =	sdelay $0x1  }
0x5aa: {  	v3 =	vld.idx.msk [tilespmem:v3+s18+$0x0], $0xffff  }
0x5ab: {  	v2 =	vld.idx.msk [tilespmem:v2+s18+$0x0], $0xffff  }
0x5ac: {  	v4 =	vld.idx.msk [tilespmem:v4+s18+$0x0], $0xffff  }
0x5ad: {  	[tilespmem:v6+s31+$0x0] =	vst.idx.msk $0xffff, v5;
	v5 =	vor.u32 v0, v1;
	v0 =	vld [tilespmem:$0x1F430];
	_ =	sdelay $0x4  }
0x5ae: {  	[tilespmem:v7+s31+$0x0] =	vst.idx.msk $0xffff, v2;
	v2 =	vor.u32 v0, v1;
	v0 =	vld [tilespmem:$0x1F440];
	_ =	sdelay $0x3  }
0x5af: {  	v6 =	vld [tilespmem:$0x1FD90]  }
0x5b0: {  	[tilespmem:v8+s31+$0x0] =	vst.idx.msk $0xffff, v3;
	v3 =	vor.u32 v0, v1;
	v0 =	vld [tilespmem:$0x1F450];
	_ =	sdelay $0x2  }
0x5b1: {  	v7 =	vld [tilespmem:$0x1FDA0];
	[tilespmem:v9+s31+$0x0] =	vst.idx.msk $0xffff, v4  }
0x5b2: {  	v4 =	vld.idx.msk [tilespmem:v10+s18+$0x0], $0xffff  }
0x5b3: {  	v6 =	vor.u32 v6, v18;
	v10 =	vor.u32 v0, v1;
	v0 =	vld [tilespmem:$0x1F460]  }
0x5b4: {  	v8 =	vld [tilespmem:$0x1FDB0]  }
0x5b5: {  	v5 =	vld.idx.msk [tilespmem:v5+s18+$0x0], $0xffff  }
0x5b6: {  	v2 =	vld.idx.msk [tilespmem:v2+s18+$0x0], $0xffff  }
0x5b7: {  	v3 =	vld.idx.msk [tilespmem:v3+s18+$0x0], $0xffff  }
0x5b8: {  	v39 =	vmov v7;
	v7 =	vor.u32 v7, v18;
	[tilespmem:v6+s31+$0x0] =	vst.idx.msk $0xffff, v4;
	v4 =	vor.u32 v0, v1;
	v0 =	vld [tilespmem:$0x1F470];
	_ =	sdelay $0x2  }
0x5b9: {  	v9 =	vld [tilespmem:$0x1FDC0];
	_ =	sdelay $0x1  }
0x5ba: {  	v40 =	vmov v8;
	v8 =	vor.u32 v8, v18;
	[tilespmem:v7+s31+$0x0] =	vst.idx.msk $0xffff, v5;
	v5 =	vor.u32 v0, v1;
	v0 =	vld [tilespmem:$0x1F480];
	_ =	sdelay $0x2  }
0x5bb: {  	v41 =	vmov v9;
	v9 =	vor.u32 v9, v18  }
0x5bc: {  	v6 =	vld [tilespmem:$0x1FDD0]  }
0x5bd: {  	[tilespmem:v8+s31+$0x0] =	vst.idx.msk $0xffff, v2;
	v2 =	vor.u32 v0, v1;
	v0 =	vld [tilespmem:$0x1F490];
	_ =	sdelay $0x2  }
0x5be: {  	v7 =	vld [tilespmem:$0x1FDE0];
	[tilespmem:v9+s31+$0x0] =	vst.idx.msk $0xffff, v3  }
0x5bf: {  	v3 =	vld.idx.msk [tilespmem:v10+s18+$0x0], $0xffff  }
0x5c0: {  	v42 =	vmov v6;
	v6 =	vor.u32 v6, v18;
	v10 =	vor.u32 v0, v1;
	v0 =	vld [tilespmem:$0x1F4A0]  }
0x5c1: {  	v8 =	vld [tilespmem:$0x1FDF0]  }
0x5c2: {  	v4 =	vld.idx.msk [tilespmem:v4+s18+$0x0], $0xffff  }
0x5c3: {  	v5 =	vld.idx.msk [tilespmem:v5+s18+$0x0], $0xffff  }
0x5c4: {  	v2 =	vld.idx.msk [tilespmem:v2+s18+$0x0], $0xffff  }
0x5c5: {  	v47 =	vmov v7;
	v7 =	vor.u32 v7, v18;
	[tilespmem:v6+s31+$0x0] =	vst.idx.msk $0xffff, v3;
	v3 =	vor.u32 v0, v1;
	v0 =	vld [tilespmem:$0x1F4B0];
	_ =	sdelay $0x1  }
0x5c6: {  	v9 =	vld [tilespmem:$0x1FE00];
	_ =	sdelay $0x2  }
0x5c7: {  	v48 =	vmov v8;
	v8 =	vor.u32 v8, v18;
	[tilespmem:v7+s31+$0x0] =	vst.idx.msk $0xffff, v4;
	v4 =	vor.u32 v0, v1;
	v0 =	vld [tilespmem:$0x1F4C0];
	_ =	sdelay $0x1  }
0x5c8: {  	[tilespmem:$0x1F2F0] =	vst v43;
	v43 =	vmov v9;
	v9 =	vor.u32 v9, v18  }
0x5c9: {  	v6 =	vld [tilespmem:$0x1FE10]  }
0x5ca: {  	v7 =	vld [tilespmem:$0x1FE20]  }
0x5cb: {  	[tilespmem:v8+s31+$0x0] =	vst.idx.msk $0xffff, v5;
	v5 =	vor.u32 v0, v1;
	v0 =	vld [tilespmem:$0x1F4D0];
	_ =	sdelay $0x1  }
0x5cc: {  	v8 =	vld [tilespmem:$0x1FE30];
	[tilespmem:v9+s31+$0x0] =	vst.idx.msk $0xffff, v2  }
0x5cd: {  	v2 =	vld.idx.msk [tilespmem:v10+s18+$0x0], $0xffff  }
0x5ce: {  	[tilespmem:$0x1F320] =	vst v44;
	v44 =	vmov v6;
	v6 =	vor.u32 v6, v18;
	v3 =	vld.idx.msk [tilespmem:v3+s18+$0x0], $0xffff  }
0x5cf: {  	[tilespmem:$0x1F330] =	vst v46;
	v46 =	vmov v7;
	v7 =	vor.u32 v7, v18;
	v10 =	vor.u32 v0, v1;
	v0 =	vld [tilespmem:$0x1F4E0];
	_ =	sdelay $0x1  }
0x5d0: {  	v9 =	vld [tilespmem:$0x1FE40]  }
0x5d1: {  	[tilespmem:$0x1F310] =	vst v51;
	v4 =	vld.idx.msk [tilespmem:v4+s18+$0x0], $0xffff  }
0x5d2: {  	v5 =	vld.idx.msk [tilespmem:v5+s18+$0x0], $0xffff;
	[tilespmem:v6+s31+$0x0] =	vst.idx.msk $0xffff, v2  }
0x5d3: {  	v51 =	vmov v8;
	v8 =	vor.u32 v8, v18;
	[tilespmem:v7+s31+$0x0] =	vst.idx.msk $0xffff, v3;
	v3 =	vor.u32 v0, v1;
	v0 =	vld [tilespmem:$0x1F4F0];
	_ =	sdelay $0x2  }
0x5d4: {  	v53 =	vmov v9;
	v9 =	vor.u32 v9, v18  }
0x5d5: {  	v6 =	vld [tilespmem:$0x1FE50]  }
0x5d6: {  	[tilespmem:v8+s31+$0x0] =	vst.idx.msk $0xffff, v4;
	v4 =	vor.u32 v0, v1;
	v0 =	vld [tilespmem:$0x1F500];
	_ =	sdelay $0x1  }
0x5d7: {  	v2 =	vor.u32 v23, v1  }
0x5d8: {  	v7 =	vld [tilespmem:$0x1FE60];
	[tilespmem:v9+s31+$0x0] =	vst.idx.msk $0xffff, v5  }
0x5d9: {  	v5 =	vld.idx.msk [tilespmem:v10+s18+$0x0], $0xffff  }
0x5da: {  	[tilespmem:$0x1F2D0] =	vst v59;
	v59 =	vmov v6;
	v6 =	vor.u32 v6, v18;
	v10 =	vor.u32 v0, v1;
	v0 =	vld [tilespmem:$0x1F510]  }
0x5db: {  	v8 =	vld [tilespmem:$0x1FE70]  }
0x5dc: {  	v2 =	vld.idx.msk [tilespmem:v2+s18+$0x0], $0xffff  }
0x5dd: {  	v3 =	vld.idx.msk [tilespmem:v3+s18+$0x0], $0xffff  }
0x5de: {  	[tilespmem:$0x1F2E0] =	vst v60;
	v4 =	vld.idx.msk [tilespmem:v4+s18+$0x0], $0xffff  }
0x5df: {  	v60 =	vmov v7;
	v7 =	vor.u32 v7, v18;
	[tilespmem:v6+s31+$0x0] =	vst.idx.msk $0xffff, v5;
	v5 =	vor.u32 v0, v1;
	v0 =	vld [tilespmem:$0x1F520]  }
0x5e0: {  	v9 =	vld [tilespmem:$0x1FE80];
	_ =	sdelay $0x2  }
0x5e1: {  	[tilespmem:$0x1F300] =	vst v63;
	v63 =	vmov v8;
	v8 =	vor.u32 v8, v18  }
0x5e2: {  	[tilespmem:v7+s31+$0x0] =	vst.idx.msk $0xffff, v2;
	v2 =	vor.u32 v0, v1;
	v0 =	vld [tilespmem:$0x1F530]  }
0x5e3: {  	v49 =	vmov v9;
	v9 =	vor.u32 v9, v18  }
0x5e4: {  	v6 =	vld [tilespmem:$0x1FE90]  }
0x5e5: {  	v7 =	vld [tilespmem:$0x1FEA0]  }
0x5e6: {  	[tilespmem:v8+s31+$0x0] =	vst.idx.msk $0xffff, v3;
	v8 =	vld [tilespmem:$0x1FEB0]  }
0x5e7: {  	v3 =	vor.u32 v0, v1;
	v0 =	vld [tilespmem:$0x1F540]  }
0x5e8: {  	[tilespmem:v9+s31+$0x0] =	vst.idx.msk $0xffff, v4  }
0x5e9: {  	v50 =	vmov v6;
	v6 =	vor.u32 v6, v18;
	v4 =	vld.idx.msk [tilespmem:v10+s18+$0x0], $0xffff  }
0x5ea: {  	[tilespmem:$0x1F350] =	vst v24;
	v24 =	vmov v54;
	v54 =	vmov v7;
	v7 =	vor.u32 v7, v18;
	v5 =	vld.idx.msk [tilespmem:v5+s18+$0x0], $0xffff  }
0x5eb: {  	[tilespmem:$0x1F2B0] =	vst v22;
	v22 =	vmov v61;
	v61 =	vmov v8;
	v8 =	vor.u32 v8, v18;
	v2 =	vld.idx.msk [tilespmem:v2+s18+$0x0], $0xffff  }
0x5ec: {  	v10 =	vor.u32 v0, v1;
	v0 =	vld [tilespmem:$0x1F550];
	_ =	sdelay $0x1  }
0x5ed: {  	v3 =	vld.idx.msk [tilespmem:v3+s18+$0x0], $0xffff;
	[tilespmem:v6+s31+$0x0] =	vst.idx.msk $0xffff, v4  }
0x5ee: {  	v9 =	vld [tilespmem:$0x1FEC0];
	[tilespmem:v7+s31+$0x0] =	vst.idx.msk $0xffff, v5  }
0x5ef: {  	[tilespmem:v8+s31+$0x0] =	vst.idx.msk $0xffff, v2;
	v2 =	vld [tilespmem:$0x1FED0]  }
0x5f0: {  	v4 =	vor.u32 v0, v1;
	v0 =	vld [tilespmem:$0x1F560];
	_ =	sdelay $0x3  }
0x5f1: {  	v56 =	vmov v45;
	v45 =	vmov v2;
	v6 =	vor.u32 v2, v18;
	v2 =	vld [tilespmem:$0x1FEE0]  }
0x5f2: {  	v27 =	vmovc v62;
	v62 =	vmov v9;
	v9 =	vor.u32 v9, v18;
	v5 =	vor.u32 v0, v1;
	v0 =	vld [tilespmem:$0x1F570];
	_ =	sdelay $0x4  }
0x5f3: {  	[tilespmem:v9+s31+$0x0] =	vst.idx.msk $0xffff, v3;
	v52 =	vmov v2;
	v7 =	vor.u32 v2, v18;
	v2 =	vld [tilespmem:$0x1FEF0];
	v1 =	vor.u32 v0, v1  }
0x5f4: {  	v3 =	vld.idx.msk [tilespmem:v10+s18+$0x0], $0xffff;
	_ =	sdelay $0x1  }
0x5f5: {  	v4 =	vld.idx.msk [tilespmem:v4+s18+$0x0], $0xffff  }
0x5f6: {  	v5 =	vld.idx.msk [tilespmem:v5+s18+$0x0], $0xffff  }
0x5f7: {  	v8 =	vor.u32 v2, v18;
	v2 =	vld.idx.msk [tilespmem:v1+s18+$0x0], $0xffff  }
0x5f8: {  	[tilespmem:v6+s31+$0x0] =	vst.idx.msk $0xffff, v3;
	v3 =	vld [tilespmem:$0x1FF00];
	_ =	sdelay $0x4  }
0x5f9: {  	[tilespmem:$0x1F340] =	vst v21;
	v21 =	vmov v3;
	v6 =	vor.u32 v3, v18;
	v3 =	vld [tilespmem:$0x1F750]  }
0x5fa: {  	s29 =	simm.s32 $0x10;
	[tilespmem:$0x1F360] =	vst v23;
	v23 =	vlaneseq.u32  }
0x5fb: {  	v9 =	vor.u32 s29, v23  }
0x5fc: {  	v1 =	vshll.u32 v9, $0x6;
	[tilespmem:v7+s31+$0x0] =	vst.idx.msk $0xffff, v4  }
0x5fd: {  	v7 =	vor.u32 v23, v1;
	v4 =	vor.u32 v14, v1;
	[tilespmem:v8+s31+$0x0] =	vst.idx.msk $0xffff, v5  }
0x5fe: {  	s28 =	simm.s32 $0x20;
	v0 =	vmovc v14;
	v18 =	vand.u32 $0x78, v9;
	v14 =	vmovc v3;
	v5 =	vor.u32 v3, v1;
	v3 =	vor.u32 v16, v1  }
.LBB2_11:
0x5ff: {  	_ =	sdelay $0x2  }
0x600: {  	[tilespmem:v6+s31+$0x0] =	vst.idx.msk $0xffff, v2  }
0x601: {  	v2 =	vld.idx.msk [tilespmem:v7+s18+$0x0], $0xffff;
	v6 =	vor.u32 v11, v18  }
0x602: {  	v4 =	vld.idx.msk [tilespmem:v4+s18+$0x0], $0xffff;
	v7 =	vor.u32 v12, v18  }
0x603: {  	v9 =	vld [tilespmem:$0x1F770]  }
0x604: {  	v10 =	vld [tilespmem:$0x1FA70]  }
0x605: {  	v5 =	vld.idx.msk [tilespmem:v5+s18+$0x0], $0xffff  }
0x606: {  	v3 =	vld.idx.msk [tilespmem:v3+s18+$0x0], $0xffff;
	[tilespmem:v6+s31+$0x0] =	vst.idx.msk $0xffff, v2  }
0x607: {  	[tilespmem:v7+s31+$0x0] =	vst.idx.msk $0xffff, v4;
	v4 =	vld [tilespmem:$0x1FA40]  }
0x608: {  	v8 =	vor.u32 v13, v18  }
0x609: {  	v9 =	vor.u32 v9, v18  }
0x60a: {  	v10 =	vor.u32 v10, v1  }
0x60b: {  	v2 =	vor.u32 v17, v1  }
0x60c: {  	v4 =	vor.u32 v4, v1  }
0x60d: {  	[tilespmem:v8+s31+$0x0] =	vst.idx.msk $0xffff, v5;
	v5 =	vor.u32 v15, v1  }
0x60e: {  	[tilespmem:v9+s31+$0x0] =	vst.idx.msk $0xffff, v3  }
0x60f: {  	v6 =	vor.u32 v19, v18;
	v3 =	vld.idx.msk [tilespmem:v10+s18+$0x0], $0xffff  }
0x610: {  	v7 =	vor.u32 v20, v18;
	v2 =	vld.idx.msk [tilespmem:v2+s18+$0x0], $0xffff  }
0x611: {  	v8 =	vor.u32 v25, v18;
	v4 =	vld.idx.msk [tilespmem:v4+s18+$0x0], $0xffff  }
0x612: {  	v9 =	vor.u32 v26, v18;
	v5 =	vld.idx.msk [tilespmem:v5+s18+$0x0], $0xffff  }
0x613: {  	v10 =	vor.u32 v29, v1  }
0x614: {  	[tilespmem:v6+s31+$0x0] =	vst.idx.msk $0xffff, v3  }
0x615: {  	v3 =	vor.u32 v55, v1;
	[tilespmem:v7+s31+$0x0] =	vst.idx.msk $0xffff, v2  }
0x616: {  	v2 =	vor.u32 v30, v1;
	[tilespmem:v8+s31+$0x0] =	vst.idx.msk $0xffff, v4  }
0x617: {  	v4 =	vor.u32 v31, v1;
	[tilespmem:v9+s31+$0x0] =	vst.idx.msk $0xffff, v5  }
0x618: {  	v6 =	vor.u32 v57, v18;
	v5 =	vld.idx.msk [tilespmem:v10+s18+$0x0], $0xffff  }
0x619: {  	v8 =	vld [tilespmem:$0x1F790]  }
0x61a: {  	v3 =	vld.idx.msk [tilespmem:v3+s18+$0x0], $0xffff  }
0x61b: {  	v2 =	vld.idx.msk [tilespmem:v2+s18+$0x0], $0xffff  }
0x61c: {  	v4 =	vld.idx.msk [tilespmem:v4+s18+$0x0], $0xffff  }
0x61d: {  	v7 =	vor.u32 v32, v18;
	[tilespmem:v6+s31+$0x0] =	vst.idx.msk $0xffff, v5;
	v5 =	vld [tilespmem:$0x1F7A0]  }
0x61e: {  	v8 =	vor.u32 v8, v18;
	_ =	sdelay $0x1  }
0x61f: {  	v9 =	vor.u32 v33, v18  }
0x620: {  	v10 =	vor.u32 v58, v1;
	v6 =	vld [tilespmem:$0x1F7C0]  }
0x621: {  	[tilespmem:v7+s31+$0x0] =	vst.idx.msk $0xffff, v3;
	v7 =	vld [tilespmem:$0x1F7D0];
	v5 =	vor.u32 v5, v1  }
0x622: {  	v3 =	vor.u32 v34, v1;
	[tilespmem:v8+s31+$0x0] =	vst.idx.msk $0xffff, v2;
	v8 =	vld [tilespmem:$0x1F7E0];
	_ =	sdelay $0x1  }
0x623: {  	[tilespmem:v9+s31+$0x0] =	vst.idx.msk $0xffff, v4;
	v9 =	vld [tilespmem:$0x1F7F0]  }
0x624: {  	v2 =	vor.u32 v56, v1;
	v4 =	vld.idx.msk [tilespmem:v10+s18+$0x0], $0xffff;
	v6 =	vor.u32 v6, v18  }
0x625: {  	v7 =	vor.u32 v7, v18;
	v5 =	vld.idx.msk [tilespmem:v5+s18+$0x0], $0xffff  }
0x626: {  	v3 =	vld.idx.msk [tilespmem:v3+s18+$0x0], $0xffff;
	v8 =	vor.u32 v8, v18;
	_ =	sdelay $0x2  }
0x627: {  	v2 =	vld.idx.msk [tilespmem:v2+s18+$0x0], $0xffff;
	[tilespmem:v6+s31+$0x0] =	vst.idx.msk $0xffff, v4  }
0x628: {  	[tilespmem:v7+s31+$0x0] =	vst.idx.msk $0xffff, v5  }
0x629: {  	v9 =	vor.u32 v9, v18;
	[tilespmem:v8+s31+$0x0] =	vst.idx.msk $0xffff, v3;
	v3 =	vld [tilespmem:$0x1F2B0]  }
0x62a: {  	v10 =	vor.u32 v24, v1  }
0x62b: {  	v4 =	vor.u32 v22, v1;
	_ =	sdelay $0x1  }
0x62c: {  	v5 =	vor.u32 v27, v1;
	v8 =	vld [tilespmem:$0x1F870]  }
0x62d: {  	[tilespmem:v9+s31+$0x0] =	vst.idx.msk $0xffff, v2;
	v9 =	vld [tilespmem:$0x1F880];
	v3 =	vor.u32 v3, v1  }
0x62e: {  	v6 =	vor.u32 v35, v18;
	v2 =	vld.idx.msk [tilespmem:v10+s18+$0x0], $0xffff  }
0x62f: {  	v7 =	vor.u32 v36, v18;
	v4 =	vld.idx.msk [tilespmem:v4+s18+$0x0], $0xffff  }
0x630: {  	v10 =	vld [tilespmem:$0x1F2C0]  }
0x631: {  	v5 =	vld.idx.msk [tilespmem:v5+s18+$0x0], $0xffff;
	v8 =	vor.u32 v8, v18  }
0x632: {  	v3 =	vld.idx.msk [tilespmem:v3+s18+$0x0], $0xffff  }
0x633: {  	[tilespmem:v6+s31+$0x0] =	vst.idx.msk $0xffff, v2;
	v2 =	vld [tilespmem:$0x1F2D0]  }
0x634: {  	[tilespmem:v7+s31+$0x0] =	vst.idx.msk $0xffff, v4;
	v4 =	vld [tilespmem:$0x1F2E0];
	_ =	sdelay $0x1  }
0x635: {  	v9 =	vor.u32 v9, v18;
	[tilespmem:v8+s31+$0x0] =	vst.idx.msk $0xffff, v5;
	v5 =	vld [tilespmem:$0x1F2F0]  }
0x636: {  	v10 =	vor.u32 v10, v1  }
0x637: {  	v7 =	vld [tilespmem:$0x1F8D0];
	v2 =	vor.u32 v2, v1  }
0x638: {  	v8 =	vld [tilespmem:$0x1F8E0];
	v4 =	vor.u32 v4, v1;
	_ =	sdelay $0x1  }
0x639: {  	[tilespmem:v9+s31+$0x0] =	vst.idx.msk $0xffff, v3;
	v9 =	vld [tilespmem:$0x1F8F0];
	v5 =	vor.u32 v5, v1  }
0x63a: {  	v6 =	vor.u32 v28, v18;
	v3 =	vld.idx.msk [tilespmem:v10+s18+$0x0], $0xffff  }
0x63b: {  	v7 =	vor.u32 v7, v18;
	v2 =	vld.idx.msk [tilespmem:v2+s18+$0x0], $0xffff  }
0x63c: {  	v8 =	vor.u32 v8, v18;
	v4 =	vld.idx.msk [tilespmem:v4+s18+$0x0], $0xffff  }
0x63d: {  	v10 =	vld [tilespmem:$0x1F300]  }
0x63e: {  	v5 =	vld.idx.msk [tilespmem:v5+s18+$0x0], $0xffff  }
0x63f: {  	[tilespmem:v6+s31+$0x0] =	vst.idx.msk $0xffff, v3;
	v3 =	vld [tilespmem:$0x1F310]  }
0x640: {  	[tilespmem:v7+s31+$0x0] =	vst.idx.msk $0xffff, v2;
	v2 =	vld [tilespmem:$0x1F370]  }
0x641: {  	v9 =	vor.u32 v9, v18;
	[tilespmem:v8+s31+$0x0] =	vst.idx.msk $0xffff, v4;
	v4 =	vld [tilespmem:$0x1F380]  }
0x642: {  	v10 =	vor.u32 v10, v1;
	v6 =	vld [tilespmem:$0x1F900];
	_ =	sdelay $0x1  }
0x643: {  	v3 =	vor.u32 v3, v1  }
0x644: {  	v2 =	vor.u32 v2, v1  }
0x645: {  	[tilespmem:v9+s31+$0x0] =	vst.idx.msk $0xffff, v5;
	v9 =	vld [tilespmem:$0x1F910];
	v4 =	vor.u32 v4, v1  }
0x646: {  	v6 =	vor.u32 v6, v18;
	v5 =	vld.idx.msk [tilespmem:v10+s18+$0x0], $0xffff  }
0x647: {  	v10 =	vld [tilespmem:$0x1F390]  }
0x648: {  	v7 =	vor.u32 v37, v18;
	v3 =	vld.idx.msk [tilespmem:v3+s18+$0x0], $0xffff  }
0x649: {  	v8 =	vor.u32 v38, v18;
	v2 =	vld.idx.msk [tilespmem:v2+s18+$0x0], $0xffff  }
0x64a: {  	v4 =	vld.idx.msk [tilespmem:v4+s18+$0x0], $0xffff  }
0x64b: {  	[tilespmem:v6+s31+$0x0] =	vst.idx.msk $0xffff, v5;
	v5 =	vld [tilespmem:$0x1F3A0];
	_ =	sdelay $0x1  }
0x64c: {  	[tilespmem:v7+s31+$0x0] =	vst.idx.msk $0xffff, v3;
	v3 =	vld [tilespmem:$0x1F3B0]  }
0x64d: {  	v9 =	vor.u32 v9, v18;
	[tilespmem:v8+s31+$0x0] =	vst.idx.msk $0xffff, v2;
	v2 =	vld [tilespmem:$0x1F3C0]  }
0x64e: {  	v10 =	vor.u32 v10, v1;
	v6 =	vld [tilespmem:$0x1F920]  }
0x64f: {  	v7 =	vld [tilespmem:$0x1F930];
	v5 =	vor.u32 v5, v1;
	_ =	sdelay $0x1  }
0x650: {  	v8 =	vld [tilespmem:$0x1F940];
	v3 =	vor.u32 v3, v1  }
0x651: {  	[tilespmem:v9+s31+$0x0] =	vst.idx.msk $0xffff, v4;
	v9 =	vld [tilespmem:$0x1F950];
	v2 =	vor.u32 v2, v1  }
0x652: {  	v6 =	vor.u32 v6, v18;
	v4 =	vld.idx.msk [tilespmem:v10+s18+$0x0], $0xffff  }
0x653: {  	v7 =	vor.u32 v7, v18;
	v5 =	vld.idx.msk [tilespmem:v5+s18+$0x0], $0xffff  }
0x654: {  	v10 =	vld [tilespmem:$0x1F3D0]  }
0x655: {  	v8 =	vor.u32 v8, v18;
	v3 =	vld.idx.msk [tilespmem:v3+s18+$0x0], $0xffff  }
0x656: {  	v2 =	vld.idx.msk [tilespmem:v2+s18+$0x0], $0xffff  }
0x657: {  	[tilespmem:v6+s31+$0x0] =	vst.idx.msk $0xffff, v4;
	v4 =	vld [tilespmem:$0x1F320]  }
0x658: {  	[tilespmem:v7+s31+$0x0] =	vst.idx.msk $0xffff, v5;
	v5 =	vld [tilespmem:$0x1F330];
	_ =	sdelay $0x1  }
0x659: {  	v9 =	vor.u32 v9, v18;
	[tilespmem:v8+s31+$0x0] =	vst.idx.msk $0xffff, v3;
	v3 =	vld [tilespmem:$0x1F340]  }
0x65a: {  	v10 =	vor.u32 v10, v1;
	v6 =	vld [tilespmem:$0x1F970]  }
0x65b: {  	v7 =	vld [tilespmem:$0x1F990];
	v4 =	vor.u32 v4, v1  }
0x65c: {  	v8 =	vld [tilespmem:$0x1F9B0];
	v5 =	vor.u32 v5, v1;
	_ =	sdelay $0x1  }
0x65d: {  	[tilespmem:v9+s31+$0x0] =	vst.idx.msk $0xffff, v2;
	v9 =	vld [tilespmem:$0x1F9C0];
	v3 =	vor.u32 v3, v1  }
0x65e: {  	v6 =	vor.u32 v6, v18;
	v2 =	vld.idx.msk [tilespmem:v10+s18+$0x0], $0xffff  }
0x65f: {  	v7 =	vor.u32 v7, v18;
	v4 =	vld.idx.msk [tilespmem:v4+s18+$0x0], $0xffff  }
0x660: {  	v8 =	vor.u32 v8, v18;
	v5 =	vld.idx.msk [tilespmem:v5+s18+$0x0], $0xffff  }
0x661: {  	v10 =	vld [tilespmem:$0x1F3E0]  }
0x662: {  	v3 =	vld.idx.msk [tilespmem:v3+s18+$0x0], $0xffff  }
0x663: {  	[tilespmem:v6+s31+$0x0] =	vst.idx.msk $0xffff, v2;
	v2 =	vld [tilespmem:$0x1F3F0]  }
0x664: {  	[tilespmem:v7+s31+$0x0] =	vst.idx.msk $0xffff, v4;
	v4 =	vld [tilespmem:$0x1F350]  }
0x665: {  	v9 =	vor.u32 v9, v18;
	[tilespmem:v8+s31+$0x0] =	vst.idx.msk $0xffff, v5;
	v5 =	vld [tilespmem:$0x1F400]  }
0x666: {  	v10 =	vor.u32 v10, v1;
	v6 =	vld [tilespmem:$0x1F9D0];
	_ =	sdelay $0x1  }
0x667: {  	v7 =	vld [tilespmem:$0x1F9E0];
	v2 =	vor.u32 v2, v1  }
0x668: {  	v8 =	vld [tilespmem:$0x1FA50];
	v4 =	vor.u32 v4, v1  }
0x669: {  	[tilespmem:v9+s31+$0x0] =	vst.idx.msk $0xffff, v3;
	v9 =	vld [tilespmem:$0x1FA60];
	v5 =	vor.u32 v5, v1  }
0x66a: {  	v6 =	vor.u32 v6, v18;
	v3 =	vld.idx.msk [tilespmem:v10+s18+$0x0], $0xffff  }
0x66b: {  	v10 =	vld [tilespmem:$0x1F410]  }
0x66c: {  	v7 =	vor.u32 v7, v18;
	v2 =	vld.idx.msk [tilespmem:v2+s18+$0x0], $0xffff  }
0x66d: {  	v8 =	vor.u32 v8, v18;
	v4 =	vld.idx.msk [tilespmem:v4+s18+$0x0], $0xffff  }
0x66e: {  	v5 =	vld.idx.msk [tilespmem:v5+s18+$0x0], $0xffff  }
0x66f: {  	[tilespmem:v6+s31+$0x0] =	vst.idx.msk $0xffff, v3;
	v3 =	vld [tilespmem:$0x1F420];
	_ =	sdelay $0x1  }
0x670: {  	[tilespmem:v7+s31+$0x0] =	vst.idx.msk $0xffff, v2;
	v2 =	vld [tilespmem:$0x1F430]  }
0x671: {  	v9 =	vor.u32 v9, v18;
	[tilespmem:v8+s31+$0x0] =	vst.idx.msk $0xffff, v4;
	v4 =	vld [tilespmem:$0x1F440]  }
0x672: {  	v10 =	vor.u32 v10, v1;
	v6 =	vld [tilespmem:$0x1FD90]  }
0x673: {  	v3 =	vor.u32 v3, v1;
	_ =	sdelay $0x1  }
0x674: {  	v2 =	vor.u32 v2, v1  }
0x675: {  	[tilespmem:v9+s31+$0x0] =	vst.idx.msk $0xffff, v5;
	v4 =	vor.u32 v4, v1  }
0x676: {  	v6 =	vor.u32 v6, v18;
	v5 =	vld.idx.msk [tilespmem:v10+s18+$0x0], $0xffff  }
0x677: {  	v7 =	vor.u32 v39, v18;
	v3 =	vld.idx.msk [tilespmem:v3+s18+$0x0], $0xffff  }
0x678: {  	v10 =	vld [tilespmem:$0x1F450]  }
0x679: {  	v8 =	vor.u32 v40, v18;
	v2 =	vld.idx.msk [tilespmem:v2+s18+$0x0], $0xffff  }
0x67a: {  	v4 =	vld.idx.msk [tilespmem:v4+s18+$0x0], $0xffff  }
0x67b: {  	[tilespmem:v6+s31+$0x0] =	vst.idx.msk $0xffff, v5;
	v5 =	vld [tilespmem:$0x1F460]  }
0x67c: {  	[tilespmem:v7+s31+$0x0] =	vst.idx.msk $0xffff, v3;
	v3 =	vld [tilespmem:$0x1F470];
	_ =	sdelay $0x1  }
0x67d: {  	v9 =	vor.u32 v41, v18;
	[tilespmem:v8+s31+$0x0] =	vst.idx.msk $0xffff, v2;
	v2 =	vld [tilespmem:$0x1F480]  }
0x67e: {  	v10 =	vor.u32 v10, v1  }
0x67f: {  	v5 =	vor.u32 v5, v1  }
0x680: {  	v3 =	vor.u32 v3, v1;
	_ =	sdelay $0x1  }
0x681: {  	[tilespmem:v9+s31+$0x0] =	vst.idx.msk $0xffff, v4;
	v2 =	vor.u32 v2, v1  }
0x682: {  	v6 =	vor.u32 v42, v18;
	v4 =	vld.idx.msk [tilespmem:v10+s18+$0x0], $0xffff  }
0x683: {  	v7 =	vor.u32 v47, v18;
	v5 =	vld.idx.msk [tilespmem:v5+s18+$0x0], $0xffff  }
0x684: {  	v8 =	vor.u32 v48, v18;
	v3 =	vld.idx.msk [tilespmem:v3+s18+$0x0], $0xffff  }
0x685: {  	v10 =	vld [tilespmem:$0x1F490]  }
0x686: {  	v2 =	vld.idx.msk [tilespmem:v2+s18+$0x0], $0xffff  }
0x687: {  	[tilespmem:v6+s31+$0x0] =	vst.idx.msk $0xffff, v4;
	v4 =	vld [tilespmem:$0x1F4A0]  }
0x688: {  	[tilespmem:v7+s31+$0x0] =	vst.idx.msk $0xffff, v5;
	v5 =	vld [tilespmem:$0x1F4B0]  }
0x689: {  	v9 =	vor.u32 v43, v18;
	[tilespmem:v8+s31+$0x0] =	vst.idx.msk $0xffff, v3;
	v3 =	vld [tilespmem:$0x1F4C0]  }
0x68a: {  	v10 =	vor.u32 v10, v1;
	_ =	sdelay $0x1  }
0x68b: {  	v4 =	vor.u32 v4, v1  }
0x68c: {  	v5 =	vor.u32 v5, v1  }
0x68d: {  	[tilespmem:v9+s31+$0x0] =	vst.idx.msk $0xffff, v2;
	v3 =	vor.u32 v3, v1  }
0x68e: {  	v6 =	vor.u32 v44, v18;
	v2 =	vld.idx.msk [tilespmem:v10+s18+$0x0], $0xffff  }
0x68f: {  	v10 =	vld [tilespmem:$0x1F4D0]  }
0x690: {  	v7 =	vor.u32 v46, v18;
	v4 =	vld.idx.msk [tilespmem:v4+s18+$0x0], $0xffff  }
0x691: {  	v8 =	vor.u32 v51, v18;
	v5 =	vld.idx.msk [tilespmem:v5+s18+$0x0], $0xffff  }
0x692: {  	v3 =	vld.idx.msk [tilespmem:v3+s18+$0x0], $0xffff  }
0x693: {  	[tilespmem:v6+s31+$0x0] =	vst.idx.msk $0xffff, v2;
	v2 =	vld [tilespmem:$0x1F360];
	_ =	sdelay $0x1  }
0x694: {  	[tilespmem:v7+s31+$0x0] =	vst.idx.msk $0xffff, v4;
	v4 =	vld [tilespmem:$0x1F4E0]  }
0x695: {  	v9 =	vor.u32 v53, v18;
	[tilespmem:v8+s31+$0x0] =	vst.idx.msk $0xffff, v5;
	v5 =	vld [tilespmem:$0x1F4F0]  }
0x696: {  	v10 =	vor.u32 v10, v1  }
0x697: {  	v2 =	vor.u32 v2, v1;
	_ =	sdelay $0x1  }
0x698: {  	v4 =	vor.u32 v4, v1  }
0x699: {  	[tilespmem:v9+s31+$0x0] =	vst.idx.msk $0xffff, v3;
	v5 =	vor.u32 v5, v1  }
0x69a: {  	v6 =	vor.u32 v59, v18;
	v3 =	vld.idx.msk [tilespmem:v10+s18+$0x0], $0xffff  }
0x69b: {  	v7 =	vor.u32 v60, v18;
	v2 =	vld.idx.msk [tilespmem:v2+s18+$0x0], $0xffff  }
0x69c: {  	v10 =	vld [tilespmem:$0x1F500]  }
0x69d: {  	v8 =	vor.u32 v63, v18;
	v4 =	vld.idx.msk [tilespmem:v4+s18+$0x0], $0xffff  }
0x69e: {  	v5 =	vld.idx.msk [tilespmem:v5+s18+$0x0], $0xffff  }
0x69f: {  	[tilespmem:v6+s31+$0x0] =	vst.idx.msk $0xffff, v3;
	v3 =	vld [tilespmem:$0x1F510]  }
0x6a0: {  	[tilespmem:v7+s31+$0x0] =	vst.idx.msk $0xffff, v2;
	v2 =	vld [tilespmem:$0x1F520];
	_ =	sdelay $0x1  }
0x6a1: {  	v9 =	vor.u32 v49, v18;
	[tilespmem:v8+s31+$0x0] =	vst.idx.msk $0xffff, v4;
	v4 =	vld [tilespmem:$0x1F530]  }
0x6a2: {  	v10 =	vor.u32 v10, v1  }
0x6a3: {  	v3 =	vor.u32 v3, v1  }
0x6a4: {  	v2 =	vor.u32 v2, v1;
	_ =	sdelay $0x1  }
0x6a5: {  	[tilespmem:v9+s31+$0x0] =	vst.idx.msk $0xffff, v5;
	v4 =	vor.u32 v4, v1  }
0x6a6: {  	v6 =	vor.u32 v50, v18;
	v5 =	vld.idx.msk [tilespmem:v10+s18+$0x0], $0xffff  }
0x6a7: {  	v7 =	vor.u32 v54, v18;
	v3 =	vld.idx.msk [tilespmem:v3+s18+$0x0], $0xffff  }
0x6a8: {  	v8 =	vor.u32 v61, v18;
	v2 =	vld.idx.msk [tilespmem:v2+s18+$0x0], $0xffff  }
0x6a9: {  	v10 =	vld [tilespmem:$0x1F540]  }
0x6aa: {  	v4 =	vld.idx.msk [tilespmem:v4+s18+$0x0], $0xffff  }
0x6ab: {  	[tilespmem:v6+s31+$0x0] =	vst.idx.msk $0xffff, v5;
	v5 =	vld [tilespmem:$0x1F550]  }
0x6ac: {  	[tilespmem:v7+s31+$0x0] =	vst.idx.msk $0xffff, v3;
	v3 =	vld [tilespmem:$0x1F560]  }
0x6ad: {  	[tilespmem:v8+s31+$0x0] =	vst.idx.msk $0xffff, v2;
	v2 =	vld [tilespmem:$0x1F570];
	_ =	sdelay $0x3  }
0x6ae: {  	v9 =	vor.u32 v62, v18;
	v10 =	vor.u32 v10, v1  }
0x6af: {  	v5 =	vor.u32 v5, v1;
	v3 =	vor.u32 v3, v1;
	v1 =	vor.u32 v2, v1;
	_ =	sdelay $0x3  }
0x6b0: {  	[tilespmem:v9+s31+$0x0] =	vst.idx.msk $0xffff, v4  }
0x6b1: {  	v2 =	vld.idx.msk [tilespmem:v1+s18+$0x0], $0xffff  }
0x6b2: {  	v1 =	vld [tilespmem:$0x1FEF0];
	_ =	sdelay $0x2  }
0x6b3: {  	v8 =	vld.idx.msk [tilespmem:v10+s18+$0x0], $0xffff;
	v10 =	vor.u32 v45, v18  }
0x6b4: {  	v12 =	vor.u32 v52, v18;
	v9 =	vld.idx.msk [tilespmem:v5+s18+$0x0], $0xffff  }
0x6b5: {  	v11 =	vld.idx.msk [tilespmem:v3+s18+$0x0], $0xffff;
	v13 =	vor.u32 v1, v18  }
0x6b6: {  	p0 =	sne.s32 s28, $0x70  }
.Ltmp6:
0x6b7: {  	s29 =	smov.u32 s28;
	(pc) =	sbr.rel @p0 .LBB2_11-.Ltmp6, $4  }
0x6b8: {  	v3 =	vor.u32 s29, v23;
	[tilespmem:v10+s31+$0x0] =	vst.idx.msk $0xffff, v8  }
0x6b9: {  	[tilespmem:v12+s31+$0x0] =	vst.idx.msk $0xffff, v9;
	v12 =	vld [tilespmem:$0x1F980];
	v1 =	vshll.u32 v3, $0x6  }
0x6ba: {  	v6 =	vor.u32 v21, v18;
	v18 =	vand.u32 $0x78, v3;
	v7 =	vor.u32 v23, v1;
	[tilespmem:v13+s31+$0x0] =	vst.idx.msk $0xffff, v11;
	v13 =	vld [tilespmem:$0x1F9A0]  }
0x6bb: {  	s28 =	sadd.s32 $0x10, s28;
	v4 =	vor.u32 v0, v1;
	v5 =	vor.u32 v14, v1;
	v3 =	vor.u32 v16, v1;
	v11 =	vld [tilespmem:$0x1F960]  }
0x6bc: {  	_ =	sdelay $0x2  }
0x6bd: {  	v0 =	vld [tilespmem:$0x1F770]  }
0x6be: {  	[tilespmem:v6+s31+$0x0] =	vst.idx.msk $0xffff, v2;
	v23 =	vld [tilespmem:$0x1FA70]  }
0x6bf: {  	v2 =	vld.idx.msk [tilespmem:v7+s18+$0x0], $0xffff;
	v6 =	vor.u32 v11, v18  }
0x6c0: {  	v4 =	vld.idx.msk [tilespmem:v4+s18+$0x0], $0xffff;
	v7 =	vor.u32 v12, v18;
	_ =	sdelay $0x2  }
0x6c1: {  	v5 =	vld.idx.msk [tilespmem:v5+s18+$0x0], $0xffff;
	v8 =	vor.u32 v13, v18  }
0x6c2: {  	v3 =	vld.idx.msk [tilespmem:v3+s18+$0x0], $0xffff;
	v9 =	vor.u32 v0, v18;
	[tilespmem:v6+s31+$0x0] =	vst.idx.msk $0xffff, v2  }
0x6c3: {  	v10 =	vor.u32 v23, v1;
	[tilespmem:v7+s31+$0x0] =	vst.idx.msk $0xffff, v4;
	v7 =	vld [tilespmem:$0x1FA40]  }
0x6c4: {  	v2 =	vor.u32 v17, v1;
	_ =	sdelay $0x1  }
0x6c5: {  	[tilespmem:v8+s31+$0x0] =	vst.idx.msk $0xffff, v5  }
0x6c6: {  	v5 =	vor.u32 v15, v1;
	[tilespmem:v9+s31+$0x0] =	vst.idx.msk $0xffff, v3  }
0x6c7: {  	v6 =	vor.u32 v19, v18;
	v3 =	vld.idx.msk [tilespmem:v10+s18+$0x0], $0xffff;
	v4 =	vor.u32 v7, v1  }
0x6c8: {  	v2 =	vld.idx.msk [tilespmem:v2+s18+$0x0], $0xffff;
	v7 =	vor.u32 v20, v18;
	_ =	sdelay $0x2  }
0x6c9: {  	v5 =	vld.idx.msk [tilespmem:v5+s18+$0x0], $0xffff  }
0x6ca: {  	v8 =	vor.u32 v25, v18;
	v9 =	vor.u32 v26, v18;
	v4 =	vld.idx.msk [tilespmem:v4+s18+$0x0], $0xffff;
	[tilespmem:v6+s31+$0x0] =	vst.idx.msk $0xffff, v3  }
0x6cb: {  	v10 =	vor.u32 v29, v1;
	v29 =	vmov v32;
	[tilespmem:v7+s31+$0x0] =	vst.idx.msk $0xffff, v2;
	v7 =	vor.u32 v32, v18;
	v32 =	vld [tilespmem:$0x1F790];
	_ =	sdelay $0x1  }
0x6cc: {  	v3 =	vor.u32 v55, v1  }
0x6cd: {  	v14 =	vmov v25;
	v25 =	vor.u32 v30, v1  }
0x6ce: {  	v15 =	vmov v26;
	v26 =	vor.u32 v31, v1;
	[tilespmem:v8+s31+$0x0] =	vst.idx.msk $0xffff, v4  }
0x6cf: {  	[tilespmem:v9+s31+$0x0] =	vst.idx.msk $0xffff, v5;
	v8 =	vor.u32 v32, v18;
	v32 =	vmov v33;
	v9 =	vor.u32 v33, v18;
	v33 =	vld [tilespmem:$0x1F7A0]  }
0x6d0: {  	v55 =	vor.u32 v57, v18;
	v5 =	vld.idx.msk [tilespmem:v10+s18+$0x0], $0xffff  }
0x6d1: {  	v3 =	vld.idx.msk [tilespmem:v3+s18+$0x0], $0xffff  }
0x6d2: {  	v2 =	vld.idx.msk [tilespmem:v25+s18+$0x0], $0xffff  }
0x6d3: {  	v4 =	vld.idx.msk [tilespmem:v26+s18+$0x0], $0xffff  }
0x6d4: {  	v25 =	vmov v58;
	v10 =	vor.u32 v58, v1;
	v58 =	vor.u32 v56, v1  }
0x6d5: {  	[tilespmem:v55+s31+$0x0] =	vst.idx.msk $0xffff, v5  }
0x6d6: {  	v56 =	vld [tilespmem:$0x1F7E0];
	[tilespmem:v7+s31+$0x0] =	vst.idx.msk $0xffff, v3  }
0x6d7: {  	v7 =	vld [tilespmem:$0x1F7C0];
	[tilespmem:v8+s31+$0x0] =	vst.idx.msk $0xffff, v2  }
0x6d8: {  	v55 =	vor.u32 v33, v1;
	v33 =	vmov v34;
	v3 =	vor.u32 v34, v1;
	v34 =	vld [tilespmem:$0x1F7D0];
	[tilespmem:v9+s31+$0x0] =	vst.idx.msk $0xffff, v4  }
0x6d9: {  	v2 =	vld.idx.msk [tilespmem:v58+s18+$0x0], $0xffff  }
0x6da: {  	v58 =	vld [tilespmem:$0x1F7F0];
	_ =	sdelay $0x1  }
0x6db: {  	v4 =	vld.idx.msk [tilespmem:v10+s18+$0x0], $0xffff;
	v26 =	vor.u32 v7, v18  }
0x6dc: {  	v5 =	vld.idx.msk [tilespmem:v55+s18+$0x0], $0xffff;
	v55 =	vor.u32 v34, v18  }
0x6dd: {  	v8 =	vor.u32 v56, v18;
	v3 =	vld.idx.msk [tilespmem:v3+s18+$0x0], $0xffff  }
0x6de: {  	v34 =	vld [tilespmem:$0x1F2B0];
	v9 =	vor.u32 v58, v18  }
0x6df: {  	v10 =	vor.u32 v24, v1  }
0x6e0: {  	v24 =	vor.u32 v22, v1;
	[tilespmem:v26+s31+$0x0] =	vst.idx.msk $0xffff, v4  }
0x6e1: {  	[tilespmem:v55+s31+$0x0] =	vst.idx.msk $0xffff, v5  }
0x6e2: {  	v26 =	vor.u32 v27, v1;
	[tilespmem:v8+s31+$0x0] =	vst.idx.msk $0xffff, v3  }
0x6e3: {  	v55 =	vor.u32 v34, v1;
	v34 =	vld [tilespmem:$0x1F2C0];
	[tilespmem:v9+s31+$0x0] =	vst.idx.msk $0xffff, v2  }
0x6e4: {  	v2 =	vld.idx.msk [tilespmem:v10+s18+$0x0], $0xffff  }
0x6e5: {  	v56 =	vor.u32 v35, v18;
	v4 =	vld.idx.msk [tilespmem:v24+s18+$0x0], $0xffff  }
0x6e6: {  	v24 =	vld [tilespmem:$0x1F870]  }
0x6e7: {  	v5 =	vld.idx.msk [tilespmem:v26+s18+$0x0], $0xffff  }
0x6e8: {  	v26 =	vld [tilespmem:$0x1F880]  }
0x6e9: {  	v3 =	vld.idx.msk [tilespmem:v55+s18+$0x0], $0xffff  }
0x6ea: {  	v58 =	vor.u32 v36, v18;
	[tilespmem:v56+s31+$0x0] =	vst.idx.msk $0xffff, v2;
	v56 =	vld [tilespmem:$0x1F2E0]  }
0x6eb: {  	v36 =	vld [tilespmem:$0x1F2D0]  }
0x6ec: {  	v8 =	vor.u32 v24, v18;
	v24 =	vld [tilespmem:$0x1F2F0]  }
0x6ed: {  	v9 =	vor.u32 v26, v18  }
0x6ee: {  	v10 =	vor.u32 v34, v1  }
0x6ef: {  	v7 =	vld [tilespmem:$0x1F900];
	[tilespmem:v58+s31+$0x0] =	vst.idx.msk $0xffff, v4;
	v58 =	vor.u32 v56, v1  }
0x6f0: {  	v55 =	vor.u32 v36, v1;
	v36 =	vld [tilespmem:$0x1F8D0]  }
0x6f1: {  	[tilespmem:v8+s31+$0x0] =	vst.idx.msk $0xffff, v5;
	v26 =	vor.u32 v24, v1;
	v56 =	vld [tilespmem:$0x1F8E0]  }
0x6f2: {  	v24 =	vld [tilespmem:$0x1F300];
	[tilespmem:v9+s31+$0x0] =	vst.idx.msk $0xffff, v3  }
0x6f3: {  	v3 =	vld.idx.msk [tilespmem:v10+s18+$0x0], $0xffff  }
0x6f4: {  	v4 =	vld.idx.msk [tilespmem:v58+s18+$0x0], $0xffff  }
0x6f5: {  	v58 =	vld [tilespmem:$0x1F8F0]  }
0x6f6: {  	v5 =	vld.idx.msk [tilespmem:v26+s18+$0x0], $0xffff  }
0x6f7: {  	v34 =	vor.u32 v28, v18;
	v26 =	vld [tilespmem:$0x1F310]  }
0x6f8: {  	v2 =	vld.idx.msk [tilespmem:v55+s18+$0x0], $0xffff;
	v55 =	vor.u32 v36, v18  }
0x6f9: {  	v36 =	vld [tilespmem:$0x1F370];
	v8 =	vor.u32 v56, v18  }
0x6fa: {  	v9 =	vor.u32 v58, v18  }
0x6fb: {  	v10 =	vor.u32 v24, v1;
	v56 =	vld [tilespmem:$0x1F380]  }
0x6fc: {  	[tilespmem:v34+s31+$0x0] =	vst.idx.msk $0xffff, v3;
	v34 =	vor.u32 v26, v1  }
0x6fd: {  	v24 =	vor.u32 v7, v18;
	v7 =	vld [tilespmem:$0x1F3C0];
	[tilespmem:v55+s31+$0x0] =	vst.idx.msk $0xffff, v2  }
0x6fe: {  	v55 =	vor.u32 v36, v1;
	v36 =	vld [tilespmem:$0x1F910];
	[tilespmem:v8+s31+$0x0] =	vst.idx.msk $0xffff, v4  }
0x6ff: {  	v26 =	vor.u32 v37, v18;
	v37 =	vld [tilespmem:$0x1F390];
	[tilespmem:v9+s31+$0x0] =	vst.idx.msk $0xffff, v5  }
0x700: {  	v58 =	vor.u32 v56, v1;
	v5 =	vld.idx.msk [tilespmem:v10+s18+$0x0], $0xffff  }
0x701: {  	v3 =	vld.idx.msk [tilespmem:v34+s18+$0x0], $0xffff  }
0x702: {  	v8 =	vor.u32 v38, v18;
	v34 =	vmov v38;
	v38 =	vld [tilespmem:$0x1F3A0]  }
0x703: {  	v56 =	vld [tilespmem:$0x1F3B0]  }
0x704: {  	v2 =	vld.idx.msk [tilespmem:v55+s18+$0x0], $0xffff  }
0x705: {  	v9 =	vor.u32 v36, v18;
	v4 =	vld.idx.msk [tilespmem:v58+s18+$0x0], $0xffff  }
0x706: {  	v10 =	vor.u32 v37, v1  }
0x707: {  	[tilespmem:v24+s31+$0x0] =	vst.idx.msk $0xffff, v5;
	v55 =	vor.u32 v38, v1  }
0x708: {  	v37 =	vld [tilespmem:$0x1F930];
	[tilespmem:v26+s31+$0x0] =	vst.idx.msk $0xffff, v3  }
0x709: {  	v58 =	vor.u32 v56, v1;
	v56 =	vld [tilespmem:$0x1F950];
	v24 =	vor.u32 v7, v1;
	[tilespmem:v8+s31+$0x0] =	vst.idx.msk $0xffff, v2  }
0x70a: {  	v26 =	vld [tilespmem:$0x1F920];
	[tilespmem:v9+s31+$0x0] =	vst.idx.msk $0xffff, v4  }
0x70b: {  	v4 =	vld.idx.msk [tilespmem:v10+s18+$0x0], $0xffff  }
0x70c: {  	v5 =	vld.idx.msk [tilespmem:v55+s18+$0x0], $0xffff  }
0x70d: {  	v55 =	vld [tilespmem:$0x1F940]  }
0x70e: {  	v2 =	vld.idx.msk [tilespmem:v24+s18+$0x0], $0xffff  }
0x70f: {  	v24 =	vld [tilespmem:$0x1F320];
	v36 =	vor.u32 v26, v18;
	_ =	sdelay $0x1  }
0x710: {  	v38 =	vor.u32 v37, v18;
	v9 =	vor.u32 v56, v18;
	v56 =	vld [tilespmem:$0x1F970]  }
0x711: {  	v3 =	vld.idx.msk [tilespmem:v58+s18+$0x0], $0xffff;
	v8 =	vor.u32 v55, v18  }
0x712: {  	v58 =	vld [tilespmem:$0x1F3D0]  }
0x713: {  	v26 =	vor.u32 v24, v1;
	[tilespmem:v36+s31+$0x0] =	vst.idx.msk $0xffff, v4;
	v36 =	vld [tilespmem:$0x1F330];
	_ =	sdelay $0x1  }
0x714: {  	[tilespmem:v38+s31+$0x0] =	vst.idx.msk $0xffff, v5;
	v38 =	vld [tilespmem:$0x1F340]  }
0x715: {  	v7 =	vld [tilespmem:$0x1F990];
	[tilespmem:v8+s31+$0x0] =	vst.idx.msk $0xffff, v3  }
0x716: {  	v10 =	vor.u32 v58, v1;
	v58 =	vor.u32 v56, v18;
	v56 =	vld [tilespmem:$0x1F350];
	[tilespmem:v9+s31+$0x0] =	vst.idx.msk $0xffff, v2  }
0x717: {  	v37 =	vor.u32 v36, v1;
	v4 =	vld.idx.msk [tilespmem:v26+s18+$0x0], $0xffff  }
0x718: {  	v26 =	vld [tilespmem:$0x1F9B0]  }
0x719: {  	v36 =	vld [tilespmem:$0x1F9C0];
	v55 =	vor.u32 v38, v1  }
0x71a: {  	v38 =	vld [tilespmem:$0x1F3F0]  }
0x71b: {  	v2 =	vld.idx.msk [tilespmem:v10+s18+$0x0], $0xffff  }
0x71c: {  	v24 =	vor.u32 v7, v18;
	v5 =	vld.idx.msk [tilespmem:v37+s18+$0x0], $0xffff  }
0x71d: {  	v37 =	vld [tilespmem:$0x1F3E0];
	v8 =	vor.u32 v26, v18  }
0x71e: {  	v9 =	vor.u32 v36, v18;
	v3 =	vld.idx.msk [tilespmem:v55+s18+$0x0], $0xffff  }
0x71f: {  	v6 =	vld [tilespmem:$0x1F420];
	v55 =	vor.u32 v38, v1  }
0x720: {  	v7 =	vld [tilespmem:$0x1F400];
	[tilespmem:v58+s31+$0x0] =	vst.idx.msk $0xffff, v2  }
0x721: {  	v58 =	vor.u32 v56, v1;
	v26 =	vld [tilespmem:$0x1F9D0];
	[tilespmem:v24+s31+$0x0] =	vst.idx.msk $0xffff, v4  }
0x722: {  	v56 =	vld [tilespmem:$0x1FA60];
	[tilespmem:v8+s31+$0x0] =	vst.idx.msk $0xffff, v5  }
0x723: {  	v10 =	vor.u32 v37, v1;
	v37 =	vld [tilespmem:$0x1F9E0];
	[tilespmem:v9+s31+$0x0] =	vst.idx.msk $0xffff, v3  }
0x724: {  	v2 =	vld.idx.msk [tilespmem:v55+s18+$0x0], $0xffff  }
0x725: {  	v55 =	vld [tilespmem:$0x1FA50]  }
0x726: {  	v24 =	vor.u32 v7, v1;
	v4 =	vld.idx.msk [tilespmem:v58+s18+$0x0], $0xffff  }
0x727: {  	v58 =	vld [tilespmem:$0x1F410]  }
0x728: {  	v36 =	vor.u32 v26, v18;
	v3 =	vld.idx.msk [tilespmem:v10+s18+$0x0], $0xffff  }
0x729: {  	v7 =	vld [tilespmem:$0x1F430];
	v38 =	vor.u32 v37, v18  }
0x72a: {  	v26 =	vld [tilespmem:$0x1F440];
	v8 =	vor.u32 v55, v18  }
0x72b: {  	v9 =	vor.u32 v56, v18;
	v5 =	vld.idx.msk [tilespmem:v24+s18+$0x0], $0xffff  }
0x72c: {  	v37 =	vld [tilespmem:$0x1FD90];
	v10 =	vor.u32 v58, v1  }
0x72d: {  	v56 =	vld [tilespmem:$0x1F470];
	[tilespmem:v36+s31+$0x0] =	vst.idx.msk $0xffff, v3;
	v3 =	vor.u32 v6, v1  }
0x72e: {  	v24 =	vor.u32 v7, v1;
	v7 =	vld [tilespmem:$0x1F480];
	[tilespmem:v38+s31+$0x0] =	vst.idx.msk $0xffff, v2  }
0x72f: {  	v36 =	vor.u32 v26, v1;
	[tilespmem:v8+s31+$0x0] =	vst.idx.msk $0xffff, v4;
	v8 =	vor.u32 v40, v18;
	v40 =	vld [tilespmem:$0x1F450]  }
0x730: {  	[tilespmem:v9+s31+$0x0] =	vst.idx.msk $0xffff, v5;
	v9 =	vor.u32 v41, v18;
	v41 =	vld [tilespmem:$0x1F460]  }
0x731: {  	v38 =	vor.u32 v37, v18;
	v5 =	vld.idx.msk [tilespmem:v10+s18+$0x0], $0xffff  }
0x732: {  	v39 =	vor.u32 v39, v18;
	v3 =	vld.idx.msk [tilespmem:v3+s18+$0x0], $0xffff  }
0x733: {  	v2 =	vld.idx.msk [tilespmem:v24+s18+$0x0], $0xffff  }
0x734: {  	v4 =	vld.idx.msk [tilespmem:v36+s18+$0x0], $0xffff  }
0x735: {  	v10 =	vor.u32 v40, v1  }
0x736: {  	v26 =	vor.u32 v42, v18;
	v42 =	vld [tilespmem:$0x1F4C0];
	v55 =	vor.u32 v41, v1;
	[tilespmem:v38+s31+$0x0] =	vst.idx.msk $0xffff, v5  }
0x737: {  	v58 =	vor.u32 v56, v1;
	v37 =	vld [tilespmem:$0x1F490];
	[tilespmem:v39+s31+$0x0] =	vst.idx.msk $0xffff, v3  }
0x738: {  	v24 =	vor.u32 v7, v1;
	v40 =	vld [tilespmem:$0x1F4B0];
	[tilespmem:v8+s31+$0x0] =	vst.idx.msk $0xffff, v2  }
0x739: {  	v38 =	vld [tilespmem:$0x1F4A0];
	[tilespmem:v9+s31+$0x0] =	vst.idx.msk $0xffff, v4  }
0x73a: {  	v4 =	vld.idx.msk [tilespmem:v10+s18+$0x0], $0xffff  }
0x73b: {  	v36 =	vor.u32 v47, v18;
	v5 =	vld.idx.msk [tilespmem:v55+s18+$0x0], $0xffff  }
0x73c: {  	v8 =	vor.u32 v48, v18;
	v3 =	vld.idx.msk [tilespmem:v58+s18+$0x0], $0xffff  }
0x73d: {  	v9 =	vor.u32 v43, v18;
	v2 =	vld.idx.msk [tilespmem:v24+s18+$0x0], $0xffff  }
0x73e: {  	v10 =	vor.u32 v37, v1  }
0x73f: {  	v56 =	vld [tilespmem:$0x1F360];
	v39 =	vor.u32 v38, v1;
	[tilespmem:v26+s31+$0x0] =	vst.idx.msk $0xffff, v4  }
0x740: {  	v41 =	vor.u32 v40, v1;
	v55 =	vld [tilespmem:$0x1F4D0];
	[tilespmem:v36+s31+$0x0] =	vst.idx.msk $0xffff, v5  }
0x741: {  	v43 =	vor.u32 v42, v1;
	v24 =	vld [tilespmem:$0x1F4E0];
	[tilespmem:v8+s31+$0x0] =	vst.idx.msk $0xffff, v3  }
0x742: {  	v36 =	vld [tilespmem:$0x1F4F0];
	[tilespmem:v9+s31+$0x0] =	vst.idx.msk $0xffff, v2  }
0x743: {  	v47 =	vor.u32 v44, v18;
	v2 =	vld.idx.msk [tilespmem:v10+s18+$0x0], $0xffff  }
0x744: {  	v48 =	vor.u32 v46, v18;
	v4 =	vld.idx.msk [tilespmem:v39+s18+$0x0], $0xffff  }
0x745: {  	v8 =	vor.u32 v51, v18;
	v5 =	vld.idx.msk [tilespmem:v41+s18+$0x0], $0xffff  }
0x746: {  	v9 =	vor.u32 v53, v18;
	v3 =	vld.idx.msk [tilespmem:v43+s18+$0x0], $0xffff  }
0x747: {  	v10 =	vor.u32 v55, v1  }
0x748: {  	v46 =	vld [tilespmem:$0x1F530];
	v58 =	vor.u32 v56, v1;
	[tilespmem:v47+s31+$0x0] =	vst.idx.msk $0xffff, v2  }
0x749: {  	v40 =	vld [tilespmem:$0x1F500];
	v26 =	vor.u32 v24, v1;
	[tilespmem:v48+s31+$0x0] =	vst.idx.msk $0xffff, v4  }
0x74a: {  	v41 =	vld [tilespmem:$0x1F510];
	v37 =	vor.u32 v36, v1;
	[tilespmem:v8+s31+$0x0] =	vst.idx.msk $0xffff, v5  }
0x74b: {  	v43 =	vld [tilespmem:$0x1F520];
	[tilespmem:v9+s31+$0x0] =	vst.idx.msk $0xffff, v3  }
0x74c: {  	v38 =	vor.u32 v59, v18;
	v3 =	vld.idx.msk [tilespmem:v10+s18+$0x0], $0xffff  }
0x74d: {  	v39 =	vor.u32 v60, v18;
	v2 =	vld.idx.msk [tilespmem:v58+s18+$0x0], $0xffff  }
0x74e: {  	v8 =	vor.u32 v63, v18;
	v4 =	vld.idx.msk [tilespmem:v26+s18+$0x0], $0xffff  }
0x74f: {  	v9 =	vor.u32 v49, v18;
	v5 =	vld.idx.msk [tilespmem:v37+s18+$0x0], $0xffff  }
0x750: {  	v10 =	vor.u32 v40, v1  }
0x751: {  	v56 =	vld [tilespmem:$0x1F570];
	v42 =	vor.u32 v41, v1;
	[tilespmem:v38+s31+$0x0] =	vst.idx.msk $0xffff, v3  }
0x752: {  	v51 =	vld [tilespmem:$0x1F550];
	v44 =	vor.u32 v43, v1;
	[tilespmem:v39+s31+$0x0] =	vst.idx.msk $0xffff, v2  }
0x753: {  	v47 =	vor.u32 v46, v1;
	v48 =	vor.u32 v50, v18;
	v50 =	vld [tilespmem:$0x1F540];
	[tilespmem:v8+s31+$0x0] =	vst.idx.msk $0xffff, v4  }
0x754: {  	v49 =	vor.u32 v54, v18;
	v54 =	vld [tilespmem:$0x1F560];
	[tilespmem:v9+s31+$0x0] =	vst.idx.msk $0xffff, v5  }
0x755: {  	v5 =	vld.idx.msk [tilespmem:v10+s18+$0x0], $0xffff  }
0x756: {  	v3 =	vld.idx.msk [tilespmem:v42+s18+$0x0], $0xffff  }
0x757: {  	v8 =	vor.u32 v61, v18;
	v2 =	vld.idx.msk [tilespmem:v44+s18+$0x0], $0xffff  }
0x758: {  	v9 =	vor.u32 v62, v18;
	v4 =	vld.idx.msk [tilespmem:v47+s18+$0x0], $0xffff  }
0x759: {  	v10 =	vor.u32 v50, v1  }
0x75a: {  	v53 =	vor.u32 v51, v1;
	[tilespmem:v48+s31+$0x0] =	vst.idx.msk $0xffff, v5  }
0x75b: {  	v55 =	vor.u32 v54, v1;
	v61 =	vld [tilespmem:$0x1FEF0];
	[tilespmem:v49+s31+$0x0] =	vst.idx.msk $0xffff, v3  }
0x75c: {  	v0 =	vor.u32 v56, v1;
	[tilespmem:v8+s31+$0x0] =	vst.idx.msk $0xffff, v2  }
0x75d: {  	[tilespmem:v9+s31+$0x0] =	vst.idx.msk $0xffff, v4  }
0x75e: {  	v59 =	vor.u32 v45, v18;
	v58 =	vld.idx.msk [tilespmem:v10+s18+$0x0], $0xffff  }
0x75f: {  	v60 =	vor.u32 v52, v18;
	v4 =	vld.idx.msk [tilespmem:v53+s18+$0x0], $0xffff  }
0x760: {  	v62 =	vor.u32 v61, v18;
	v3 =	vld.idx.msk [tilespmem:v55+s18+$0x0], $0xffff  }
0x761: {  	v63 =	vor.u32 v21, v18;
	v0 =	vld.idx.msk [tilespmem:v0+s18+$0x0], $0xffff;
	_ =	sdelay $0x1  }
0x762: {  	s1 =	sshll.u32 s26, $0x12;
	[tilespmem:v59+s31+$0x0] =	vst.idx.msk $0xffff, v58  }
0x763: {  	s1 =	sor.u32 s6, s1;
	[tilespmem:v60+s31+$0x0] =	vst.idx.msk $0xffff, v4  }
0x764: {  	s1 =	sshrl.u32 s1, $0x3;
	[tilespmem:v62+s31+$0x0] =	vst.idx.msk $0xffff, v3  }
0x765: {  	s28 =	sadd.s32 s2, s1;
	[tilespmem:v63+s31+$0x0] =	vst.idx.msk $0xffff, v0  }
0x766: {  	[hbm4b:s28+s3] =	stream.linear.scatter [tilespmem:s31], [sflag:$0x4], $0x400, $0x38;
	[tilespmem:$0xB200] =	vst v63  }
0x767: {  	s29 =	sadd.s32 s1, s7;
	s28 =	simm.s32 $0x9600  }
0x768: {  	[hbm4b:s29+s3] =	stream.linear.scatter [tilespmem:s28], [sflag:$0x4], $0x400, $0x38;
	[tilespmem:$0xB200] =	vst v63  }
0x769: {  	s29 =	sadd.s32 s1, s8  }
0x76a: {  	[hbm4b:s29+s3] =	stream.linear.scatter [tilespmem:s0], [sflag:$0x4], $0x400, $0x38;
	[tilespmem:$0xB200] =	vst v63  }
0x76b: {  	s28 =	sadd.s32 s1, s9  }
0x76c: {  	[hbm4b:s28+s3] =	stream.linear.scatter [tilespmem:s15], [sflag:$0x4], $0x400, $0x38;
	[tilespmem:$0xB200] =	vst v63  }
0x76d: {  	s25 =	sadd.s32 $0x1, s25;
	s29 =	sadd.s32 s1, s10  }
0x76e: {  	[hbm4b:s29+s3] =	stream.linear.scatter [tilespmem:s5], [sflag:$0x4], $0x400, $0x38;
	[tilespmem:$0xB200] =	vst v63  }
0x76f: {  	p0 =	sne.s32 s25, $0x19;
	s28 =	sadd.s32 s1, s11  }
0x770: {  	v22 =	vmov v17;
	v17 =	vld [tilespmem:$0x1FA30];
	[hbm4b:s28+s3] =	stream.linear.scatter [tilespmem:s14], [sflag:$0x4], $0x400, $0x38  }
.Ltmp7:
0x771: {  	v54 =	vld [tilespmem:$0x1FA10];
	(pc) =	sbr.rel @p0 .LBB2_4-.Ltmp7, $4  }
.Ltmp8:
0x772: {  	v61 =	vld [tilespmem:$0x1FD60];
	s29 =	sadd.s32 s1, s12;
	(pc) =	sbr.rel @!p0 .LBB2_13-.Ltmp8, $4  }
0x773: {  	v55 =	vld [tilespmem:$0x1FA40];
	[hbm4b:s29+s3] =	stream.linear.scatter [tilespmem:s17], [sflag:$0x4], $0x400, $0x38  }
0x774: {  	v16 =	vmovc v30;
	v45 =	vmovc v25;
	v52 =	vmov v33;
	v33 =	vmov v35;
	v38 =	vmov v23;
	v10 =	vld [tilespmem:$0x1FA20];
	s1 =	sadd.s32 s1, s13  }
0x775: {  	v50 =	vmovc v32;
	v49 =	vmovc v28;
	v9 =	vmov v14;
	v14 =	vmov v57;
	v58 =	vmov v34;
	v62 =	vld [tilespmem:$0x1FFE0];
	[hbm4b:s1+s3] =	stream.linear.scatter [tilespmem:s20], [sflag:$0x4], $0x400, $0x38  }
0x776: {  	_ = 	snop  }
.LBB2_5:
.Ltmp9:
0x777: {  	(pc) =	sbr.rel .LBB2_10-.Ltmp9, $4  }
0x778: {  	_ = 	snop  }
0x779: {  	v19 =	vld [tilespmem:$0x1F860]  }
0x77a: {  	v21 =	vld [tilespmem:$0x1F780]  }
0x77b: {  	v23 =	vld [tilespmem:$0x1F7B0]  }
.LBB2_7:
0x77c: {  	v22 =	vld [tilespmem:$0x1FCD0]  }
0x77d: {  	v55 =	vld [tilespmem:$0x1FA40]  }
0x77e: {  	v17 =	vld [tilespmem:$0x1FA30]  }
0x77f: {  	v10 =	vld [tilespmem:$0x1FA20]  }
0x780: {  	v54 =	vld [tilespmem:$0x1FA10]  }
0x781: {  	v9 =	vld [tilespmem:$0x1FA00]  }
0x782: {  	v15 =	vld [tilespmem:$0x1F9F0]  }
0x783: {  	v61 =	vld [tilespmem:$0x1FD60]  }
0x784: {  	v62 =	vld [tilespmem:$0x1FFE0]  }
0x785: {  	v16 =	vld [tilespmem:$0x1FD70]  }
0x786: {  	v21 =	vld [tilespmem:$0x1F780]  }
0x787: {  	v14 =	vld [tilespmem:$0x1FFF0]  }
0x788: {  	v29 =	vld [tilespmem:$0x1FF90]  }
0x789: {  	v20 =	vld [tilespmem:$0x1F790]  }
0x78a: {  	v50 =	vld [tilespmem:$0x1FFA0]  }
0x78b: {  	v45 =	vld [tilespmem:$0x1FFD0]  }
0x78c: {  	v25 =	vld [tilespmem:$0x1F7A0]  }
0x78d: {  	v52 =	vld [tilespmem:$0x1FD80]  }
0x78e: {  	v23 =	vld [tilespmem:$0x1F7B0]  }
0x78f: {  	v26 =	vld [tilespmem:$0x1F7C0]  }
0x790: {  	v27 =	vld [tilespmem:$0x1F7D0]  }
0x791: {  	v31 =	vld [tilespmem:$0x1F7E0]  }
0x792: {  	v30 =	vld [tilespmem:$0x1F7F0]  }
0x793: {  	v33 =	vld [tilespmem:$0x1FFB0]  }
0x794: {  	v19 =	vld [tilespmem:$0x1F860]  }
0x795: {  	v32 =	vld [tilespmem:$0x1F870]  }
0x796: {  	v34 =	vld [tilespmem:$0x1F880]  }
0x797: {  	v49 =	vld [tilespmem:$0x1FFC0]  }
.Ltmp10:
0x798: {  	v39 =	vld [tilespmem:$0x1F8D0];
	(pc) =	sbr.rel .LBB2_10-.Ltmp10, $4  }
0x799: {  	v40 =	vld [tilespmem:$0x1F8E0]  }
0x79a: {  	v41 =	vld [tilespmem:$0x1F8F0]  }
0x79b: {  	v42 =	vld [tilespmem:$0x1F900]  }
0x79c: {  	v56 =	vmov v63;
	v53 =	vlaneseq.u32;
	v38 =	vld [tilespmem:$0x1FA70]  }
.LBB2_14:
0x79d: {  	_ =	sfence.sel $0x180000  }
0x79e: {  	[bflag:$0x0] =	sbarrier.arrive $0xFFFF  }
0x79f: {  	_ =	strace $0x90000047  }
0x7a0: {  	s0 =	stileid.u32;
	[bflag:$0x2] =	sbarrier.arrive $0xFFFF  }
0x7a1: {  	p0 =	sne.s32 s0, $0x0;
	s0 =	rddreg [dreg:$0x2]  }
0x7a2: {  	s0 =	sadd.s32 @!p0 $0x100000, s0  }
0x7a3: {  	[sflag:s0] =	ssyncadd.tile.s32 @!p0 $0x1;
	_ =	shalt  }
.Lfunc_end2:
_tile_overlayer_lowered:
.L_overlay_start_2:
0x7a4: {  	(tag) =	ssettag $0x2  }
0x7a5: {  	s0 =	rddreg [dreg:$0x0];
	s2 =	stileid.u32  }
0x7a6: {  	s1 =	rddreg [dreg:$0x1];
	p0 =	sne.s32 s2, $0x0  }
0x7a7: {  	s3 =	rddreg [dreg:$0x2];
	[bflag:$0x3] =	sbarrier.arrive $0xFFFF;
	s2 =	simm.s32 @!p0 $0x1C05  }
0x7a8: {  	[timem:s3], [sflag:s2] =	dma.local @!p0 [hbm:s0], s1  }
0x7a9: {  	s0 =	simm.s32 @!p0 $0x5  }
0x7aa: {  	_ =	swait.ge @!p0 [sflag:s0], s1  }
0x7ab: {  	s1 =	ssub.s32 @!p0 $0x0, s1;
	[sflag:s0] =	ssyncset.done @!p0 $0x0  }
0x7ac: {  	[sflag:s0] =	ssyncadd.s32 @!p0 s1  }
0x7ad: {  	[bflag:$0x3] =	sbarrier.arrive $0xFFFF  }
0x7ae: {  	_ =	shalt  }

</sc_bundles>
